<compile_context>
chip_gen: v7x
topology: tpu7x:2x2x1
jax: 0.10.2.dev20260603
libtpu: 0.0.44.dev20260713+nightly
codegen_flags: <defaults>
</compile_context>

<pallas_src>
import jax
import jax.numpy as jnp
from jax import lax
from jax.experimental import pallas as pl
from jax.experimental.pallas import tpu as pltpu
from jax.experimental.pallas import tpu_sc as plsc

N = 10000
E = 320000
DF = 128
ED = 16
H = 4
C = 128
HC = H * C
NR = 51
NRP = 64
DW = 144

NC = 2
NS = 16
NW = NC * NS

EPW = E // NW
EPS = E // NS
NPS = N // NS

BA = 400
BB = 80
BD = 80

def _mesh():
    return plsc.VectorSubcoreMesh(core_axis_name="c", subcore_axis_name="s",
                                  num_cores=NC, num_subcores=NS)


def _iota16():
    return lax.iota(jnp.int32, 16)


def _full16(v):
    return jnp.full((16,), v, jnp.int32)



def _tcw_body(We1, ae1, We2, ae2, Wd1, Wd2p, bd1, bd2p,
              Ve1_o, Ve2_o, Wcs_o, Wcd_o, cb_o):
    Ve1_o[...] = jnp.sum(We1[...].reshape(ED, H, C) * ae1[...][None], axis=-1)
    Ve2_o[...] = jnp.sum(We2[...].reshape(ED, H, C) * ae2[...][None], axis=-1)
    Wcs_o[...] = jnp.dot(Wd1[0:HC, :], Wd2p[...],
                         preferred_element_type=jnp.float32)
    Wcd_o[...] = jnp.dot(Wd1[HC:2 * HC, :], Wd2p[...],
                         preferred_element_type=jnp.float32)
    cb_o[...] = jnp.dot(bd1[...].reshape(1, 256), Wd2p[...],
                        preferred_element_type=jnp.float32) + bd2p[...].reshape(1, NRP)


def _tc_weights(We1, ae1, We2, ae2, Wd1, Wd2p, bd1, bd2p):
    return pl.pallas_call(
        _tcw_body,
        out_shape=(
            jax.ShapeDtypeStruct((ED, H), jnp.float32),
            jax.ShapeDtypeStruct((ED, H), jnp.float32),
            jax.ShapeDtypeStruct((HC, NRP), jnp.float32),
            jax.ShapeDtypeStruct((HC, NRP), jnp.float32),
            jax.ShapeDtypeStruct((1, NRP), jnp.float32),
        ),
    )(We1, ae1, We2, ae2, Wd1, Wd2p, bd1, bd2p)


_NB = 1000


def _write_hp(hp_o, h3):
    pat = (lax.broadcasted_iota(jnp.int32, (_NB, H, DW - C), 2) == 0)
    hp_o[...] = jnp.concatenate([h3, pat.astype(jnp.float32)], axis=-1)


def _als_ald(h3, a_s, a_d, als_o, ald_o):
    als_o[...] = jnp.sum(h3 * a_s[...][None], axis=-1)
    ald_o[...] = jnp.sum(h3 * a_d[...][None], axis=-1)


def _tc1_body(x, W, a_s, a_d, hp_o, als_o, ald_o):
    h = jnp.dot(x[...], W[...], preferred_element_type=jnp.float32)
    h3 = h.reshape(_NB, H, C)
    _write_hp(hp_o, h3)
    _als_ald(h3, a_s, a_d, als_o, ald_o)


def _tc_dense1(x, W1, as1, ad1):
    grid = (N // _NB,)
    return pl.pallas_call(
        _tc1_body,
        grid=grid,
        in_specs=[
            pl.BlockSpec((_NB, DF), lambda i: (i, 0)),
            pl.BlockSpec((DF, HC), lambda i: (0, 0)),
            pl.BlockSpec((H, C), lambda i: (0, 0)),
            pl.BlockSpec((H, C), lambda i: (0, 0)),
        ],
        out_specs=(
            pl.BlockSpec((_NB, H, DW), lambda i: (i, 0, 0)),
            pl.BlockSpec((_NB, H), lambda i: (i, 0)),
            pl.BlockSpec((_NB, H), lambda i: (i, 0)),
        ),
        out_shape=(
            jax.ShapeDtypeStruct((N, H, DW), jnp.float32),
            jax.ShapeDtypeStruct((N, H), jnp.float32),
            jax.ShapeDtypeStruct((N, H), jnp.float32),
        ),
    )(x, W1, as1, ad1)


def _z_from_acc(acc, b):
    num = acc[:, :, 0:C]
    den = acc[:, :, C:C + 1]
    z = num / (den + 1e-16) + b[...].reshape(1, H, C)
    return jnp.where(z > 0, z, jnp.exp(z) - 1.0)


def _tc2_body(acc, b, W, a_s, a_d, hp_o, als_o, ald_o):
    z3 = _z_from_acc(acc[...], b)
    z = z3.reshape(_NB, HC)
    h = jnp.dot(z, W[...], preferred_element_type=jnp.float32)
    h3 = h.reshape(_NB, H, C)
    _write_hp(hp_o, h3)
    _als_ald(h3, a_s, a_d, als_o, ald_o)


def _tc_dense2(acc1, b1, W2, as2, ad2):
    grid = (N // _NB,)
    return pl.pallas_call(
        _tc2_body,
        grid=grid,
        in_specs=[
            pl.BlockSpec((_NB, H, DW), lambda i: (i, 0, 0)),
            pl.BlockSpec((HC,), lambda i: (0,)),
            pl.BlockSpec((HC, HC), lambda i: (0, 0)),
            pl.BlockSpec((H, C), lambda i: (0, 0)),
            pl.BlockSpec((H, C), lambda i: (0, 0)),
        ],
        out_specs=(
            pl.BlockSpec((_NB, H, DW), lambda i: (i, 0, 0)),
            pl.BlockSpec((_NB, H), lambda i: (i, 0)),
            pl.BlockSpec((_NB, H), lambda i: (i, 0)),
        ),
        out_shape=(
            jax.ShapeDtypeStruct((N, H, DW), jnp.float32),
            jax.ShapeDtypeStruct((N, H), jnp.float32),
            jax.ShapeDtypeStruct((N, H), jnp.float32),
        ),
    )(acc1, b1, W2, as2, ad2)


def _tc3_body(acc, b, Wcs, Wcd, cb, Qs_o, Qd_o):
    z3 = _z_from_acc(acc[...], b)
    z = z3.reshape(_NB, HC)
    Qs_o[...] = jnp.dot(z, Wcs[...], preferred_element_type=jnp.float32) + cb[...]
    Qd_o[...] = jnp.dot(z, Wcd[...], preferred_element_type=jnp.float32)


def _tc_dec(acc2, b2, Wcs, Wcd, cb):
    grid = (N // _NB,)
    return pl.pallas_call(
        _tc3_body,
        grid=grid,
        in_specs=[
            pl.BlockSpec((_NB, H, DW), lambda i: (i, 0, 0)),
            pl.BlockSpec((HC,), lambda i: (0,)),
            pl.BlockSpec((HC, NRP), lambda i: (0, 0)),
            pl.BlockSpec((HC, NRP), lambda i: (0, 0)),
            pl.BlockSpec((1, NRP), lambda i: (0, 0)),
        ],
        out_specs=(
            pl.BlockSpec((_NB, NRP), lambda i: (i, 0)),
            pl.BlockSpec((_NB, NRP), lambda i: (i, 0)),
        ),
        out_shape=(
            jax.ShapeDtypeStruct((N, NRP), jnp.float32),
            jax.ShapeDtypeStruct((N, NRP), jnp.float32),
        ),
    )(acc2, b2, Wcs, Wcd, cb)


_EB = 8000


def _tce_body(ea, Ve1, Ve2, ale1_o, ale2_o):
    e = ea[...]
    ale1_o[...] = jnp.dot(e, Ve1[...], preferred_element_type=jnp.float32)
    ale2_o[...] = jnp.dot(e, Ve2[...], preferred_element_type=jnp.float32)


def _tc_ale(ea, Ve1, Ve2):
    grid = (E // _EB,)
    return pl.pallas_call(
        _tce_body,
        grid=grid,
        in_specs=[
            pl.BlockSpec((_EB, ED), lambda i: (i, 0)),
            pl.BlockSpec((ED, H), lambda i: (0, 0)),
            pl.BlockSpec((ED, H), lambda i: (0, 0)),
        ],
        out_specs=(
            pl.BlockSpec((_EB, H), lambda i: (i, 0)),
            pl.BlockSpec((_EB, H), lambda i: (i, 0)),
        ),
        out_shape=(
            jax.ShapeDtypeStruct((E, H), jnp.float32),
            jax.ShapeDtypeStruct((E, H), jnp.float32),
        ),
    )(ea, Ve1, Ve2)



def _sc_logits_body(esrc, edst, als, ald, ale, g_o,
                    als_v, ald_v, src_v, dst_v, ale_v, g_v):
    wid = lax.axis_index("s") * NC + lax.axis_index("c")
    base = wid * EPW
    pltpu.sync_copy(als, als_v)
    pltpu.sync_copy(ald, ald_v)
    it = _iota16()

    def block(b, _):
        e0 = base + b * BA
        pltpu.sync_copy(esrc.at[pl.ds(e0, BA)], src_v)
        pltpu.sync_copy(edst.at[pl.ds(e0, BA)], dst_v)
        pltpu.sync_copy(ale.at[pl.ds(e0 * H, BA * H)], ale_v)

        def group(i, _):
            off16 = i * 16 + it
            s16 = src_v[pl.ds(i * 16, 16)]
            d16 = dst_v[pl.ds(i * 16, 16)]
            for h in range(H):
                t = (plsc.load_gather(als_v, [s16 * H + h])
                     + plsc.load_gather(ald_v, [d16 * H + h])
                     + plsc.load_gather(ale_v, [off16 * H + h]))
                t = jnp.where(t >= 0, t, t * 0.2)
                plsc.store_scatter(g_v, [off16 * H + h], jnp.exp(t))
            return 0

        lax.fori_loop(0, BA // 16, group, 0)
        pltpu.sync_copy(g_v, g_o.at[pl.ds(e0 * H, BA * H)])
        return 0

    lax.fori_loop(0, EPW // BA, block, 0)


def _sc_logits(esrc, edst, als, ald, ale):
    kern = pl.kernel(
        _sc_logits_body,
        out_type=jax.ShapeDtypeStruct((E * H,), jnp.float32),
        mesh=_mesh(),
        compiler_params=pltpu.CompilerParams(use_tc_tiling_on_sc=False, needs_layout_passes=False),
        scratch_types=[
            pltpu.VMEM((N * H,), jnp.float32),
            pltpu.VMEM((N * H,), jnp.float32),
            pltpu.VMEM((BA,), jnp.int32),
            pltpu.VMEM((BA,), jnp.int32),
            pltpu.VMEM((BA * H,), jnp.float32),
            pltpu.VMEM((BA * H,), jnp.float32),
        ],
    )
    return kern(esrc, edst, als, ald, ale)


NSUB = 2
SB = NSUB * BB


def _sc_agg_body(esrc, edst2, hp, g, acc_o,
                 acc_s, rows_v, sbuf_v, src_v, dst_v, idx_v, g_v, gsem):
    c = lax.axis_index("c")
    s = lax.axis_index("s")

    for hh in range(2):
        h = c * 2 + hh
        def zrow(r, _):
            for j in range(DW // 16):
                sbuf_v[r, pl.ds(j * 16, 16)] = jnp.zeros((16,), jnp.float32)
            return 0
        lax.fori_loop(0, BB, zrow, 0)
        for k in range(7):
            pltpu.sync_copy(sbuf_v, acc_s.at[pl.ds(s * NPS + k * BB, BB), :])
        pltpu.sync_copy(sbuf_v.at[pl.ds(0, NPS - 7 * BB), :],
                        acc_s.at[pl.ds(s * NPS + 7 * BB, NPS - 7 * BB), :])
        plsc.subcore_barrier()

        def superblock(b, _):
            e0 = s * EPS + b * SB
            pltpu.sync_copy(esrc.at[pl.ds(e0, SB)], src_v)
            pltpu.sync_copy(edst2.at[pl.ds(e0 // BB, NSUB), :], dst_v)
            pltpu.sync_copy(g.at[pl.ds(e0 * H, SB * H)], g_v)
            for i in range(SB // 16):
                s16 = src_v[pl.ds(i * 16, 16)]
                idx_v[pl.ds(i * 16, 16)] = s16 * H + h

            def gfire(sub, _):
                pltpu.async_copy(
                    hp.at[idx_v.at[pl.ds(sub * BB, BB)]],
                    rows_v.at[pl.ds(sub * BB, BB), :], gsem)
                return 0
            lax.fori_loop(0, NSUB, gfire, 0)

            def gdrain(sub, _):
                pltpu.make_async_copy(
                    hp.at[idx_v.at[pl.ds(sub * BB, BB)]],
                    rows_v.at[pl.ds(sub * BB, BB), :], gsem).wait()
                return 0
            lax.fori_loop(0, NSUB, gdrain, 0)

            def scat(sub, _):
                def row(r, _):
                    gs = plsc.load_gather(g_v, [_full16((sub * BB + r) * H + h)])
                    for j in range(DW // 16):
                        sl = pl.ds(j * 16, 16)
                        sbuf_v[r, sl] = rows_v[sub * BB + r, sl] * gs
                    return 0
                lax.fori_loop(0, BB, row, 0)
                pltpu.sync_copy(sbuf_v, acc_s.at[dst_v.at[sub]], add=True)
                return 0
            lax.fori_loop(0, NSUB, scat, 0)
            return 0

        lax.fori_loop(0, EPS // SB, superblock, 0)
        plsc.subcore_barrier()
        pltpu.sync_copy(acc_s.at[pl.ds(s * NPS, NPS), :],
                        acc_o.at[pl.ds(s * NPS, NPS), h, :])
        plsc.subcore_barrier()


def _sc_agg(esrc, edst, hp2d, g):
    kern = pl.kernel(
        _sc_agg_body,
        out_type=jax.ShapeDtypeStruct((N, H, DW), jnp.float32),
        mesh=_mesh(),
        compiler_params=pltpu.CompilerParams(use_tc_tiling_on_sc=False, needs_layout_passes=False),
        scratch_types=[
            pltpu.VMEM_SHARED((N, DW), jnp.float32),
            pltpu.VMEM((SB, DW), jnp.float32),
            pltpu.VMEM((BB, DW), jnp.float32),
            pltpu.VMEM((SB,), jnp.int32),
            pltpu.VMEM((NSUB, BB), jnp.int32),
            pltpu.VMEM((SB,), jnp.int32),
            pltpu.VMEM((SB * H,), jnp.float32),
            pltpu.SemaphoreType.DMA,
        ],
    )
    return kern(esrc, edst.reshape(E // BB, BB), hp2d, g)


def _sc_decode_body(esrc, edst, Qs, Qd, out_o,
                    src_v, dst_v, qs_v, qd_v, obuf, sem1, sem2):
    wid = lax.axis_index("s") * NC + lax.axis_index("c")
    base = wid * EPW

    def block(b, _):
        e0 = base + b * BD
        pltpu.sync_copy(esrc.at[pl.ds(e0, BD)], src_v)
        pltpu.sync_copy(edst.at[pl.ds(e0, BD)], dst_v)
        cp1 = pltpu.async_copy(Qs.at[src_v], qs_v, sem1)
        cp2 = pltpu.async_copy(Qd.at[dst_v], qd_v, sem2)
        cp1.wait()
        cp2.wait()

        it = _iota16()

        def row(r, _):
            for j in range(4):
                sl = pl.ds(j * 16, 16)
                v = qs_v[r, sl] + qd_v[r, sl]
                addr = r * NR + j * 16 + it
                if j < 3:
                    plsc.store_scatter(obuf, [addr], v)
                else:
                    plsc.store_scatter(obuf, [addr], v, mask=it < 3)
            return 0
        lax.fori_loop(0, BD, row, 0)
        pltpu.sync_copy(obuf, out_o.at[pl.ds(e0 * NR, BD * NR)])
        return 0

    lax.fori_loop(0, EPW // BD, block, 0)


def _sc_decode(esrc, edst, Qs, Qd):
    kern = pl.kernel(
        _sc_decode_body,
        out_type=jax.ShapeDtypeStruct((E * NR,), jnp.float32),
        mesh=_mesh(),
        compiler_params=pltpu.CompilerParams(use_tc_tiling_on_sc=False, needs_layout_passes=False),
        scratch_types=[
            pltpu.VMEM((BD,), jnp.int32),
            pltpu.VMEM((BD,), jnp.int32),
            pltpu.VMEM((BD, NRP), jnp.float32),
            pltpu.VMEM((BD, NRP), jnp.float32),
            pltpu.VMEM((BD * NR,), jnp.float32),
            pltpu.SemaphoreType.DMA,
            pltpu.SemaphoreType.DMA,
        ],
    )
    return kern(esrc, edst, Qs, Qd)



def kernel(x, edge_index, edge_features, W1, b1, as1, ad1, We1, ae1,
           W2, b2, as2, ad2, We2, ae2, Wd1, bd1, Wd2, bd2):
    esrc = edge_index[0]
    edst = edge_index[1]
    Wd2p = jnp.pad(Wd2, ((0, 0), (0, NRP - NR)))
    bd2p = jnp.pad(bd2, (0, NRP - NR))

    Ve1, Ve2, Wcs, Wcd, cb = _tc_weights(We1, ae1, We2, ae2, Wd1, Wd2p, bd1, bd2p)
    hp1, als1, ald1 = _tc_dense1(x, W1, as1, ad1)
    ale1, ale2 = _tc_ale(edge_features, Ve1, Ve2)
    g1 = _sc_logits(esrc, edst, als1.reshape(-1), ald1.reshape(-1),
                    ale1.reshape(-1))
    acc1 = _sc_agg(esrc, edst, hp1.reshape(N * H, DW), g1)

    hp2, als2, ald2 = _tc_dense2(acc1, b1, W2, as2, ad2)
    g2 = _sc_logits(esrc, edst, als2.reshape(-1), ald2.reshape(-1),
                    ale2.reshape(-1))
    acc2 = _sc_agg(esrc, edst, hp2.reshape(N * H, DW), g2)

    Qs, Qd = _tc_dec(acc2, b2, Wcs, Wcd, cb)
    return _sc_decode(esrc, edst, Qs, Qd).reshape(E, NR)

# --- scband reference (transcript-rebuilt; emitter-appended) ---
"""Pipeline reference for scband-scene-construction-model-10024453668877 (READ-ONLY COPY).

The authoritative reference and input builder live on the scoring server;
editing this copy changes nothing except your own understanding.
"""

import jax, jax.numpy as jnp
import numpy as np

N = 10000
E = 320000
DF = 128
ED = 16
H = 4
C = 128
NR = 51


def _gat(x, src, dst, ea, W, b, a_s, a_d, We, a_e):
    h = (x @ W).reshape(-1, H, C)
    al_s = jnp.sum(h * a_s, axis=-1)
    al_d = jnp.sum(h * a_d, axis=-1)
    ef = (ea @ We).reshape(-1, H, C)
    al_e = jnp.sum(ef * a_e, axis=-1)
    alpha = al_s[src] + al_d[dst] + al_e
    alpha = jax.nn.leaky_relu(alpha, negative_slope=0.2)
    amax = jax.ops.segment_max(alpha, dst, num_segments=N)
    amax = jnp.where(jnp.isfinite(amax), amax, 0.0)
    ex = jnp.exp(alpha - amax[dst])
    den = jax.ops.segment_sum(ex, dst, num_segments=N)
    alpha = ex / (den[dst] + 1e-16)
    msg = h[src] * alpha[:, :, None]
    out = jax.ops.segment_sum(msg, dst, num_segments=N)
    return out.reshape(N, H * C) + b


def setup_inputs(seed: int = 0):
    key = jax.random.key(seed)
    ks = jax.random.split(key, 20)
    s = 0.05
    return {
        "x": jax.random.normal(ks[0], (N, DF), jnp.float32),
        "edge_index": jax.random.randint(ks[1], (2, E), 0, N, dtype=jnp.int32),
        "edge_features": jax.random.normal(ks[2], (E, ED), jnp.float32),
        "W1": jax.random.normal(ks[3], (DF, H * C), jnp.float32) * s,
        "b1": jnp.zeros((H * C,), jnp.float32),
        "as1": jax.random.normal(ks[4], (H, C), jnp.float32) * s,
        "ad1": jax.random.normal(ks[5], (H, C), jnp.float32) * s,
        "We1": jax.random.normal(ks[6], (ED, H * C), jnp.float32) * s,
        "ae1": jax.random.normal(ks[7], (H, C), jnp.float32) * s,
        "W2": jax.random.normal(ks[8], (H * C, H * C), jnp.float32) * s,
        "b2": jnp.zeros((H * C,), jnp.float32),
        "as2": jax.random.normal(ks[9], (H, C), jnp.float32) * s,
        "ad2": jax.random.normal(ks[10], (H, C), jnp.float32) * s,
        "We2": jax.random.normal(ks[11], (ED, H * C), jnp.float32) * s,
        "ae2": jax.random.normal(ks[12], (H, C), jnp.float32) * s,
        "Wd1": jax.random.normal(ks[13], (2 * H * C, 256), jnp.float32) * s,
        "bd1": jnp.zeros((256,), jnp.float32),
        "Wd2": jax.random.normal(ks[14], (256, NR), jnp.float32) * s,
        "bd2": jnp.zeros((NR,), jnp.float32),
    }


def reference(x, edge_index, edge_features, W1, b1, as1, ad1, We1, ae1, W2, b2, as2, ad2, We2, ae2, Wd1, bd1, Wd2, bd2):
    src = edge_index[0]
    dst = edge_index[1]
    z = jax.nn.elu(_gat(x, src, dst, edge_features, W1, b1, as1, ad1, We1, ae1))
    z = jax.nn.elu(_gat(z, src, dst, edge_features, W2, b2, as2, ad2, We2, ae2))
    rel = jnp.concatenate([z[src], z[dst]], axis=1)
    h = rel @ Wd1 + bd1
    return h @ Wd2 + bd2

if __name__ == "__main__":
    import jax
    _d = setup_inputs()
    print(jax.jit(kernel)(*tuple(_d.values())))

</pallas_src>

<mosaic_0001>
#map = affine_map<(d0, d1) -> (0)>
module attributes {stable_mosaic.version = 14 : i64} {
  func.func @_sc_logits_body(%arg0: i32, %arg1: i32, %arg2: memref<320000xi32, #tpu.memory_space<hbm>>, %arg3: memref<320000xi32, #tpu.memory_space<hbm>>, %arg4: memref<40000xf32, #tpu.memory_space<hbm>>, %arg5: memref<40000xf32, #tpu.memory_space<hbm>>, %arg6: memref<1280000xf32, #tpu.memory_space<hbm>>, %arg7: memref<1280000xf32, #tpu.memory_space<hbm>>, %arg8: memref<40000xf32, #tpu.memory_space<vmem>>, %arg9: memref<40000xf32, #tpu.memory_space<vmem>>, %arg10: memref<400xi32, #tpu.memory_space<vmem>>, %arg11: memref<400xi32, #tpu.memory_space<vmem>>, %arg12: memref<1600xf32, #tpu.memory_space<vmem>>, %arg13: memref<1600xf32, #tpu.memory_space<vmem>>) attributes {dimension_semantics = [#tpu.dimension_semantics<core_parallel>, #tpu.dimension_semantics<subcore_parallel>], iteration_bounds = array<i64: 2, 16>, scalar_prefetch = 0 : i64, scratch_operands = 6 : i64, tpu.core_type = #tpu.core_type<sc_vector_subcore>, window_params = [{transform_indices = #map}, {transform_indices = #map}, {transform_indices = #map}, {transform_indices = #map}, {transform_indices = #map}, {transform_indices = #map}]} {
    %mul3A = arith.constant 2 : i32
    %mul3A_0 = arith.muli %arg1, %mul3A : i32
    %add3A = arith.addi %mul3A_0, %arg0 : i32
    %mul3A_1 = arith.constant 10000 : i32
    %mul3A_2 = arith.muli %add3A, %mul3A_1 : i32
    "tpu.region"() ({
      %run_scoped3A = tpu.sem_alloc : memref<!tpu.dma_semaphore, #tpu.memory_space<semaphore_mem>>
      tpu.enqueue_dma source(%arg4 : memref<40000xf32, #tpu.memory_space<hbm>>) target(%arg8 : memref<40000xf32, #tpu.memory_space<vmem>>) target_semaphore(%run_scoped3A : memref<!tpu.dma_semaphore, #tpu.memory_space<semaphore_mem>>)
      tpu.wait_dma2 semaphore(%run_scoped3A : memref<!tpu.dma_semaphore, #tpu.memory_space<semaphore_mem>>) src(%arg4 : memref<40000xf32, #tpu.memory_space<hbm>>) dst(%arg8 : memref<40000xf32, #tpu.memory_space<vmem>>)
      tpu.yield
    }) : () -> ()
    "tpu.region"() ({
      %run_scoped3A = tpu.sem_alloc : memref<!tpu.dma_semaphore, #tpu.memory_space<semaphore_mem>>
      tpu.enqueue_dma source(%arg5 : memref<40000xf32, #tpu.memory_space<hbm>>) target(%arg9 : memref<40000xf32, #tpu.memory_space<vmem>>) target_semaphore(%run_scoped3A : memref<!tpu.dma_semaphore, #tpu.memory_space<semaphore_mem>>)
      tpu.wait_dma2 semaphore(%run_scoped3A : memref<!tpu.dma_semaphore, #tpu.memory_space<semaphore_mem>>) src(%arg5 : memref<40000xf32, #tpu.memory_space<hbm>>) dst(%arg9 : memref<40000xf32, #tpu.memory_space<vmem>>)
      tpu.yield
    }) : () -> ()
    %iota3A = tpu.iota {dimensions = array<i32: 0>} : vector<16xi32>
    %scan3A = arith.constant 0 : i32
    %scan3A_3 = arith.constant 0 : i32
    %scan3A_4 = arith.constant 25 : i32
    %scan3A_5 = arith.addi %scan3A_3, %scan3A_4 : i32
    %scan3A_6 = arith.constant 1 : i32
    %scan3A_7 = scf.for %scan3A_9 = %scan3A_3 to %scan3A_5 step %scan3A_6 iter_args(%scan3A_10 = %scan3A) -> (i32)  : i32 {
      %mul3A_11 = arith.constant 400 : i32
      %mul3A_12 = arith.muli %scan3A_9, %mul3A_11 : i32
      %add3A_13 = arith.addi %mul3A_2, %mul3A_12 : i32
      "tpu.region"() ({
        %run_scoped3A = tpu.sem_alloc : memref<!tpu.dma_semaphore, #tpu.memory_space<semaphore_mem>>
        %dma_start3A = tpu.memref_slice %arg2[%add3A_13] : memref<320000xi32, #tpu.memory_space<hbm>> -> memref<400xi32, #tpu.memory_space<hbm>>
        %dma_start3A_26 = tpu.memref_slice %arg2[%add3A_13] : memref<320000xi32, #tpu.memory_space<hbm>> -> memref<400xi32, #tpu.memory_space<hbm>>
        tpu.enqueue_dma source(%dma_start3A_26 : memref<400xi32, #tpu.memory_space<hbm>>) target(%arg10 : memref<400xi32, #tpu.memory_space<vmem>>) target_semaphore(%run_scoped3A : memref<!tpu.dma_semaphore, #tpu.memory_space<semaphore_mem>>)
        %dma_wait3A = tpu.memref_slice %arg2[%add3A_13] : memref<320000xi32, #tpu.memory_space<hbm>> -> memref<400xi32, #tpu.memory_space<hbm>>
        %dma_wait3A_27 = tpu.memref_slice %arg2[%add3A_13] : memref<320000xi32, #tpu.memory_space<hbm>> -> memref<400xi32, #tpu.memory_space<hbm>>
        tpu.wait_dma2 semaphore(%run_scoped3A : memref<!tpu.dma_semaphore, #tpu.memory_space<semaphore_mem>>) src(%dma_wait3A_27 : memref<400xi32, #tpu.memory_space<hbm>>) dst(%arg10 : memref<400xi32, #tpu.memory_space<vmem>>)
        tpu.yield
      }) : () -> ()
      "tpu.region"() ({
        %run_scoped3A = tpu.sem_alloc : memref<!tpu.dma_semaphore, #tpu.memory_space<semaphore_mem>>
        %dma_start3A = tpu.memref_slice %arg3[%add3A_13] : memref<320000xi32, #tpu.memory_space<hbm>> -> memref<400xi32, #tpu.memory_space<hbm>>
        %dma_start3A_26 = tpu.memref_slice %arg3[%add3A_13] : memref<320000xi32, #tpu.memory_space<hbm>> -> memref<400xi32, #tpu.memory_space<hbm>>
        tpu.enqueue_dma source(%dma_start3A_26 : memref<400xi32, #tpu.memory_space<hbm>>) target(%arg11 : memref<400xi32, #tpu.memory_space<vmem>>) target_semaphore(%run_scoped3A : memref<!tpu.dma_semaphore, #tpu.memory_space<semaphore_mem>>)
        %dma_wait3A = tpu.memref_slice %arg3[%add3A_13] : memref<320000xi32, #tpu.memory_space<hbm>> -> memref<400xi32, #tpu.memory_space<hbm>>
        %dma_wait3A_27 = tpu.memref_slice %arg3[%add3A_13] : memref<320000xi32, #tpu.memory_space<hbm>> -> memref<400xi32, #tpu.memory_space<hbm>>
        tpu.wait_dma2 semaphore(%run_scoped3A : memref<!tpu.dma_semaphore, #tpu.memory_space<semaphore_mem>>) src(%dma_wait3A_27 : memref<400xi32, #tpu.memory_space<hbm>>) dst(%arg11 : memref<400xi32, #tpu.memory_space<vmem>>)
        tpu.yield
      }) : () -> ()
      %mul3A_14 = arith.constant 4 : i32
      %mul3A_15 = arith.muli %add3A_13, %mul3A_14 : i32
      "tpu.region"() ({
        %run_scoped3A = tpu.sem_alloc : memref<!tpu.dma_semaphore, #tpu.memory_space<semaphore_mem>>
        %dma_start3A = tpu.memref_slice %arg6[%mul3A_15] : memref<1280000xf32, #tpu.memory_space<hbm>> -> memref<1600xf32, #tpu.memory_space<hbm>>
        %dma_start3A_26 = tpu.memref_slice %arg6[%mul3A_15] : memref<1280000xf32, #tpu.memory_space<hbm>> -> memref<1600xf32, #tpu.memory_space<hbm>>
        tpu.enqueue_dma source(%dma_start3A_26 : memref<1600xf32, #tpu.memory_space<hbm>>) target(%arg12 : memref<1600xf32, #tpu.memory_space<vmem>>) target_semaphore(%run_scoped3A : memref<!tpu.dma_semaphore, #tpu.memory_space<semaphore_mem>>)
        %dma_wait3A = tpu.memref_slice %arg6[%mul3A_15] : memref<1280000xf32, #tpu.memory_space<hbm>> -> memref<1600xf32, #tpu.memory_space<hbm>>
        %dma_wait3A_27 = tpu.memref_slice %arg6[%mul3A_15] : memref<1280000xf32, #tpu.memory_space<hbm>> -> memref<1600xf32, #tpu.memory_space<hbm>>
        tpu.wait_dma2 semaphore(%run_scoped3A : memref<!tpu.dma_semaphore, #tpu.memory_space<semaphore_mem>>) src(%dma_wait3A_27 : memref<1600xf32, #tpu.memory_space<hbm>>) dst(%arg12 : memref<1600xf32, #tpu.memory_space<vmem>>)
        tpu.yield
      }) : () -> ()
      %scan3A_16 = arith.constant 0 : i32
      %scan3A_17 = arith.constant 0 : i32
      %scan3A_18 = arith.constant 25 : i32
      %scan3A_19 = arith.addi %scan3A_17, %scan3A_18 : i32
      %scan3A_20 = arith.constant 1 : i32
      %scan3A_21 = scf.for %scan3A_26 = %scan3A_17 to %scan3A_19 step %scan3A_20 iter_args(%scan3A_27 = %scan3A_16) -> (i32)  : i32 {
        %mul3A_28 = arith.constant 16 : i32
        %mul3A_29 = arith.muli %scan3A_26, %mul3A_28 : i32
        %add3A_30 = vector.broadcast %mul3A_29 : i32 to vector<16xi32>
        %add3A_31 = arith.addi %add3A_30, %iota3A : vector<16xi32>
        %mul3A_32 = arith.constant 16 : i32
        %mul3A_33 = arith.muli %scan3A_26, %mul3A_32 : i32
        %get3A = arith.index_cast %mul3A_33 : i32 to index
        %get3A_34 = tpu.vector_load %arg10[%get3A] {strides = array<i32>} : memref<400xi32, #tpu.memory_space<vmem>>, vector<16xi32>,
        %mul3A_35 = arith.constant 16 : i32
        %mul3A_36 = arith.muli %scan3A_26, %mul3A_35 : i32
        %get3A_37 = arith.index_cast %mul3A_36 : i32 to index
        %get3A_38 = tpu.vector_load %arg11[%get3A_37] {strides = array<i32>} : memref<400xi32, #tpu.memory_space<vmem>>, vector<16xi32>,
        %mul3A_39 = arith.constant 4 : i32
        %mul3A_40 = vector.broadcast %mul3A_39 : i32 to vector<16xi32>
        %mul3A_41 = arith.muli %get3A_34, %mul3A_40 : vector<16xi32>
        %add3A_42 = arith.constant 0 : i32
        %add3A_43 = vector.broadcast %add3A_42 : i32 to vector<16xi32>
        %add3A_44 = arith.addi %mul3A_41, %add3A_43 : vector<16xi32>
        %gather3A = tpu.vector_load_idx %arg8[%add3A_44] : memref<40000xf32, #tpu.memory_space<vmem>>[vector<16xi32>], vector<16xf32>,
        %mul3A_45 = arith.constant 4 : i32
        %mul3A_46 = vector.broadcast %mul3A_45 : i32 to vector<16xi32>
        %mul3A_47 = arith.muli %get3A_38, %mul3A_46 : vector<16xi32>
        %add3A_48 = arith.constant 0 : i32
        %add3A_49 = vector.broadcast %add3A_48 : i32 to vector<16xi32>
        %add3A_50 = arith.addi %mul3A_47, %add3A_49 : vector<16xi32>
        %gather3A_51 = tpu.vector_load_idx %arg9[%add3A_50] : memref<40000xf32, #tpu.memory_space<vmem>>[vector<16xi32>], vector<16xf32>,
        %add3A_52 = arith.addf %gather3A, %gather3A_51 : vector<16xf32>
        %mul3A_53 = arith.constant 4 : i32
        %mul3A_54 = vector.broadcast %mul3A_53 : i32 to vector<16xi32>
        %mul3A_55 = arith.muli %add3A_31, %mul3A_54 : vector<16xi32>
        %add3A_56 = arith.constant 0 : i32
        %add3A_57 = vector.broadcast %add3A_56 : i32 to vector<16xi32>
        %add3A_58 = arith.addi %mul3A_55, %add3A_57 : vector<16xi32>
        %gather3A_59 = tpu.vector_load_idx %arg12[%add3A_58] : memref<1600xf32, #tpu.memory_space<vmem>>[vector<16xi32>], vector<16xf32>,
        %add3A_60 = arith.addf %add3A_52, %gather3A_59 : vector<16xf32>
        %ge3A = arith.constant 0.000000e+00 : f32
        %ge3A_61 = vector.broadcast %ge3A : f32 to vector<16xf32>
        %ge3A_62 = arith.cmpf oge, %add3A_60, %ge3A_61 : vector<16xf32>
        %mul3A_63 = arith.constant 2.000000e-01 : f32
        %mul3A_64 = vector.broadcast %mul3A_63 : f32 to vector<16xf32>
        %mul3A_65 = arith.mulf %add3A_60, %mul3A_64 : vector<16xf32>
        %select_n3A = arith.select %ge3A_62, %add3A_60, %mul3A_65 : vector<16xi1>, vector<16xf32>
        %mul3A_66 = arith.constant 4 : i32
        %mul3A_67 = vector.broadcast %mul3A_66 : i32 to vector<16xi32>
        %mul3A_68 = arith.muli %add3A_31, %mul3A_67 : vector<16xi32>
        %add3A_69 = arith.constant 0 : i32
        %add3A_70 = vector.broadcast %add3A_69 : i32 to vector<16xi32>
        %add3A_71 = arith.addi %mul3A_68, %add3A_70 : vector<16xi32>
        %exp3A = math.exp %select_n3A : vector<16xf32>
        tpu.vector_store_idx %arg13[%add3A_71], %exp3A : memref<1600xf32, #tpu.memory_space<vmem>>[vector<16xi32>], vector<16xf32>,
        %mul3A_72 = arith.constant 4 : i32
        %mul3A_73 = vector.broadcast %mul3A_72 : i32 to vector<16xi32>
        %mul3A_74 = arith.muli %get3A_34, %mul3A_73 : vector<16xi32>
        %add3A_75 = arith.constant 1 : i32
        %add3A_76 = vector.broadcast %add3A_75 : i32 to vector<16xi32>
        %add3A_77 = arith.addi %mul3A_74, %add3A_76 : vector<16xi32>
        %gather3A_78 = tpu.vector_load_idx %arg8[%add3A_77] : memref<40000xf32, #tpu.memory_space<vmem>>[vector<16xi32>], vector<16xf32>,
        %mul3A_79 = arith.constant 4 : i32
        %mul3A_80 = vector.broadcast %mul3A_79 : i32 to vector<16xi32>
        %mul3A_81 = arith.muli %get3A_38, %mul3A_80 : vector<16xi32>
        %add3A_82 = arith.constant 1 : i32
        %add3A_83 = vector.broadcast %add3A_82 : i32 to vector<16xi32>
        %add3A_84 = arith.addi %mul3A_81, %add3A_83 : vector<16xi32>
        %gather3A_85 = tpu.vector_load_idx %arg9[%add3A_84] : memref<40000xf32, #tpu.memory_space<vmem>>[vector<16xi32>], vector<16xf32>,
        %add3A_86 = arith.addf %gather3A_78, %gather3A_85 : vector<16xf32>
        %mul3A_87 = arith.constant 4 : i32
        %mul3A_88 = vector.broadcast %mul3A_87 : i32 to vector<16xi32>
        %mul3A_89 = arith.muli %add3A_31, %mul3A_88 : vector<16xi32>
        %add3A_90 = arith.constant 1 : i32
        %add3A_91 = vector.broadcast %add3A_90 : i32 to vector<16xi32>
        %add3A_92 = arith.addi %mul3A_89, %add3A_91 : vector<16xi32>
        %gather3A_93 = tpu.vector_load_idx %arg12[%add3A_92] : memref<1600xf32, #tpu.memory_space<vmem>>[vector<16xi32>], vector<16xf32>,
        %add3A_94 = arith.addf %add3A_86, %gather3A_93 : vector<16xf32>
        %ge3A_95 = arith.constant 0.000000e+00 : f32
        %ge3A_96 = vector.broadcast %ge3A_95 : f32 to vector<16xf32>
        %ge3A_97 = arith.cmpf oge, %add3A_94, %ge3A_96 : vector<16xf32>
        %mul3A_98 = arith.constant 2.000000e-01 : f32
        %mul3A_99 = vector.broadcast %mul3A_98 : f32 to vector<16xf32>
        %mul3A_100 = arith.mulf %add3A_94, %mul3A_99 : vector<16xf32>
        %select_n3A_101 = arith.select %ge3A_97, %add3A_94, %mul3A_100 : vector<16xi1>, vector<16xf32>
        %mul3A_102 = arith.constant 4 : i32
        %mul3A_103 = vector.broadcast %mul3A_102 : i32 to vector<16xi32>
        %mul3A_104 = arith.muli %add3A_31, %mul3A_103 : vector<16xi32>
        %add3A_105 = arith.constant 1 : i32
        %add3A_106 = vector.broadcast %add3A_105 : i32 to vector<16xi32>
        %add3A_107 = arith.addi %mul3A_104, %add3A_106 : vector<16xi32>
        %exp3A_108 = math.exp %select_n3A_101 : vector<16xf32>
        tpu.vector_store_idx %arg13[%add3A_107], %exp3A_108 : memref<1600xf32, #tpu.memory_space<vmem>>[vector<16xi32>], vector<16xf32>,
        %mul3A_109 = arith.constant 4 : i32
        %mul3A_110 = vector.broadcast %mul3A_109 : i32 to vector<16xi32>
        %mul3A_111 = arith.muli %get3A_34, %mul3A_110 : vector<16xi32>
        %add3A_112 = arith.constant 2 : i32
        %add3A_113 = vector.broadcast %add3A_112 : i32 to vector<16xi32>
        %add3A_114 = arith.addi %mul3A_111, %add3A_113 : vector<16xi32>
        %gather3A_115 = tpu.vector_load_idx %arg8[%add3A_114] : memref<40000xf32, #tpu.memory_space<vmem>>[vector<16xi32>], vector<16xf32>,
        %mul3A_116 = arith.constant 4 : i32
        %mul3A_117 = vector.broadcast %mul3A_116 : i32 to vector<16xi32>
        %mul3A_118 = arith.muli %get3A_38, %mul3A_117 : vector<16xi32>
        %add3A_119 = arith.constant 2 : i32
        %add3A_120 = vector.broadcast %add3A_119 : i32 to vector<16xi32>
        %add3A_121 = arith.addi %mul3A_118, %add3A_120 : vector<16xi32>
        %gather3A_122 = tpu.vector_load_idx %arg9[%add3A_121] : memref<40000xf32, #tpu.memory_space<vmem>>[vector<16xi32>], vector<16xf32>,
        %add3A_123 = arith.addf %gather3A_115, %gather3A_122 : vector<16xf32>
        %mul3A_124 = arith.constant 4 : i32
        %mul3A_125 = vector.broadcast %mul3A_124 : i32 to vector<16xi32>
        %mul3A_126 = arith.muli %add3A_31, %mul3A_125 : vector<16xi32>
        %add3A_127 = arith.constant 2 : i32
        %add3A_128 = vector.broadcast %add3A_127 : i32 to vector<16xi32>
        %add3A_129 = arith.addi %mul3A_126, %add3A_128 : vector<16xi32>
        %gather3A_130 = tpu.vector_load_idx %arg12[%add3A_129] : memref<1600xf32, #tpu.memory_space<vmem>>[vector<16xi32>], vector<16xf32>,
        %add3A_131 = arith.addf %add3A_123, %gather3A_130 : vector<16xf32>
        %ge3A_132 = arith.constant 0.000000e+00 : f32
        %ge3A_133 = vector.broadcast %ge3A_132 : f32 to vector<16xf32>
        %ge3A_134 = arith.cmpf oge, %add3A_131, %ge3A_133 : vector<16xf32>
        %mul3A_135 = arith.constant 2.000000e-01 : f32
        %mul3A_136 = vector.broadcast %mul3A_135 : f32 to vector<16xf32>
        %mul3A_137 = arith.mulf %add3A_131, %mul3A_136 : vector<16xf32>
        %select_n3A_138 = arith.select %ge3A_134, %add3A_131, %mul3A_137 : vector<16xi1>, vector<16xf32>
        %mul3A_139 = arith.constant 4 : i32
        %mul3A_140 = vector.broadcast %mul3A_139 : i32 to vector<16xi32>
        %mul3A_141 = arith.muli %add3A_31, %mul3A_140 : vector<16xi32>
        %add3A_142 = arith.constant 2 : i32
        %add3A_143 = vector.broadcast %add3A_142 : i32 to vector<16xi32>
        %add3A_144 = arith.addi %mul3A_141, %add3A_143 : vector<16xi32>
        %exp3A_145 = math.exp %select_n3A_138 : vector<16xf32>
        tpu.vector_store_idx %arg13[%add3A_144], %exp3A_145 : memref<1600xf32, #tpu.memory_space<vmem>>[vector<16xi32>], vector<16xf32>,
        %mul3A_146 = arith.constant 4 : i32
        %mul3A_147 = vector.broadcast %mul3A_146 : i32 to vector<16xi32>
        %mul3A_148 = arith.muli %get3A_34, %mul3A_147 : vector<16xi32>
        %add3A_149 = arith.constant 3 : i32
        %add3A_150 = vector.broadcast %add3A_149 : i32 to vector<16xi32>
        %add3A_151 = arith.addi %mul3A_148, %add3A_150 : vector<16xi32>
        %gather3A_152 = tpu.vector_load_idx %arg8[%add3A_151] : memref<40000xf32, #tpu.memory_space<vmem>>[vector<16xi32>], vector<16xf32>,
        %mul3A_153 = arith.constant 4 : i32
        %mul3A_154 = vector.broadcast %mul3A_153 : i32 to vector<16xi32>
        %mul3A_155 = arith.muli %get3A_38, %mul3A_154 : vector<16xi32>
        %add3A_156 = arith.constant 3 : i32
        %add3A_157 = vector.broadcast %add3A_156 : i32 to vector<16xi32>
        %add3A_158 = arith.addi %mul3A_155, %add3A_157 : vector<16xi32>
        %gather3A_159 = tpu.vector_load_idx %arg9[%add3A_158] : memref<40000xf32, #tpu.memory_space<vmem>>[vector<16xi32>], vector<16xf32>,
        %add3A_160 = arith.addf %gather3A_152, %gather3A_159 : vector<16xf32>
        %mul3A_161 = arith.constant 4 : i32
        %mul3A_162 = vector.broadcast %mul3A_161 : i32 to vector<16xi32>
        %mul3A_163 = arith.muli %add3A_31, %mul3A_162 : vector<16xi32>
        %add3A_164 = arith.constant 3 : i32
        %add3A_165 = vector.broadcast %add3A_164 : i32 to vector<16xi32>
        %add3A_166 = arith.addi %mul3A_163, %add3A_165 : vector<16xi32>
        %gather3A_167 = tpu.vector_load_idx %arg12[%add3A_166] : memref<1600xf32, #tpu.memory_space<vmem>>[vector<16xi32>], vector<16xf32>,
        %add3A_168 = arith.addf %add3A_160, %gather3A_167 : vector<16xf32>
        %ge3A_169 = arith.constant 0.000000e+00 : f32
        %ge3A_170 = vector.broadcast %ge3A_169 : f32 to vector<16xf32>
        %ge3A_171 = arith.cmpf oge, %add3A_168, %ge3A_170 : vector<16xf32>
        %mul3A_172 = arith.constant 2.000000e-01 : f32
        %mul3A_173 = vector.broadcast %mul3A_172 : f32 to vector<16xf32>
        %mul3A_174 = arith.mulf %add3A_168, %mul3A_173 : vector<16xf32>
        %select_n3A_175 = arith.select %ge3A_171, %add3A_168, %mul3A_174 : vector<16xi1>, vector<16xf32>
        %mul3A_176 = arith.constant 4 : i32
        %mul3A_177 = vector.broadcast %mul3A_176 : i32 to vector<16xi32>
        %mul3A_178 = arith.muli %add3A_31, %mul3A_177 : vector<16xi32>
        %add3A_179 = arith.constant 3 : i32
        %add3A_180 = vector.broadcast %add3A_179 : i32 to vector<16xi32>
        %add3A_181 = arith.addi %mul3A_178, %add3A_180 : vector<16xi32>
        %exp3A_182 = math.exp %select_n3A_175 : vector<16xf32>
        tpu.vector_store_idx %arg13[%add3A_181], %exp3A_182 : memref<1600xf32, #tpu.memory_space<vmem>>[vector<16xi32>], vector<16xf32>,
        %scan3A_183 = arith.constant 0 : i32
        scf.yield %scan3A_183 : i32
      }
      %scan3A_22 = arith.constant 25 : i32
      %mul3A_23 = arith.constant 4 : i32
      %mul3A_24 = arith.muli %add3A_13, %mul3A_23 : i32
      "tpu.region"() ({
        %run_scoped3A = tpu.sem_alloc : memref<!tpu.dma_semaphore, #tpu.memory_space<semaphore_mem>>
        %dma_start3A = tpu.memref_slice %arg7[%mul3A_24] : memref<1280000xf32, #tpu.memory_space<hbm>> -> memref<1600xf32, #tpu.memory_space<hbm>>
        %dma_start3A_26 = tpu.memref_slice %arg7[%mul3A_24] : memref<1280000xf32, #tpu.memory_space<hbm>> -> memref<1600xf32, #tpu.memory_space<hbm>>
        tpu.enqueue_dma source(%arg13 : memref<1600xf32, #tpu.memory_space<vmem>>) target(%dma_start3A_26 : memref<1600xf32, #tpu.memory_space<hbm>>) target_semaphore(%run_scoped3A : memref<!tpu.dma_semaphore, #tpu.memory_space<semaphore_mem>>)
        %dma_wait3A = tpu.memref_slice %arg7[%mul3A_24] : memref<1280000xf32, #tpu.memory_space<hbm>> -> memref<1600xf32, #tpu.memory_space<hbm>>
        %dma_wait3A_27 = tpu.memref_slice %arg7[%mul3A_24] : memref<1280000xf32, #tpu.memory_space<hbm>> -> memref<1600xf32, #tpu.memory_space<hbm>>
        tpu.wait_dma2 semaphore(%run_scoped3A : memref<!tpu.dma_semaphore, #tpu.memory_space<semaphore_mem>>) src(%arg13 : memref<1600xf32, #tpu.memory_space<vmem>>) dst(%dma_wait3A_27 : memref<1600xf32, #tpu.memory_space<hbm>>)
        tpu.yield
      }) : () -> ()
      %scan3A_25 = arith.constant 0 : i32
      scf.yield %scan3A_25 : i32
    }
    %scan3A_8 = arith.constant 25 : i32
    return
  }
}

#map = affine_map<(d0, d1) -> (0)>
#map1 = affine_map<(d0, d1) -> (0, 0)>
#map2 = affine_map<(d0, d1) -> (0, 0, 0)>
module attributes {stable_mosaic.version = 14 : i64} {
  func.func @_sc_agg_body(%arg0: i32, %arg1: i32, %arg2: memref<320000xi32, #tpu.memory_space<hbm>>, %arg3: memref<4000x80xi32, #tpu.memory_space<hbm>>, %arg4: memref<40000x144xf32, #tpu.memory_space<hbm>>, %arg5: memref<1280000xf32, #tpu.memory_space<hbm>>, %arg6: memref<10000x4x144xf32, #tpu.memory_space<hbm>>, %arg7: memref<10000x144xf32, #tpu.memory_space<vmem_shared>>, %arg8: memref<160x144xf32, #tpu.memory_space<vmem>>, %arg9: memref<80x144xf32, #tpu.memory_space<vmem>>, %arg10: memref<160xi32, #tpu.memory_space<vmem>>, %arg11: memref<2x80xi32, #tpu.memory_space<vmem>>, %arg12: memref<160xi32, #tpu.memory_space<vmem>>, %arg13: memref<640xf32, #tpu.memory_space<vmem>>, %arg14: memref<!tpu.dma_semaphore, #tpu.memory_space<semaphore_mem>>) attributes {dimension_semantics = [#tpu.dimension_semantics<core_parallel>, #tpu.dimension_semantics<subcore_parallel>], iteration_bounds = array<i64: 2, 16>, scalar_prefetch = 0 : i64, scratch_operands = 8 : i64, tpu.core_type = #tpu.core_type<sc_vector_subcore>, window_params = [{transform_indices = #map}, {transform_indices = #map1}, {transform_indices = #map1}, {transform_indices = #map}, {transform_indices = #map2}]} {
    %mul3A = arith.constant 2 : i32
    %mul3A_0 = arith.muli %arg0, %mul3A : i32
    %add3A = arith.constant 0 : i32
    %add3A_1 = arith.addi %mul3A_0, %add3A : i32
    %scan3A = arith.constant 0 : i32
    %scan3A_2 = arith.constant 0 : i32
    %scan3A_3 = arith.constant 80 : i32
    %scan3A_4 = arith.addi %scan3A_2, %scan3A_3 : i32
    %scan3A_5 = arith.constant 1 : i32
    %scan3A_6 = scf.for %scan3A_110 = %scan3A_2 to %scan3A_4 step %scan3A_5 iter_args(%scan3A_111 = %scan3A) -> (i32)  : i32 {
      %broadcast_in_dim3A = arith.constant 0.000000e+00 : f32
      %broadcast_in_dim3A_112 = vector.broadcast %broadcast_in_dim3A : f32 to vector<16xf32>
      %swap3A = arith.index_cast %scan3A_110 : i32 to index
      %swap3A_113 = arith.constant 0 : index
      %swap3A_114 = tpu.vector_load %arg9[%swap3A, %swap3A_113] {strides = array<i32>} : memref<80x144xf32, #tpu.memory_space<vmem>>, vector<16xf32>,
      tpu.vector_store %arg9[%swap3A, %swap3A_113], %broadcast_in_dim3A_112 {strides = array<i32>} : memref<80x144xf32, #tpu.memory_space<vmem>>, vector<16xf32>,
      %broadcast_in_dim3A_115 = arith.constant 0.000000e+00 : f32
      %broadcast_in_dim3A_116 = vector.broadcast %broadcast_in_dim3A_115 : f32 to vector<16xf32>
      %swap3A_117 = arith.index_cast %scan3A_110 : i32 to index
      %swap3A_118 = arith.constant 16 : index
      %swap3A_119 = tpu.vector_load %arg9[%swap3A_117, %swap3A_118] {strides = array<i32>} : memref<80x144xf32, #tpu.memory_space<vmem>>, vector<16xf32>,
      tpu.vector_store %arg9[%swap3A_117, %swap3A_118], %broadcast_in_dim3A_116 {strides = array<i32>} : memref<80x144xf32, #tpu.memory_space<vmem>>, vector<16xf32>,
      %broadcast_in_dim3A_120 = arith.constant 0.000000e+00 : f32
      %broadcast_in_dim3A_121 = vector.broadcast %broadcast_in_dim3A_120 : f32 to vector<16xf32>
      %swap3A_122 = arith.index_cast %scan3A_110 : i32 to index
      %swap3A_123 = arith.constant 32 : index
      %swap3A_124 = tpu.vector_load %arg9[%swap3A_122, %swap3A_123] {strides = array<i32>} : memref<80x144xf32, #tpu.memory_space<vmem>>, vector<16xf32>,
      tpu.vector_store %arg9[%swap3A_122, %swap3A_123], %broadcast_in_dim3A_121 {strides = array<i32>} : memref<80x144xf32, #tpu.memory_space<vmem>>, vector<16xf32>,
      %broadcast_in_dim3A_125 = arith.constant 0.000000e+00 : f32
      %broadcast_in_dim3A_126 = vector.broadcast %broadcast_in_dim3A_125 : f32 to vector<16xf32>
      %swap3A_127 = arith.index_cast %scan3A_110 : i32 to index
      %swap3A_128 = arith.constant 48 : index
      %swap3A_129 = tpu.vector_load %arg9[%swap3A_127, %swap3A_128] {strides = array<i32>} : memref<80x144xf32, #tpu.memory_space<vmem>>, vector<16xf32>,
      tpu.vector_store %arg9[%swap3A_127, %swap3A_128], %broadcast_in_dim3A_126 {strides = array<i32>} : memref<80x144xf32, #tpu.memory_space<vmem>>, vector<16xf32>,
      %broadcast_in_dim3A_130 = arith.constant 0.000000e+00 : f32
      %broadcast_in_dim3A_131 = vector.broadcast %broadcast_in_dim3A_130 : f32 to vector<16xf32>
      %swap3A_132 = arith.index_cast %scan3A_110 : i32 to index
      %swap3A_133 = arith.constant 64 : index
      %swap3A_134 = tpu.vector_load %arg9[%swap3A_132, %swap3A_133] {strides = array<i32>} : memref<80x144xf32, #tpu.memory_space<vmem>>, vector<16xf32>,
      tpu.vector_store %arg9[%swap3A_132, %swap3A_133], %broadcast_in_dim3A_131 {strides = array<i32>} : memref<80x144xf32, #tpu.memory_space<vmem>>, vector<16xf32>,
      %broadcast_in_dim3A_135 = arith.constant 0.000000e+00 : f32
      %broadcast_in_dim3A_136 = vector.broadcast %broadcast_in_dim3A_135 : f32 to vector<16xf32>
      %swap3A_137 = arith.index_cast %scan3A_110 : i32 to index
      %swap3A_138 = arith.constant 80 : index
      %swap3A_139 = tpu.vector_load %arg9[%swap3A_137, %swap3A_138] {strides = array<i32>} : memref<80x144xf32, #tpu.memory_space<vmem>>, vector<16xf32>,
      tpu.vector_store %arg9[%swap3A_137, %swap3A_138], %broadcast_in_dim3A_136 {strides = array<i32>} : memref<80x144xf32, #tpu.memory_space<vmem>>, vector<16xf32>,
      %broadcast_in_dim3A_140 = arith.constant 0.000000e+00 : f32
      %broadcast_in_dim3A_141 = vector.broadcast %broadcast_in_dim3A_140 : f32 to vector<16xf32>
      %swap3A_142 = arith.index_cast %scan3A_110 : i32 to index
      %swap3A_143 = arith.constant 96 : index
      %swap3A_144 = tpu.vector_load %arg9[%swap3A_142, %swap3A_143] {strides = array<i32>} : memref<80x144xf32, #tpu.memory_space<vmem>>, vector<16xf32>,
      tpu.vector_store %arg9[%swap3A_142, %swap3A_143], %broadcast_in_dim3A_141 {strides = array<i32>} : memref<80x144xf32, #tpu.memory_space<vmem>>, vector<16xf32>,
      %broadcast_in_dim3A_145 = arith.constant 0.000000e+00 : f32
      %broadcast_in_dim3A_146 = vector.broadcast %broadcast_in_dim3A_145 : f32 to vector<16xf32>
      %swap3A_147 = arith.index_cast %scan3A_110 : i32 to index
      %swap3A_148 = arith.constant 112 : index
      %swap3A_149 = tpu.vector_load %arg9[%swap3A_147, %swap3A_148] {strides = array<i32>} : memref<80x144xf32, #tpu.memory_space<vmem>>, vector<16xf32>,
      tpu.vector_store %arg9[%swap3A_147, %swap3A_148], %broadcast_in_dim3A_146 {strides = array<i32>} : memref<80x144xf32, #tpu.memory_space<vmem>>, vector<16xf32>,
      %broadcast_in_dim3A_150 = arith.constant 0.000000e+00 : f32
      %broadcast_in_dim3A_151 = vector.broadcast %broadcast_in_dim3A_150 : f32 to vector<16xf32>
      %swap3A_152 = arith.index_cast %scan3A_110 : i32 to index
      %swap3A_153 = arith.constant 128 : index
      %swap3A_154 = tpu.vector_load %arg9[%swap3A_152, %swap3A_153] {strides = array<i32>} : memref<80x144xf32, #tpu.memory_space<vmem>>, vector<16xf32>,
      tpu.vector_store %arg9[%swap3A_152, %swap3A_153], %broadcast_in_dim3A_151 {strides = array<i32>} : memref<80x144xf32, #tpu.memory_space<vmem>>, vector<16xf32>,
      %scan3A_155 = arith.constant 0 : i32
      scf.yield %scan3A_155 : i32
    }
    %scan3A_7 = arith.constant 80 : i32
    %mul3A_8 = arith.constant 625 : i32
    %mul3A_9 = arith.muli %arg1, %mul3A_8 : i32
    %add3A_10 = arith.constant 0 : i32
    %add3A_11 = arith.addi %mul3A_9, %add3A_10 : i32
    "tpu.region"() ({
      %run_scoped3A = tpu.sem_alloc : memref<!tpu.dma_semaphore, #tpu.memory_space<semaphore_mem>>
      %dma_start3A = arith.constant 0 : i32
      %dma_start3A_110 = tpu.memref_slice %arg7[%add3A_11, %dma_start3A] : memref<10000x144xf32, #tpu.memory_space<vmem_shared>> -> memref<80x144xf32, #tpu.memory_space<vmem_shared>>
      %dma_start3A_111 = arith.constant 0 : i32
      %dma_start3A_112 = tpu.memref_slice %arg7[%add3A_11, %dma_start3A_111] : memref<10000x144xf32, #tpu.memory_space<vmem_shared>> -> memref<80x144xf32, #tpu.memory_space<vmem_shared>>
      tpu.enqueue_dma source(%arg9 : memref<80x144xf32, #tpu.memory_space<vmem>>) target(%dma_start3A_112 : memref<80x144xf32, #tpu.memory_space<vmem_shared>>) target_semaphore(%run_scoped3A : memref<!tpu.dma_semaphore, #tpu.memory_space<semaphore_mem>>)
      %dma_wait3A = arith.constant 0 : i32
      %dma_wait3A_113 = tpu.memref_slice %arg7[%add3A_11, %dma_wait3A] : memref<10000x144xf32, #tpu.memory_space<vmem_shared>> -> memref<80x144xf32, #tpu.memory_space<vmem_shared>>
      %dma_wait3A_114 = arith.constant 0 : i32
      %dma_wait3A_115 = tpu.memref_slice %arg7[%add3A_11, %dma_wait3A_114] : memref<10000x144xf32, #tpu.memory_space<vmem_shared>> -> memref<80x144xf32, #tpu.memory_space<vmem_shared>>
      tpu.wait_dma2 semaphore(%run_scoped3A : memref<!tpu.dma_semaphore, #tpu.memory_space<semaphore_mem>>) src(%arg9 : memref<80x144xf32, #tpu.memory_space<vmem>>) dst(%dma_wait3A_115 : memref<80x144xf32, #tpu.memory_space<vmem_shared>>)
      tpu.yield
    }) : () -> ()
    %mul3A_12 = arith.constant 625 : i32
    %mul3A_13 = arith.muli %arg1, %mul3A_12 : i32
    %add3A_14 = arith.constant 80 : i32
    %add3A_15 = arith.addi %mul3A_13, %add3A_14 : i32
    "tpu.region"() ({
      %run_scoped3A = tpu.sem_alloc : memref<!tpu.dma_semaphore, #tpu.memory_space<semaphore_mem>>
      %dma_start3A = arith.constant 0 : i32
      %dma_start3A_110 = tpu.memref_slice %arg7[%add3A_15, %dma_start3A] : memref<10000x144xf32, #tpu.memory_space<vmem_shared>> -> memref<80x144xf32, #tpu.memory_space<vmem_shared>>
      %dma_start3A_111 = arith.constant 0 : i32
      %dma_start3A_112 = tpu.memref_slice %arg7[%add3A_15, %dma_start3A_111] : memref<10000x144xf32, #tpu.memory_space<vmem_shared>> -> memref<80x144xf32, #tpu.memory_space<vmem_shared>>
      tpu.enqueue_dma source(%arg9 : memref<80x144xf32, #tpu.memory_space<vmem>>) target(%dma_start3A_112 : memref<80x144xf32, #tpu.memory_space<vmem_shared>>) target_semaphore(%run_scoped3A : memref<!tpu.dma_semaphore, #tpu.memory_space<semaphore_mem>>)
      %dma_wait3A = arith.constant 0 : i32
      %dma_wait3A_113 = tpu.memref_slice %arg7[%add3A_15, %dma_wait3A] : memref<10000x144xf32, #tpu.memory_space<vmem_shared>> -> memref<80x144xf32, #tpu.memory_space<vmem_shared>>
      %dma_wait3A_114 = arith.constant 0 : i32
      %dma_wait3A_115 = tpu.memref_slice %arg7[%add3A_15, %dma_wait3A_114] : memref<10000x144xf32, #tpu.memory_space<vmem_shared>> -> memref<80x144xf32, #tpu.memory_space<vmem_shared>>
      tpu.wait_dma2 semaphore(%run_scoped3A : memref<!tpu.dma_semaphore, #tpu.memory_space<semaphore_mem>>) src(%arg9 : memref<80x144xf32, #tpu.memory_space<vmem>>) dst(%dma_wait3A_115 : memref<80x144xf32, #tpu.memory_space<vmem_shared>>)
      tpu.yield
    }) : () -> ()
    %mul3A_16 = arith.constant 625 : i32
    %mul3A_17 = arith.muli %arg1, %mul3A_16 : i32
    %add3A_18 = arith.constant 160 : i32
    %add3A_19 = arith.addi %mul3A_17, %add3A_18 : i32
    "tpu.region"() ({
      %run_scoped3A = tpu.sem_alloc : memref<!tpu.dma_semaphore, #tpu.memory_space<semaphore_mem>>
      %dma_start3A = arith.constant 0 : i32
      %dma_start3A_110 = tpu.memref_slice %arg7[%add3A_19, %dma_start3A] : memref<10000x144xf32, #tpu.memory_space<vmem_shared>> -> memref<80x144xf32, #tpu.memory_space<vmem_shared>>
      %dma_start3A_111 = arith.constant 0 : i32
      %dma_start3A_112 = tpu.memref_slice %arg7[%add3A_19, %dma_start3A_111] : memref<10000x144xf32, #tpu.memory_space<vmem_shared>> -> memref<80x144xf32, #tpu.memory_space<vmem_shared>>
      tpu.enqueue_dma source(%arg9 : memref<80x144xf32, #tpu.memory_space<vmem>>) target(%dma_start3A_112 : memref<80x144xf32, #tpu.memory_space<vmem_shared>>) target_semaphore(%run_scoped3A : memref<!tpu.dma_semaphore, #tpu.memory_space<semaphore_mem>>)
      %dma_wait3A = arith.constant 0 : i32
      %dma_wait3A_113 = tpu.memref_slice %arg7[%add3A_19, %dma_wait3A] : memref<10000x144xf32, #tpu.memory_space<vmem_shared>> -> memref<80x144xf32, #tpu.memory_space<vmem_shared>>
      %dma_wait3A_114 = arith.constant 0 : i32
      %dma_wait3A_115 = tpu.memref_slice %arg7[%add3A_19, %dma_wait3A_114] : memref<10000x144xf32, #tpu.memory_space<vmem_shared>> -> memref<80x144xf32, #tpu.memory_space<vmem_shared>>
      tpu.wait_dma2 semaphore(%run_scoped3A : memref<!tpu.dma_semaphore, #tpu.memory_space<semaphore_mem>>) src(%arg9 : memref<80x144xf32, #tpu.memory_space<vmem>>) dst(%dma_wait3A_115 : memref<80x144xf32, #tpu.memory_space<vmem_shared>>)
      tpu.yield
    }) : () -> ()
    %mul3A_20 = arith.constant 625 : i32
    %mul3A_21 = arith.muli %arg1, %mul3A_20 : i32
    %add3A_22 = arith.constant 240 : i32
    %add3A_23 = arith.addi %mul3A_21, %add3A_22 : i32
    "tpu.region"() ({
      %run_scoped3A = tpu.sem_alloc : memref<!tpu.dma_semaphore, #tpu.memory_space<semaphore_mem>>
      %dma_start3A = arith.constant 0 : i32
      %dma_start3A_110 = tpu.memref_slice %arg7[%add3A_23, %dma_start3A] : memref<10000x144xf32, #tpu.memory_space<vmem_shared>> -> memref<80x144xf32, #tpu.memory_space<vmem_shared>>
      %dma_start3A_111 = arith.constant 0 : i32
      %dma_start3A_112 = tpu.memref_slice %arg7[%add3A_23, %dma_start3A_111] : memref<10000x144xf32, #tpu.memory_space<vmem_shared>> -> memref<80x144xf32, #tpu.memory_space<vmem_shared>>
      tpu.enqueue_dma source(%arg9 : memref<80x144xf32, #tpu.memory_space<vmem>>) target(%dma_start3A_112 : memref<80x144xf32, #tpu.memory_space<vmem_shared>>) target_semaphore(%run_scoped3A : memref<!tpu.dma_semaphore, #tpu.memory_space<semaphore_mem>>)
      %dma_wait3A = arith.constant 0 : i32
      %dma_wait3A_113 = tpu.memref_slice %arg7[%add3A_23, %dma_wait3A] : memref<10000x144xf32, #tpu.memory_space<vmem_shared>> -> memref<80x144xf32, #tpu.memory_space<vmem_shared>>
      %dma_wait3A_114 = arith.constant 0 : i32
      %dma_wait3A_115 = tpu.memref_slice %arg7[%add3A_23, %dma_wait3A_114] : memref<10000x144xf32, #tpu.memory_space<vmem_shared>> -> memref<80x144xf32, #tpu.memory_space<vmem_shared>>
      tpu.wait_dma2 semaphore(%run_scoped3A : memref<!tpu.dma_semaphore, #tpu.memory_space<semaphore_mem>>) src(%arg9 : memref<80x144xf32, #tpu.memory_space<vmem>>) dst(%dma_wait3A_115 : memref<80x144xf32, #tpu.memory_space<vmem_shared>>)
      tpu.yield
    }) : () -> ()
    %mul3A_24 = arith.constant 625 : i32
    %mul3A_25 = arith.muli %arg1, %mul3A_24 : i32
    %add3A_26 = arith.constant 320 : i32
    %add3A_27 = arith.addi %mul3A_25, %add3A_26 : i32
    "tpu.region"() ({
      %run_scoped3A = tpu.sem_alloc : memref<!tpu.dma_semaphore, #tpu.memory_space<semaphore_mem>>
      %dma_start3A = arith.constant 0 : i32
      %dma_start3A_110 = tpu.memref_slice %arg7[%add3A_27, %dma_start3A] : memref<10000x144xf32, #tpu.memory_space<vmem_shared>> -> memref<80x144xf32, #tpu.memory_space<vmem_shared>>
      %dma_start3A_111 = arith.constant 0 : i32
      %dma_start3A_112 = tpu.memref_slice %arg7[%add3A_27, %dma_start3A_111] : memref<10000x144xf32, #tpu.memory_space<vmem_shared>> -> memref<80x144xf32, #tpu.memory_space<vmem_shared>>
      tpu.enqueue_dma source(%arg9 : memref<80x144xf32, #tpu.memory_space<vmem>>) target(%dma_start3A_112 : memref<80x144xf32, #tpu.memory_space<vmem_shared>>) target_semaphore(%run_scoped3A : memref<!tpu.dma_semaphore, #tpu.memory_space<semaphore_mem>>)
      %dma_wait3A = arith.constant 0 : i32
      %dma_wait3A_113 = tpu.memref_slice %arg7[%add3A_27, %dma_wait3A] : memref<10000x144xf32, #tpu.memory_space<vmem_shared>> -> memref<80x144xf32, #tpu.memory_space<vmem_shared>>
      %dma_wait3A_114 = arith.constant 0 : i32
      %dma_wait3A_115 = tpu.memref_slice %arg7[%add3A_27, %dma_wait3A_114] : memref<10000x144xf32, #tpu.memory_space<vmem_shared>> -> memref<80x144xf32, #tpu.memory_space<vmem_shared>>
      tpu.wait_dma2 semaphore(%run_scoped3A : memref<!tpu.dma_semaphore, #tpu.memory_space<semaphore_mem>>) src(%arg9 : memref<80x144xf32, #tpu.memory_space<vmem>>) dst(%dma_wait3A_115 : memref<80x144xf32, #tpu.memory_space<vmem_shared>>)
      tpu.yield
    }) : () -> ()
    %mul3A_28 = arith.constant 625 : i32
    %mul3A_29 = arith.muli %arg1, %mul3A_28 : i32
    %add3A_30 = arith.constant 400 : i32
    %add3A_31 = arith.addi %mul3A_29, %add3A_30 : i32
    "tpu.region"() ({
      %run_scoped3A = tpu.sem_alloc : memref<!tpu.dma_semaphore, #tpu.memory_space<semaphore_mem>>
      %dma_start3A = arith.constant 0 : i32
      %dma_start3A_110 = tpu.memref_slice %arg7[%add3A_31, %dma_start3A] : memref<10000x144xf32, #tpu.memory_space<vmem_shared>> -> memref<80x144xf32, #tpu.memory_space<vmem_shared>>
      %dma_start3A_111 = arith.constant 0 : i32
      %dma_start3A_112 = tpu.memref_slice %arg7[%add3A_31, %dma_start3A_111] : memref<10000x144xf32, #tpu.memory_space<vmem_shared>> -> memref<80x144xf32, #tpu.memory_space<vmem_shared>>
      tpu.enqueue_dma source(%arg9 : memref<80x144xf32, #tpu.memory_space<vmem>>) target(%dma_start3A_112 : memref<80x144xf32, #tpu.memory_space<vmem_shared>>) target_semaphore(%run_scoped3A : memref<!tpu.dma_semaphore, #tpu.memory_space<semaphore_mem>>)
      %dma_wait3A = arith.constant 0 : i32
      %dma_wait3A_113 = tpu.memref_slice %arg7[%add3A_31, %dma_wait3A] : memref<10000x144xf32, #tpu.memory_space<vmem_shared>> -> memref<80x144xf32, #tpu.memory_space<vmem_shared>>
      %dma_wait3A_114 = arith.constant 0 : i32
      %dma_wait3A_115 = tpu.memref_slice %arg7[%add3A_31, %dma_wait3A_114] : memref<10000x144xf32, #tpu.memory_space<vmem_shared>> -> memref<80x144xf32, #tpu.memory_space<vmem_shared>>
      tpu.wait_dma2 semaphore(%run_scoped3A : memref<!tpu.dma_semaphore, #tpu.memory_space<semaphore_mem>>) src(%arg9 : memref<80x144xf32, #tpu.memory_space<vmem>>) dst(%dma_wait3A_115 : memref<80x144xf32, #tpu.memory_space<vmem_shared>>)
      tpu.yield
    }) : () -> ()
    %mul3A_32 = arith.constant 625 : i32
    %mul3A_33 = arith.muli %arg1, %mul3A_32 : i32
    %add3A_34 = arith.constant 480 : i32
    %add3A_35 = arith.addi %mul3A_33, %add3A_34 : i32
    "tpu.region"() ({
      %run_scoped3A = tpu.sem_alloc : memref<!tpu.dma_semaphore, #tpu.memory_space<semaphore_mem>>
      %dma_start3A = arith.constant 0 : i32
      %dma_start3A_110 = tpu.memref_slice %arg7[%add3A_35, %dma_start3A] : memref<10000x144xf32, #tpu.memory_space<vmem_shared>> -> memref<80x144xf32, #tpu.memory_space<vmem_shared>>
      %dma_start3A_111 = arith.constant 0 : i32
      %dma_start3A_112 = tpu.memref_slice %arg7[%add3A_35, %dma_start3A_111] : memref<10000x144xf32, #tpu.memory_space<vmem_shared>> -> memref<80x144xf32, #tpu.memory_space<vmem_shared>>
      tpu.enqueue_dma source(%arg9 : memref<80x144xf32, #tpu.memory_space<vmem>>) target(%dma_start3A_112 : memref<80x144xf32, #tpu.memory_space<vmem_shared>>) target_semaphore(%run_scoped3A : memref<!tpu.dma_semaphore, #tpu.memory_space<semaphore_mem>>)
      %dma_wait3A = arith.constant 0 : i32
      %dma_wait3A_113 = tpu.memref_slice %arg7[%add3A_35, %dma_wait3A] : memref<10000x144xf32, #tpu.memory_space<vmem_shared>> -> memref<80x144xf32, #tpu.memory_space<vmem_shared>>
      %dma_wait3A_114 = arith.constant 0 : i32
      %dma_wait3A_115 = tpu.memref_slice %arg7[%add3A_35, %dma_wait3A_114] : memref<10000x144xf32, #tpu.memory_space<vmem_shared>> -> memref<80x144xf32, #tpu.memory_space<vmem_shared>>
      tpu.wait_dma2 semaphore(%run_scoped3A : memref<!tpu.dma_semaphore, #tpu.memory_space<semaphore_mem>>) src(%arg9 : memref<80x144xf32, #tpu.memory_space<vmem>>) dst(%dma_wait3A_115 : memref<80x144xf32, #tpu.memory_space<vmem_shared>>)
      tpu.yield
    }) : () -> ()
    %mul3A_36 = arith.constant 625 : i32
    %mul3A_37 = arith.muli %arg1, %mul3A_36 : i32
    %add3A_38 = arith.constant 560 : i32
    %add3A_39 = arith.addi %mul3A_37, %add3A_38 : i32
    "tpu.region"() ({
      %run_scoped3A = tpu.sem_alloc : memref<!tpu.dma_semaphore, #tpu.memory_space<semaphore_mem>>
      %dma_start3A = arith.constant 0 : i32
      %dma_start3A_110 = arith.constant 0 : i32
      %dma_start3A_111 = tpu.memref_slice %arg9[%dma_start3A, %dma_start3A_110] : memref<80x144xf32, #tpu.memory_space<vmem>> -> memref<65x144xf32, #tpu.memory_space<vmem>>
      %dma_start3A_112 = arith.constant 0 : i32
      %dma_start3A_113 = tpu.memref_slice %arg7[%add3A_39, %dma_start3A_112] : memref<10000x144xf32, #tpu.memory_space<vmem_shared>> -> memref<65x144xf32, #tpu.memory_space<vmem_shared>>
      %dma_start3A_114 = arith.constant 0 : i32
      %dma_start3A_115 = tpu.memref_slice %arg7[%add3A_39, %dma_start3A_114] : memref<10000x144xf32, #tpu.memory_space<vmem_shared>> -> memref<65x144xf32, #tpu.memory_space<vmem_shared>>
      %dma_start3A_116 = arith.constant 0 : i32
      %dma_start3A_117 = arith.constant 0 : i32
      %dma_start3A_118 = tpu.memref_slice %arg9[%dma_start3A_116, %dma_start3A_117] : memref<80x144xf32, #tpu.memory_space<vmem>> -> memref<65x144xf32, #tpu.memory_space<vmem>>
      tpu.enqueue_dma source(%dma_start3A_118 : memref<65x144xf32, #tpu.memory_space<vmem>>) target(%dma_start3A_115 : memref<65x144xf32, #tpu.memory_space<vmem_shared>>) target_semaphore(%run_scoped3A : memref<!tpu.dma_semaphore, #tpu.memory_space<semaphore_mem>>)
      %dma_wait3A = arith.constant 0 : i32
      %dma_wait3A_119 = arith.constant 0 : i32
      %dma_wait3A_120 = tpu.memref_slice %arg9[%dma_wait3A, %dma_wait3A_119] : memref<80x144xf32, #tpu.memory_space<vmem>> -> memref<65x144xf32, #tpu.memory_space<vmem>>
      %dma_wait3A_121 = arith.constant 0 : i32
      %dma_wait3A_122 = tpu.memref_slice %arg7[%add3A_39, %dma_wait3A_121] : memref<10000x144xf32, #tpu.memory_space<vmem_shared>> -> memref<65x144xf32, #tpu.memory_space<vmem_shared>>
      %dma_wait3A_123 = arith.constant 0 : i32
      %dma_wait3A_124 = tpu.memref_slice %arg7[%add3A_39, %dma_wait3A_123] : memref<10000x144xf32, #tpu.memory_space<vmem_shared>> -> memref<65x144xf32, #tpu.memory_space<vmem_shared>>
      %dma_wait3A_125 = arith.constant 0 : i32
      %dma_wait3A_126 = arith.constant 0 : i32
      %dma_wait3A_127 = tpu.memref_slice %arg9[%dma_wait3A_125, %dma_wait3A_126] : memref<80x144xf32, #tpu.memory_space<vmem>> -> memref<65x144xf32, #tpu.memory_space<vmem>>
      tpu.wait_dma2 semaphore(%run_scoped3A : memref<!tpu.dma_semaphore, #tpu.memory_space<semaphore_mem>>) src(%dma_wait3A_127 : memref<65x144xf32, #tpu.memory_space<vmem>>) dst(%dma_wait3A_124 : memref<65x144xf32, #tpu.memory_space<vmem_shared>>)
      tpu.yield
    }) : () -> ()
    %barrier3A = arith.constant 0 : index
    tpu.barrier barrier_id(%barrier3A)
    %scan3A_40 = arith.constant 0 : i32
    %scan3A_41 = arith.constant 0 : i32
    %scan3A_42 = arith.constant 125 : i32
    %scan3A_43 = arith.addi %scan3A_41, %scan3A_42 : i32
    %scan3A_44 = arith.constant 1 : i32
    %scan3A_45 = scf.for %scan3A_110 = %scan3A_41 to %scan3A_43 step %scan3A_44 iter_args(%scan3A_111 = %scan3A_40) -> (i32)  : i32 {
      %mul3A_112 = arith.constant 20000 : i32
      %mul3A_113 = arith.muli %arg1, %mul3A_112 : i32
      %mul3A_114 = arith.constant 160 : i32
      %mul3A_115 = arith.muli %scan3A_110, %mul3A_114 : i32
      %add3A_116 = arith.addi %mul3A_113, %mul3A_115 : i32
      "tpu.region"() ({
        %run_scoped3A = tpu.sem_alloc : memref<!tpu.dma_semaphore, #tpu.memory_space<semaphore_mem>>
        %dma_start3A = tpu.memref_slice %arg2[%add3A_116] : memref<320000xi32, #tpu.memory_space<hbm>> -> memref<160xi32, #tpu.memory_space<hbm>>
        %dma_start3A_245 = tpu.memref_slice %arg2[%add3A_116] : memref<320000xi32, #tpu.memory_space<hbm>> -> memref<160xi32, #tpu.memory_space<hbm>>
        tpu.enqueue_dma source(%dma_start3A_245 : memref<160xi32, #tpu.memory_space<hbm>>) target(%arg10 : memref<160xi32, #tpu.memory_space<vmem>>) target_semaphore(%run_scoped3A : memref<!tpu.dma_semaphore, #tpu.memory_space<semaphore_mem>>)
        %dma_wait3A = tpu.memref_slice %arg2[%add3A_116] : memref<320000xi32, #tpu.memory_space<hbm>> -> memref<160xi32, #tpu.memory_space<hbm>>
        %dma_wait3A_246 = tpu.memref_slice %arg2[%add3A_116] : memref<320000xi32, #tpu.memory_space<hbm>> -> memref<160xi32, #tpu.memory_space<hbm>>
        tpu.wait_dma2 semaphore(%run_scoped3A : memref<!tpu.dma_semaphore, #tpu.memory_space<semaphore_mem>>) src(%dma_wait3A_246 : memref<160xi32, #tpu.memory_space<hbm>>) dst(%arg10 : memref<160xi32, #tpu.memory_space<vmem>>)
        tpu.yield
      }) : () -> ()
      %jit3A = arith.constant 80 : i32
      %div3A = arith.divsi %add3A_116, %jit3A : i32
      %sign3A = arith.constant 0 : i32
      %sign3A_117 = arith.cmpi sgt, %add3A_116, %sign3A : i32
      %sign3A_118 = arith.extui %sign3A_117 : i1 to i32
      %sign3A_119 = arith.constant 0 : i32
      %sign3A_120 = arith.cmpi slt, %add3A_116, %sign3A_119 : i32
      %sign3A_121 = arith.extui %sign3A_120 : i1 to i32
      %sign3A_122 = arith.subi %sign3A_118, %sign3A_121 : i32
      %sign3A_123 = arith.constant 0 : i32
      %sign3A_124 = arith.cmpi sgt, %jit3A, %sign3A_123 : i32
      %sign3A_125 = arith.extui %sign3A_124 : i1 to i32
      %sign3A_126 = arith.constant 0 : i32
      %sign3A_127 = arith.cmpi slt, %jit3A, %sign3A_126 : i32
      %sign3A_128 = arith.extui %sign3A_127 : i1 to i32
      %sign3A_129 = arith.subi %sign3A_125, %sign3A_128 : i32
      %ne3A = arith.cmpi ne, %sign3A_122, %sign3A_129 : i32
      %rem3A = arith.remsi %add3A_116, %jit3A : i32
      %ne3A_130 = arith.constant 0 : i32
      %ne3A_131 = arith.cmpi ne, %rem3A, %ne3A_130 : i32
      %and3A = arith.andi %ne3A, %ne3A_131 : i1
      %sub3A = arith.constant 1 : i32
      %sub3A_132 = arith.subi %div3A, %sub3A : i32
      %select_n3A = arith.select %and3A, %sub3A_132, %div3A : i32
      "tpu.region"() ({
        %run_scoped3A = tpu.sem_alloc : memref<!tpu.dma_semaphore, #tpu.memory_space<semaphore_mem>>
        %dma_start3A = arith.constant 0 : i32
        %dma_start3A_245 = tpu.memref_slice %arg3[%select_n3A, %dma_start3A] : memref<4000x80xi32, #tpu.memory_space<hbm>> -> memref<2x80xi32, #tpu.memory_space<hbm>>
        %dma_start3A_246 = arith.constant 0 : i32
        %dma_start3A_247 = tpu.memref_slice %arg3[%select_n3A, %dma_start3A_246] : memref<4000x80xi32, #tpu.memory_space<hbm>> -> memref<2x80xi32, #tpu.memory_space<hbm>>
        tpu.enqueue_dma source(%dma_start3A_247 : memref<2x80xi32, #tpu.memory_space<hbm>>) target(%arg11 : memref<2x80xi32, #tpu.memory_space<vmem>>) target_semaphore(%run_scoped3A : memref<!tpu.dma_semaphore, #tpu.memory_space<semaphore_mem>>)
        %dma_wait3A = arith.constant 0 : i32
        %dma_wait3A_248 = tpu.memref_slice %arg3[%select_n3A, %dma_wait3A] : memref<4000x80xi32, #tpu.memory_space<hbm>> -> memref<2x80xi32, #tpu.memory_space<hbm>>
        %dma_wait3A_249 = arith.constant 0 : i32
        %dma_wait3A_250 = tpu.memref_slice %arg3[%select_n3A, %dma_wait3A_249] : memref<4000x80xi32, #tpu.memory_space<hbm>> -> memref<2x80xi32, #tpu.memory_space<hbm>>
        tpu.wait_dma2 semaphore(%run_scoped3A : memref<!tpu.dma_semaphore, #tpu.memory_space<semaphore_mem>>) src(%dma_wait3A_250 : memref<2x80xi32, #tpu.memory_space<hbm>>) dst(%arg11 : memref<2x80xi32, #tpu.memory_space<vmem>>)
        tpu.yield
      }) : () -> ()
      %mul3A_133 = arith.constant 4 : i32
      %mul3A_134 = arith.muli %add3A_116, %mul3A_133 : i32
      "tpu.region"() ({
        %run_scoped3A = tpu.sem_alloc : memref<!tpu.dma_semaphore, #tpu.memory_space<semaphore_mem>>
        %dma_start3A = tpu.memref_slice %arg5[%mul3A_134] : memref<1280000xf32, #tpu.memory_space<hbm>> -> memref<640xf32, #tpu.memory_space<hbm>>
        %dma_start3A_245 = tpu.memref_slice %arg5[%mul3A_134] : memref<1280000xf32, #tpu.memory_space<hbm>> -> memref<640xf32, #tpu.memory_space<hbm>>
        tpu.enqueue_dma source(%dma_start3A_245 : memref<640xf32, #tpu.memory_space<hbm>>) target(%arg13 : memref<640xf32, #tpu.memory_space<vmem>>) target_semaphore(%run_scoped3A : memref<!tpu.dma_semaphore, #tpu.memory_space<semaphore_mem>>)
        %dma_wait3A = tpu.memref_slice %arg5[%mul3A_134] : memref<1280000xf32, #tpu.memory_space<hbm>> -> memref<640xf32, #tpu.memory_space<hbm>>
        %dma_wait3A_246 = tpu.memref_slice %arg5[%mul3A_134] : memref<1280000xf32, #tpu.memory_space<hbm>> -> memref<640xf32, #tpu.memory_space<hbm>>
        tpu.wait_dma2 semaphore(%run_scoped3A : memref<!tpu.dma_semaphore, #tpu.memory_space<semaphore_mem>>) src(%dma_wait3A_246 : memref<640xf32, #tpu.memory_space<hbm>>) dst(%arg13 : memref<640xf32, #tpu.memory_space<vmem>>)
        tpu.yield
      }) : () -> ()
      %get3A = arith.constant 0 : index
      %get3A_135 = tpu.vector_load %arg10[%get3A] {strides = array<i32>} : memref<160xi32, #tpu.memory_space<vmem>>, vector<16xi32>,
      %mul3A_136 = arith.constant 4 : i32
      %mul3A_137 = vector.broadcast %mul3A_136 : i32 to vector<16xi32>
      %mul3A_138 = arith.muli %get3A_135, %mul3A_137 : vector<16xi32>
      %add3A_139 = vector.broadcast %add3A_1 : i32 to vector<16xi32>
      %add3A_140 = arith.addi %mul3A_138, %add3A_139 : vector<16xi32>
      %swap3A = arith.constant 0 : index
      %swap3A_141 = tpu.vector_load %arg12[%swap3A] {strides = array<i32>} : memref<160xi32, #tpu.memory_space<vmem>>, vector<16xi32>,
      tpu.vector_store %arg12[%swap3A], %add3A_140 {strides = array<i32>} : memref<160xi32, #tpu.memory_space<vmem>>, vector<16xi32>,
      %get3A_142 = arith.constant 16 : index
      %get3A_143 = tpu.vector_load %arg10[%get3A_142] {strides = array<i32>} : memref<160xi32, #tpu.memory_space<vmem>>, vector<16xi32>,
      %mul3A_144 = arith.constant 4 : i32
      %mul3A_145 = vector.broadcast %mul3A_144 : i32 to vector<16xi32>
      %mul3A_146 = arith.muli %get3A_143, %mul3A_145 : vector<16xi32>
      %add3A_147 = vector.broadcast %add3A_1 : i32 to vector<16xi32>
      %add3A_148 = arith.addi %mul3A_146, %add3A_147 : vector<16xi32>
      %swap3A_149 = arith.constant 16 : index
      %swap3A_150 = tpu.vector_load %arg12[%swap3A_149] {strides = array<i32>} : memref<160xi32, #tpu.memory_space<vmem>>, vector<16xi32>,
      tpu.vector_store %arg12[%swap3A_149], %add3A_148 {strides = array<i32>} : memref<160xi32, #tpu.memory_space<vmem>>, vector<16xi32>,
      %get3A_151 = arith.constant 32 : index
      %get3A_152 = tpu.vector_load %arg10[%get3A_151] {strides = array<i32>} : memref<160xi32, #tpu.memory_space<vmem>>, vector<16xi32>,
      %mul3A_153 = arith.constant 4 : i32
      %mul3A_154 = vector.broadcast %mul3A_153 : i32 to vector<16xi32>
      %mul3A_155 = arith.muli %get3A_152, %mul3A_154 : vector<16xi32>
      %add3A_156 = vector.broadcast %add3A_1 : i32 to vector<16xi32>
      %add3A_157 = arith.addi %mul3A_155, %add3A_156 : vector<16xi32>
      %swap3A_158 = arith.constant 32 : index
      %swap3A_159 = tpu.vector_load %arg12[%swap3A_158] {strides = array<i32>} : memref<160xi32, #tpu.memory_space<vmem>>, vector<16xi32>,
      tpu.vector_store %arg12[%swap3A_158], %add3A_157 {strides = array<i32>} : memref<160xi32, #tpu.memory_space<vmem>>, vector<16xi32>,
      %get3A_160 = arith.constant 48 : index
      %get3A_161 = tpu.vector_load %arg10[%get3A_160] {strides = array<i32>} : memref<160xi32, #tpu.memory_space<vmem>>, vector<16xi32>,
      %mul3A_162 = arith.constant 4 : i32
      %mul3A_163 = vector.broadcast %mul3A_162 : i32 to vector<16xi32>
      %mul3A_164 = arith.muli %get3A_161, %mul3A_163 : vector<16xi32>
      %add3A_165 = vector.broadcast %add3A_1 : i32 to vector<16xi32>
      %add3A_166 = arith.addi %mul3A_164, %add3A_165 : vector<16xi32>
      %swap3A_167 = arith.constant 48 : index
      %swap3A_168 = tpu.vector_load %arg12[%swap3A_167] {strides = array<i32>} : memref<160xi32, #tpu.memory_space<vmem>>, vector<16xi32>,
      tpu.vector_store %arg12[%swap3A_167], %add3A_166 {strides = array<i32>} : memref<160xi32, #tpu.memory_space<vmem>>, vector<16xi32>,
      %get3A_169 = arith.constant 64 : index
      %get3A_170 = tpu.vector_load %arg10[%get3A_169] {strides = array<i32>} : memref<160xi32, #tpu.memory_space<vmem>>, vector<16xi32>,
      %mul3A_171 = arith.constant 4 : i32
      %mul3A_172 = vector.broadcast %mul3A_171 : i32 to vector<16xi32>
      %mul3A_173 = arith.muli %get3A_170, %mul3A_172 : vector<16xi32>
      %add3A_174 = vector.broadcast %add3A_1 : i32 to vector<16xi32>
      %add3A_175 = arith.addi %mul3A_173, %add3A_174 : vector<16xi32>
      %swap3A_176 = arith.constant 64 : index
      %swap3A_177 = tpu.vector_load %arg12[%swap3A_176] {strides = array<i32>} : memref<160xi32, #tpu.memory_space<vmem>>, vector<16xi32>,
      tpu.vector_store %arg12[%swap3A_176], %add3A_175 {strides = array<i32>} : memref<160xi32, #tpu.memory_space<vmem>>, vector<16xi32>,
      %get3A_178 = arith.constant 80 : index
      %get3A_179 = tpu.vector_load %arg10[%get3A_178] {strides = array<i32>} : memref<160xi32, #tpu.memory_space<vmem>>, vector<16xi32>,
      %mul3A_180 = arith.constant 4 : i32
      %mul3A_181 = vector.broadcast %mul3A_180 : i32 to vector<16xi32>
      %mul3A_182 = arith.muli %get3A_179, %mul3A_181 : vector<16xi32>
      %add3A_183 = vector.broadcast %add3A_1 : i32 to vector<16xi32>
      %add3A_184 = arith.addi %mul3A_182, %add3A_183 : vector<16xi32>
      %swap3A_185 = arith.constant 80 : index
      %swap3A_186 = tpu.vector_load %arg12[%swap3A_185] {strides = array<i32>} : memref<160xi32, #tpu.memory_space<vmem>>, vector<16xi32>,
      tpu.vector_store %arg12[%swap3A_185], %add3A_184 {strides = array<i32>} : memref<160xi32, #tpu.memory_space<vmem>>, vector<16xi32>,
      %get3A_187 = arith.constant 96 : index
      %get3A_188 = tpu.vector_load %arg10[%get3A_187] {strides = array<i32>} : memref<160xi32, #tpu.memory_space<vmem>>, vector<16xi32>,
      %mul3A_189 = arith.constant 4 : i32
      %mul3A_190 = vector.broadcast %mul3A_189 : i32 to vector<16xi32>
      %mul3A_191 = arith.muli %get3A_188, %mul3A_190 : vector<16xi32>
      %add3A_192 = vector.broadcast %add3A_1 : i32 to vector<16xi32>
      %add3A_193 = arith.addi %mul3A_191, %add3A_192 : vector<16xi32>
      %swap3A_194 = arith.constant 96 : index
      %swap3A_195 = tpu.vector_load %arg12[%swap3A_194] {strides = array<i32>} : memref<160xi32, #tpu.memory_space<vmem>>, vector<16xi32>,
      tpu.vector_store %arg12[%swap3A_194], %add3A_193 {strides = array<i32>} : memref<160xi32, #tpu.memory_space<vmem>>, vector<16xi32>,
      %get3A_196 = arith.constant 112 : index
      %get3A_197 = tpu.vector_load %arg10[%get3A_196] {strides = array<i32>} : memref<160xi32, #tpu.memory_space<vmem>>, vector<16xi32>,
      %mul3A_198 = arith.constant 4 : i32
      %mul3A_199 = vector.broadcast %mul3A_198 : i32 to vector<16xi32>
      %mul3A_200 = arith.muli %get3A_197, %mul3A_199 : vector<16xi32>
      %add3A_201 = vector.broadcast %add3A_1 : i32 to vector<16xi32>
      %add3A_202 = arith.addi %mul3A_200, %add3A_201 : vector<16xi32>
      %swap3A_203 = arith.constant 112 : index
      %swap3A_204 = tpu.vector_load %arg12[%swap3A_203] {strides = array<i32>} : memref<160xi32, #tpu.memory_space<vmem>>, vector<16xi32>,
      tpu.vector_store %arg12[%swap3A_203], %add3A_202 {strides = array<i32>} : memref<160xi32, #tpu.memory_space<vmem>>, vector<16xi32>,
      %get3A_205 = arith.constant 128 : index
      %get3A_206 = tpu.vector_load %arg10[%get3A_205] {strides = array<i32>} : memref<160xi32, #tpu.memory_space<vmem>>, vector<16xi32>,
      %mul3A_207 = arith.constant 4 : i32
      %mul3A_208 = vector.broadcast %mul3A_207 : i32 to vector<16xi32>
      %mul3A_209 = arith.muli %get3A_206, %mul3A_208 : vector<16xi32>
      %add3A_210 = vector.broadcast %add3A_1 : i32 to vector<16xi32>
      %add3A_211 = arith.addi %mul3A_209, %add3A_210 : vector<16xi32>
      %swap3A_212 = arith.constant 128 : index
      %swap3A_213 = tpu.vector_load %arg12[%swap3A_212] {strides = array<i32>} : memref<160xi32, #tpu.memory_space<vmem>>, vector<16xi32>,
      tpu.vector_store %arg12[%swap3A_212], %add3A_211 {strides = array<i32>} : memref<160xi32, #tpu.memory_space<vmem>>, vector<16xi32>,
      %get3A_214 = arith.constant 144 : index
      %get3A_215 = tpu.vector_load %arg10[%get3A_214] {strides = array<i32>} : memref<160xi32, #tpu.memory_space<vmem>>, vector<16xi32>,
      %mul3A_216 = arith.constant 4 : i32
      %mul3A_217 = vector.broadcast %mul3A_216 : i32 to vector<16xi32>
      %mul3A_218 = arith.muli %get3A_215, %mul3A_217 : vector<16xi32>
      %add3A_219 = vector.broadcast %add3A_1 : i32 to vector<16xi32>
      %add3A_220 = arith.addi %mul3A_218, %add3A_219 : vector<16xi32>
      %swap3A_221 = arith.constant 144 : index
      %swap3A_222 = tpu.vector_load %arg12[%swap3A_221] {strides = array<i32>} : memref<160xi32, #tpu.memory_space<vmem>>, vector<16xi32>,
      tpu.vector_store %arg12[%swap3A_221], %add3A_220 {strides = array<i32>} : memref<160xi32, #tpu.memory_space<vmem>>, vector<16xi32>,
      %scan3A_223 = arith.constant 0 : i32
      %scan3A_224 = arith.constant 0 : i32
      %scan3A_225 = arith.constant 2 : i32
      %scan3A_226 = arith.addi %scan3A_224, %scan3A_225 : i32
      %scan3A_227 = arith.constant 1 : i32
      %scan3A_228 = scf.for %scan3A_245 = %scan3A_224 to %scan3A_226 step %scan3A_227 iter_args(%scan3A_246 = %scan3A_223) -> (i32)  : i32 {
        %mul3A_247 = arith.constant 80 : i32
        %mul3A_248 = arith.muli %scan3A_245, %mul3A_247 : i32
        %mul3A_249 = arith.constant 80 : i32
        %mul3A_250 = arith.muli %scan3A_245, %mul3A_249 : i32
        %dma_start3A = arith.constant 0 : i32
        %dma_start3A_251 = tpu.memref_slice %arg8[%mul3A_250, %dma_start3A] : memref<160x144xf32, #tpu.memory_space<vmem>> -> memref<80x144xf32, #tpu.memory_space<vmem>>
        %dma_start3A_252 = tpu.memref_slice %arg12[%mul3A_248] : memref<160xi32, #tpu.memory_space<vmem>> -> memref<80xi32, #tpu.memory_space<vmem>>
        %dma_start3A_253 = arith.constant 0 : i32
        %dma_start3A_254 = arith.constant 0 : i32
        %dma_start3A_255 = tpu.memref_slice %arg4[%dma_start3A_253, %dma_start3A_254] : memref<40000x144xf32, #tpu.memory_space<hbm>> -> memref<40000x144xf32, #tpu.memory_space<hbm>>
        tpu.enqueue_indirect_dma source(%dma_start3A_255 : memref<40000x144xf32, #tpu.memory_space<hbm>>) target(%dma_start3A_251 : memref<80x144xf32, #tpu.memory_space<vmem>>) offsets(%dma_start3A_252 : memref<80xi32, #tpu.memory_space<vmem>>) semaphore(%arg14 : memref<!tpu.dma_semaphore, #tpu.memory_space<semaphore_mem>>)
        %scan3A_256 = arith.constant 0 : i32
        scf.yield %scan3A_256 : i32
      }
      %scan3A_229 = arith.constant 2 : i32
      %scan3A_230 = arith.constant 0 : i32
      %scan3A_231 = arith.constant 0 : i32
      %scan3A_232 = arith.constant 2 : i32
      %scan3A_233 = arith.addi %scan3A_231, %scan3A_232 : i32
      %scan3A_234 = arith.constant 1 : i32
      %scan3A_235 = scf.for %scan3A_245 = %scan3A_231 to %scan3A_233 step %scan3A_234 iter_args(%scan3A_246 = %scan3A_230) -> (i32)  : i32 {
        %mul3A_247 = arith.constant 80 : i32
        %mul3A_248 = arith.muli %scan3A_245, %mul3A_247 : i32
        %mul3A_249 = arith.constant 80 : i32
        %mul3A_250 = arith.muli %scan3A_245, %mul3A_249 : i32
        %dma_wait3A = arith.constant 0 : i32
        %dma_wait3A_251 = tpu.memref_slice %arg8[%mul3A_250, %dma_wait3A] : memref<160x144xf32, #tpu.memory_space<vmem>> -> memref<80x144xf32, #tpu.memory_space<vmem>>
        %dma_wait3A_252 = tpu.memref_slice %arg12[%mul3A_248] : memref<160xi32, #tpu.memory_space<vmem>> -> memref<80xi32, #tpu.memory_space<vmem>>
        %dma_wait3A_253 = arith.constant 0 : i32
        %dma_wait3A_254 = arith.constant 0 : i32
        %dma_wait3A_255 = tpu.memref_slice %arg4[%dma_wait3A_253, %dma_wait3A_254] : memref<40000x144xf32, #tpu.memory_space<hbm>> -> memref<40000x144xf32, #tpu.memory_space<hbm>>
        tpu.wait_indirect_dma semaphore(%arg14 : memref<!tpu.dma_semaphore, #tpu.memory_space<semaphore_mem>>) src(%dma_wait3A_255 : memref<40000x144xf32, #tpu.memory_space<hbm>>) dst(%dma_wait3A_251 : memref<80x144xf32, #tpu.memory_space<vmem>>)
        %scan3A_256 = arith.constant 0 : i32
        scf.yield %scan3A_256 : i32
      }
      %scan3A_236 = arith.constant 2 : i32
      %scan3A_237 = arith.constant 0 : i32
      %scan3A_238 = arith.constant 0 : i32
      %scan3A_239 = arith.constant 2 : i32
      %scan3A_240 = arith.addi %scan3A_238, %scan3A_239 : i32
      %scan3A_241 = arith.constant 1 : i32
      %scan3A_242 = scf.for %scan3A_245 = %scan3A_238 to %scan3A_240 step %scan3A_241 iter_args(%scan3A_246 = %scan3A_237) -> (i32)  : i32 {
        %scan3A_247 = arith.constant 0 : i32
        %scan3A_248 = arith.constant 0 : i32
        %scan3A_249 = arith.constant 80 : i32
        %scan3A_250 = arith.addi %scan3A_248, %scan3A_249 : i32
        %scan3A_251 = arith.constant 1 : i32
        %scan3A_252 = scf.for %scan3A_255 = %scan3A_248 to %scan3A_250 step %scan3A_251 iter_args(%scan3A_256 = %scan3A_247) -> (i32)  : i32 {
          %mul3A_257 = arith.constant 80 : i32
          %mul3A_258 = arith.muli %scan3A_245, %mul3A_257 : i32
          %add3A_259 = arith.addi %mul3A_258, %scan3A_255 : i32
          %mul3A_260 = arith.constant 4 : i32
          %mul3A_261 = arith.muli %add3A_259, %mul3A_260 : i32
          %add3A_262 = arith.addi %mul3A_261, %add3A_1 : i32
          %broadcast_in_dim3A = vector.broadcast %add3A_262 : i32 to vector<16xi32>
          %gather3A = tpu.vector_load_idx %arg13[%broadcast_in_dim3A] : memref<640xf32, #tpu.memory_space<vmem>>[vector<16xi32>], vector<16xf32>,
          %mul3A_263 = arith.constant 80 : i32
          %mul3A_264 = arith.muli %scan3A_245, %mul3A_263 : i32
          %add3A_265 = arith.addi %mul3A_264, %scan3A_255 : i32
          %get3A_266 = arith.index_cast %add3A_265 : i32 to index
          %get3A_267 = arith.constant 0 : index
          %get3A_268 = tpu.vector_load %arg8[%get3A_266, %get3A_267] {strides = array<i32>} : memref<160x144xf32, #tpu.memory_space<vmem>>, vector<16xf32>,
          %mul3A_269 = arith.mulf %get3A_268, %gather3A : vector<16xf32>
          %swap3A_270 = arith.index_cast %scan3A_255 : i32 to index
          %swap3A_271 = arith.constant 0 : index
          %swap3A_272 = tpu.vector_load %arg9[%swap3A_270, %swap3A_271] {strides = array<i32>} : memref<80x144xf32, #tpu.memory_space<vmem>>, vector<16xf32>,
          tpu.vector_store %arg9[%swap3A_270, %swap3A_271], %mul3A_269 {strides = array<i32>} : memref<80x144xf32, #tpu.memory_space<vmem>>, vector<16xf32>,
          %mul3A_273 = arith.constant 80 : i32
          %mul3A_274 = arith.muli %scan3A_245, %mul3A_273 : i32
          %add3A_275 = arith.addi %mul3A_274, %scan3A_255 : i32
          %get3A_276 = arith.index_cast %add3A_275 : i32 to index
          %get3A_277 = arith.constant 16 : index
          %get3A_278 = tpu.vector_load %arg8[%get3A_276, %get3A_277] {strides = array<i32>} : memref<160x144xf32, #tpu.memory_space<vmem>>, vector<16xf32>,
          %mul3A_279 = arith.mulf %get3A_278, %gather3A : vector<16xf32>
          %swap3A_280 = arith.index_cast %scan3A_255 : i32 to index
          %swap3A_281 = arith.constant 16 : index
          %swap3A_282 = tpu.vector_load %arg9[%swap3A_280, %swap3A_281] {strides = array<i32>} : memref<80x144xf32, #tpu.memory_space<vmem>>, vector<16xf32>,
          tpu.vector_store %arg9[%swap3A_280, %swap3A_281], %mul3A_279 {strides = array<i32>} : memref<80x144xf32, #tpu.memory_space<vmem>>, vector<16xf32>,
          %mul3A_283 = arith.constant 80 : i32
          %mul3A_284 = arith.muli %scan3A_245, %mul3A_283 : i32
          %add3A_285 = arith.addi %mul3A_284, %scan3A_255 : i32
          %get3A_286 = arith.index_cast %add3A_285 : i32 to index
          %get3A_287 = arith.constant 32 : index
          %get3A_288 = tpu.vector_load %arg8[%get3A_286, %get3A_287] {strides = array<i32>} : memref<160x144xf32, #tpu.memory_space<vmem>>, vector<16xf32>,
          %mul3A_289 = arith.mulf %get3A_288, %gather3A : vector<16xf32>
          %swap3A_290 = arith.index_cast %scan3A_255 : i32 to index
          %swap3A_291 = arith.constant 32 : index
          %swap3A_292 = tpu.vector_load %arg9[%swap3A_290, %swap3A_291] {strides = array<i32>} : memref<80x144xf32, #tpu.memory_space<vmem>>, vector<16xf32>,
          tpu.vector_store %arg9[%swap3A_290, %swap3A_291], %mul3A_289 {strides = array<i32>} : memref<80x144xf32, #tpu.memory_space<vmem>>, vector<16xf32>,
          %mul3A_293 = arith.constant 80 : i32
          %mul3A_294 = arith.muli %scan3A_245, %mul3A_293 : i32
          %add3A_295 = arith.addi %mul3A_294, %scan3A_255 : i32
          %get3A_296 = arith.index_cast %add3A_295 : i32 to index
          %get3A_297 = arith.constant 48 : index
          %get3A_298 = tpu.vector_load %arg8[%get3A_296, %get3A_297] {strides = array<i32>} : memref<160x144xf32, #tpu.memory_space<vmem>>, vector<16xf32>,
          %mul3A_299 = arith.mulf %get3A_298, %gather3A : vector<16xf32>
          %swap3A_300 = arith.index_cast %scan3A_255 : i32 to index
          %swap3A_301 = arith.constant 48 : index
          %swap3A_302 = tpu.vector_load %arg9[%swap3A_300, %swap3A_301] {strides = array<i32>} : memref<80x144xf32, #tpu.memory_space<vmem>>, vector<16xf32>,
          tpu.vector_store %arg9[%swap3A_300, %swap3A_301], %mul3A_299 {strides = array<i32>} : memref<80x144xf32, #tpu.memory_space<vmem>>, vector<16xf32>,
          %mul3A_303 = arith.constant 80 : i32
          %mul3A_304 = arith.muli %scan3A_245, %mul3A_303 : i32
          %add3A_305 = arith.addi %mul3A_304, %scan3A_255 : i32
          %get3A_306 = arith.index_cast %add3A_305 : i32 to index
          %get3A_307 = arith.constant 64 : index
          %get3A_308 = tpu.vector_load %arg8[%get3A_306, %get3A_307] {strides = array<i32>} : memref<160x144xf32, #tpu.memory_space<vmem>>, vector<16xf32>,
          %mul3A_309 = arith.mulf %get3A_308, %gather3A : vector<16xf32>
          %swap3A_310 = arith.index_cast %scan3A_255 : i32 to index
          %swap3A_311 = arith.constant 64 : index
          %swap3A_312 = tpu.vector_load %arg9[%swap3A_310, %swap3A_311] {strides = array<i32>} : memref<80x144xf32, #tpu.memory_space<vmem>>, vector<16xf32>,
          tpu.vector_store %arg9[%swap3A_310, %swap3A_311], %mul3A_309 {strides = array<i32>} : memref<80x144xf32, #tpu.memory_space<vmem>>, vector<16xf32>,
          %mul3A_313 = arith.constant 80 : i32
          %mul3A_314 = arith.muli %scan3A_245, %mul3A_313 : i32
          %add3A_315 = arith.addi %mul3A_314, %scan3A_255 : i32
          %get3A_316 = arith.index_cast %add3A_315 : i32 to index
          %get3A_317 = arith.constant 80 : index
          %get3A_318 = tpu.vector_load %arg8[%get3A_316, %get3A_317] {strides = array<i32>} : memref<160x144xf32, #tpu.memory_space<vmem>>, vector<16xf32>,
          %mul3A_319 = arith.mulf %get3A_318, %gather3A : vector<16xf32>
          %swap3A_320 = arith.index_cast %scan3A_255 : i32 to index
          %swap3A_321 = arith.constant 80 : index
          %swap3A_322 = tpu.vector_load %arg9[%swap3A_320, %swap3A_321] {strides = array<i32>} : memref<80x144xf32, #tpu.memory_space<vmem>>, vector<16xf32>,
          tpu.vector_store %arg9[%swap3A_320, %swap3A_321], %mul3A_319 {strides = array<i32>} : memref<80x144xf32, #tpu.memory_space<vmem>>, vector<16xf32>,
          %mul3A_323 = arith.constant 80 : i32
          %mul3A_324 = arith.muli %scan3A_245, %mul3A_323 : i32
          %add3A_325 = arith.addi %mul3A_324, %scan3A_255 : i32
          %get3A_326 = arith.index_cast %add3A_325 : i32 to index
          %get3A_327 = arith.constant 96 : index
          %get3A_328 = tpu.vector_load %arg8[%get3A_326, %get3A_327] {strides = array<i32>} : memref<160x144xf32, #tpu.memory_space<vmem>>, vector<16xf32>,
          %mul3A_329 = arith.mulf %get3A_328, %gather3A : vector<16xf32>
          %swap3A_330 = arith.index_cast %scan3A_255 : i32 to index
          %swap3A_331 = arith.constant 96 : index
          %swap3A_332 = tpu.vector_load %arg9[%swap3A_330, %swap3A_331] {strides = array<i32>} : memref<80x144xf32, #tpu.memory_space<vmem>>, vector<16xf32>,
          tpu.vector_store %arg9[%swap3A_330, %swap3A_331], %mul3A_329 {strides = array<i32>} : memref<80x144xf32, #tpu.memory_space<vmem>>, vector<16xf32>,
          %mul3A_333 = arith.constant 80 : i32
          %mul3A_334 = arith.muli %scan3A_245, %mul3A_333 : i32
          %add3A_335 = arith.addi %mul3A_334, %scan3A_255 : i32
          %get3A_336 = arith.index_cast %add3A_335 : i32 to index
          %get3A_337 = arith.constant 112 : index
          %get3A_338 = tpu.vector_load %arg8[%get3A_336, %get3A_337] {strides = array<i32>} : memref<160x144xf32, #tpu.memory_space<vmem>>, vector<16xf32>,
          %mul3A_339 = arith.mulf %get3A_338, %gather3A : vector<16xf32>
          %swap3A_340 = arith.index_cast %scan3A_255 : i32 to index
          %swap3A_341 = arith.constant 112 : index
          %swap3A_342 = tpu.vector_load %arg9[%swap3A_340, %swap3A_341] {strides = array<i32>} : memref<80x144xf32, #tpu.memory_space<vmem>>, vector<16xf32>,
          tpu.vector_store %arg9[%swap3A_340, %swap3A_341], %mul3A_339 {strides = array<i32>} : memref<80x144xf32, #tpu.memory_space<vmem>>, vector<16xf32>,
          %mul3A_343 = arith.constant 80 : i32
          %mul3A_344 = arith.muli %scan3A_245, %mul3A_343 : i32
          %add3A_345 = arith.addi %mul3A_344, %scan3A_255 : i32
          %get3A_346 = arith.index_cast %add3A_345 : i32 to index
          %get3A_347 = arith.constant 128 : index
          %get3A_348 = tpu.vector_load %arg8[%get3A_346, %get3A_347] {strides = array<i32>} : memref<160x144xf32, #tpu.memory_space<vmem>>, vector<16xf32>,
          %mul3A_349 = arith.mulf %get3A_348, %gather3A : vector<16xf32>
          %swap3A_350 = arith.index_cast %scan3A_255 : i32 to index
          %swap3A_351 = arith.constant 128 : index
          %swap3A_352 = tpu.vector_load %arg9[%swap3A_350, %swap3A_351] {strides = array<i32>} : memref<80x144xf32, #tpu.memory_space<vmem>>, vector<16xf32>,
          tpu.vector_store %arg9[%swap3A_350, %swap3A_351], %mul3A_349 {strides = array<i32>} : memref<80x144xf32, #tpu.memory_space<vmem>>, vector<16xf32>,
          %scan3A_353 = arith.constant 0 : i32
          scf.yield %scan3A_353 : i32
        }
        %scan3A_253 = arith.constant 80 : i32
        "tpu.region"() ({
          %run_scoped3A = tpu.sem_alloc : memref<!tpu.dma_semaphore, #tpu.memory_space<semaphore_mem>>
          %dma_start3A = arith.constant 0 : i32
          %dma_start3A_255 = tpu.memref_slice %arg11[%scan3A_245, %dma_start3A] : memref<2x80xi32, #tpu.memory_space<vmem>> -> memref<1x80xi32, #tpu.memory_space<vmem>>
          %dma_start3A_256 = tpu.memref_squeeze %dma_start3A_255 : memref<1x80xi32, #tpu.memory_space<vmem>> -> memref<80xi32, #tpu.memory_space<vmem>>
          %dma_start3A_257 = arith.constant 0 : i32
          %dma_start3A_258 = arith.constant 0 : i32
          %dma_start3A_259 = tpu.memref_slice %arg7[%dma_start3A_257, %dma_start3A_258] : memref<10000x144xf32, #tpu.memory_space<vmem_shared>> -> memref<10000x144xf32, #tpu.memory_space<vmem_shared>>
          tpu.enqueue_indirect_dma source(%arg9 : memref<80x144xf32, #tpu.memory_space<vmem>>) target(%dma_start3A_259 : memref<10000x144xf32, #tpu.memory_space<vmem_shared>>) offsets(%dma_start3A_256 : memref<80xi32, #tpu.memory_space<vmem>>) semaphore(%run_scoped3A : memref<!tpu.dma_semaphore, #tpu.memory_space<semaphore_mem>>) {add = true}
          %dma_wait3A = arith.constant 0 : i32
          %dma_wait3A_260 = tpu.memref_slice %arg11[%scan3A_245, %dma_wait3A] : memref<2x80xi32, #tpu.memory_space<vmem>> -> memref<1x80xi32, #tpu.memory_space<vmem>>
          %dma_wait3A_261 = tpu.memref_squeeze %dma_wait3A_260 : memref<1x80xi32, #tpu.memory_space<vmem>> -> memref<80xi32, #tpu.memory_space<vmem>>
          %dma_wait3A_262 = arith.constant 0 : i32
          %dma_wait3A_263 = arith.constant 0 : i32
          %dma_wait3A_264 = tpu.memref_slice %arg7[%dma_wait3A_262, %dma_wait3A_263] : memref<10000x144xf32, #tpu.memory_space<vmem_shared>> -> memref<10000x144xf32, #tpu.memory_space<vmem_shared>>
          tpu.wait_indirect_dma semaphore(%run_scoped3A : memref<!tpu.dma_semaphore, #tpu.memory_space<semaphore_mem>>) src(%arg9 : memref<80x144xf32, #tpu.memory_space<vmem>>) dst(%dma_wait3A_264 : memref<10000x144xf32, #tpu.memory_space<vmem_shared>>)
          tpu.yield
        }) : () -> ()
        %scan3A_254 = arith.constant 0 : i32
        scf.yield %scan3A_254 : i32
      }
      %scan3A_243 = arith.constant 2 : i32
      %scan3A_244 = arith.constant 0 : i32
      scf.yield %scan3A_244 : i32
    }
    %scan3A_46 = arith.constant 125 : i32
    %barrier3A_47 = arith.constant 0 : index
    tpu.barrier barrier_id(%barrier3A_47)
    %mul3A_48 = arith.constant 625 : i32
    %mul3A_49 = arith.muli %arg1, %mul3A_48 : i32
    %mul3A_50 = arith.constant 625 : i32
    %mul3A_51 = arith.muli %arg1, %mul3A_50 : i32
    "tpu.region"() ({
      %run_scoped3A = tpu.sem_alloc : memref<!tpu.dma_semaphore, #tpu.memory_space<semaphore_mem>>
      %dma_start3A = arith.constant 0 : i32
      %dma_start3A_110 = tpu.memref_slice %arg6[%mul3A_51, %add3A_1, %dma_start3A] : memref<10000x4x144xf32, #tpu.memory_space<hbm>> -> memref<625x1x144xf32, #tpu.memory_space<hbm>>
      %dma_start3A_111 = tpu.memref_squeeze %dma_start3A_110 : memref<625x1x144xf32, #tpu.memory_space<hbm>> -> memref<625x144xf32, #tpu.memory_space<hbm>>
      %dma_start3A_112 = arith.constant 0 : i32
      %dma_start3A_113 = tpu.memref_slice %arg7[%mul3A_49, %dma_start3A_112] : memref<10000x144xf32, #tpu.memory_space<vmem_shared>> -> memref<625x144xf32, #tpu.memory_space<vmem_shared>>
      tpu.enqueue_dma source(%dma_start3A_113 : memref<625x144xf32, #tpu.memory_space<vmem_shared>>) target(%dma_start3A_111 : memref<625x144xf32, #tpu.memory_space<hbm>>) target_semaphore(%run_scoped3A : memref<!tpu.dma_semaphore, #tpu.memory_space<semaphore_mem>>)
      %dma_wait3A = arith.constant 0 : i32
      %dma_wait3A_114 = tpu.memref_slice %arg6[%mul3A_51, %add3A_1, %dma_wait3A] : memref<10000x4x144xf32, #tpu.memory_space<hbm>> -> memref<625x1x144xf32, #tpu.memory_space<hbm>>
      %dma_wait3A_115 = tpu.memref_squeeze %dma_wait3A_114 : memref<625x1x144xf32, #tpu.memory_space<hbm>> -> memref<625x144xf32, #tpu.memory_space<hbm>>
      %dma_wait3A_116 = arith.constant 0 : i32
      %dma_wait3A_117 = tpu.memref_slice %arg7[%mul3A_49, %dma_wait3A_116] : memref<10000x144xf32, #tpu.memory_space<vmem_shared>> -> memref<625x144xf32, #tpu.memory_space<vmem_shared>>
      tpu.wait_dma2 semaphore(%run_scoped3A : memref<!tpu.dma_semaphore, #tpu.memory_space<semaphore_mem>>) src(%dma_wait3A_117 : memref<625x144xf32, #tpu.memory_space<vmem_shared>>) dst(%dma_wait3A_115 : memref<625x144xf32, #tpu.memory_space<hbm>>)
      tpu.yield
    }) : () -> ()
    %barrier3A_52 = arith.constant 0 : index
    tpu.barrier barrier_id(%barrier3A_52)
    %mul3A_53 = arith.constant 2 : i32
    %mul3A_54 = arith.muli %arg0, %mul3A_53 : i32
    %add3A_55 = arith.constant 1 : i32
    %add3A_56 = arith.addi %mul3A_54, %add3A_55 : i32
    %scan3A_57 = arith.constant 0 : i32
    %scan3A_58 = arith.constant 0 : i32
    %scan3A_59 = arith.constant 80 : i32
    %scan3A_60 = arith.addi %scan3A_58, %scan3A_59 : i32
    %scan3A_61 = arith.constant 1 : i32
    %scan3A_62 = scf.for %scan3A_110 = %scan3A_58 to %scan3A_60 step %scan3A_61 iter_args(%scan3A_111 = %scan3A_57) -> (i32)  : i32 {
      %broadcast_in_dim3A = arith.constant 0.000000e+00 : f32
      %broadcast_in_dim3A_112 = vector.broadcast %broadcast_in_dim3A : f32 to vector<16xf32>
      %swap3A = arith.index_cast %scan3A_110 : i32 to index
      %swap3A_113 = arith.constant 0 : index
      %swap3A_114 = tpu.vector_load %arg9[%swap3A, %swap3A_113] {strides = array<i32>} : memref<80x144xf32, #tpu.memory_space<vmem>>, vector<16xf32>,
      tpu.vector_store %arg9[%swap3A, %swap3A_113], %broadcast_in_dim3A_112 {strides = array<i32>} : memref<80x144xf32, #tpu.memory_space<vmem>>, vector<16xf32>,
      %broadcast_in_dim3A_115 = arith.constant 0.000000e+00 : f32
      %broadcast_in_dim3A_116 = vector.broadcast %broadcast_in_dim3A_115 : f32 to vector<16xf32>
      %swap3A_117 = arith.index_cast %scan3A_110 : i32 to index
      %swap3A_118 = arith.constant 16 : index
      %swap3A_119 = tpu.vector_load %arg9[%swap3A_117, %swap3A_118] {strides = array<i32>} : memref<80x144xf32, #tpu.memory_space<vmem>>, vector<16xf32>,
      tpu.vector_store %arg9[%swap3A_117, %swap3A_118], %broadcast_in_dim3A_116 {strides = array<i32>} : memref<80x144xf32, #tpu.memory_space<vmem>>, vector<16xf32>,
      %broadcast_in_dim3A_120 = arith.constant 0.000000e+00 : f32
      %broadcast_in_dim3A_121 = vector.broadcast %broadcast_in_dim3A_120 : f32 to vector<16xf32>
      %swap3A_122 = arith.index_cast %scan3A_110 : i32 to index
      %swap3A_123 = arith.constant 32 : index
      %swap3A_124 = tpu.vector_load %arg9[%swap3A_122, %swap3A_123] {strides = array<i32>} : memref<80x144xf32, #tpu.memory_space<vmem>>, vector<16xf32>,
      tpu.vector_store %arg9[%swap3A_122, %swap3A_123], %broadcast_in_dim3A_121 {strides = array<i32>} : memref<80x144xf32, #tpu.memory_space<vmem>>, vector<16xf32>,
      %broadcast_in_dim3A_125 = arith.constant 0.000000e+00 : f32
      %broadcast_in_dim3A_126 = vector.broadcast %broadcast_in_dim3A_125 : f32 to vector<16xf32>
      %swap3A_127 = arith.index_cast %scan3A_110 : i32 to index
      %swap3A_128 = arith.constant 48 : index
      %swap3A_129 = tpu.vector_load %arg9[%swap3A_127, %swap3A_128] {strides = array<i32>} : memref<80x144xf32, #tpu.memory_space<vmem>>, vector<16xf32>,
      tpu.vector_store %arg9[%swap3A_127, %swap3A_128], %broadcast_in_dim3A_126 {strides = array<i32>} : memref<80x144xf32, #tpu.memory_space<vmem>>, vector<16xf32>,
      %broadcast_in_dim3A_130 = arith.constant 0.000000e+00 : f32
      %broadcast_in_dim3A_131 = vector.broadcast %broadcast_in_dim3A_130 : f32 to vector<16xf32>
      %swap3A_132 = arith.index_cast %scan3A_110 : i32 to index
      %swap3A_133 = arith.constant 64 : index
      %swap3A_134 = tpu.vector_load %arg9[%swap3A_132, %swap3A_133] {strides = array<i32>} : memref<80x144xf32, #tpu.memory_space<vmem>>, vector<16xf32>,
      tpu.vector_store %arg9[%swap3A_132, %swap3A_133], %broadcast_in_dim3A_131 {strides = array<i32>} : memref<80x144xf32, #tpu.memory_space<vmem>>, vector<16xf32>,
      %broadcast_in_dim3A_135 = arith.constant 0.000000e+00 : f32
      %broadcast_in_dim3A_136 = vector.broadcast %broadcast_in_dim3A_135 : f32 to vector<16xf32>
      %swap3A_137 = arith.index_cast %scan3A_110 : i32 to index
      %swap3A_138 = arith.constant 80 : index
      %swap3A_139 = tpu.vector_load %arg9[%swap3A_137, %swap3A_138] {strides = array<i32>} : memref<80x144xf32, #tpu.memory_space<vmem>>, vector<16xf32>,
      tpu.vector_store %arg9[%swap3A_137, %swap3A_138], %broadcast_in_dim3A_136 {strides = array<i32>} : memref<80x144xf32, #tpu.memory_space<vmem>>, vector<16xf32>,
      %broadcast_in_dim3A_140 = arith.constant 0.000000e+00 : f32
      %broadcast_in_dim3A_141 = vector.broadcast %broadcast_in_dim3A_140 : f32 to vector<16xf32>
      %swap3A_142 = arith.index_cast %scan3A_110 : i32 to index
      %swap3A_143 = arith.constant 96 : index
      %swap3A_144 = tpu.vector_load %arg9[%swap3A_142, %swap3A_143] {strides = array<i32>} : memref<80x144xf32, #tpu.memory_space<vmem>>, vector<16xf32>,
      tpu.vector_store %arg9[%swap3A_142, %swap3A_143], %broadcast_in_dim3A_141 {strides = array<i32>} : memref<80x144xf32, #tpu.memory_space<vmem>>, vector<16xf32>,
      %broadcast_in_dim3A_145 = arith.constant 0.000000e+00 : f32
      %broadcast_in_dim3A_146 = vector.broadcast %broadcast_in_dim3A_145 : f32 to vector<16xf32>
      %swap3A_147 = arith.index_cast %scan3A_110 : i32 to index
      %swap3A_148 = arith.constant 112 : index
      %swap3A_149 = tpu.vector_load %arg9[%swap3A_147, %swap3A_148] {strides = array<i32>} : memref<80x144xf32, #tpu.memory_space<vmem>>, vector<16xf32>,
      tpu.vector_store %arg9[%swap3A_147, %swap3A_148], %broadcast_in_dim3A_146 {strides = array<i32>} : memref<80x144xf32, #tpu.memory_space<vmem>>, vector<16xf32>,
      %broadcast_in_dim3A_150 = arith.constant 0.000000e+00 : f32
      %broadcast_in_dim3A_151 = vector.broadcast %broadcast_in_dim3A_150 : f32 to vector<16xf32>
      %swap3A_152 = arith.index_cast %scan3A_110 : i32 to index
      %swap3A_153 = arith.constant 128 : index
      %swap3A_154 = tpu.vector_load %arg9[%swap3A_152, %swap3A_153] {strides = array<i32>} : memref<80x144xf32, #tpu.memory_space<vmem>>, vector<16xf32>,
      tpu.vector_store %arg9[%swap3A_152, %swap3A_153], %broadcast_in_dim3A_151 {strides = array<i32>} : memref<80x144xf32, #tpu.memory_space<vmem>>, vector<16xf32>,
      %scan3A_155 = arith.constant 0 : i32
      scf.yield %scan3A_155 : i32
    }
    %scan3A_63 = arith.constant 80 : i32
    %mul3A_64 = arith.constant 625 : i32
    %mul3A_65 = arith.muli %arg1, %mul3A_64 : i32
    %add3A_66 = arith.constant 0 : i32
    %add3A_67 = arith.addi %mul3A_65, %add3A_66 : i32
    "tpu.region"() ({
      %run_scoped3A = tpu.sem_alloc : memref<!tpu.dma_semaphore, #tpu.memory_space<semaphore_mem>>
      %dma_start3A = arith.constant 0 : i32
      %dma_start3A_110 = tpu.memref_slice %arg7[%add3A_67, %dma_start3A] : memref<10000x144xf32, #tpu.memory_space<vmem_shared>> -> memref<80x144xf32, #tpu.memory_space<vmem_shared>>
      %dma_start3A_111 = arith.constant 0 : i32
      %dma_start3A_112 = tpu.memref_slice %arg7[%add3A_67, %dma_start3A_111] : memref<10000x144xf32, #tpu.memory_space<vmem_shared>> -> memref<80x144xf32, #tpu.memory_space<vmem_shared>>
      tpu.enqueue_dma source(%arg9 : memref<80x144xf32, #tpu.memory_space<vmem>>) target(%dma_start3A_112 : memref<80x144xf32, #tpu.memory_space<vmem_shared>>) target_semaphore(%run_scoped3A : memref<!tpu.dma_semaphore, #tpu.memory_space<semaphore_mem>>)
      %dma_wait3A = arith.constant 0 : i32
      %dma_wait3A_113 = tpu.memref_slice %arg7[%add3A_67, %dma_wait3A] : memref<10000x144xf32, #tpu.memory_space<vmem_shared>> -> memref<80x144xf32, #tpu.memory_space<vmem_shared>>
      %dma_wait3A_114 = arith.constant 0 : i32
      %dma_wait3A_115 = tpu.memref_slice %arg7[%add3A_67, %dma_wait3A_114] : memref<10000x144xf32, #tpu.memory_space<vmem_shared>> -> memref<80x144xf32, #tpu.memory_space<vmem_shared>>
      tpu.wait_dma2 semaphore(%run_scoped3A : memref<!tpu.dma_semaphore, #tpu.memory_space<semaphore_mem>>) src(%arg9 : memref<80x144xf32, #tpu.memory_space<vmem>>) dst(%dma_wait3A_115 : memref<80x144xf32, #tpu.memory_space<vmem_shared>>)
      tpu.yield
    }) : () -> ()
    %mul3A_68 = arith.constant 625 : i32
    %mul3A_69 = arith.muli %arg1, %mul3A_68 : i32
    %add3A_70 = arith.constant 80 : i32
    %add3A_71 = arith.addi %mul3A_69, %add3A_70 : i32
    "tpu.region"() ({
      %run_scoped3A = tpu.sem_alloc : memref<!tpu.dma_semaphore, #tpu.memory_space<semaphore_mem>>
      %dma_start3A = arith.constant 0 : i32
      %dma_start3A_110 = tpu.memref_slice %arg7[%add3A_71, %dma_start3A] : memref<10000x144xf32, #tpu.memory_space<vmem_shared>> -> memref<80x144xf32, #tpu.memory_space<vmem_shared>>
      %dma_start3A_111 = arith.constant 0 : i32
      %dma_start3A_112 = tpu.memref_slice %arg7[%add3A_71, %dma_start3A_111] : memref<10000x144xf32, #tpu.memory_space<vmem_shared>> -> memref<80x144xf32, #tpu.memory_space<vmem_shared>>
      tpu.enqueue_dma source(%arg9 : memref<80x144xf32, #tpu.memory_space<vmem>>) target(%dma_start3A_112 : memref<80x144xf32, #tpu.memory_space<vmem_shared>>) target_semaphore(%run_scoped3A : memref<!tpu.dma_semaphore, #tpu.memory_space<semaphore_mem>>)
      %dma_wait3A = arith.constant 0 : i32
      %dma_wait3A_113 = tpu.memref_slice %arg7[%add3A_71, %dma_wait3A] : memref<10000x144xf32, #tpu.memory_space<vmem_shared>> -> memref<80x144xf32, #tpu.memory_space<vmem_shared>>
      %dma_wait3A_114 = arith.constant 0 : i32
      %dma_wait3A_115 = tpu.memref_slice %arg7[%add3A_71, %dma_wait3A_114] : memref<10000x144xf32, #tpu.memory_space<vmem_shared>> -> memref<80x144xf32, #tpu.memory_space<vmem_shared>>
      tpu.wait_dma2 semaphore(%run_scoped3A : memref<!tpu.dma_semaphore, #tpu.memory_space<semaphore_mem>>) src(%arg9 : memref<80x144xf32, #tpu.memory_space<vmem>>) dst(%dma_wait3A_115 : memref<80x144xf32, #tpu.memory_space<vmem_shared>>)
      tpu.yield
    }) : () -> ()
    %mul3A_72 = arith.constant 625 : i32
    %mul3A_73 = arith.muli %arg1, %mul3A_72 : i32
    %add3A_74 = arith.constant 160 : i32
    %add3A_75 = arith.addi %mul3A_73, %add3A_74 : i32
    "tpu.region"() ({
      %run_scoped3A = tpu.sem_alloc : memref<!tpu.dma_semaphore, #tpu.memory_space<semaphore_mem>>
      %dma_start3A = arith.constant 0 : i32
      %dma_start3A_110 = tpu.memref_slice %arg7[%add3A_75, %dma_start3A] : memref<10000x144xf32, #tpu.memory_space<vmem_shared>> -> memref<80x144xf32, #tpu.memory_space<vmem_shared>>
      %dma_start3A_111 = arith.constant 0 : i32
      %dma_start3A_112 = tpu.memref_slice %arg7[%add3A_75, %dma_start3A_111] : memref<10000x144xf32, #tpu.memory_space<vmem_shared>> -> memref<80x144xf32, #tpu.memory_space<vmem_shared>>
      tpu.enqueue_dma source(%arg9 : memref<80x144xf32, #tpu.memory_space<vmem>>) target(%dma_start3A_112 : memref<80x144xf32, #tpu.memory_space<vmem_shared>>) target_semaphore(%run_scoped3A : memref<!tpu.dma_semaphore, #tpu.memory_space<semaphore_mem>>)
      %dma_wait3A = arith.constant 0 : i32
      %dma_wait3A_113 = tpu.memref_slice %arg7[%add3A_75, %dma_wait3A] : memref<10000x144xf32, #tpu.memory_space<vmem_shared>> -> memref<80x144xf32, #tpu.memory_space<vmem_shared>>
      %dma_wait3A_114 = arith.constant 0 : i32
      %dma_wait3A_115 = tpu.memref_slice %arg7[%add3A_75, %dma_wait3A_114] : memref<10000x144xf32, #tpu.memory_space<vmem_shared>> -> memref<80x144xf32, #tpu.memory_space<vmem_shared>>
      tpu.wait_dma2 semaphore(%run_scoped3A : memref<!tpu.dma_semaphore, #tpu.memory_space<semaphore_mem>>) src(%arg9 : memref<80x144xf32, #tpu.memory_space<vmem>>) dst(%dma_wait3A_115 : memref<80x144xf32, #tpu.memory_space<vmem_shared>>)
      tpu.yield
    }) : () -> ()
    %mul3A_76 = arith.constant 625 : i32
    %mul3A_77 = arith.muli %arg1, %mul3A_76 : i32
    %add3A_78 = arith.constant 240 : i32
    %add3A_79 = arith.addi %mul3A_77, %add3A_78 : i32
    "tpu.region"() ({
      %run_scoped3A = tpu.sem_alloc : memref<!tpu.dma_semaphore, #tpu.memory_space<semaphore_mem>>
      %dma_start3A = arith.constant 0 : i32
      %dma_start3A_110 = tpu.memref_slice %arg7[%add3A_79, %dma_start3A] : memref<10000x144xf32, #tpu.memory_space<vmem_shared>> -> memref<80x144xf32, #tpu.memory_space<vmem_shared>>
      %dma_start3A_111 = arith.constant 0 : i32
      %dma_start3A_112 = tpu.memref_slice %arg7[%add3A_79, %dma_start3A_111] : memref<10000x144xf32, #tpu.memory_space<vmem_shared>> -> memref<80x144xf32, #tpu.memory_space<vmem_shared>>
      tpu.enqueue_dma source(%arg9 : memref<80x144xf32, #tpu.memory_space<vmem>>) target(%dma_start3A_112 : memref<80x144xf32, #tpu.memory_space<vmem_shared>>) target_semaphore(%run_scoped3A : memref<!tpu.dma_semaphore, #tpu.memory_space<semaphore_mem>>)
      %dma_wait3A = arith.constant 0 : i32
      %dma_wait3A_113 = tpu.memref_slice %arg7[%add3A_79, %dma_wait3A] : memref<10000x144xf32, #tpu.memory_space<vmem_shared>> -> memref<80x144xf32, #tpu.memory_space<vmem_shared>>
      %dma_wait3A_114 = arith.constant 0 : i32
      %dma_wait3A_115 = tpu.memref_slice %arg7[%add3A_79, %dma_wait3A_114] : memref<10000x144xf32, #tpu.memory_space<vmem_shared>> -> memref<80x144xf32, #tpu.memory_space<vmem_shared>>
      tpu.wait_dma2 semaphore(%run_scoped3A : memref<!tpu.dma_semaphore, #tpu.memory_space<semaphore_mem>>) src(%arg9 : memref<80x144xf32, #tpu.memory_space<vmem>>) dst(%dma_wait3A_115 : memref<80x144xf32, #tpu.memory_space<vmem_shared>>)
      tpu.yield
    }) : () -> ()
    %mul3A_80 = arith.constant 625 : i32
    %mul3A_81 = arith.muli %arg1, %mul3A_80 : i32
    %add3A_82 = arith.constant 320 : i32
    %add3A_83 = arith.addi %mul3A_81, %add3A_82 : i32
    "tpu.region"() ({
      %run_scoped3A = tpu.sem_alloc : memref<!tpu.dma_semaphore, #tpu.memory_space<semaphore_mem>>
      %dma_start3A = arith.constant 0 : i32
      %dma_start3A_110 = tpu.memref_slice %arg7[%add3A_83, %dma_start3A] : memref<10000x144xf32, #tpu.memory_space<vmem_shared>> -> memref<80x144xf32, #tpu.memory_space<vmem_shared>>
      %dma_start3A_111 = arith.constant 0 : i32
      %dma_start3A_112 = tpu.memref_slice %arg7[%add3A_83, %dma_start3A_111] : memref<10000x144xf32, #tpu.memory_space<vmem_shared>> -> memref<80x144xf32, #tpu.memory_space<vmem_shared>>
      tpu.enqueue_dma source(%arg9 : memref<80x144xf32, #tpu.memory_space<vmem>>) target(%dma_start3A_112 : memref<80x144xf32, #tpu.memory_space<vmem_shared>>) target_semaphore(%run_scoped3A : memref<!tpu.dma_semaphore, #tpu.memory_space<semaphore_mem>>)
      %dma_wait3A = arith.constant 0 : i32
      %dma_wait3A_113 = tpu.memref_slice %arg7[%add3A_83, %dma_wait3A] : memref<10000x144xf32, #tpu.memory_space<vmem_shared>> -> memref<80x144xf32, #tpu.memory_space<vmem_shared>>
      %dma_wait3A_114 = arith.constant 0 : i32
      %dma_wait3A_115 = tpu.memref_slice %arg7[%add3A_83, %dma_wait3A_114] : memref<10000x144xf32, #tpu.memory_space<vmem_shared>> -> memref<80x144xf32, #tpu.memory_space<vmem_shared>>
      tpu.wait_dma2 semaphore(%run_scoped3A : memref<!tpu.dma_semaphore, #tpu.memory_space<semaphore_mem>>) src(%arg9 : memref<80x144xf32, #tpu.memory_space<vmem>>) dst(%dma_wait3A_115 : memref<80x144xf32, #tpu.memory_space<vmem_shared>>)
      tpu.yield
    }) : () -> ()
    %mul3A_84 = arith.constant 625 : i32
    %mul3A_85 = arith.muli %arg1, %mul3A_84 : i32
    %add3A_86 = arith.constant 400 : i32
    %add3A_87 = arith.addi %mul3A_85, %add3A_86 : i32
    "tpu.region"() ({
      %run_scoped3A = tpu.sem_alloc : memref<!tpu.dma_semaphore, #tpu.memory_space<semaphore_mem>>
      %dma_start3A = arith.constant 0 : i32
      %dma_start3A_110 = tpu.memref_slice %arg7[%add3A_87, %dma_start3A] : memref<10000x144xf32, #tpu.memory_space<vmem_shared>> -> memref<80x144xf32, #tpu.memory_space<vmem_shared>>
      %dma_start3A_111 = arith.constant 0 : i32
      %dma_start3A_112 = tpu.memref_slice %arg7[%add3A_87, %dma_start3A_111] : memref<10000x144xf32, #tpu.memory_space<vmem_shared>> -> memref<80x144xf32, #tpu.memory_space<vmem_shared>>
      tpu.enqueue_dma source(%arg9 : memref<80x144xf32, #tpu.memory_space<vmem>>) target(%dma_start3A_112 : memref<80x144xf32, #tpu.memory_space<vmem_shared>>) target_semaphore(%run_scoped3A : memref<!tpu.dma_semaphore, #tpu.memory_space<semaphore_mem>>)
      %dma_wait3A = arith.constant 0 : i32
      %dma_wait3A_113 = tpu.memref_slice %arg7[%add3A_87, %dma_wait3A] : memref<10000x144xf32, #tpu.memory_space<vmem_shared>> -> memref<80x144xf32, #tpu.memory_space<vmem_shared>>
      %dma_wait3A_114 = arith.constant 0 : i32
      %dma_wait3A_115 = tpu.memref_slice %arg7[%add3A_87, %dma_wait3A_114] : memref<10000x144xf32, #tpu.memory_space<vmem_shared>> -> memref<80x144xf32, #tpu.memory_space<vmem_shared>>
      tpu.wait_dma2 semaphore(%run_scoped3A : memref<!tpu.dma_semaphore, #tpu.memory_space<semaphore_mem>>) src(%arg9 : memref<80x144xf32, #tpu.memory_space<vmem>>) dst(%dma_wait3A_115 : memref<80x144xf32, #tpu.memory_space<vmem_shared>>)
      tpu.yield
    }) : () -> ()
    %mul3A_88 = arith.constant 625 : i32
    %mul3A_89 = arith.muli %arg1, %mul3A_88 : i32
    %add3A_90 = arith.constant 480 : i32
    %add3A_91 = arith.addi %mul3A_89, %add3A_90 : i32
    "tpu.region"() ({
      %run_scoped3A = tpu.sem_alloc : memref<!tpu.dma_semaphore, #tpu.memory_space<semaphore_mem>>
      %dma_start3A = arith.constant 0 : i32
      %dma_start3A_110 = tpu.memref_slice %arg7[%add3A_91, %dma_start3A] : memref<10000x144xf32, #tpu.memory_space<vmem_shared>> -> memref<80x144xf32, #tpu.memory_space<vmem_shared>>
      %dma_start3A_111 = arith.constant 0 : i32
      %dma_start3A_112 = tpu.memref_slice %arg7[%add3A_91, %dma_start3A_111] : memref<10000x144xf32, #tpu.memory_space<vmem_shared>> -> memref<80x144xf32, #tpu.memory_space<vmem_shared>>
      tpu.enqueue_dma source(%arg9 : memref<80x144xf32, #tpu.memory_space<vmem>>) target(%dma_start3A_112 : memref<80x144xf32, #tpu.memory_space<vmem_shared>>) target_semaphore(%run_scoped3A : memref<!tpu.dma_semaphore, #tpu.memory_space<semaphore_mem>>)
      %dma_wait3A = arith.constant 0 : i32
      %dma_wait3A_113 = tpu.memref_slice %arg7[%add3A_91, %dma_wait3A] : memref<10000x144xf32, #tpu.memory_space<vmem_shared>> -> memref<80x144xf32, #tpu.memory_space<vmem_shared>>
      %dma_wait3A_114 = arith.constant 0 : i32
      %dma_wait3A_115 = tpu.memref_slice %arg7[%add3A_91, %dma_wait3A_114] : memref<10000x144xf32, #tpu.memory_space<vmem_shared>> -> memref<80x144xf32, #tpu.memory_space<vmem_shared>>
      tpu.wait_dma2 semaphore(%run_scoped3A : memref<!tpu.dma_semaphore, #tpu.memory_space<semaphore_mem>>) src(%arg9 : memref<80x144xf32, #tpu.memory_space<vmem>>) dst(%dma_wait3A_115 : memref<80x144xf32, #tpu.memory_space<vmem_shared>>)
      tpu.yield
    }) : () -> ()
    %mul3A_92 = arith.constant 625 : i32
    %mul3A_93 = arith.muli %arg1, %mul3A_92 : i32
    %add3A_94 = arith.constant 560 : i32
    %add3A_95 = arith.addi %mul3A_93, %add3A_94 : i32
    "tpu.region"() ({
      %run_scoped3A = tpu.sem_alloc : memref<!tpu.dma_semaphore, #tpu.memory_space<semaphore_mem>>
      %dma_start3A = arith.constant 0 : i32
      %dma_start3A_110 = arith.constant 0 : i32
      %dma_start3A_111 = tpu.memref_slice %arg9[%dma_start3A, %dma_start3A_110] : memref<80x144xf32, #tpu.memory_space<vmem>> -> memref<65x144xf32, #tpu.memory_space<vmem>>
      %dma_start3A_112 = arith.constant 0 : i32
      %dma_start3A_113 = tpu.memref_slice %arg7[%add3A_95, %dma_start3A_112] : memref<10000x144xf32, #tpu.memory_space<vmem_shared>> -> memref<65x144xf32, #tpu.memory_space<vmem_shared>>
      %dma_start3A_114 = arith.constant 0 : i32
      %dma_start3A_115 = tpu.memref_slice %arg7[%add3A_95, %dma_start3A_114] : memref<10000x144xf32, #tpu.memory_space<vmem_shared>> -> memref<65x144xf32, #tpu.memory_space<vmem_shared>>
      %dma_start3A_116 = arith.constant 0 : i32
      %dma_start3A_117 = arith.constant 0 : i32
      %dma_start3A_118 = tpu.memref_slice %arg9[%dma_start3A_116, %dma_start3A_117] : memref<80x144xf32, #tpu.memory_space<vmem>> -> memref<65x144xf32, #tpu.memory_space<vmem>>
      tpu.enqueue_dma source(%dma_start3A_118 : memref<65x144xf32, #tpu.memory_space<vmem>>) target(%dma_start3A_115 : memref<65x144xf32, #tpu.memory_space<vmem_shared>>) target_semaphore(%run_scoped3A : memref<!tpu.dma_semaphore, #tpu.memory_space<semaphore_mem>>)
      %dma_wait3A = arith.constant 0 : i32
      %dma_wait3A_119 = arith.constant 0 : i32
      %dma_wait3A_120 = tpu.memref_slice %arg9[%dma_wait3A, %dma_wait3A_119] : memref<80x144xf32, #tpu.memory_space<vmem>> -> memref<65x144xf32, #tpu.memory_space<vmem>>
      %dma_wait3A_121 = arith.constant 0 : i32
      %dma_wait3A_122 = tpu.memref_slice %arg7[%add3A_95, %dma_wait3A_121] : memref<10000x144xf32, #tpu.memory_space<vmem_shared>> -> memref<65x144xf32, #tpu.memory_space<vmem_shared>>
      %dma_wait3A_123 = arith.constant 0 : i32
      %dma_wait3A_124 = tpu.memref_slice %arg7[%add3A_95, %dma_wait3A_123] : memref<10000x144xf32, #tpu.memory_space<vmem_shared>> -> memref<65x144xf32, #tpu.memory_space<vmem_shared>>
      %dma_wait3A_125 = arith.constant 0 : i32
      %dma_wait3A_126 = arith.constant 0 : i32
      %dma_wait3A_127 = tpu.memref_slice %arg9[%dma_wait3A_125, %dma_wait3A_126] : memref<80x144xf32, #tpu.memory_space<vmem>> -> memref<65x144xf32, #tpu.memory_space<vmem>>
      tpu.wait_dma2 semaphore(%run_scoped3A : memref<!tpu.dma_semaphore, #tpu.memory_space<semaphore_mem>>) src(%dma_wait3A_127 : memref<65x144xf32, #tpu.memory_space<vmem>>) dst(%dma_wait3A_124 : memref<65x144xf32, #tpu.memory_space<vmem_shared>>)
      tpu.yield
    }) : () -> ()
    %barrier3A_96 = arith.constant 0 : index
    tpu.barrier barrier_id(%barrier3A_96)
    %scan3A_97 = arith.constant 0 : i32
    %scan3A_98 = arith.constant 0 : i32
    %scan3A_99 = arith.constant 125 : i32
    %scan3A_100 = arith.addi %scan3A_98, %scan3A_99 : i32
    %scan3A_101 = arith.constant 1 : i32
    %scan3A_102 = scf.for %scan3A_110 = %scan3A_98 to %scan3A_100 step %scan3A_101 iter_args(%scan3A_111 = %scan3A_97) -> (i32)  : i32 {
      %mul3A_112 = arith.constant 20000 : i32
      %mul3A_113 = arith.muli %arg1, %mul3A_112 : i32
      %mul3A_114 = arith.constant 160 : i32
      %mul3A_115 = arith.muli %scan3A_110, %mul3A_114 : i32
      %add3A_116 = arith.addi %mul3A_113, %mul3A_115 : i32
      "tpu.region"() ({
        %run_scoped3A = tpu.sem_alloc : memref<!tpu.dma_semaphore, #tpu.memory_space<semaphore_mem>>
        %dma_start3A = tpu.memref_slice %arg2[%add3A_116] : memref<320000xi32, #tpu.memory_space<hbm>> -> memref<160xi32, #tpu.memory_space<hbm>>
        %dma_start3A_245 = tpu.memref_slice %arg2[%add3A_116] : memref<320000xi32, #tpu.memory_space<hbm>> -> memref<160xi32, #tpu.memory_space<hbm>>
        tpu.enqueue_dma source(%dma_start3A_245 : memref<160xi32, #tpu.memory_space<hbm>>) target(%arg10 : memref<160xi32, #tpu.memory_space<vmem>>) target_semaphore(%run_scoped3A : memref<!tpu.dma_semaphore, #tpu.memory_space<semaphore_mem>>)
        %dma_wait3A = tpu.memref_slice %arg2[%add3A_116] : memref<320000xi32, #tpu.memory_space<hbm>> -> memref<160xi32, #tpu.memory_space<hbm>>
        %dma_wait3A_246 = tpu.memref_slice %arg2[%add3A_116] : memref<320000xi32, #tpu.memory_space<hbm>> -> memref<160xi32, #tpu.memory_space<hbm>>
        tpu.wait_dma2 semaphore(%run_scoped3A : memref<!tpu.dma_semaphore, #tpu.memory_space<semaphore_mem>>) src(%dma_wait3A_246 : memref<160xi32, #tpu.memory_space<hbm>>) dst(%arg10 : memref<160xi32, #tpu.memory_space<vmem>>)
        tpu.yield
      }) : () -> ()
      %jit3A = arith.constant 80 : i32
      %div3A = arith.divsi %add3A_116, %jit3A : i32
      %sign3A = arith.constant 0 : i32
      %sign3A_117 = arith.cmpi sgt, %add3A_116, %sign3A : i32
      %sign3A_118 = arith.extui %sign3A_117 : i1 to i32
      %sign3A_119 = arith.constant 0 : i32
      %sign3A_120 = arith.cmpi slt, %add3A_116, %sign3A_119 : i32
      %sign3A_121 = arith.extui %sign3A_120 : i1 to i32
      %sign3A_122 = arith.subi %sign3A_118, %sign3A_121 : i32
      %sign3A_123 = arith.constant 0 : i32
      %sign3A_124 = arith.cmpi sgt, %jit3A, %sign3A_123 : i32
      %sign3A_125 = arith.extui %sign3A_124 : i1 to i32
      %sign3A_126 = arith.constant 0 : i32
      %sign3A_127 = arith.cmpi slt, %jit3A, %sign3A_126 : i32
      %sign3A_128 = arith.extui %sign3A_127 : i1 to i32
      %sign3A_129 = arith.subi %sign3A_125, %sign3A_128 : i32
      %ne3A = arith.cmpi ne, %sign3A_122, %sign3A_129 : i32
      %rem3A = arith.remsi %add3A_116, %jit3A : i32
      %ne3A_130 = arith.constant 0 : i32
      %ne3A_131 = arith.cmpi ne, %rem3A, %ne3A_130 : i32
      %and3A = arith.andi %ne3A, %ne3A_131 : i1
      %sub3A = arith.constant 1 : i32
      %sub3A_132 = arith.subi %div3A, %sub3A : i32
      %select_n3A = arith.select %and3A, %sub3A_132, %div3A : i32
      "tpu.region"() ({
        %run_scoped3A = tpu.sem_alloc : memref<!tpu.dma_semaphore, #tpu.memory_space<semaphore_mem>>
        %dma_start3A = arith.constant 0 : i32
        %dma_start3A_245 = tpu.memref_slice %arg3[%select_n3A, %dma_start3A] : memref<4000x80xi32, #tpu.memory_space<hbm>> -> memref<2x80xi32, #tpu.memory_space<hbm>>
        %dma_start3A_246 = arith.constant 0 : i32
        %dma_start3A_247 = tpu.memref_slice %arg3[%select_n3A, %dma_start3A_246] : memref<4000x80xi32, #tpu.memory_space<hbm>> -> memref<2x80xi32, #tpu.memory_space<hbm>>
        tpu.enqueue_dma source(%dma_start3A_247 : memref<2x80xi32, #tpu.memory_space<hbm>>) target(%arg11 : memref<2x80xi32, #tpu.memory_space<vmem>>) target_semaphore(%run_scoped3A : memref<!tpu.dma_semaphore, #tpu.memory_space<semaphore_mem>>)
        %dma_wait3A = arith.constant 0 : i32
        %dma_wait3A_248 = tpu.memref_slice %arg3[%select_n3A, %dma_wait3A] : memref<4000x80xi32, #tpu.memory_space<hbm>> -> memref<2x80xi32, #tpu.memory_space<hbm>>
        %dma_wait3A_249 = arith.constant 0 : i32
        %dma_wait3A_250 = tpu.memref_slice %arg3[%select_n3A, %dma_wait3A_249] : memref<4000x80xi32, #tpu.memory_space<hbm>> -> memref<2x80xi32, #tpu.memory_space<hbm>>
        tpu.wait_dma2 semaphore(%run_scoped3A : memref<!tpu.dma_semaphore, #tpu.memory_space<semaphore_mem>>) src(%dma_wait3A_250 : memref<2x80xi32, #tpu.memory_space<hbm>>) dst(%arg11 : memref<2x80xi32, #tpu.memory_space<vmem>>)
        tpu.yield
      }) : () -> ()
      %mul3A_133 = arith.constant 4 : i32
      %mul3A_134 = arith.muli %add3A_116, %mul3A_133 : i32
      "tpu.region"() ({
        %run_scoped3A = tpu.sem_alloc : memref<!tpu.dma_semaphore, #tpu.memory_space<semaphore_mem>>
        %dma_start3A = tpu.memref_slice %arg5[%mul3A_134] : memref<1280000xf32, #tpu.memory_space<hbm>> -> memref<640xf32, #tpu.memory_space<hbm>>
        %dma_start3A_245 = tpu.memref_slice %arg5[%mul3A_134] : memref<1280000xf32, #tpu.memory_space<hbm>> -> memref<640xf32, #tpu.memory_space<hbm>>
        tpu.enqueue_dma source(%dma_start3A_245 : memref<640xf32, #tpu.memory_space<hbm>>) target(%arg13 : memref<640xf32, #tpu.memory_space<vmem>>) target_semaphore(%run_scoped3A : memref<!tpu.dma_semaphore, #tpu.memory_space<semaphore_mem>>)
        %dma_wait3A = tpu.memref_slice %arg5[%mul3A_134] : memref<1280000xf32, #tpu.memory_space<hbm>> -> memref<640xf32, #tpu.memory_space<hbm>>
        %dma_wait3A_246 = tpu.memref_slice %arg5[%mul3A_134] : memref<1280000xf32, #tpu.memory_space<hbm>> -> memref<640xf32, #tpu.memory_space<hbm>>
        tpu.wait_dma2 semaphore(%run_scoped3A : memref<!tpu.dma_semaphore, #tpu.memory_space<semaphore_mem>>) src(%dma_wait3A_246 : memref<640xf32, #tpu.memory_space<hbm>>) dst(%arg13 : memref<640xf32, #tpu.memory_space<vmem>>)
        tpu.yield
      }) : () -> ()
      %get3A = arith.constant 0 : index
      %get3A_135 = tpu.vector_load %arg10[%get3A] {strides = array<i32>} : memref<160xi32, #tpu.memory_space<vmem>>, vector<16xi32>,
      %mul3A_136 = arith.constant 4 : i32
      %mul3A_137 = vector.broadcast %mul3A_136 : i32 to vector<16xi32>
      %mul3A_138 = arith.muli %get3A_135, %mul3A_137 : vector<16xi32>
      %add3A_139 = vector.broadcast %add3A_56 : i32 to vector<16xi32>
      %add3A_140 = arith.addi %mul3A_138, %add3A_139 : vector<16xi32>
      %swap3A = arith.constant 0 : index
      %swap3A_141 = tpu.vector_load %arg12[%swap3A] {strides = array<i32>} : memref<160xi32, #tpu.memory_space<vmem>>, vector<16xi32>,
      tpu.vector_store %arg12[%swap3A], %add3A_140 {strides = array<i32>} : memref<160xi32, #tpu.memory_space<vmem>>, vector<16xi32>,
      %get3A_142 = arith.constant 16 : index
      %get3A_143 = tpu.vector_load %arg10[%get3A_142] {strides = array<i32>} : memref<160xi32, #tpu.memory_space<vmem>>, vector<16xi32>,
      %mul3A_144 = arith.constant 4 : i32
      %mul3A_145 = vector.broadcast %mul3A_144 : i32 to vector<16xi32>
      %mul3A_146 = arith.muli %get3A_143, %mul3A_145 : vector<16xi32>
      %add3A_147 = vector.broadcast %add3A_56 : i32 to vector<16xi32>
      %add3A_148 = arith.addi %mul3A_146, %add3A_147 : vector<16xi32>
      %swap3A_149 = arith.constant 16 : index
      %swap3A_150 = tpu.vector_load %arg12[%swap3A_149] {strides = array<i32>} : memref<160xi32, #tpu.memory_space<vmem>>, vector<16xi32>,
      tpu.vector_store %arg12[%swap3A_149], %add3A_148 {strides = array<i32>} : memref<160xi32, #tpu.memory_space<vmem>>, vector<16xi32>,
      %get3A_151 = arith.constant 32 : index
      %get3A_152 = tpu.vector_load %arg10[%get3A_151] {strides = array<i32>} : memref<160xi32, #tpu.memory_space<vmem>>, vector<16xi32>,
      %mul3A_153 = arith.constant 4 : i32
      %mul3A_154 = vector.broadcast %mul3A_153 : i32 to vector<16xi32>
      %mul3A_155 = arith.muli %get3A_152, %mul3A_154 : vector<16xi32>
      %add3A_156 = vector.broadcast %add3A_56 : i32 to vector<16xi32>
      %add3A_157 = arith.addi %mul3A_155, %add3A_156 : vector<16xi32>
      %swap3A_158 = arith.constant 32 : index
      %swap3A_159 = tpu.vector_load %arg12[%swap3A_158] {strides = array<i32>} : memref<160xi32, #tpu.memory_space<vmem>>, vector<16xi32>,
      tpu.vector_store %arg12[%swap3A_158], %add3A_157 {strides = array<i32>} : memref<160xi32, #tpu.memory_space<vmem>>, vector<16xi32>,
      %get3A_160 = arith.constant 48 : index
      %get3A_161 = tpu.vector_load %arg10[%get3A_160] {strides = array<i32>} : memref<160xi32, #tpu.memory_space<vmem>>, vector<16xi32>,
      %mul3A_162 = arith.constant 4 : i32
      %mul3A_163 = vector.broadcast %mul3A_162 : i32 to vector<16xi32>
      %mul3A_164 = arith.muli %get3A_161, %mul3A_163 : vector<16xi32>
      %add3A_165 = vector.broadcast %add3A_56 : i32 to vector<16xi32>
      %add3A_166 = arith.addi %mul3A_164, %add3A_165 : vector<16xi32>
      %swap3A_167 = arith.constant 48 : index
      %swap3A_168 = tpu.vector_load %arg12[%swap3A_167] {strides = array<i32>} : memref<160xi32, #tpu.memory_space<vmem>>, vector<16xi32>,
      tpu.vector_store %arg12[%swap3A_167], %add3A_166 {strides = array<i32>} : memref<160xi32, #tpu.memory_space<vmem>>, vector<16xi32>,
      %get3A_169 = arith.constant 64 : index
      %get3A_170 = tpu.vector_load %arg10[%get3A_169] {strides = array<i32>} : memref<160xi32, #tpu.memory_space<vmem>>, vector<16xi32>,
      %mul3A_171 = arith.constant 4 : i32
      %mul3A_172 = vector.broadcast %mul3A_171 : i32 to vector<16xi32>
      %mul3A_173 = arith.muli %get3A_170, %mul3A_172 : vector<16xi32>
      %add3A_174 = vector.broadcast %add3A_56 : i32 to vector<16xi32>
      %add3A_175 = arith.addi %mul3A_173, %add3A_174 : vector<16xi32>
      %swap3A_176 = arith.constant 64 : index
      %swap3A_177 = tpu.vector_load %arg12[%swap3A_176] {strides = array<i32>} : memref<160xi32, #tpu.memory_space<vmem>>, vector<16xi32>,
      tpu.vector_store %arg12[%swap3A_176], %add3A_175 {strides = array<i32>} : memref<160xi32, #tpu.memory_space<vmem>>, vector<16xi32>,
      %get3A_178 = arith.constant 80 : index
      %get3A_179 = tpu.vector_load %arg10[%get3A_178] {strides = array<i32>} : memref<160xi32, #tpu.memory_space<vmem>>, vector<16xi32>,
      %mul3A_180 = arith.constant 4 : i32
      %mul3A_181 = vector.broadcast %mul3A_180 : i32 to vector<16xi32>
      %mul3A_182 = arith.muli %get3A_179, %mul3A_181 : vector<16xi32>
      %add3A_183 = vector.broadcast %add3A_56 : i32 to vector<16xi32>
      %add3A_184 = arith.addi %mul3A_182, %add3A_183 : vector<16xi32>
      %swap3A_185 = arith.constant 80 : index
      %swap3A_186 = tpu.vector_load %arg12[%swap3A_185] {strides = array<i32>} : memref<160xi32, #tpu.memory_space<vmem>>, vector<16xi32>,
      tpu.vector_store %arg12[%swap3A_185], %add3A_184 {strides = array<i32>} : memref<160xi32, #tpu.memory_space<vmem>>, vector<16xi32>,
      %get3A_187 = arith.constant 96 : index
      %get3A_188 = tpu.vector_load %arg10[%get3A_187] {strides = array<i32>} : memref<160xi32, #tpu.memory_space<vmem>>, vector<16xi32>,
      %mul3A_189 = arith.constant 4 : i32
      %mul3A_190 = vector.broadcast %mul3A_189 : i32 to vector<16xi32>
      %mul3A_191 = arith.muli %get3A_188, %mul3A_190 : vector<16xi32>
      %add3A_192 = vector.broadcast %add3A_56 : i32 to vector<16xi32>
      %add3A_193 = arith.addi %mul3A_191, %add3A_192 : vector<16xi32>
      %swap3A_194 = arith.constant 96 : index
      %swap3A_195 = tpu.vector_load %arg12[%swap3A_194] {strides = array<i32>} : memref<160xi32, #tpu.memory_space<vmem>>, vector<16xi32>,
      tpu.vector_store %arg12[%swap3A_194], %add3A_193 {strides = array<i32>} : memref<160xi32, #tpu.memory_space<vmem>>, vector<16xi32>,
      %get3A_196 = arith.constant 112 : index
      %get3A_197 = tpu.vector_load %arg10[%get3A_196] {strides = array<i32>} : memref<160xi32, #tpu.memory_space<vmem>>, vector<16xi32>,
      %mul3A_198 = arith.constant 4 : i32
      %mul3A_199 = vector.broadcast %mul3A_198 : i32 to vector<16xi32>
      %mul3A_200 = arith.muli %get3A_197, %mul3A_199 : vector<16xi32>
      %add3A_201 = vector.broadcast %add3A_56 : i32 to vector<16xi32>
      %add3A_202 = arith.addi %mul3A_200, %add3A_201 : vector<16xi32>
      %swap3A_203 = arith.constant 112 : index
      %swap3A_204 = tpu.vector_load %arg12[%swap3A_203] {strides = array<i32>} : memref<160xi32, #tpu.memory_space<vmem>>, vector<16xi32>,
      tpu.vector_store %arg12[%swap3A_203], %add3A_202 {strides = array<i32>} : memref<160xi32, #tpu.memory_space<vmem>>, vector<16xi32>,
      %get3A_205 = arith.constant 128 : index
      %get3A_206 = tpu.vector_load %arg10[%get3A_205] {strides = array<i32>} : memref<160xi32, #tpu.memory_space<vmem>>, vector<16xi32>,
      %mul3A_207 = arith.constant 4 : i32
      %mul3A_208 = vector.broadcast %mul3A_207 : i32 to vector<16xi32>
      %mul3A_209 = arith.muli %get3A_206, %mul3A_208 : vector<16xi32>
      %add3A_210 = vector.broadcast %add3A_56 : i32 to vector<16xi32>
      %add3A_211 = arith.addi %mul3A_209, %add3A_210 : vector<16xi32>
      %swap3A_212 = arith.constant 128 : index
      %swap3A_213 = tpu.vector_load %arg12[%swap3A_212] {strides = array<i32>} : memref<160xi32, #tpu.memory_space<vmem>>, vector<16xi32>,
      tpu.vector_store %arg12[%swap3A_212], %add3A_211 {strides = array<i32>} : memref<160xi32, #tpu.memory_space<vmem>>, vector<16xi32>,
      %get3A_214 = arith.constant 144 : index
      %get3A_215 = tpu.vector_load %arg10[%get3A_214] {strides = array<i32>} : memref<160xi32, #tpu.memory_space<vmem>>, vector<16xi32>,
      %mul3A_216 = arith.constant 4 : i32
      %mul3A_217 = vector.broadcast %mul3A_216 : i32 to vector<16xi32>
      %mul3A_218 = arith.muli %get3A_215, %mul3A_217 : vector<16xi32>
      %add3A_219 = vector.broadcast %add3A_56 : i32 to vector<16xi32>
      %add3A_220 = arith.addi %mul3A_218, %add3A_219 : vector<16xi32>
      %swap3A_221 = arith.constant 144 : index
      %swap3A_222 = tpu.vector_load %arg12[%swap3A_221] {strides = array<i32>} : memref<160xi32, #tpu.memory_space<vmem>>, vector<16xi32>,
      tpu.vector_store %arg12[%swap3A_221], %add3A_220 {strides = array<i32>} : memref<160xi32, #tpu.memory_space<vmem>>, vector<16xi32>,
      %scan3A_223 = arith.constant 0 : i32
      %scan3A_224 = arith.constant 0 : i32
      %scan3A_225 = arith.constant 2 : i32
      %scan3A_226 = arith.addi %scan3A_224, %scan3A_225 : i32
      %scan3A_227 = arith.constant 1 : i32
      %scan3A_228 = scf.for %scan3A_245 = %scan3A_224 to %scan3A_226 step %scan3A_227 iter_args(%scan3A_246 = %scan3A_223) -> (i32)  : i32 {
        %mul3A_247 = arith.constant 80 : i32
        %mul3A_248 = arith.muli %scan3A_245, %mul3A_247 : i32
        %mul3A_249 = arith.constant 80 : i32
        %mul3A_250 = arith.muli %scan3A_245, %mul3A_249 : i32
        %dma_start3A = arith.constant 0 : i32
        %dma_start3A_251 = tpu.memref_slice %arg8[%mul3A_250, %dma_start3A] : memref<160x144xf32, #tpu.memory_space<vmem>> -> memref<80x144xf32, #tpu.memory_space<vmem>>
        %dma_start3A_252 = tpu.memref_slice %arg12[%mul3A_248] : memref<160xi32, #tpu.memory_space<vmem>> -> memref<80xi32, #tpu.memory_space<vmem>>
        %dma_start3A_253 = arith.constant 0 : i32
        %dma_start3A_254 = arith.constant 0 : i32
        %dma_start3A_255 = tpu.memref_slice %arg4[%dma_start3A_253, %dma_start3A_254] : memref<40000x144xf32, #tpu.memory_space<hbm>> -> memref<40000x144xf32, #tpu.memory_space<hbm>>
        tpu.enqueue_indirect_dma source(%dma_start3A_255 : memref<40000x144xf32, #tpu.memory_space<hbm>>) target(%dma_start3A_251 : memref<80x144xf32, #tpu.memory_space<vmem>>) offsets(%dma_start3A_252 : memref<80xi32, #tpu.memory_space<vmem>>) semaphore(%arg14 : memref<!tpu.dma_semaphore, #tpu.memory_space<semaphore_mem>>)
        %scan3A_256 = arith.constant 0 : i32
        scf.yield %scan3A_256 : i32
      }
      %scan3A_229 = arith.constant 2 : i32
      %scan3A_230 = arith.constant 0 : i32
      %scan3A_231 = arith.constant 0 : i32
      %scan3A_232 = arith.constant 2 : i32
      %scan3A_233 = arith.addi %scan3A_231, %scan3A_232 : i32
      %scan3A_234 = arith.constant 1 : i32
      %scan3A_235 = scf.for %scan3A_245 = %scan3A_231 to %scan3A_233 step %scan3A_234 iter_args(%scan3A_246 = %scan3A_230) -> (i32)  : i32 {
        %mul3A_247 = arith.constant 80 : i32
        %mul3A_248 = arith.muli %scan3A_245, %mul3A_247 : i32
        %mul3A_249 = arith.constant 80 : i32
        %mul3A_250 = arith.muli %scan3A_245, %mul3A_249 : i32
        %dma_wait3A = arith.constant 0 : i32
        %dma_wait3A_251 = tpu.memref_slice %arg8[%mul3A_250, %dma_wait3A] : memref<160x144xf32, #tpu.memory_space<vmem>> -> memref<80x144xf32, #tpu.memory_space<vmem>>
        %dma_wait3A_252 = tpu.memref_slice %arg12[%mul3A_248] : memref<160xi32, #tpu.memory_space<vmem>> -> memref<80xi32, #tpu.memory_space<vmem>>
        %dma_wait3A_253 = arith.constant 0 : i32
        %dma_wait3A_254 = arith.constant 0 : i32
        %dma_wait3A_255 = tpu.memref_slice %arg4[%dma_wait3A_253, %dma_wait3A_254] : memref<40000x144xf32, #tpu.memory_space<hbm>> -> memref<40000x144xf32, #tpu.memory_space<hbm>>
        tpu.wait_indirect_dma semaphore(%arg14 : memref<!tpu.dma_semaphore, #tpu.memory_space<semaphore_mem>>) src(%dma_wait3A_255 : memref<40000x144xf32, #tpu.memory_space<hbm>>) dst(%dma_wait3A_251 : memref<80x144xf32, #tpu.memory_space<vmem>>)
        %scan3A_256 = arith.constant 0 : i32
        scf.yield %scan3A_256 : i32
      }
      %scan3A_236 = arith.constant 2 : i32
      %scan3A_237 = arith.constant 0 : i32
      %scan3A_238 = arith.constant 0 : i32
      %scan3A_239 = arith.constant 2 : i32
      %scan3A_240 = arith.addi %scan3A_238, %scan3A_239 : i32
      %scan3A_241 = arith.constant 1 : i32
      %scan3A_242 = scf.for %scan3A_245 = %scan3A_238 to %scan3A_240 step %scan3A_241 iter_args(%scan3A_246 = %scan3A_237) -> (i32)  : i32 {
        %scan3A_247 = arith.constant 0 : i32
        %scan3A_248 = arith.constant 0 : i32
        %scan3A_249 = arith.constant 80 : i32
        %scan3A_250 = arith.addi %scan3A_248, %scan3A_249 : i32
        %scan3A_251 = arith.constant 1 : i32
        %scan3A_252 = scf.for %scan3A_255 = %scan3A_248 to %scan3A_250 step %scan3A_251 iter_args(%scan3A_256 = %scan3A_247) -> (i32)  : i32 {
          %mul3A_257 = arith.constant 80 : i32
          %mul3A_258 = arith.muli %scan3A_245, %mul3A_257 : i32
          %add3A_259 = arith.addi %mul3A_258, %scan3A_255 : i32
          %mul3A_260 = arith.constant 4 : i32
          %mul3A_261 = arith.muli %add3A_259, %mul3A_260 : i32
          %add3A_262 = arith.addi %mul3A_261, %add3A_56 : i32
          %broadcast_in_dim3A = vector.broadcast %add3A_262 : i32 to vector<16xi32>
          %gather3A = tpu.vector_load_idx %arg13[%broadcast_in_dim3A] : memref<640xf32, #tpu.memory_space<vmem>>[vector<16xi32>], vector<16xf32>,
          %mul3A_263 = arith.constant 80 : i32
          %mul3A_264 = arith.muli %scan3A_245, %mul3A_263 : i32
          %add3A_265 = arith.addi %mul3A_264, %scan3A_255 : i32
          %get3A_266 = arith.index_cast %add3A_265 : i32 to index
          %get3A_267 = arith.constant 0 : index
          %get3A_268 = tpu.vector_load %arg8[%get3A_266, %get3A_267] {strides = array<i32>} : memref<160x144xf32, #tpu.memory_space<vmem>>, vector<16xf32>,
          %mul3A_269 = arith.mulf %get3A_268, %gather3A : vector<16xf32>
          %swap3A_270 = arith.index_cast %scan3A_255 : i32 to index
          %swap3A_271 = arith.constant 0 : index
          %swap3A_272 = tpu.vector_load %arg9[%swap3A_270, %swap3A_271] {strides = array<i32>} : memref<80x144xf32, #tpu.memory_space<vmem>>, vector<16xf32>,
          tpu.vector_store %arg9[%swap3A_270, %swap3A_271], %mul3A_269 {strides = array<i32>} : memref<80x144xf32, #tpu.memory_space<vmem>>, vector<16xf32>,
          %mul3A_273 = arith.constant 80 : i32
          %mul3A_274 = arith.muli %scan3A_245, %mul3A_273 : i32
          %add3A_275 = arith.addi %mul3A_274, %scan3A_255 : i32
          %get3A_276 = arith.index_cast %add3A_275 : i32 to index
          %get3A_277 = arith.constant 16 : index
          %get3A_278 = tpu.vector_load %arg8[%get3A_276, %get3A_277] {strides = array<i32>} : memref<160x144xf32, #tpu.memory_space<vmem>>, vector<16xf32>,
          %mul3A_279 = arith.mulf %get3A_278, %gather3A : vector<16xf32>
          %swap3A_280 = arith.index_cast %scan3A_255 : i32 to index
          %swap3A_281 = arith.constant 16 : index
          %swap3A_282 = tpu.vector_load %arg9[%swap3A_280, %swap3A_281] {strides = array<i32>} : memref<80x144xf32, #tpu.memory_space<vmem>>, vector<16xf32>,
          tpu.vector_store %arg9[%swap3A_280, %swap3A_281], %mul3A_279 {strides = array<i32>} : memref<80x144xf32, #tpu.memory_space<vmem>>, vector<16xf32>,
          %mul3A_283 = arith.constant 80 : i32
          %mul3A_284 = arith.muli %scan3A_245, %mul3A_283 : i32
          %add3A_285 = arith.addi %mul3A_284, %scan3A_255 : i32
          %get3A_286 = arith.index_cast %add3A_285 : i32 to index
          %get3A_287 = arith.constant 32 : index
          %get3A_288 = tpu.vector_load %arg8[%get3A_286, %get3A_287] {strides = array<i32>} : memref<160x144xf32, #tpu.memory_space<vmem>>, vector<16xf32>,
          %mul3A_289 = arith.mulf %get3A_288, %gather3A : vector<16xf32>
          %swap3A_290 = arith.index_cast %scan3A_255 : i32 to index
          %swap3A_291 = arith.constant 32 : index
          %swap3A_292 = tpu.vector_load %arg9[%swap3A_290, %swap3A_291] {strides = array<i32>} : memref<80x144xf32, #tpu.memory_space<vmem>>, vector<16xf32>,
          tpu.vector_store %arg9[%swap3A_290, %swap3A_291], %mul3A_289 {strides = array<i32>} : memref<80x144xf32, #tpu.memory_space<vmem>>, vector<16xf32>,
          %mul3A_293 = arith.constant 80 : i32
          %mul3A_294 = arith.muli %scan3A_245, %mul3A_293 : i32
          %add3A_295 = arith.addi %mul3A_294, %scan3A_255 : i32
          %get3A_296 = arith.index_cast %add3A_295 : i32 to index
          %get3A_297 = arith.constant 48 : index
          %get3A_298 = tpu.vector_load %arg8[%get3A_296, %get3A_297] {strides = array<i32>} : memref<160x144xf32, #tpu.memory_space<vmem>>, vector<16xf32>,
          %mul3A_299 = arith.mulf %get3A_298, %gather3A : vector<16xf32>
          %swap3A_300 = arith.index_cast %scan3A_255 : i32 to index
          %swap3A_301 = arith.constant 48 : index
          %swap3A_302 = tpu.vector_load %arg9[%swap3A_300, %swap3A_301] {strides = array<i32>} : memref<80x144xf32, #tpu.memory_space<vmem>>, vector<16xf32>,
          tpu.vector_store %arg9[%swap3A_300, %swap3A_301], %mul3A_299 {strides = array<i32>} : memref<80x144xf32, #tpu.memory_space<vmem>>, vector<16xf32>,
          %mul3A_303 = arith.constant 80 : i32
          %mul3A_304 = arith.muli %scan3A_245, %mul3A_303 : i32
          %add3A_305 = arith.addi %mul3A_304, %scan3A_255 : i32
          %get3A_306 = arith.index_cast %add3A_305 : i32 to index
          %get3A_307 = arith.constant 64 : index
          %get3A_308 = tpu.vector_load %arg8[%get3A_306, %get3A_307] {strides = array<i32>} : memref<160x144xf32, #tpu.memory_space<vmem>>, vector<16xf32>,
          %mul3A_309 = arith.mulf %get3A_308, %gather3A : vector<16xf32>
          %swap3A_310 = arith.index_cast %scan3A_255 : i32 to index
          %swap3A_311 = arith.constant 64 : index
          %swap3A_312 = tpu.vector_load %arg9[%swap3A_310, %swap3A_311] {strides = array<i32>} : memref<80x144xf32, #tpu.memory_space<vmem>>, vector<16xf32>,
          tpu.vector_store %arg9[%swap3A_310, %swap3A_311], %mul3A_309 {strides = array<i32>} : memref<80x144xf32, #tpu.memory_space<vmem>>, vector<16xf32>,
          %mul3A_313 = arith.constant 80 : i32
          %mul3A_314 = arith.muli %scan3A_245, %mul3A_313 : i32
          %add3A_315 = arith.addi %mul3A_314, %scan3A_255 : i32
          %get3A_316 = arith.index_cast %add3A_315 : i32 to index
          %get3A_317 = arith.constant 80 : index
          %get3A_318 = tpu.vector_load %arg8[%get3A_316, %get3A_317] {strides = array<i32>} : memref<160x144xf32, #tpu.memory_space<vmem>>, vector<16xf32>,
          %mul3A_319 = arith.mulf %get3A_318, %gather3A : vector<16xf32>
          %swap3A_320 = arith.index_cast %scan3A_255 : i32 to index
          %swap3A_321 = arith.constant 80 : index
          %swap3A_322 = tpu.vector_load %arg9[%swap3A_320, %swap3A_321] {strides = array<i32>} : memref<80x144xf32, #tpu.memory_space<vmem>>, vector<16xf32>,
          tpu.vector_store %arg9[%swap3A_320, %swap3A_321], %mul3A_319 {strides = array<i32>} : memref<80x144xf32, #tpu.memory_space<vmem>>, vector<16xf32>,
          %mul3A_323 = arith.constant 80 : i32
          %mul3A_324 = arith.muli %scan3A_245, %mul3A_323 : i32
          %add3A_325 = arith.addi %mul3A_324, %scan3A_255 : i32
          %get3A_326 = arith.index_cast %add3A_325 : i32 to index
          %get3A_327 = arith.constant 96 : index
          %get3A_328 = tpu.vector_load %arg8[%get3A_326, %get3A_327] {strides = array<i32>} : memref<160x144xf32, #tpu.memory_space<vmem>>, vector<16xf32>,
          %mul3A_329 = arith.mulf %get3A_328, %gather3A : vector<16xf32>
          %swap3A_330 = arith.index_cast %scan3A_255 : i32 to index
          %swap3A_331 = arith.constant 96 : index
          %swap3A_332 = tpu.vector_load %arg9[%swap3A_330, %swap3A_331] {strides = array<i32>} : memref<80x144xf32, #tpu.memory_space<vmem>>, vector<16xf32>,
          tpu.vector_store %arg9[%swap3A_330, %swap3A_331], %mul3A_329 {strides = array<i32>} : memref<80x144xf32, #tpu.memory_space<vmem>>, vector<16xf32>,
          %mul3A_333 = arith.constant 80 : i32
          %mul3A_334 = arith.muli %scan3A_245, %mul3A_333 : i32
          %add3A_335 = arith.addi %mul3A_334, %scan3A_255 : i32
          %get3A_336 = arith.index_cast %add3A_335 : i32 to index
          %get3A_337 = arith.constant 112 : index
          %get3A_338 = tpu.vector_load %arg8[%get3A_336, %get3A_337] {strides = array<i32>} : memref<160x144xf32, #tpu.memory_space<vmem>>, vector<16xf32>,
          %mul3A_339 = arith.mulf %get3A_338, %gather3A : vector<16xf32>
          %swap3A_340 = arith.index_cast %scan3A_255 : i32 to index
          %swap3A_341 = arith.constant 112 : index
          %swap3A_342 = tpu.vector_load %arg9[%swap3A_340, %swap3A_341] {strides = array<i32>} : memref<80x144xf32, #tpu.memory_space<vmem>>, vector<16xf32>,
          tpu.vector_store %arg9[%swap3A_340, %swap3A_341], %mul3A_339 {strides = array<i32>} : memref<80x144xf32, #tpu.memory_space<vmem>>, vector<16xf32>,
          %mul3A_343 = arith.constant 80 : i32
          %mul3A_344 = arith.muli %scan3A_245, %mul3A_343 : i32
          %add3A_345 = arith.addi %mul3A_344, %scan3A_255 : i32
          %get3A_346 = arith.index_cast %add3A_345 : i32 to index
          %get3A_347 = arith.constant 128 : index
          %get3A_348 = tpu.vector_load %arg8[%get3A_346, %get3A_347] {strides = array<i32>} : memref<160x144xf32, #tpu.memory_space<vmem>>, vector<16xf32>,
          %mul3A_349 = arith.mulf %get3A_348, %gather3A : vector<16xf32>
          %swap3A_350 = arith.index_cast %scan3A_255 : i32 to index
          %swap3A_351 = arith.constant 128 : index
          %swap3A_352 = tpu.vector_load %arg9[%swap3A_350, %swap3A_351] {strides = array<i32>} : memref<80x144xf32, #tpu.memory_space<vmem>>, vector<16xf32>,
          tpu.vector_store %arg9[%swap3A_350, %swap3A_351], %mul3A_349 {strides = array<i32>} : memref<80x144xf32, #tpu.memory_space<vmem>>, vector<16xf32>,
          %scan3A_353 = arith.constant 0 : i32
          scf.yield %scan3A_353 : i32
        }
        %scan3A_253 = arith.constant 80 : i32
        "tpu.region"() ({
          %run_scoped3A = tpu.sem_alloc : memref<!tpu.dma_semaphore, #tpu.memory_space<semaphore_mem>>
          %dma_start3A = arith.constant 0 : i32
          %dma_start3A_255 = tpu.memref_slice %arg11[%scan3A_245, %dma_start3A] : memref<2x80xi32, #tpu.memory_space<vmem>> -> memref<1x80xi32, #tpu.memory_space<vmem>>
          %dma_start3A_256 = tpu.memref_squeeze %dma_start3A_255 : memref<1x80xi32, #tpu.memory_space<vmem>> -> memref<80xi32, #tpu.memory_space<vmem>>
          %dma_start3A_257 = arith.constant 0 : i32
          %dma_start3A_258 = arith.constant 0 : i32
          %dma_start3A_259 = tpu.memref_slice %arg7[%dma_start3A_257, %dma_start3A_258] : memref<10000x144xf32, #tpu.memory_space<vmem_shared>> -> memref<10000x144xf32, #tpu.memory_space<vmem_shared>>
          tpu.enqueue_indirect_dma source(%arg9 : memref<80x144xf32, #tpu.memory_space<vmem>>) target(%dma_start3A_259 : memref<10000x144xf32, #tpu.memory_space<vmem_shared>>) offsets(%dma_start3A_256 : memref<80xi32, #tpu.memory_space<vmem>>) semaphore(%run_scoped3A : memref<!tpu.dma_semaphore, #tpu.memory_space<semaphore_mem>>) {add = true}
          %dma_wait3A = arith.constant 0 : i32
          %dma_wait3A_260 = tpu.memref_slice %arg11[%scan3A_245, %dma_wait3A] : memref<2x80xi32, #tpu.memory_space<vmem>> -> memref<1x80xi32, #tpu.memory_space<vmem>>
          %dma_wait3A_261 = tpu.memref_squeeze %dma_wait3A_260 : memref<1x80xi32, #tpu.memory_space<vmem>> -> memref<80xi32, #tpu.memory_space<vmem>>
          %dma_wait3A_262 = arith.constant 0 : i32
          %dma_wait3A_263 = arith.constant 0 : i32
          %dma_wait3A_264 = tpu.memref_slice %arg7[%dma_wait3A_262, %dma_wait3A_263] : memref<10000x144xf32, #tpu.memory_space<vmem_shared>> -> memref<10000x144xf32, #tpu.memory_space<vmem_shared>>
          tpu.wait_indirect_dma semaphore(%run_scoped3A : memref<!tpu.dma_semaphore, #tpu.memory_space<semaphore_mem>>) src(%arg9 : memref<80x144xf32, #tpu.memory_space<vmem>>) dst(%dma_wait3A_264 : memref<10000x144xf32, #tpu.memory_space<vmem_shared>>)
          tpu.yield
        }) : () -> ()
        %scan3A_254 = arith.constant 0 : i32
        scf.yield %scan3A_254 : i32
      }
      %scan3A_243 = arith.constant 2 : i32
      %scan3A_244 = arith.constant 0 : i32
      scf.yield %scan3A_244 : i32
    }
    %scan3A_103 = arith.constant 125 : i32
    %barrier3A_104 = arith.constant 0 : index
    tpu.barrier barrier_id(%barrier3A_104)
    %mul3A_105 = arith.constant 625 : i32
    %mul3A_106 = arith.muli %arg1, %mul3A_105 : i32
    %mul3A_107 = arith.constant 625 : i32
    %mul3A_108 = arith.muli %arg1, %mul3A_107 : i32
    "tpu.region"() ({
      %run_scoped3A = tpu.sem_alloc : memref<!tpu.dma_semaphore, #tpu.memory_space<semaphore_mem>>
      %dma_start3A = arith.constant 0 : i32
      %dma_start3A_110 = tpu.memref_slice %arg6[%mul3A_108, %add3A_56, %dma_start3A] : memref<10000x4x144xf32, #tpu.memory_space<hbm>> -> memref<625x1x144xf32, #tpu.memory_space<hbm>>
      %dma_start3A_111 = tpu.memref_squeeze %dma_start3A_110 : memref<625x1x144xf32, #tpu.memory_space<hbm>> -> memref<625x144xf32, #tpu.memory_space<hbm>>
      %dma_start3A_112 = arith.constant 0 : i32
      %dma_start3A_113 = tpu.memref_slice %arg7[%mul3A_106, %dma_start3A_112] : memref<10000x144xf32, #tpu.memory_space<vmem_shared>> -> memref<625x144xf32, #tpu.memory_space<vmem_shared>>
      tpu.enqueue_dma source(%dma_start3A_113 : memref<625x144xf32, #tpu.memory_space<vmem_shared>>) target(%dma_start3A_111 : memref<625x144xf32, #tpu.memory_space<hbm>>) target_semaphore(%run_scoped3A : memref<!tpu.dma_semaphore, #tpu.memory_space<semaphore_mem>>)
      %dma_wait3A = arith.constant 0 : i32
      %dma_wait3A_114 = tpu.memref_slice %arg6[%mul3A_108, %add3A_56, %dma_wait3A] : memref<10000x4x144xf32, #tpu.memory_space<hbm>> -> memref<625x1x144xf32, #tpu.memory_space<hbm>>
      %dma_wait3A_115 = tpu.memref_squeeze %dma_wait3A_114 : memref<625x1x144xf32, #tpu.memory_space<hbm>> -> memref<625x144xf32, #tpu.memory_space<hbm>>
      %dma_wait3A_116 = arith.constant 0 : i32
      %dma_wait3A_117 = tpu.memref_slice %arg7[%mul3A_106, %dma_wait3A_116] : memref<10000x144xf32, #tpu.memory_space<vmem_shared>> -> memref<625x144xf32, #tpu.memory_space<vmem_shared>>
      tpu.wait_dma2 semaphore(%run_scoped3A : memref<!tpu.dma_semaphore, #tpu.memory_space<semaphore_mem>>) src(%dma_wait3A_117 : memref<625x144xf32, #tpu.memory_space<vmem_shared>>) dst(%dma_wait3A_115 : memref<625x144xf32, #tpu.memory_space<hbm>>)
      tpu.yield
    }) : () -> ()
    %barrier3A_109 = arith.constant 0 : index
    tpu.barrier barrier_id(%barrier3A_109)
    return
  }
}

#map = affine_map<(d0, d1) -> (0)>
module attributes {stable_mosaic.version = 14 : i64} {
  func.func @_sc_logits_body(%arg0: i32, %arg1: i32, %arg2: memref<320000xi32, #tpu.memory_space<hbm>>, %arg3: memref<320000xi32, #tpu.memory_space<hbm>>, %arg4: memref<40000xf32, #tpu.memory_space<hbm>>, %arg5: memref<40000xf32, #tpu.memory_space<hbm>>, %arg6: memref<1280000xf32, #tpu.memory_space<hbm>>, %arg7: memref<1280000xf32, #tpu.memory_space<hbm>>, %arg8: memref<40000xf32, #tpu.memory_space<vmem>>, %arg9: memref<40000xf32, #tpu.memory_space<vmem>>, %arg10: memref<400xi32, #tpu.memory_space<vmem>>, %arg11: memref<400xi32, #tpu.memory_space<vmem>>, %arg12: memref<1600xf32, #tpu.memory_space<vmem>>, %arg13: memref<1600xf32, #tpu.memory_space<vmem>>) attributes {dimension_semantics = [#tpu.dimension_semantics<core_parallel>, #tpu.dimension_semantics<subcore_parallel>], iteration_bounds = array<i64: 2, 16>, scalar_prefetch = 0 : i64, scratch_operands = 6 : i64, tpu.core_type = #tpu.core_type<sc_vector_subcore>, window_params = [{transform_indices = #map}, {transform_indices = #map}, {transform_indices = #map}, {transform_indices = #map}, {transform_indices = #map}, {transform_indices = #map}]} {
    %mul3A = arith.constant 2 : i32
    %mul3A_0 = arith.muli %arg1, %mul3A : i32
    %add3A = arith.addi %mul3A_0, %arg0 : i32
    %mul3A_1 = arith.constant 10000 : i32
    %mul3A_2 = arith.muli %add3A, %mul3A_1 : i32
    "tpu.region"() ({
      %run_scoped3A = tpu.sem_alloc : memref<!tpu.dma_semaphore, #tpu.memory_space<semaphore_mem>>
      tpu.enqueue_dma source(%arg4 : memref<40000xf32, #tpu.memory_space<hbm>>) target(%arg8 : memref<40000xf32, #tpu.memory_space<vmem>>) target_semaphore(%run_scoped3A : memref<!tpu.dma_semaphore, #tpu.memory_space<semaphore_mem>>)
      tpu.wait_dma2 semaphore(%run_scoped3A : memref<!tpu.dma_semaphore, #tpu.memory_space<semaphore_mem>>) src(%arg4 : memref<40000xf32, #tpu.memory_space<hbm>>) dst(%arg8 : memref<40000xf32, #tpu.memory_space<vmem>>)
      tpu.yield
    }) : () -> ()
    "tpu.region"() ({
      %run_scoped3A = tpu.sem_alloc : memref<!tpu.dma_semaphore, #tpu.memory_space<semaphore_mem>>
      tpu.enqueue_dma source(%arg5 : memref<40000xf32, #tpu.memory_space<hbm>>) target(%arg9 : memref<40000xf32, #tpu.memory_space<vmem>>) target_semaphore(%run_scoped3A : memref<!tpu.dma_semaphore, #tpu.memory_space<semaphore_mem>>)
      tpu.wait_dma2 semaphore(%run_scoped3A : memref<!tpu.dma_semaphore, #tpu.memory_space<semaphore_mem>>) src(%arg5 : memref<40000xf32, #tpu.memory_space<hbm>>) dst(%arg9 : memref<40000xf32, #tpu.memory_space<vmem>>)
      tpu.yield
    }) : () -> ()
    %iota3A = tpu.iota {dimensions = array<i32: 0>} : vector<16xi32>
    %scan3A = arith.constant 0 : i32
    %scan3A_3 = arith.constant 0 : i32
    %scan3A_4 = arith.constant 25 : i32
    %scan3A_5 = arith.addi %scan3A_3, %scan3A_4 : i32
    %scan3A_6 = arith.constant 1 : i32
    %scan3A_7 = scf.for %scan3A_9 = %scan3A_3 to %scan3A_5 step %scan3A_6 iter_args(%scan3A_10 = %scan3A) -> (i32)  : i32 {
      %mul3A_11 = arith.constant 400 : i32
      %mul3A_12 = arith.muli %scan3A_9, %mul3A_11 : i32
      %add3A_13 = arith.addi %mul3A_2, %mul3A_12 : i32
      "tpu.region"() ({
        %run_scoped3A = tpu.sem_alloc : memref<!tpu.dma_semaphore, #tpu.memory_space<semaphore_mem>>
        %dma_start3A = tpu.memref_slice %arg2[%add3A_13] : memref<320000xi32, #tpu.memory_space<hbm>> -> memref<400xi32, #tpu.memory_space<hbm>>
        %dma_start3A_26 = tpu.memref_slice %arg2[%add3A_13] : memref<320000xi32, #tpu.memory_space<hbm>> -> memref<400xi32, #tpu.memory_space<hbm>>
        tpu.enqueue_dma source(%dma_start3A_26 : memref<400xi32, #tpu.memory_space<hbm>>) target(%arg10 : memref<400xi32, #tpu.memory_space<vmem>>) target_semaphore(%run_scoped3A : memref<!tpu.dma_semaphore, #tpu.memory_space<semaphore_mem>>)
        %dma_wait3A = tpu.memref_slice %arg2[%add3A_13] : memref<320000xi32, #tpu.memory_space<hbm>> -> memref<400xi32, #tpu.memory_space<hbm>>
        %dma_wait3A_27 = tpu.memref_slice %arg2[%add3A_13] : memref<320000xi32, #tpu.memory_space<hbm>> -> memref<400xi32, #tpu.memory_space<hbm>>
        tpu.wait_dma2 semaphore(%run_scoped3A : memref<!tpu.dma_semaphore, #tpu.memory_space<semaphore_mem>>) src(%dma_wait3A_27 : memref<400xi32, #tpu.memory_space<hbm>>) dst(%arg10 : memref<400xi32, #tpu.memory_space<vmem>>)
        tpu.yield
      }) : () -> ()
      "tpu.region"() ({
        %run_scoped3A = tpu.sem_alloc : memref<!tpu.dma_semaphore, #tpu.memory_space<semaphore_mem>>
        %dma_start3A = tpu.memref_slice %arg3[%add3A_13] : memref<320000xi32, #tpu.memory_space<hbm>> -> memref<400xi32, #tpu.memory_space<hbm>>
        %dma_start3A_26 = tpu.memref_slice %arg3[%add3A_13] : memref<320000xi32, #tpu.memory_space<hbm>> -> memref<400xi32, #tpu.memory_space<hbm>>
        tpu.enqueue_dma source(%dma_start3A_26 : memref<400xi32, #tpu.memory_space<hbm>>) target(%arg11 : memref<400xi32, #tpu.memory_space<vmem>>) target_semaphore(%run_scoped3A : memref<!tpu.dma_semaphore, #tpu.memory_space<semaphore_mem>>)
        %dma_wait3A = tpu.memref_slice %arg3[%add3A_13] : memref<320000xi32, #tpu.memory_space<hbm>> -> memref<400xi32, #tpu.memory_space<hbm>>
        %dma_wait3A_27 = tpu.memref_slice %arg3[%add3A_13] : memref<320000xi32, #tpu.memory_space<hbm>> -> memref<400xi32, #tpu.memory_space<hbm>>
        tpu.wait_dma2 semaphore(%run_scoped3A : memref<!tpu.dma_semaphore, #tpu.memory_space<semaphore_mem>>) src(%dma_wait3A_27 : memref<400xi32, #tpu.memory_space<hbm>>) dst(%arg11 : memref<400xi32, #tpu.memory_space<vmem>>)
        tpu.yield
      }) : () -> ()
      %mul3A_14 = arith.constant 4 : i32
      %mul3A_15 = arith.muli %add3A_13, %mul3A_14 : i32
      "tpu.region"() ({
        %run_scoped3A = tpu.sem_alloc : memref<!tpu.dma_semaphore, #tpu.memory_space<semaphore_mem>>
        %dma_start3A = tpu.memref_slice %arg6[%mul3A_15] : memref<1280000xf32, #tpu.memory_space<hbm>> -> memref<1600xf32, #tpu.memory_space<hbm>>
        %dma_start3A_26 = tpu.memref_slice %arg6[%mul3A_15] : memref<1280000xf32, #tpu.memory_space<hbm>> -> memref<1600xf32, #tpu.memory_space<hbm>>
        tpu.enqueue_dma source(%dma_start3A_26 : memref<1600xf32, #tpu.memory_space<hbm>>) target(%arg12 : memref<1600xf32, #tpu.memory_space<vmem>>) target_semaphore(%run_scoped3A : memref<!tpu.dma_semaphore, #tpu.memory_space<semaphore_mem>>)
        %dma_wait3A = tpu.memref_slice %arg6[%mul3A_15] : memref<1280000xf32, #tpu.memory_space<hbm>> -> memref<1600xf32, #tpu.memory_space<hbm>>
        %dma_wait3A_27 = tpu.memref_slice %arg6[%mul3A_15] : memref<1280000xf32, #tpu.memory_space<hbm>> -> memref<1600xf32, #tpu.memory_space<hbm>>
        tpu.wait_dma2 semaphore(%run_scoped3A : memref<!tpu.dma_semaphore, #tpu.memory_space<semaphore_mem>>) src(%dma_wait3A_27 : memref<1600xf32, #tpu.memory_space<hbm>>) dst(%arg12 : memref<1600xf32, #tpu.memory_space<vmem>>)
        tpu.yield
      }) : () -> ()
      %scan3A_16 = arith.constant 0 : i32
      %scan3A_17 = arith.constant 0 : i32
      %scan3A_18 = arith.constant 25 : i32
      %scan3A_19 = arith.addi %scan3A_17, %scan3A_18 : i32
      %scan3A_20 = arith.constant 1 : i32
      %scan3A_21 = scf.for %scan3A_26 = %scan3A_17 to %scan3A_19 step %scan3A_20 iter_args(%scan3A_27 = %scan3A_16) -> (i32)  : i32 {
        %mul3A_28 = arith.constant 16 : i32
        %mul3A_29 = arith.muli %scan3A_26, %mul3A_28 : i32
        %add3A_30 = vector.broadcast %mul3A_29 : i32 to vector<16xi32>
        %add3A_31 = arith.addi %add3A_30, %iota3A : vector<16xi32>
        %mul3A_32 = arith.constant 16 : i32
        %mul3A_33 = arith.muli %scan3A_26, %mul3A_32 : i32
        %get3A = arith.index_cast %mul3A_33 : i32 to index
        %get3A_34 = tpu.vector_load %arg10[%get3A] {strides = array<i32>} : memref<400xi32, #tpu.memory_space<vmem>>, vector<16xi32>,
        %mul3A_35 = arith.constant 16 : i32
        %mul3A_36 = arith.muli %scan3A_26, %mul3A_35 : i32
        %get3A_37 = arith.index_cast %mul3A_36 : i32 to index
        %get3A_38 = tpu.vector_load %arg11[%get3A_37] {strides = array<i32>} : memref<400xi32, #tpu.memory_space<vmem>>, vector<16xi32>,
        %mul3A_39 = arith.constant 4 : i32
        %mul3A_40 = vector.broadcast %mul3A_39 : i32 to vector<16xi32>
        %mul3A_41 = arith.muli %get3A_34, %mul3A_40 : vector<16xi32>
        %add3A_42 = arith.constant 0 : i32
        %add3A_43 = vector.broadcast %add3A_42 : i32 to vector<16xi32>
        %add3A_44 = arith.addi %mul3A_41, %add3A_43 : vector<16xi32>
        %gather3A = tpu.vector_load_idx %arg8[%add3A_44] : memref<40000xf32, #tpu.memory_space<vmem>>[vector<16xi32>], vector<16xf32>,
        %mul3A_45 = arith.constant 4 : i32
        %mul3A_46 = vector.broadcast %mul3A_45 : i32 to vector<16xi32>
        %mul3A_47 = arith.muli %get3A_38, %mul3A_46 : vector<16xi32>
        %add3A_48 = arith.constant 0 : i32
        %add3A_49 = vector.broadcast %add3A_48 : i32 to vector<16xi32>
        %add3A_50 = arith.addi %mul3A_47, %add3A_49 : vector<16xi32>
        %gather3A_51 = tpu.vector_load_idx %arg9[%add3A_50] : memref<40000xf32, #tpu.memory_space<vmem>>[vector<16xi32>], vector<16xf32>,
        %add3A_52 = arith.addf %gather3A, %gather3A_51 : vector<16xf32>
        %mul3A_53 = arith.constant 4 : i32
        %mul3A_54 = vector.broadcast %mul3A_53 : i32 to vector<16xi32>
        %mul3A_55 = arith.muli %add3A_31, %mul3A_54 : vector<16xi32>
        %add3A_56 = arith.constant 0 : i32
        %add3A_57 = vector.broadcast %add3A_56 : i32 to vector<16xi32>
        %add3A_58 = arith.addi %mul3A_55, %add3A_57 : vector<16xi32>
        %gather3A_59 = tpu.vector_load_idx %arg12[%add3A_58] : memref<1600xf32, #tpu.memory_space<vmem>>[vector<16xi32>], vector<16xf32>,
        %add3A_60 = arith.addf %add3A_52, %gather3A_59 : vector<16xf32>
        %ge3A = arith.constant 0.000000e+00 : f32
        %ge3A_61 = vector.broadcast %ge3A : f32 to vector<16xf32>
        %ge3A_62 = arith.cmpf oge, %add3A_60, %ge3A_61 : vector<16xf32>
        %mul3A_63 = arith.constant 2.000000e-01 : f32
        %mul3A_64 = vector.broadcast %mul3A_63 : f32 to vector<16xf32>
        %mul3A_65 = arith.mulf %add3A_60, %mul3A_64 : vector<16xf32>
        %select_n3A = arith.select %ge3A_62, %add3A_60, %mul3A_65 : vector<16xi1>, vector<16xf32>
        %mul3A_66 = arith.constant 4 : i32
        %mul3A_67 = vector.broadcast %mul3A_66 : i32 to vector<16xi32>
        %mul3A_68 = arith.muli %add3A_31, %mul3A_67 : vector<16xi32>
        %add3A_69 = arith.constant 0 : i32
        %add3A_70 = vector.broadcast %add3A_69 : i32 to vector<16xi32>
        %add3A_71 = arith.addi %mul3A_68, %add3A_70 : vector<16xi32>
        %exp3A = math.exp %select_n3A : vector<16xf32>
        tpu.vector_store_idx %arg13[%add3A_71], %exp3A : memref<1600xf32, #tpu.memory_space<vmem>>[vector<16xi32>], vector<16xf32>,
        %mul3A_72 = arith.constant 4 : i32
        %mul3A_73 = vector.broadcast %mul3A_72 : i32 to vector<16xi32>
        %mul3A_74 = arith.muli %get3A_34, %mul3A_73 : vector<16xi32>
        %add3A_75 = arith.constant 1 : i32
        %add3A_76 = vector.broadcast %add3A_75 : i32 to vector<16xi32>
        %add3A_77 = arith.addi %mul3A_74, %add3A_76 : vector<16xi32>
        %gather3A_78 = tpu.vector_load_idx %arg8[%add3A_77] : memref<40000xf32, #tpu.memory_space<vmem>>[vector<16xi32>], vector<16xf32>,
        %mul3A_79 = arith.constant 4 : i32
        %mul3A_80 = vector.broadcast %mul3A_79 : i32 to vector<16xi32>
        %mul3A_81 = arith.muli %get3A_38, %mul3A_80 : vector<16xi32>
        %add3A_82 = arith.constant 1 : i32
        %add3A_83 = vector.broadcast %add3A_82 : i32 to vector<16xi32>
        %add3A_84 = arith.addi %mul3A_81, %add3A_83 : vector<16xi32>
        %gather3A_85 = tpu.vector_load_idx %arg9[%add3A_84] : memref<40000xf32, #tpu.memory_space<vmem>>[vector<16xi32>], vector<16xf32>,
        %add3A_86 = arith.addf %gather3A_78, %gather3A_85 : vector<16xf32>
        %mul3A_87 = arith.constant 4 : i32
        %mul3A_88 = vector.broadcast %mul3A_87 : i32 to vector<16xi32>
        %mul3A_89 = arith.muli %add3A_31, %mul3A_88 : vector<16xi32>
        %add3A_90 = arith.constant 1 : i32
        %add3A_91 = vector.broadcast %add3A_90 : i32 to vector<16xi32>
        %add3A_92 = arith.addi %mul3A_89, %add3A_91 : vector<16xi32>
        %gather3A_93 = tpu.vector_load_idx %arg12[%add3A_92] : memref<1600xf32, #tpu.memory_space<vmem>>[vector<16xi32>], vector<16xf32>,
        %add3A_94 = arith.addf %add3A_86, %gather3A_93 : vector<16xf32>
        %ge3A_95 = arith.constant 0.000000e+00 : f32
        %ge3A_96 = vector.broadcast %ge3A_95 : f32 to vector<16xf32>
        %ge3A_97 = arith.cmpf oge, %add3A_94, %ge3A_96 : vector<16xf32>
        %mul3A_98 = arith.constant 2.000000e-01 : f32
        %mul3A_99 = vector.broadcast %mul3A_98 : f32 to vector<16xf32>
        %mul3A_100 = arith.mulf %add3A_94, %mul3A_99 : vector<16xf32>
        %select_n3A_101 = arith.select %ge3A_97, %add3A_94, %mul3A_100 : vector<16xi1>, vector<16xf32>
        %mul3A_102 = arith.constant 4 : i32
        %mul3A_103 = vector.broadcast %mul3A_102 : i32 to vector<16xi32>
        %mul3A_104 = arith.muli %add3A_31, %mul3A_103 : vector<16xi32>
        %add3A_105 = arith.constant 1 : i32
        %add3A_106 = vector.broadcast %add3A_105 : i32 to vector<16xi32>
        %add3A_107 = arith.addi %mul3A_104, %add3A_106 : vector<16xi32>
        %exp3A_108 = math.exp %select_n3A_101 : vector<16xf32>
        tpu.vector_store_idx %arg13[%add3A_107], %exp3A_108 : memref<1600xf32, #tpu.memory_space<vmem>>[vector<16xi32>], vector<16xf32>,
        %mul3A_109 = arith.constant 4 : i32
        %mul3A_110 = vector.broadcast %mul3A_109 : i32 to vector<16xi32>
        %mul3A_111 = arith.muli %get3A_34, %mul3A_110 : vector<16xi32>
        %add3A_112 = arith.constant 2 : i32
        %add3A_113 = vector.broadcast %add3A_112 : i32 to vector<16xi32>
        %add3A_114 = arith.addi %mul3A_111, %add3A_113 : vector<16xi32>
        %gather3A_115 = tpu.vector_load_idx %arg8[%add3A_114] : memref<40000xf32, #tpu.memory_space<vmem>>[vector<16xi32>], vector<16xf32>,
        %mul3A_116 = arith.constant 4 : i32
        %mul3A_117 = vector.broadcast %mul3A_116 : i32 to vector<16xi32>
        %mul3A_118 = arith.muli %get3A_38, %mul3A_117 : vector<16xi32>
        %add3A_119 = arith.constant 2 : i32
        %add3A_120 = vector.broadcast %add3A_119 : i32 to vector<16xi32>
        %add3A_121 = arith.addi %mul3A_118, %add3A_120 : vector<16xi32>
        %gather3A_122 = tpu.vector_load_idx %arg9[%add3A_121] : memref<40000xf32, #tpu.memory_space<vmem>>[vector<16xi32>], vector<16xf32>,
        %add3A_123 = arith.addf %gather3A_115, %gather3A_122 : vector<16xf32>
        %mul3A_124 = arith.constant 4 : i32
        %mul3A_125 = vector.broadcast %mul3A_124 : i32 to vector<16xi32>
        %mul3A_126 = arith.muli %add3A_31, %mul3A_125 : vector<16xi32>
        %add3A_127 = arith.constant 2 : i32
        %add3A_128 = vector.broadcast %add3A_127 : i32 to vector<16xi32>
        %add3A_129 = arith.addi %mul3A_126, %add3A_128 : vector<16xi32>
        %gather3A_130 = tpu.vector_load_idx %arg12[%add3A_129] : memref<1600xf32, #tpu.memory_space<vmem>>[vector<16xi32>], vector<16xf32>,
        %add3A_131 = arith.addf %add3A_123, %gather3A_130 : vector<16xf32>
        %ge3A_132 = arith.constant 0.000000e+00 : f32
        %ge3A_133 = vector.broadcast %ge3A_132 : f32 to vector<16xf32>
        %ge3A_134 = arith.cmpf oge, %add3A_131, %ge3A_133 : vector<16xf32>
        %mul3A_135 = arith.constant 2.000000e-01 : f32
        %mul3A_136 = vector.broadcast %mul3A_135 : f32 to vector<16xf32>
        %mul3A_137 = arith.mulf %add3A_131, %mul3A_136 : vector<16xf32>
        %select_n3A_138 = arith.select %ge3A_134, %add3A_131, %mul3A_137 : vector<16xi1>, vector<16xf32>
        %mul3A_139 = arith.constant 4 : i32
        %mul3A_140 = vector.broadcast %mul3A_139 : i32 to vector<16xi32>
        %mul3A_141 = arith.muli %add3A_31, %mul3A_140 : vector<16xi32>
        %add3A_142 = arith.constant 2 : i32
        %add3A_143 = vector.broadcast %add3A_142 : i32 to vector<16xi32>
        %add3A_144 = arith.addi %mul3A_141, %add3A_143 : vector<16xi32>
        %exp3A_145 = math.exp %select_n3A_138 : vector<16xf32>
        tpu.vector_store_idx %arg13[%add3A_144], %exp3A_145 : memref<1600xf32, #tpu.memory_space<vmem>>[vector<16xi32>], vector<16xf32>,
        %mul3A_146 = arith.constant 4 : i32
        %mul3A_147 = vector.broadcast %mul3A_146 : i32 to vector<16xi32>
        %mul3A_148 = arith.muli %get3A_34, %mul3A_147 : vector<16xi32>
        %add3A_149 = arith.constant 3 : i32
        %add3A_150 = vector.broadcast %add3A_149 : i32 to vector<16xi32>
        %add3A_151 = arith.addi %mul3A_148, %add3A_150 : vector<16xi32>
        %gather3A_152 = tpu.vector_load_idx %arg8[%add3A_151] : memref<40000xf32, #tpu.memory_space<vmem>>[vector<16xi32>], vector<16xf32>,
        %mul3A_153 = arith.constant 4 : i32
        %mul3A_154 = vector.broadcast %mul3A_153 : i32 to vector<16xi32>
        %mul3A_155 = arith.muli %get3A_38, %mul3A_154 : vector<16xi32>
        %add3A_156 = arith.constant 3 : i32
        %add3A_157 = vector.broadcast %add3A_156 : i32 to vector<16xi32>
        %add3A_158 = arith.addi %mul3A_155, %add3A_157 : vector<16xi32>
        %gather3A_159 = tpu.vector_load_idx %arg9[%add3A_158] : memref<40000xf32, #tpu.memory_space<vmem>>[vector<16xi32>], vector<16xf32>,
        %add3A_160 = arith.addf %gather3A_152, %gather3A_159 : vector<16xf32>
        %mul3A_161 = arith.constant 4 : i32
        %mul3A_162 = vector.broadcast %mul3A_161 : i32 to vector<16xi32>
        %mul3A_163 = arith.muli %add3A_31, %mul3A_162 : vector<16xi32>
        %add3A_164 = arith.constant 3 : i32
        %add3A_165 = vector.broadcast %add3A_164 : i32 to vector<16xi32>
        %add3A_166 = arith.addi %mul3A_163, %add3A_165 : vector<16xi32>
        %gather3A_167 = tpu.vector_load_idx %arg12[%add3A_166] : memref<1600xf32, #tpu.memory_space<vmem>>[vector<16xi32>], vector<16xf32>,
        %add3A_168 = arith.addf %add3A_160, %gather3A_167 : vector<16xf32>
        %ge3A_169 = arith.constant 0.000000e+00 : f32
        %ge3A_170 = vector.broadcast %ge3A_169 : f32 to vector<16xf32>
        %ge3A_171 = arith.cmpf oge, %add3A_168, %ge3A_170 : vector<16xf32>
        %mul3A_172 = arith.constant 2.000000e-01 : f32
        %mul3A_173 = vector.broadcast %mul3A_172 : f32 to vector<16xf32>
        %mul3A_174 = arith.mulf %add3A_168, %mul3A_173 : vector<16xf32>
        %select_n3A_175 = arith.select %ge3A_171, %add3A_168, %mul3A_174 : vector<16xi1>, vector<16xf32>
        %mul3A_176 = arith.constant 4 : i32
        %mul3A_177 = vector.broadcast %mul3A_176 : i32 to vector<16xi32>
        %mul3A_178 = arith.muli %add3A_31, %mul3A_177 : vector<16xi32>
        %add3A_179 = arith.constant 3 : i32
        %add3A_180 = vector.broadcast %add3A_179 : i32 to vector<16xi32>
        %add3A_181 = arith.addi %mul3A_178, %add3A_180 : vector<16xi32>
        %exp3A_182 = math.exp %select_n3A_175 : vector<16xf32>
        tpu.vector_store_idx %arg13[%add3A_181], %exp3A_182 : memref<1600xf32, #tpu.memory_space<vmem>>[vector<16xi32>], vector<16xf32>,
        %scan3A_183 = arith.constant 0 : i32
        scf.yield %scan3A_183 : i32
      }
      %scan3A_22 = arith.constant 25 : i32
      %mul3A_23 = arith.constant 4 : i32
      %mul3A_24 = arith.muli %add3A_13, %mul3A_23 : i32
      "tpu.region"() ({
        %run_scoped3A = tpu.sem_alloc : memref<!tpu.dma_semaphore, #tpu.memory_space<semaphore_mem>>
        %dma_start3A = tpu.memref_slice %arg7[%mul3A_24] : memref<1280000xf32, #tpu.memory_space<hbm>> -> memref<1600xf32, #tpu.memory_space<hbm>>
        %dma_start3A_26 = tpu.memref_slice %arg7[%mul3A_24] : memref<1280000xf32, #tpu.memory_space<hbm>> -> memref<1600xf32, #tpu.memory_space<hbm>>
        tpu.enqueue_dma source(%arg13 : memref<1600xf32, #tpu.memory_space<vmem>>) target(%dma_start3A_26 : memref<1600xf32, #tpu.memory_space<hbm>>) target_semaphore(%run_scoped3A : memref<!tpu.dma_semaphore, #tpu.memory_space<semaphore_mem>>)
        %dma_wait3A = tpu.memref_slice %arg7[%mul3A_24] : memref<1280000xf32, #tpu.memory_space<hbm>> -> memref<1600xf32, #tpu.memory_space<hbm>>
        %dma_wait3A_27 = tpu.memref_slice %arg7[%mul3A_24] : memref<1280000xf32, #tpu.memory_space<hbm>> -> memref<1600xf32, #tpu.memory_space<hbm>>
        tpu.wait_dma2 semaphore(%run_scoped3A : memref<!tpu.dma_semaphore, #tpu.memory_space<semaphore_mem>>) src(%arg13 : memref<1600xf32, #tpu.memory_space<vmem>>) dst(%dma_wait3A_27 : memref<1600xf32, #tpu.memory_space<hbm>>)
        tpu.yield
      }) : () -> ()
      %scan3A_25 = arith.constant 0 : i32
      scf.yield %scan3A_25 : i32
    }
    %scan3A_8 = arith.constant 25 : i32
    return
  }
}

#map = affine_map<(d0, d1) -> (0)>
#map1 = affine_map<(d0, d1) -> (0, 0)>
#map2 = affine_map<(d0, d1) -> (0, 0, 0)>
module attributes {stable_mosaic.version = 14 : i64} {
  func.func @_sc_agg_body(%arg0: i32, %arg1: i32, %arg2: memref<320000xi32, #tpu.memory_space<hbm>>, %arg3: memref<4000x80xi32, #tpu.memory_space<hbm>>, %arg4: memref<40000x144xf32, #tpu.memory_space<hbm>>, %arg5: memref<1280000xf32, #tpu.memory_space<hbm>>, %arg6: memref<10000x4x144xf32, #tpu.memory_space<hbm>>, %arg7: memref<10000x144xf32, #tpu.memory_space<vmem_shared>>, %arg8: memref<160x144xf32, #tpu.memory_space<vmem>>, %arg9: memref<80x144xf32, #tpu.memory_space<vmem>>, %arg10: memref<160xi32, #tpu.memory_space<vmem>>, %arg11: memref<2x80xi32, #tpu.memory_space<vmem>>, %arg12: memref<160xi32, #tpu.memory_space<vmem>>, %arg13: memref<640xf32, #tpu.memory_space<vmem>>, %arg14: memref<!tpu.dma_semaphore, #tpu.memory_space<semaphore_mem>>) attributes {dimension_semantics = [#tpu.dimension_semantics<core_parallel>, #tpu.dimension_semantics<subcore_parallel>], iteration_bounds = array<i64: 2, 16>, scalar_prefetch = 0 : i64, scratch_operands = 8 : i64, tpu.core_type = #tpu.core_type<sc_vector_subcore>, window_params = [{transform_indices = #map}, {transform_indices = #map1}, {transform_indices = #map1}, {transform_indices = #map}, {transform_indices = #map2}]} {
    %mul3A = arith.constant 2 : i32
    %mul3A_0 = arith.muli %arg0, %mul3A : i32
    %add3A = arith.constant 0 : i32
    %add3A_1 = arith.addi %mul3A_0, %add3A : i32
    %scan3A = arith.constant 0 : i32
    %scan3A_2 = arith.constant 0 : i32
    %scan3A_3 = arith.constant 80 : i32
    %scan3A_4 = arith.addi %scan3A_2, %scan3A_3 : i32
    %scan3A_5 = arith.constant 1 : i32
    %scan3A_6 = scf.for %scan3A_110 = %scan3A_2 to %scan3A_4 step %scan3A_5 iter_args(%scan3A_111 = %scan3A) -> (i32)  : i32 {
      %broadcast_in_dim3A = arith.constant 0.000000e+00 : f32
      %broadcast_in_dim3A_112 = vector.broadcast %broadcast_in_dim3A : f32 to vector<16xf32>
      %swap3A = arith.index_cast %scan3A_110 : i32 to index
      %swap3A_113 = arith.constant 0 : index
      %swap3A_114 = tpu.vector_load %arg9[%swap3A, %swap3A_113] {strides = array<i32>} : memref<80x144xf32, #tpu.memory_space<vmem>>, vector<16xf32>,
      tpu.vector_store %arg9[%swap3A, %swap3A_113], %broadcast_in_dim3A_112 {strides = array<i32>} : memref<80x144xf32, #tpu.memory_space<vmem>>, vector<16xf32>,
      %broadcast_in_dim3A_115 = arith.constant 0.000000e+00 : f32
      %broadcast_in_dim3A_116 = vector.broadcast %broadcast_in_dim3A_115 : f32 to vector<16xf32>
      %swap3A_117 = arith.index_cast %scan3A_110 : i32 to index
      %swap3A_118 = arith.constant 16 : index
      %swap3A_119 = tpu.vector_load %arg9[%swap3A_117, %swap3A_118] {strides = array<i32>} : memref<80x144xf32, #tpu.memory_space<vmem>>, vector<16xf32>,
      tpu.vector_store %arg9[%swap3A_117, %swap3A_118], %broadcast_in_dim3A_116 {strides = array<i32>} : memref<80x144xf32, #tpu.memory_space<vmem>>, vector<16xf32>,
      %broadcast_in_dim3A_120 = arith.constant 0.000000e+00 : f32
      %broadcast_in_dim3A_121 = vector.broadcast %broadcast_in_dim3A_120 : f32 to vector<16xf32>
      %swap3A_122 = arith.index_cast %scan3A_110 : i32 to index
      %swap3A_123 = arith.constant 32 : index
      %swap3A_124 = tpu.vector_load %arg9[%swap3A_122, %swap3A_123] {strides = array<i32>} : memref<80x144xf32, #tpu.memory_space<vmem>>, vector<16xf32>,
      tpu.vector_store %arg9[%swap3A_122, %swap3A_123], %broadcast_in_dim3A_121 {strides = array<i32>} : memref<80x144xf32, #tpu.memory_space<vmem>>, vector<16xf32>,
      %broadcast_in_dim3A_125 = arith.constant 0.000000e+00 : f32
      %broadcast_in_dim3A_126 = vector.broadcast %broadcast_in_dim3A_125 : f32 to vector<16xf32>
      %swap3A_127 = arith.index_cast %scan3A_110 : i32 to index
      %swap3A_128 = arith.constant 48 : index
      %swap3A_129 = tpu.vector_load %arg9[%swap3A_127, %swap3A_128] {strides = array<i32>} : memref<80x144xf32, #tpu.memory_space<vmem>>, vector<16xf32>,
      tpu.vector_store %arg9[%swap3A_127, %swap3A_128], %broadcast_in_dim3A_126 {strides = array<i32>} : memref<80x144xf32, #tpu.memory_space<vmem>>, vector<16xf32>,
      %broadcast_in_dim3A_130 = arith.constant 0.000000e+00 : f32
      %broadcast_in_dim3A_131 = vector.broadcast %broadcast_in_dim3A_130 : f32 to vector<16xf32>
      %swap3A_132 = arith.index_cast %scan3A_110 : i32 to index
      %swap3A_133 = arith.constant 64 : index
      %swap3A_134 = tpu.vector_load %arg9[%swap3A_132, %swap3A_133] {strides = array<i32>} : memref<80x144xf32, #tpu.memory_space<vmem>>, vector<16xf32>,
      tpu.vector_store %arg9[%swap3A_132, %swap3A_133], %broadcast_in_dim3A_131 {strides = array<i32>} : memref<80x144xf32, #tpu.memory_space<vmem>>, vector<16xf32>,
      %broadcast_in_dim3A_135 = arith.constant 0.000000e+00 : f32
      %broadcast_in_dim3A_136 = vector.broadcast %broadcast_in_dim3A_135 : f32 to vector<16xf32>
      %swap3A_137 = arith.index_cast %scan3A_110 : i32 to index
      %swap3A_138 = arith.constant 80 : index
      %swap3A_139 = tpu.vector_load %arg9[%swap3A_137, %swap3A_138] {strides = array<i32>} : memref<80x144xf32, #tpu.memory_space<vmem>>, vector<16xf32>,
      tpu.vector_store %arg9[%swap3A_137, %swap3A_138], %broadcast_in_dim3A_136 {strides = array<i32>} : memref<80x144xf32, #tpu.memory_space<vmem>>, vector<16xf32>,
      %broadcast_in_dim3A_140 = arith.constant 0.000000e+00 : f32
      %broadcast_in_dim3A_141 = vector.broadcast %broadcast_in_dim3A_140 : f32 to vector<16xf32>
      %swap3A_142 = arith.index_cast %scan3A_110 : i32 to index
      %swap3A_143 = arith.constant 96 : index
      %swap3A_144 = tpu.vector_load %arg9[%swap3A_142, %swap3A_143] {strides = array<i32>} : memref<80x144xf32, #tpu.memory_space<vmem>>, vector<16xf32>,
      tpu.vector_store %arg9[%swap3A_142, %swap3A_143], %broadcast_in_dim3A_141 {strides = array<i32>} : memref<80x144xf32, #tpu.memory_space<vmem>>, vector<16xf32>,
      %broadcast_in_dim3A_145 = arith.constant 0.000000e+00 : f32
      %broadcast_in_dim3A_146 = vector.broadcast %broadcast_in_dim3A_145 : f32 to vector<16xf32>
      %swap3A_147 = arith.index_cast %scan3A_110 : i32 to index
      %swap3A_148 = arith.constant 112 : index
      %swap3A_149 = tpu.vector_load %arg9[%swap3A_147, %swap3A_148] {strides = array<i32>} : memref<80x144xf32, #tpu.memory_space<vmem>>, vector<16xf32>,
      tpu.vector_store %arg9[%swap3A_147, %swap3A_148], %broadcast_in_dim3A_146 {strides = array<i32>} : memref<80x144xf32, #tpu.memory_space<vmem>>, vector<16xf32>,
      %broadcast_in_dim3A_150 = arith.constant 0.000000e+00 : f32
      %broadcast_in_dim3A_151 = vector.broadcast %broadcast_in_dim3A_150 : f32 to vector<16xf32>
      %swap3A_152 = arith.index_cast %scan3A_110 : i32 to index
      %swap3A_153 = arith.constant 128 : index
      %swap3A_154 = tpu.vector_load %arg9[%swap3A_152, %swap3A_153] {strides = array<i32>} : memref<80x144xf32, #tpu.memory_space<vmem>>, vector<16xf32>,
      tpu.vector_store %arg9[%swap3A_152, %swap3A_153], %broadcast_in_dim3A_151 {strides = array<i32>} : memref<80x144xf32, #tpu.memory_space<vmem>>, vector<16xf32>,
      %scan3A_155 = arith.constant 0 : i32
      scf.yield %scan3A_155 : i32
    }
    %scan3A_7 = arith.constant 80 : i32
    %mul3A_8 = arith.constant 625 : i32
    %mul3A_9 = arith.muli %arg1, %mul3A_8 : i32
    %add3A_10 = arith.constant 0 : i32
    %add3A_11 = arith.addi %mul3A_9, %add3A_10 : i32
    "tpu.region"() ({
      %run_scoped3A = tpu.sem_alloc : memref<!tpu.dma_semaphore, #tpu.memory_space<semaphore_mem>>
      %dma_start3A = arith.constant 0 : i32
      %dma_start3A_110 = tpu.memref_slice %arg7[%add3A_11, %dma_start3A] : memref<10000x144xf32, #tpu.memory_space<vmem_shared>> -> memref<80x144xf32, #tpu.memory_space<vmem_shared>>
      %dma_start3A_111 = arith.constant 0 : i32
      %dma_start3A_112 = tpu.memref_slice %arg7[%add3A_11, %dma_start3A_111] : memref<10000x144xf32, #tpu.memory_space<vmem_shared>> -> memref<80x144xf32, #tpu.memory_space<vmem_shared>>
      tpu.enqueue_dma source(%arg9 : memref<80x144xf32, #tpu.memory_space<vmem>>) target(%dma_start3A_112 : memref<80x144xf32, #tpu.memory_space<vmem_shared>>) target_semaphore(%run_scoped3A : memref<!tpu.dma_semaphore, #tpu.memory_space<semaphore_mem>>)
      %dma_wait3A = arith.constant 0 : i32
      %dma_wait3A_113 = tpu.memref_slice %arg7[%add3A_11, %dma_wait3A] : memref<10000x144xf32, #tpu.memory_space<vmem_shared>> -> memref<80x144xf32, #tpu.memory_space<vmem_shared>>
      %dma_wait3A_114 = arith.constant 0 : i32
      %dma_wait3A_115 = tpu.memref_slice %arg7[%add3A_11, %dma_wait3A_114] : memref<10000x144xf32, #tpu.memory_space<vmem_shared>> -> memref<80x144xf32, #tpu.memory_space<vmem_shared>>
      tpu.wait_dma2 semaphore(%run_scoped3A : memref<!tpu.dma_semaphore, #tpu.memory_space<semaphore_mem>>) src(%arg9 : memref<80x144xf32, #tpu.memory_space<vmem>>) dst(%dma_wait3A_115 : memref<80x144xf32, #tpu.memory_space<vmem_shared>>)
      tpu.yield
    }) : () -> ()
    %mul3A_12 = arith.constant 625 : i32
    %mul3A_13 = arith.muli %arg1, %mul3A_12 : i32
    %add3A_14 = arith.constant 80 : i32
    %add3A_15 = arith.addi %mul3A_13, %add3A_14 : i32
    "tpu.region"() ({
      %run_scoped3A = tpu.sem_alloc : memref<!tpu.dma_semaphore, #tpu.memory_space<semaphore_mem>>
      %dma_start3A = arith.constant 0 : i32
      %dma_start3A_110 = tpu.memref_slice %arg7[%add3A_15, %dma_start3A] : memref<10000x144xf32, #tpu.memory_space<vmem_shared>> -> memref<80x144xf32, #tpu.memory_space<vmem_shared>>
      %dma_start3A_111 = arith.constant 0 : i32
      %dma_start3A_112 = tpu.memref_slice %arg7[%add3A_15, %dma_start3A_111] : memref<10000x144xf32, #tpu.memory_space<vmem_shared>> -> memref<80x144xf32, #tpu.memory_space<vmem_shared>>
      tpu.enqueue_dma source(%arg9 : memref<80x144xf32, #tpu.memory_space<vmem>>) target(%dma_start3A_112 : memref<80x144xf32, #tpu.memory_space<vmem_shared>>) target_semaphore(%run_scoped3A : memref<!tpu.dma_semaphore, #tpu.memory_space<semaphore_mem>>)
      %dma_wait3A = arith.constant 0 : i32
      %dma_wait3A_113 = tpu.memref_slice %arg7[%add3A_15, %dma_wait3A] : memref<10000x144xf32, #tpu.memory_space<vmem_shared>> -> memref<80x144xf32, #tpu.memory_space<vmem_shared>>
      %dma_wait3A_114 = arith.constant 0 : i32
      %dma_wait3A_115 = tpu.memref_slice %arg7[%add3A_15, %dma_wait3A_114] : memref<10000x144xf32, #tpu.memory_space<vmem_shared>> -> memref<80x144xf32, #tpu.memory_space<vmem_shared>>
      tpu.wait_dma2 semaphore(%run_scoped3A : memref<!tpu.dma_semaphore, #tpu.memory_space<semaphore_mem>>) src(%arg9 : memref<80x144xf32, #tpu.memory_space<vmem>>) dst(%dma_wait3A_115 : memref<80x144xf32, #tpu.memory_space<vmem_shared>>)
      tpu.yield
    }) : () -> ()
    %mul3A_16 = arith.constant 625 : i32
    %mul3A_17 = arith.muli %arg1, %mul3A_16 : i32
    %add3A_18 = arith.constant 160 : i32
    %add3A_19 = arith.addi %mul3A_17, %add3A_18 : i32
    "tpu.region"() ({
      %run_scoped3A = tpu.sem_alloc : memref<!tpu.dma_semaphore, #tpu.memory_space<semaphore_mem>>
      %dma_start3A = arith.constant 0 : i32
      %dma_start3A_110 = tpu.memref_slice %arg7[%add3A_19, %dma_start3A] : memref<10000x144xf32, #tpu.memory_space<vmem_shared>> -> memref<80x144xf32, #tpu.memory_space<vmem_shared>>
      %dma_start3A_111 = arith.constant 0 : i32
      %dma_start3A_112 = tpu.memref_slice %arg7[%add3A_19, %dma_start3A_111] : memref<10000x144xf32, #tpu.memory_space<vmem_shared>> -> memref<80x144xf32, #tpu.memory_space<vmem_shared>>
      tpu.enqueue_dma source(%arg9 : memref<80x144xf32, #tpu.memory_space<vmem>>) target(%dma_start3A_112 : memref<80x144xf32, #tpu.memory_space<vmem_shared>>) target_semaphore(%run_scoped3A : memref<!tpu.dma_semaphore, #tpu.memory_space<semaphore_mem>>)
      %dma_wait3A = arith.constant 0 : i32
      %dma_wait3A_113 = tpu.memref_slice %arg7[%add3A_19, %dma_wait3A] : memref<10000x144xf32, #tpu.memory_space<vmem_shared>> -> memref<80x144xf32, #tpu.memory_space<vmem_shared>>
      %dma_wait3A_114 = arith.constant 0 : i32
      %dma_wait3A_115 = tpu.memref_slice %arg7[%add3A_19, %dma_wait3A_114] : memref<10000x144xf32, #tpu.memory_space<vmem_shared>> -> memref<80x144xf32, #tpu.memory_space<vmem_shared>>
      tpu.wait_dma2 semaphore(%run_scoped3A : memref<!tpu.dma_semaphore, #tpu.memory_space<semaphore_mem>>) src(%arg9 : memref<80x144xf32, #tpu.memory_space<vmem>>) dst(%dma_wait3A_115 : memref<80x144xf32, #tpu.memory_space<vmem_shared>>)
      tpu.yield
    }) : () -> ()
    %mul3A_20 = arith.constant 625 : i32
    %mul3A_21 = arith.muli %arg1, %mul3A_20 : i32
    %add3A_22 = arith.constant 240 : i32
    %add3A_23 = arith.addi %mul3A_21, %add3A_22 : i32
    "tpu.region"() ({
      %run_scoped3A = tpu.sem_alloc : memref<!tpu.dma_semaphore, #tpu.memory_space<semaphore_mem>>
      %dma_start3A = arith.constant 0 : i32
      %dma_start3A_110 = tpu.memref_slice %arg7[%add3A_23, %dma_start3A] : memref<10000x144xf32, #tpu.memory_space<vmem_shared>> -> memref<80x144xf32, #tpu.memory_space<vmem_shared>>
      %dma_start3A_111 = arith.constant 0 : i32
      %dma_start3A_112 = tpu.memref_slice %arg7[%add3A_23, %dma_start3A_111] : memref<10000x144xf32, #tpu.memory_space<vmem_shared>> -> memref<80x144xf32, #tpu.memory_space<vmem_shared>>
      tpu.enqueue_dma source(%arg9 : memref<80x144xf32, #tpu.memory_space<vmem>>) target(%dma_start3A_112 : memref<80x144xf32, #tpu.memory_space<vmem_shared>>) target_semaphore(%run_scoped3A : memref<!tpu.dma_semaphore, #tpu.memory_space<semaphore_mem>>)
      %dma_wait3A = arith.constant 0 : i32
      %dma_wait3A_113 = tpu.memref_slice %arg7[%add3A_23, %dma_wait3A] : memref<10000x144xf32, #tpu.memory_space<vmem_shared>> -> memref<80x144xf32, #tpu.memory_space<vmem_shared>>
      %dma_wait3A_114 = arith.constant 0 : i32
      %dma_wait3A_115 = tpu.memref_slice %arg7[%add3A_23, %dma_wait3A_114] : memref<10000x144xf32, #tpu.memory_space<vmem_shared>> -> memref<80x144xf32, #tpu.memory_space<vmem_shared>>
      tpu.wait_dma2 semaphore(%run_scoped3A : memref<!tpu.dma_semaphore, #tpu.memory_space<semaphore_mem>>) src(%arg9 : memref<80x144xf32, #tpu.memory_space<vmem>>) dst(%dma_wait3A_115 : memref<80x144xf32, #tpu.memory_space<vmem_shared>>)
      tpu.yield
    }) : () -> ()
    %mul3A_24 = arith.constant 625 : i32
    %mul3A_25 = arith.muli %arg1, %mul3A_24 : i32
    %add3A_26 = arith.constant 320 : i32
    %add3A_27 = arith.addi %mul3A_25, %add3A_26 : i32
    "tpu.region"() ({
      %run_scoped3A = tpu.sem_alloc : memref<!tpu.dma_semaphore, #tpu.memory_space<semaphore_mem>>
      %dma_start3A = arith.constant 0 : i32
      %dma_start3A_110 = tpu.memref_slice %arg7[%add3A_27, %dma_start3A] : memref<10000x144xf32, #tpu.memory_space<vmem_shared>> -> memref<80x144xf32, #tpu.memory_space<vmem_shared>>
      %dma_start3A_111 = arith.constant 0 : i32
      %dma_start3A_112 = tpu.memref_slice %arg7[%add3A_27, %dma_start3A_111] : memref<10000x144xf32, #tpu.memory_space<vmem_shared>> -> memref<80x144xf32, #tpu.memory_space<vmem_shared>>
      tpu.enqueue_dma source(%arg9 : memref<80x144xf32, #tpu.memory_space<vmem>>) target(%dma_start3A_112 : memref<80x144xf32, #tpu.memory_space<vmem_shared>>) target_semaphore(%run_scoped3A : memref<!tpu.dma_semaphore, #tpu.memory_space<semaphore_mem>>)
      %dma_wait3A = arith.constant 0 : i32
      %dma_wait3A_113 = tpu.memref_slice %arg7[%add3A_27, %dma_wait3A] : memref<10000x144xf32, #tpu.memory_space<vmem_shared>> -> memref<80x144xf32, #tpu.memory_space<vmem_shared>>
      %dma_wait3A_114 = arith.constant 0 : i32
      %dma_wait3A_115 = tpu.memref_slice %arg7[%add3A_27, %dma_wait3A_114] : memref<10000x144xf32, #tpu.memory_space<vmem_shared>> -> memref<80x144xf32, #tpu.memory_space<vmem_shared>>
      tpu.wait_dma2 semaphore(%run_scoped3A : memref<!tpu.dma_semaphore, #tpu.memory_space<semaphore_mem>>) src(%arg9 : memref<80x144xf32, #tpu.memory_space<vmem>>) dst(%dma_wait3A_115 : memref<80x144xf32, #tpu.memory_space<vmem_shared>>)
      tpu.yield
    }) : () -> ()
    %mul3A_28 = arith.constant 625 : i32
    %mul3A_29 = arith.muli %arg1, %mul3A_28 : i32
    %add3A_30 = arith.constant 400 : i32
    %add3A_31 = arith.addi %mul3A_29, %add3A_30 : i32
    "tpu.region"() ({
      %run_scoped3A = tpu.sem_alloc : memref<!tpu.dma_semaphore, #tpu.memory_space<semaphore_mem>>
      %dma_start3A = arith.constant 0 : i32
      %dma_start3A_110 = tpu.memref_slice %arg7[%add3A_31, %dma_start3A] : memref<10000x144xf32, #tpu.memory_space<vmem_shared>> -> memref<80x144xf32, #tpu.memory_space<vmem_shared>>
      %dma_start3A_111 = arith.constant 0 : i32
      %dma_start3A_112 = tpu.memref_slice %arg7[%add3A_31, %dma_start3A_111] : memref<10000x144xf32, #tpu.memory_space<vmem_shared>> -> memref<80x144xf32, #tpu.memory_space<vmem_shared>>
      tpu.enqueue_dma source(%arg9 : memref<80x144xf32, #tpu.memory_space<vmem>>) target(%dma_start3A_112 : memref<80x144xf32, #tpu.memory_space<vmem_shared>>) target_semaphore(%run_scoped3A : memref<!tpu.dma_semaphore, #tpu.memory_space<semaphore_mem>>)
      %dma_wait3A = arith.constant 0 : i32
      %dma_wait3A_113 = tpu.memref_slice %arg7[%add3A_31, %dma_wait3A] : memref<10000x144xf32, #tpu.memory_space<vmem_shared>> -> memref<80x144xf32, #tpu.memory_space<vmem_shared>>
      %dma_wait3A_114 = arith.constant 0 : i32
      %dma_wait3A_115 = tpu.memref_slice %arg7[%add3A_31, %dma_wait3A_114] : memref<10000x144xf32, #tpu.memory_space<vmem_shared>> -> memref<80x144xf32, #tpu.memory_space<vmem_shared>>
      tpu.wait_dma2 semaphore(%run_scoped3A : memref<!tpu.dma_semaphore, #tpu.memory_space<semaphore_mem>>) src(%arg9 : memref<80x144xf32, #tpu.memory_space<vmem>>) dst(%dma_wait3A_115 : memref<80x144xf32, #tpu.memory_space<vmem_shared>>)
      tpu.yield
    }) : () -> ()
    %mul3A_32 = arith.constant 625 : i32
    %mul3A_33 = arith.muli %arg1, %mul3A_32 : i32
    %add3A_34 = arith.constant 480 : i32
    %add3A_35 = arith.addi %mul3A_33, %add3A_34 : i32
    "tpu.region"() ({
      %run_scoped3A = tpu.sem_alloc : memref<!tpu.dma_semaphore, #tpu.memory_space<semaphore_mem>>
      %dma_start3A = arith.constant 0 : i32
      %dma_start3A_110 = tpu.memref_slice %arg7[%add3A_35, %dma_start3A] : memref<10000x144xf32, #tpu.memory_space<vmem_shared>> -> memref<80x144xf32, #tpu.memory_space<vmem_shared>>
      %dma_start3A_111 = arith.constant 0 : i32
      %dma_start3A_112 = tpu.memref_slice %arg7[%add3A_35, %dma_start3A_111] : memref<10000x144xf32, #tpu.memory_space<vmem_shared>> -> memref<80x144xf32, #tpu.memory_space<vmem_shared>>
      tpu.enqueue_dma source(%arg9 : memref<80x144xf32, #tpu.memory_space<vmem>>) target(%dma_start3A_112 : memref<80x144xf32, #tpu.memory_space<vmem_shared>>) target_semaphore(%run_scoped3A : memref<!tpu.dma_semaphore, #tpu.memory_space<semaphore_mem>>)
      %dma_wait3A = arith.constant 0 : i32
      %dma_wait3A_113 = tpu.memref_slice %arg7[%add3A_35, %dma_wait3A] : memref<10000x144xf32, #tpu.memory_space<vmem_shared>> -> memref<80x144xf32, #tpu.memory_space<vmem_shared>>
      %dma_wait3A_114 = arith.constant 0 : i32
      %dma_wait3A_115 = tpu.memref_slice %arg7[%add3A_35, %dma_wait3A_114] : memref<10000x144xf32, #tpu.memory_space<vmem_shared>> -> memref<80x144xf32, #tpu.memory_space<vmem_shared>>
      tpu.wait_dma2 semaphore(%run_scoped3A : memref<!tpu.dma_semaphore, #tpu.memory_space<semaphore_mem>>) src(%arg9 : memref<80x144xf32, #tpu.memory_space<vmem>>) dst(%dma_wait3A_115 : memref<80x144xf32, #tpu.memory_space<vmem_shared>>)
      tpu.yield
    }) : () -> ()
    %mul3A_36 = arith.constant 625 : i32
    %mul3A_37 = arith.muli %arg1, %mul3A_36 : i32
    %add3A_38 = arith.constant 560 : i32
    %add3A_39 = arith.addi %mul3A_37, %add3A_38 : i32
    "tpu.region"() ({
      %run_scoped3A = tpu.sem_alloc : memref<!tpu.dma_semaphore, #tpu.memory_space<semaphore_mem>>
      %dma_start3A = arith.constant 0 : i32
      %dma_start3A_110 = arith.constant 0 : i32
      %dma_start3A_111 = tpu.memref_slice %arg9[%dma_start3A, %dma_start3A_110] : memref<80x144xf32, #tpu.memory_space<vmem>> -> memref<65x144xf32, #tpu.memory_space<vmem>>
      %dma_start3A_112 = arith.constant 0 : i32
      %dma_start3A_113 = tpu.memref_slice %arg7[%add3A_39, %dma_start3A_112] : memref<10000x144xf32, #tpu.memory_space<vmem_shared>> -> memref<65x144xf32, #tpu.memory_space<vmem_shared>>
      %dma_start3A_114 = arith.constant 0 : i32
      %dma_start3A_115 = tpu.memref_slice %arg7[%add3A_39, %dma_start3A_114] : memref<10000x144xf32, #tpu.memory_space<vmem_shared>> -> memref<65x144xf32, #tpu.memory_space<vmem_shared>>
      %dma_start3A_116 = arith.constant 0 : i32
      %dma_start3A_117 = arith.constant 0 : i32
      %dma_start3A_118 = tpu.memref_slice %arg9[%dma_start3A_116, %dma_start3A_117] : memref<80x144xf32, #tpu.memory_space<vmem>> -> memref<65x144xf32, #tpu.memory_space<vmem>>
      tpu.enqueue_dma source(%dma_start3A_118 : memref<65x144xf32, #tpu.memory_space<vmem>>) target(%dma_start3A_115 : memref<65x144xf32, #tpu.memory_space<vmem_shared>>) target_semaphore(%run_scoped3A : memref<!tpu.dma_semaphore, #tpu.memory_space<semaphore_mem>>)
      %dma_wait3A = arith.constant 0 : i32
      %dma_wait3A_119 = arith.constant 0 : i32
      %dma_wait3A_120 = tpu.memref_slice %arg9[%dma_wait3A, %dma_wait3A_119] : memref<80x144xf32, #tpu.memory_space<vmem>> -> memref<65x144xf32, #tpu.memory_space<vmem>>
      %dma_wait3A_121 = arith.constant 0 : i32
      %dma_wait3A_122 = tpu.memref_slice %arg7[%add3A_39, %dma_wait3A_121] : memref<10000x144xf32, #tpu.memory_space<vmem_shared>> -> memref<65x144xf32, #tpu.memory_space<vmem_shared>>
      %dma_wait3A_123 = arith.constant 0 : i32
      %dma_wait3A_124 = tpu.memref_slice %arg7[%add3A_39, %dma_wait3A_123] : memref<10000x144xf32, #tpu.memory_space<vmem_shared>> -> memref<65x144xf32, #tpu.memory_space<vmem_shared>>
      %dma_wait3A_125 = arith.constant 0 : i32
      %dma_wait3A_126 = arith.constant 0 : i32
      %dma_wait3A_127 = tpu.memref_slice %arg9[%dma_wait3A_125, %dma_wait3A_126] : memref<80x144xf32, #tpu.memory_space<vmem>> -> memref<65x144xf32, #tpu.memory_space<vmem>>
      tpu.wait_dma2 semaphore(%run_scoped3A : memref<!tpu.dma_semaphore, #tpu.memory_space<semaphore_mem>>) src(%dma_wait3A_127 : memref<65x144xf32, #tpu.memory_space<vmem>>) dst(%dma_wait3A_124 : memref<65x144xf32, #tpu.memory_space<vmem_shared>>)
      tpu.yield
    }) : () -> ()
    %barrier3A = arith.constant 0 : index
    tpu.barrier barrier_id(%barrier3A)
    %scan3A_40 = arith.constant 0 : i32
    %scan3A_41 = arith.constant 0 : i32
    %scan3A_42 = arith.constant 125 : i32
    %scan3A_43 = arith.addi %scan3A_41, %scan3A_42 : i32
    %scan3A_44 = arith.constant 1 : i32
    %scan3A_45 = scf.for %scan3A_110 = %scan3A_41 to %scan3A_43 step %scan3A_44 iter_args(%scan3A_111 = %scan3A_40) -> (i32)  : i32 {
      %mul3A_112 = arith.constant 20000 : i32
      %mul3A_113 = arith.muli %arg1, %mul3A_112 : i32
      %mul3A_114 = arith.constant 160 : i32
      %mul3A_115 = arith.muli %scan3A_110, %mul3A_114 : i32
      %add3A_116 = arith.addi %mul3A_113, %mul3A_115 : i32
      "tpu.region"() ({
        %run_scoped3A = tpu.sem_alloc : memref<!tpu.dma_semaphore, #tpu.memory_space<semaphore_mem>>
        %dma_start3A = tpu.memref_slice %arg2[%add3A_116] : memref<320000xi32, #tpu.memory_space<hbm>> -> memref<160xi32, #tpu.memory_space<hbm>>
        %dma_start3A_245 = tpu.memref_slice %arg2[%add3A_116] : memref<320000xi32, #tpu.memory_space<hbm>> -> memref<160xi32, #tpu.memory_space<hbm>>
        tpu.enqueue_dma source(%dma_start3A_245 : memref<160xi32, #tpu.memory_space<hbm>>) target(%arg10 : memref<160xi32, #tpu.memory_space<vmem>>) target_semaphore(%run_scoped3A : memref<!tpu.dma_semaphore, #tpu.memory_space<semaphore_mem>>)
        %dma_wait3A = tpu.memref_slice %arg2[%add3A_116] : memref<320000xi32, #tpu.memory_space<hbm>> -> memref<160xi32, #tpu.memory_space<hbm>>
        %dma_wait3A_246 = tpu.memref_slice %arg2[%add3A_116] : memref<320000xi32, #tpu.memory_space<hbm>> -> memref<160xi32, #tpu.memory_space<hbm>>
        tpu.wait_dma2 semaphore(%run_scoped3A : memref<!tpu.dma_semaphore, #tpu.memory_space<semaphore_mem>>) src(%dma_wait3A_246 : memref<160xi32, #tpu.memory_space<hbm>>) dst(%arg10 : memref<160xi32, #tpu.memory_space<vmem>>)
        tpu.yield
      }) : () -> ()
      %jit3A = arith.constant 80 : i32
      %div3A = arith.divsi %add3A_116, %jit3A : i32
      %sign3A = arith.constant 0 : i32
      %sign3A_117 = arith.cmpi sgt, %add3A_116, %sign3A : i32
      %sign3A_118 = arith.extui %sign3A_117 : i1 to i32
      %sign3A_119 = arith.constant 0 : i32
      %sign3A_120 = arith.cmpi slt, %add3A_116, %sign3A_119 : i32
      %sign3A_121 = arith.extui %sign3A_120 : i1 to i32
      %sign3A_122 = arith.subi %sign3A_118, %sign3A_121 : i32
      %sign3A_123 = arith.constant 0 : i32
      %sign3A_124 = arith.cmpi sgt, %jit3A, %sign3A_123 : i32
      %sign3A_125 = arith.extui %sign3A_124 : i1 to i32
      %sign3A_126 = arith.constant 0 : i32
      %sign3A_127 = arith.cmpi slt, %jit3A, %sign3A_126 : i32
      %sign3A_128 = arith.extui %sign3A_127 : i1 to i32
      %sign3A_129 = arith.subi %sign3A_125, %sign3A_128 : i32
      %ne3A = arith.cmpi ne, %sign3A_122, %sign3A_129 : i32
      %rem3A = arith.remsi %add3A_116, %jit3A : i32
      %ne3A_130 = arith.constant 0 : i32
      %ne3A_131 = arith.cmpi ne, %rem3A, %ne3A_130 : i32
      %and3A = arith.andi %ne3A, %ne3A_131 : i1
      %sub3A = arith.constant 1 : i32
      %sub3A_132 = arith.subi %div3A, %sub3A : i32
      %select_n3A = arith.select %and3A, %sub3A_132, %div3A : i32
      "tpu.region"() ({
        %run_scoped3A = tpu.sem_alloc : memref<!tpu.dma_semaphore, #tpu.memory_space<semaphore_mem>>
        %dma_start3A = arith.constant 0 : i32
        %dma_start3A_245 = tpu.memref_slice %arg3[%select_n3A, %dma_start3A] : memref<4000x80xi32, #tpu.memory_space<hbm>> -> memref<2x80xi32, #tpu.memory_space<hbm>>
        %dma_start3A_246 = arith.constant 0 : i32
        %dma_start3A_247 = tpu.memref_slice %arg3[%select_n3A, %dma_start3A_246] : memref<4000x80xi32, #tpu.memory_space<hbm>> -> memref<2x80xi32, #tpu.memory_space<hbm>>
        tpu.enqueue_dma source(%dma_start3A_247 : memref<2x80xi32, #tpu.memory_space<hbm>>) target(%arg11 : memref<2x80xi32, #tpu.memory_space<vmem>>) target_semaphore(%run_scoped3A : memref<!tpu.dma_semaphore, #tpu.memory_space<semaphore_mem>>)
        %dma_wait3A = arith.constant 0 : i32
        %dma_wait3A_248 = tpu.memref_slice %arg3[%select_n3A, %dma_wait3A] : memref<4000x80xi32, #tpu.memory_space<hbm>> -> memref<2x80xi32, #tpu.memory_space<hbm>>
        %dma_wait3A_249 = arith.constant 0 : i32
        %dma_wait3A_250 = tpu.memref_slice %arg3[%select_n3A, %dma_wait3A_249] : memref<4000x80xi32, #tpu.memory_space<hbm>> -> memref<2x80xi32, #tpu.memory_space<hbm>>
        tpu.wait_dma2 semaphore(%run_scoped3A : memref<!tpu.dma_semaphore, #tpu.memory_space<semaphore_mem>>) src(%dma_wait3A_250 : memref<2x80xi32, #tpu.memory_space<hbm>>) dst(%arg11 : memref<2x80xi32, #tpu.memory_space<vmem>>)
        tpu.yield
      }) : () -> ()
      %mul3A_133 = arith.constant 4 : i32
      %mul3A_134 = arith.muli %add3A_116, %mul3A_133 : i32
      "tpu.region"() ({
        %run_scoped3A = tpu.sem_alloc : memref<!tpu.dma_semaphore, #tpu.memory_space<semaphore_mem>>
        %dma_start3A = tpu.memref_slice %arg5[%mul3A_134] : memref<1280000xf32, #tpu.memory_space<hbm>> -> memref<640xf32, #tpu.memory_space<hbm>>
        %dma_start3A_245 = tpu.memref_slice %arg5[%mul3A_134] : memref<1280000xf32, #tpu.memory_space<hbm>> -> memref<640xf32, #tpu.memory_space<hbm>>
        tpu.enqueue_dma source(%dma_start3A_245 : memref<640xf32, #tpu.memory_space<hbm>>) target(%arg13 : memref<640xf32, #tpu.memory_space<vmem>>) target_semaphore(%run_scoped3A : memref<!tpu.dma_semaphore, #tpu.memory_space<semaphore_mem>>)
        %dma_wait3A = tpu.memref_slice %arg5[%mul3A_134] : memref<1280000xf32, #tpu.memory_space<hbm>> -> memref<640xf32, #tpu.memory_space<hbm>>
        %dma_wait3A_246 = tpu.memref_slice %arg5[%mul3A_134] : memref<1280000xf32, #tpu.memory_space<hbm>> -> memref<640xf32, #tpu.memory_space<hbm>>
        tpu.wait_dma2 semaphore(%run_scoped3A : memref<!tpu.dma_semaphore, #tpu.memory_space<semaphore_mem>>) src(%dma_wait3A_246 : memref<640xf32, #tpu.memory_space<hbm>>) dst(%arg13 : memref<640xf32, #tpu.memory_space<vmem>>)
        tpu.yield
      }) : () -> ()
      %get3A = arith.constant 0 : index
      %get3A_135 = tpu.vector_load %arg10[%get3A] {strides = array<i32>} : memref<160xi32, #tpu.memory_space<vmem>>, vector<16xi32>,
      %mul3A_136 = arith.constant 4 : i32
      %mul3A_137 = vector.broadcast %mul3A_136 : i32 to vector<16xi32>
      %mul3A_138 = arith.muli %get3A_135, %mul3A_137 : vector<16xi32>
      %add3A_139 = vector.broadcast %add3A_1 : i32 to vector<16xi32>
      %add3A_140 = arith.addi %mul3A_138, %add3A_139 : vector<16xi32>
      %swap3A = arith.constant 0 : index
      %swap3A_141 = tpu.vector_load %arg12[%swap3A] {strides = array<i32>} : memref<160xi32, #tpu.memory_space<vmem>>, vector<16xi32>,
      tpu.vector_store %arg12[%swap3A], %add3A_140 {strides = array<i32>} : memref<160xi32, #tpu.memory_space<vmem>>, vector<16xi32>,
      %get3A_142 = arith.constant 16 : index
      %get3A_143 = tpu.vector_load %arg10[%get3A_142] {strides = array<i32>} : memref<160xi32, #tpu.memory_space<vmem>>, vector<16xi32>,
      %mul3A_144 = arith.constant 4 : i32
      %mul3A_145 = vector.broadcast %mul3A_144 : i32 to vector<16xi32>
      %mul3A_146 = arith.muli %get3A_143, %mul3A_145 : vector<16xi32>
      %add3A_147 = vector.broadcast %add3A_1 : i32 to vector<16xi32>
      %add3A_148 = arith.addi %mul3A_146, %add3A_147 : vector<16xi32>
      %swap3A_149 = arith.constant 16 : index
      %swap3A_150 = tpu.vector_load %arg12[%swap3A_149] {strides = array<i32>} : memref<160xi32, #tpu.memory_space<vmem>>, vector<16xi32>,
      tpu.vector_store %arg12[%swap3A_149], %add3A_148 {strides = array<i32>} : memref<160xi32, #tpu.memory_space<vmem>>, vector<16xi32>,
      %get3A_151 = arith.constant 32 : index
      %get3A_152 = tpu.vector_load %arg10[%get3A_151] {strides = array<i32>} : memref<160xi32, #tpu.memory_space<vmem>>, vector<16xi32>,
      %mul3A_153 = arith.constant 4 : i32
      %mul3A_154 = vector.broadcast %mul3A_153 : i32 to vector<16xi32>
      %mul3A_155 = arith.muli %get3A_152, %mul3A_154 : vector<16xi32>
      %add3A_156 = vector.broadcast %add3A_1 : i32 to vector<16xi32>
      %add3A_157 = arith.addi %mul3A_155, %add3A_156 : vector<16xi32>
      %swap3A_158 = arith.constant 32 : index
      %swap3A_159 = tpu.vector_load %arg12[%swap3A_158] {strides = array<i32>} : memref<160xi32, #tpu.memory_space<vmem>>, vector<16xi32>,
      tpu.vector_store %arg12[%swap3A_158], %add3A_157 {strides = array<i32>} : memref<160xi32, #tpu.memory_space<vmem>>, vector<16xi32>,
      %get3A_160 = arith.constant 48 : index
      %get3A_161 = tpu.vector_load %arg10[%get3A_160] {strides = array<i32>} : memref<160xi32, #tpu.memory_space<vmem>>, vector<16xi32>,
      %mul3A_162 = arith.constant 4 : i32
      %mul3A_163 = vector.broadcast %mul3A_162 : i32 to vector<16xi32>
      %mul3A_164 = arith.muli %get3A_161, %mul3A_163 : vector<16xi32>
      %add3A_165 = vector.broadcast %add3A_1 : i32 to vector<16xi32>
      %add3A_166 = arith.addi %mul3A_164, %add3A_165 : vector<16xi32>
      %swap3A_167 = arith.constant 48 : index
      %swap3A_168 = tpu.vector_load %arg12[%swap3A_167] {strides = array<i32>} : memref<160xi32, #tpu.memory_space<vmem>>, vector<16xi32>,
      tpu.vector_store %arg12[%swap3A_167], %add3A_166 {strides = array<i32>} : memref<160xi32, #tpu.memory_space<vmem>>, vector<16xi32>,
      %get3A_169 = arith.constant 64 : index
      %get3A_170 = tpu.vector_load %arg10[%get3A_169] {strides = array<i32>} : memref<160xi32, #tpu.memory_space<vmem>>, vector<16xi32>,
      %mul3A_171 = arith.constant 4 : i32
      %mul3A_172 = vector.broadcast %mul3A_171 : i32 to vector<16xi32>
      %mul3A_173 = arith.muli %get3A_170, %mul3A_172 : vector<16xi32>
      %add3A_174 = vector.broadcast %add3A_1 : i32 to vector<16xi32>
      %add3A_175 = arith.addi %mul3A_173, %add3A_174 : vector<16xi32>
      %swap3A_176 = arith.constant 64 : index
      %swap3A_177 = tpu.vector_load %arg12[%swap3A_176] {strides = array<i32>} : memref<160xi32, #tpu.memory_space<vmem>>, vector<16xi32>,
      tpu.vector_store %arg12[%swap3A_176], %add3A_175 {strides = array<i32>} : memref<160xi32, #tpu.memory_space<vmem>>, vector<16xi32>,
      %get3A_178 = arith.constant 80 : index
      %get3A_179 = tpu.vector_load %arg10[%get3A_178] {strides = array<i32>} : memref<160xi32, #tpu.memory_space<vmem>>, vector<16xi32>,
      %mul3A_180 = arith.constant 4 : i32
      %mul3A_181 = vector.broadcast %mul3A_180 : i32 to vector<16xi32>
      %mul3A_182 = arith.muli %get3A_179, %mul3A_181 : vector<16xi32>
      %add3A_183 = vector.broadcast %add3A_1 : i32 to vector<16xi32>
      %add3A_184 = arith.addi %mul3A_182, %add3A_183 : vector<16xi32>
      %swap3A_185 = arith.constant 80 : index
      %swap3A_186 = tpu.vector_load %arg12[%swap3A_185] {strides = array<i32>} : memref<160xi32, #tpu.memory_space<vmem>>, vector<16xi32>,
      tpu.vector_store %arg12[%swap3A_185], %add3A_184 {strides = array<i32>} : memref<160xi32, #tpu.memory_space<vmem>>, vector<16xi32>,
      %get3A_187 = arith.constant 96 : index
      %get3A_188 = tpu.vector_load %arg10[%get3A_187] {strides = array<i32>} : memref<160xi32, #tpu.memory_space<vmem>>, vector<16xi32>,
      %mul3A_189 = arith.constant 4 : i32
      %mul3A_190 = vector.broadcast %mul3A_189 : i32 to vector<16xi32>
      %mul3A_191 = arith.muli %get3A_188, %mul3A_190 : vector<16xi32>
      %add3A_192 = vector.broadcast %add3A_1 : i32 to vector<16xi32>
      %add3A_193 = arith.addi %mul3A_191, %add3A_192 : vector<16xi32>
      %swap3A_194 = arith.constant 96 : index
      %swap3A_195 = tpu.vector_load %arg12[%swap3A_194] {strides = array<i32>} : memref<160xi32, #tpu.memory_space<vmem>>, vector<16xi32>,
      tpu.vector_store %arg12[%swap3A_194], %add3A_193 {strides = array<i32>} : memref<160xi32, #tpu.memory_space<vmem>>, vector<16xi32>,
      %get3A_196 = arith.constant 112 : index
      %get3A_197 = tpu.vector_load %arg10[%get3A_196] {strides = array<i32>} : memref<160xi32, #tpu.memory_space<vmem>>, vector<16xi32>,
      %mul3A_198 = arith.constant 4 : i32
      %mul3A_199 = vector.broadcast %mul3A_198 : i32 to vector<16xi32>
      %mul3A_200 = arith.muli %get3A_197, %mul3A_199 : vector<16xi32>
      %add3A_201 = vector.broadcast %add3A_1 : i32 to vector<16xi32>
      %add3A_202 = arith.addi %mul3A_200, %add3A_201 : vector<16xi32>
      %swap3A_203 = arith.constant 112 : index
      %swap3A_204 = tpu.vector_load %arg12[%swap3A_203] {strides = array<i32>} : memref<160xi32, #tpu.memory_space<vmem>>, vector<16xi32>,
      tpu.vector_store %arg12[%swap3A_203], %add3A_202 {strides = array<i32>} : memref<160xi32, #tpu.memory_space<vmem>>, vector<16xi32>,
      %get3A_205 = arith.constant 128 : index
      %get3A_206 = tpu.vector_load %arg10[%get3A_205] {strides = array<i32>} : memref<160xi32, #tpu.memory_space<vmem>>, vector<16xi32>,
      %mul3A_207 = arith.constant 4 : i32
      %mul3A_208 = vector.broadcast %mul3A_207 : i32 to vector<16xi32>
      %mul3A_209 = arith.muli %get3A_206, %mul3A_208 : vector<16xi32>
      %add3A_210 = vector.broadcast %add3A_1 : i32 to vector<16xi32>
      %add3A_211 = arith.addi %mul3A_209, %add3A_210 : vector<16xi32>
      %swap3A_212 = arith.constant 128 : index
      %swap3A_213 = tpu.vector_load %arg12[%swap3A_212] {strides = array<i32>} : memref<160xi32, #tpu.memory_space<vmem>>, vector<16xi32>,
      tpu.vector_store %arg12[%swap3A_212], %add3A_211 {strides = array<i32>} : memref<160xi32, #tpu.memory_space<vmem>>, vector<16xi32>,
      %get3A_214 = arith.constant 144 : index
      %get3A_215 = tpu.vector_load %arg10[%get3A_214] {strides = array<i32>} : memref<160xi32, #tpu.memory_space<vmem>>, vector<16xi32>,
      %mul3A_216 = arith.constant 4 : i32
      %mul3A_217 = vector.broadcast %mul3A_216 : i32 to vector<16xi32>
      %mul3A_218 = arith.muli %get3A_215, %mul3A_217 : vector<16xi32>
      %add3A_219 = vector.broadcast %add3A_1 : i32 to vector<16xi32>
      %add3A_220 = arith.addi %mul3A_218, %add3A_219 : vector<16xi32>
      %swap3A_221 = arith.constant 144 : index
      %swap3A_222 = tpu.vector_load %arg12[%swap3A_221] {strides = array<i32>} : memref<160xi32, #tpu.memory_space<vmem>>, vector<16xi32>,
      tpu.vector_store %arg12[%swap3A_221], %add3A_220 {strides = array<i32>} : memref<160xi32, #tpu.memory_space<vmem>>, vector<16xi32>,
      %scan3A_223 = arith.constant 0 : i32
      %scan3A_224 = arith.constant 0 : i32
      %scan3A_225 = arith.constant 2 : i32
      %scan3A_226 = arith.addi %scan3A_224, %scan3A_225 : i32
      %scan3A_227 = arith.constant 1 : i32
      %scan3A_228 = scf.for %scan3A_245 = %scan3A_224 to %scan3A_226 step %scan3A_227 iter_args(%scan3A_246 = %scan3A_223) -> (i32)  : i32 {
        %mul3A_247 = arith.constant 80 : i32
        %mul3A_248 = arith.muli %scan3A_245, %mul3A_247 : i32
        %mul3A_249 = arith.constant 80 : i32
        %mul3A_250 = arith.muli %scan3A_245, %mul3A_249 : i32
        %dma_start3A = arith.constant 0 : i32
        %dma_start3A_251 = tpu.memref_slice %arg8[%mul3A_250, %dma_start3A] : memref<160x144xf32, #tpu.memory_space<vmem>> -> memref<80x144xf32, #tpu.memory_space<vmem>>
        %dma_start3A_252 = tpu.memref_slice %arg12[%mul3A_248] : memref<160xi32, #tpu.memory_space<vmem>> -> memref<80xi32, #tpu.memory_space<vmem>>
        %dma_start3A_253 = arith.constant 0 : i32
        %dma_start3A_254 = arith.constant 0 : i32
        %dma_start3A_255 = tpu.memref_slice %arg4[%dma_start3A_253, %dma_start3A_254] : memref<40000x144xf32, #tpu.memory_space<hbm>> -> memref<40000x144xf32, #tpu.memory_space<hbm>>
        tpu.enqueue_indirect_dma source(%dma_start3A_255 : memref<40000x144xf32, #tpu.memory_space<hbm>>) target(%dma_start3A_251 : memref<80x144xf32, #tpu.memory_space<vmem>>) offsets(%dma_start3A_252 : memref<80xi32, #tpu.memory_space<vmem>>) semaphore(%arg14 : memref<!tpu.dma_semaphore, #tpu.memory_space<semaphore_mem>>)
        %scan3A_256 = arith.constant 0 : i32
        scf.yield %scan3A_256 : i32
      }
      %scan3A_229 = arith.constant 2 : i32
      %scan3A_230 = arith.constant 0 : i32
      %scan3A_231 = arith.constant 0 : i32
      %scan3A_232 = arith.constant 2 : i32
      %scan3A_233 = arith.addi %scan3A_231, %scan3A_232 : i32
      %scan3A_234 = arith.constant 1 : i32
      %scan3A_235 = scf.for %scan3A_245 = %scan3A_231 to %scan3A_233 step %scan3A_234 iter_args(%scan3A_246 = %scan3A_230) -> (i32)  : i32 {
        %mul3A_247 = arith.constant 80 : i32
        %mul3A_248 = arith.muli %scan3A_245, %mul3A_247 : i32
        %mul3A_249 = arith.constant 80 : i32
        %mul3A_250 = arith.muli %scan3A_245, %mul3A_249 : i32
        %dma_wait3A = arith.constant 0 : i32
        %dma_wait3A_251 = tpu.memref_slice %arg8[%mul3A_250, %dma_wait3A] : memref<160x144xf32, #tpu.memory_space<vmem>> -> memref<80x144xf32, #tpu.memory_space<vmem>>
        %dma_wait3A_252 = tpu.memref_slice %arg12[%mul3A_248] : memref<160xi32, #tpu.memory_space<vmem>> -> memref<80xi32, #tpu.memory_space<vmem>>
        %dma_wait3A_253 = arith.constant 0 : i32
        %dma_wait3A_254 = arith.constant 0 : i32
        %dma_wait3A_255 = tpu.memref_slice %arg4[%dma_wait3A_253, %dma_wait3A_254] : memref<40000x144xf32, #tpu.memory_space<hbm>> -> memref<40000x144xf32, #tpu.memory_space<hbm>>
        tpu.wait_indirect_dma semaphore(%arg14 : memref<!tpu.dma_semaphore, #tpu.memory_space<semaphore_mem>>) src(%dma_wait3A_255 : memref<40000x144xf32, #tpu.memory_space<hbm>>) dst(%dma_wait3A_251 : memref<80x144xf32, #tpu.memory_space<vmem>>)
        %scan3A_256 = arith.constant 0 : i32
        scf.yield %scan3A_256 : i32
      }
      %scan3A_236 = arith.constant 2 : i32
      %scan3A_237 = arith.constant 0 : i32
      %scan3A_238 = arith.constant 0 : i32
      %scan3A_239 = arith.constant 2 : i32
      %scan3A_240 = arith.addi %scan3A_238, %scan3A_239 : i32
      %scan3A_241 = arith.constant 1 : i32
      %scan3A_242 = scf.for %scan3A_245 = %scan3A_238 to %scan3A_240 step %scan3A_241 iter_args(%scan3A_246 = %scan3A_237) -> (i32)  : i32 {
        %scan3A_247 = arith.constant 0 : i32
        %scan3A_248 = arith.constant 0 : i32
        %scan3A_249 = arith.constant 80 : i32
        %scan3A_250 = arith.addi %scan3A_248, %scan3A_249 : i32
        %scan3A_251 = arith.constant 1 : i32
        %scan3A_252 = scf.for %scan3A_255 = %scan3A_248 to %scan3A_250 step %scan3A_251 iter_args(%scan3A_256 = %scan3A_247) -> (i32)  : i32 {
          %mul3A_257 = arith.constant 80 : i32
          %mul3A_258 = arith.muli %scan3A_245, %mul3A_257 : i32
          %add3A_259 = arith.addi %mul3A_258, %scan3A_255 : i32
          %mul3A_260 = arith.constant 4 : i32
          %mul3A_261 = arith.muli %add3A_259, %mul3A_260 : i32
          %add3A_262 = arith.addi %mul3A_261, %add3A_1 : i32
          %broadcast_in_dim3A = vector.broadcast %add3A_262 : i32 to vector<16xi32>
          %gather3A = tpu.vector_load_idx %arg13[%broadcast_in_dim3A] : memref<640xf32, #tpu.memory_space<vmem>>[vector<16xi32>], vector<16xf32>,
          %mul3A_263 = arith.constant 80 : i32
          %mul3A_264 = arith.muli %scan3A_245, %mul3A_263 : i32
          %add3A_265 = arith.addi %mul3A_264, %scan3A_255 : i32
          %get3A_266 = arith.index_cast %add3A_265 : i32 to index
          %get3A_267 = arith.constant 0 : index
          %get3A_268 = tpu.vector_load %arg8[%get3A_266, %get3A_267] {strides = array<i32>} : memref<160x144xf32, #tpu.memory_space<vmem>>, vector<16xf32>,
          %mul3A_269 = arith.mulf %get3A_268, %gather3A : vector<16xf32>
          %swap3A_270 = arith.index_cast %scan3A_255 : i32 to index
          %swap3A_271 = arith.constant 0 : index
          %swap3A_272 = tpu.vector_load %arg9[%swap3A_270, %swap3A_271] {strides = array<i32>} : memref<80x144xf32, #tpu.memory_space<vmem>>, vector<16xf32>,
          tpu.vector_store %arg9[%swap3A_270, %swap3A_271], %mul3A_269 {strides = array<i32>} : memref<80x144xf32, #tpu.memory_space<vmem>>, vector<16xf32>,
          %mul3A_273 = arith.constant 80 : i32
          %mul3A_274 = arith.muli %scan3A_245, %mul3A_273 : i32
          %add3A_275 = arith.addi %mul3A_274, %scan3A_255 : i32
          %get3A_276 = arith.index_cast %add3A_275 : i32 to index
          %get3A_277 = arith.constant 16 : index
          %get3A_278 = tpu.vector_load %arg8[%get3A_276, %get3A_277] {strides = array<i32>} : memref<160x144xf32, #tpu.memory_space<vmem>>, vector<16xf32>,
          %mul3A_279 = arith.mulf %get3A_278, %gather3A : vector<16xf32>
          %swap3A_280 = arith.index_cast %scan3A_255 : i32 to index
          %swap3A_281 = arith.constant 16 : index
          %swap3A_282 = tpu.vector_load %arg9[%swap3A_280, %swap3A_281] {strides = array<i32>} : memref<80x144xf32, #tpu.memory_space<vmem>>, vector<16xf32>,
          tpu.vector_store %arg9[%swap3A_280, %swap3A_281], %mul3A_279 {strides = array<i32>} : memref<80x144xf32, #tpu.memory_space<vmem>>, vector<16xf32>,
          %mul3A_283 = arith.constant 80 : i32
          %mul3A_284 = arith.muli %scan3A_245, %mul3A_283 : i32
          %add3A_285 = arith.addi %mul3A_284, %scan3A_255 : i32
          %get3A_286 = arith.index_cast %add3A_285 : i32 to index
          %get3A_287 = arith.constant 32 : index
          %get3A_288 = tpu.vector_load %arg8[%get3A_286, %get3A_287] {strides = array<i32>} : memref<160x144xf32, #tpu.memory_space<vmem>>, vector<16xf32>,
          %mul3A_289 = arith.mulf %get3A_288, %gather3A : vector<16xf32>
          %swap3A_290 = arith.index_cast %scan3A_255 : i32 to index
          %swap3A_291 = arith.constant 32 : index
          %swap3A_292 = tpu.vector_load %arg9[%swap3A_290, %swap3A_291] {strides = array<i32>} : memref<80x144xf32, #tpu.memory_space<vmem>>, vector<16xf32>,
          tpu.vector_store %arg9[%swap3A_290, %swap3A_291], %mul3A_289 {strides = array<i32>} : memref<80x144xf32, #tpu.memory_space<vmem>>, vector<16xf32>,
          %mul3A_293 = arith.constant 80 : i32
          %mul3A_294 = arith.muli %scan3A_245, %mul3A_293 : i32
          %add3A_295 = arith.addi %mul3A_294, %scan3A_255 : i32
          %get3A_296 = arith.index_cast %add3A_295 : i32 to index
          %get3A_297 = arith.constant 48 : index
          %get3A_298 = tpu.vector_load %arg8[%get3A_296, %get3A_297] {strides = array<i32>} : memref<160x144xf32, #tpu.memory_space<vmem>>, vector<16xf32>,
          %mul3A_299 = arith.mulf %get3A_298, %gather3A : vector<16xf32>
          %swap3A_300 = arith.index_cast %scan3A_255 : i32 to index
          %swap3A_301 = arith.constant 48 : index
          %swap3A_302 = tpu.vector_load %arg9[%swap3A_300, %swap3A_301] {strides = array<i32>} : memref<80x144xf32, #tpu.memory_space<vmem>>, vector<16xf32>,
          tpu.vector_store %arg9[%swap3A_300, %swap3A_301], %mul3A_299 {strides = array<i32>} : memref<80x144xf32, #tpu.memory_space<vmem>>, vector<16xf32>,
          %mul3A_303 = arith.constant 80 : i32
          %mul3A_304 = arith.muli %scan3A_245, %mul3A_303 : i32
          %add3A_305 = arith.addi %mul3A_304, %scan3A_255 : i32
          %get3A_306 = arith.index_cast %add3A_305 : i32 to index
          %get3A_307 = arith.constant 64 : index
          %get3A_308 = tpu.vector_load %arg8[%get3A_306, %get3A_307] {strides = array<i32>} : memref<160x144xf32, #tpu.memory_space<vmem>>, vector<16xf32>,
          %mul3A_309 = arith.mulf %get3A_308, %gather3A : vector<16xf32>
          %swap3A_310 = arith.index_cast %scan3A_255 : i32 to index
          %swap3A_311 = arith.constant 64 : index
          %swap3A_312 = tpu.vector_load %arg9[%swap3A_310, %swap3A_311] {strides = array<i32>} : memref<80x144xf32, #tpu.memory_space<vmem>>, vector<16xf32>,
          tpu.vector_store %arg9[%swap3A_310, %swap3A_311], %mul3A_309 {strides = array<i32>} : memref<80x144xf32, #tpu.memory_space<vmem>>, vector<16xf32>,
          %mul3A_313 = arith.constant 80 : i32
          %mul3A_314 = arith.muli %scan3A_245, %mul3A_313 : i32
          %add3A_315 = arith.addi %mul3A_314, %scan3A_255 : i32
          %get3A_316 = arith.index_cast %add3A_315 : i32 to index
          %get3A_317 = arith.constant 80 : index
          %get3A_318 = tpu.vector_load %arg8[%get3A_316, %get3A_317] {strides = array<i32>} : memref<160x144xf32, #tpu.memory_space<vmem>>, vector<16xf32>,
          %mul3A_319 = arith.mulf %get3A_318, %gather3A : vector<16xf32>
          %swap3A_320 = arith.index_cast %scan3A_255 : i32 to index
          %swap3A_321 = arith.constant 80 : index
          %swap3A_322 = tpu.vector_load %arg9[%swap3A_320, %swap3A_321] {strides = array<i32>} : memref<80x144xf32, #tpu.memory_space<vmem>>, vector<16xf32>,
          tpu.vector_store %arg9[%swap3A_320, %swap3A_321], %mul3A_319 {strides = array<i32>} : memref<80x144xf32, #tpu.memory_space<vmem>>, vector<16xf32>,
          %mul3A_323 = arith.constant 80 : i32
          %mul3A_324 = arith.muli %scan3A_245, %mul3A_323 : i32
          %add3A_325 = arith.addi %mul3A_324, %scan3A_255 : i32
          %get3A_326 = arith.index_cast %add3A_325 : i32 to index
          %get3A_327 = arith.constant 96 : index
          %get3A_328 = tpu.vector_load %arg8[%get3A_326, %get3A_327] {strides = array<i32>} : memref<160x144xf32, #tpu.memory_space<vmem>>, vector<16xf32>,
          %mul3A_329 = arith.mulf %get3A_328, %gather3A : vector<16xf32>
          %swap3A_330 = arith.index_cast %scan3A_255 : i32 to index
          %swap3A_331 = arith.constant 96 : index
          %swap3A_332 = tpu.vector_load %arg9[%swap3A_330, %swap3A_331] {strides = array<i32>} : memref<80x144xf32, #tpu.memory_space<vmem>>, vector<16xf32>,
          tpu.vector_store %arg9[%swap3A_330, %swap3A_331], %mul3A_329 {strides = array<i32>} : memref<80x144xf32, #tpu.memory_space<vmem>>, vector<16xf32>,
          %mul3A_333 = arith.constant 80 : i32
          %mul3A_334 = arith.muli %scan3A_245, %mul3A_333 : i32
          %add3A_335 = arith.addi %mul3A_334, %scan3A_255 : i32
          %get3A_336 = arith.index_cast %add3A_335 : i32 to index
          %get3A_337 = arith.constant 112 : index
          %get3A_338 = tpu.vector_load %arg8[%get3A_336, %get3A_337] {strides = array<i32>} : memref<160x144xf32, #tpu.memory_space<vmem>>, vector<16xf32>,
          %mul3A_339 = arith.mulf %get3A_338, %gather3A : vector<16xf32>
          %swap3A_340 = arith.index_cast %scan3A_255 : i32 to index
          %swap3A_341 = arith.constant 112 : index
          %swap3A_342 = tpu.vector_load %arg9[%swap3A_340, %swap3A_341] {strides = array<i32>} : memref<80x144xf32, #tpu.memory_space<vmem>>, vector<16xf32>,
          tpu.vector_store %arg9[%swap3A_340, %swap3A_341], %mul3A_339 {strides = array<i32>} : memref<80x144xf32, #tpu.memory_space<vmem>>, vector<16xf32>,
          %mul3A_343 = arith.constant 80 : i32
          %mul3A_344 = arith.muli %scan3A_245, %mul3A_343 : i32
          %add3A_345 = arith.addi %mul3A_344, %scan3A_255 : i32
          %get3A_346 = arith.index_cast %add3A_345 : i32 to index
          %get3A_347 = arith.constant 128 : index
          %get3A_348 = tpu.vector_load %arg8[%get3A_346, %get3A_347] {strides = array<i32>} : memref<160x144xf32, #tpu.memory_space<vmem>>, vector<16xf32>,
          %mul3A_349 = arith.mulf %get3A_348, %gather3A : vector<16xf32>
          %swap3A_350 = arith.index_cast %scan3A_255 : i32 to index
          %swap3A_351 = arith.constant 128 : index
          %swap3A_352 = tpu.vector_load %arg9[%swap3A_350, %swap3A_351] {strides = array<i32>} : memref<80x144xf32, #tpu.memory_space<vmem>>, vector<16xf32>,
          tpu.vector_store %arg9[%swap3A_350, %swap3A_351], %mul3A_349 {strides = array<i32>} : memref<80x144xf32, #tpu.memory_space<vmem>>, vector<16xf32>,
          %scan3A_353 = arith.constant 0 : i32
          scf.yield %scan3A_353 : i32
        }
        %scan3A_253 = arith.constant 80 : i32
        "tpu.region"() ({
          %run_scoped3A = tpu.sem_alloc : memref<!tpu.dma_semaphore, #tpu.memory_space<semaphore_mem>>
          %dma_start3A = arith.constant 0 : i32
          %dma_start3A_255 = tpu.memref_slice %arg11[%scan3A_245, %dma_start3A] : memref<2x80xi32, #tpu.memory_space<vmem>> -> memref<1x80xi32, #tpu.memory_space<vmem>>
          %dma_start3A_256 = tpu.memref_squeeze %dma_start3A_255 : memref<1x80xi32, #tpu.memory_space<vmem>> -> memref<80xi32, #tpu.memory_space<vmem>>
          %dma_start3A_257 = arith.constant 0 : i32
          %dma_start3A_258 = arith.constant 0 : i32
          %dma_start3A_259 = tpu.memref_slice %arg7[%dma_start3A_257, %dma_start3A_258] : memref<10000x144xf32, #tpu.memory_space<vmem_shared>> -> memref<10000x144xf32, #tpu.memory_space<vmem_shared>>
          tpu.enqueue_indirect_dma source(%arg9 : memref<80x144xf32, #tpu.memory_space<vmem>>) target(%dma_start3A_259 : memref<10000x144xf32, #tpu.memory_space<vmem_shared>>) offsets(%dma_start3A_256 : memref<80xi32, #tpu.memory_space<vmem>>) semaphore(%run_scoped3A : memref<!tpu.dma_semaphore, #tpu.memory_space<semaphore_mem>>) {add = true}
          %dma_wait3A = arith.constant 0 : i32
          %dma_wait3A_260 = tpu.memref_slice %arg11[%scan3A_245, %dma_wait3A] : memref<2x80xi32, #tpu.memory_space<vmem>> -> memref<1x80xi32, #tpu.memory_space<vmem>>
          %dma_wait3A_261 = tpu.memref_squeeze %dma_wait3A_260 : memref<1x80xi32, #tpu.memory_space<vmem>> -> memref<80xi32, #tpu.memory_space<vmem>>
          %dma_wait3A_262 = arith.constant 0 : i32
          %dma_wait3A_263 = arith.constant 0 : i32
          %dma_wait3A_264 = tpu.memref_slice %arg7[%dma_wait3A_262, %dma_wait3A_263] : memref<10000x144xf32, #tpu.memory_space<vmem_shared>> -> memref<10000x144xf32, #tpu.memory_space<vmem_shared>>
          tpu.wait_indirect_dma semaphore(%run_scoped3A : memref<!tpu.dma_semaphore, #tpu.memory_space<semaphore_mem>>) src(%arg9 : memref<80x144xf32, #tpu.memory_space<vmem>>) dst(%dma_wait3A_264 : memref<10000x144xf32, #tpu.memory_space<vmem_shared>>)
          tpu.yield
        }) : () -> ()
        %scan3A_254 = arith.constant 0 : i32
        scf.yield %scan3A_254 : i32
      }
      %scan3A_243 = arith.constant 2 : i32
      %scan3A_244 = arith.constant 0 : i32
      scf.yield %scan3A_244 : i32
    }
    %scan3A_46 = arith.constant 125 : i32
    %barrier3A_47 = arith.constant 0 : index
    tpu.barrier barrier_id(%barrier3A_47)
    %mul3A_48 = arith.constant 625 : i32
    %mul3A_49 = arith.muli %arg1, %mul3A_48 : i32
    %mul3A_50 = arith.constant 625 : i32
    %mul3A_51 = arith.muli %arg1, %mul3A_50 : i32
    "tpu.region"() ({
      %run_scoped3A = tpu.sem_alloc : memref<!tpu.dma_semaphore, #tpu.memory_space<semaphore_mem>>
      %dma_start3A = arith.constant 0 : i32
      %dma_start3A_110 = tpu.memref_slice %arg6[%mul3A_51, %add3A_1, %dma_start3A] : memref<10000x4x144xf32, #tpu.memory_space<hbm>> -> memref<625x1x144xf32, #tpu.memory_space<hbm>>
      %dma_start3A_111 = tpu.memref_squeeze %dma_start3A_110 : memref<625x1x144xf32, #tpu.memory_space<hbm>> -> memref<625x144xf32, #tpu.memory_space<hbm>>
      %dma_start3A_112 = arith.constant 0 : i32
      %dma_start3A_113 = tpu.memref_slice %arg7[%mul3A_49, %dma_start3A_112] : memref<10000x144xf32, #tpu.memory_space<vmem_shared>> -> memref<625x144xf32, #tpu.memory_space<vmem_shared>>
      tpu.enqueue_dma source(%dma_start3A_113 : memref<625x144xf32, #tpu.memory_space<vmem_shared>>) target(%dma_start3A_111 : memref<625x144xf32, #tpu.memory_space<hbm>>) target_semaphore(%run_scoped3A : memref<!tpu.dma_semaphore, #tpu.memory_space<semaphore_mem>>)
      %dma_wait3A = arith.constant 0 : i32
      %dma_wait3A_114 = tpu.memref_slice %arg6[%mul3A_51, %add3A_1, %dma_wait3A] : memref<10000x4x144xf32, #tpu.memory_space<hbm>> -> memref<625x1x144xf32, #tpu.memory_space<hbm>>
      %dma_wait3A_115 = tpu.memref_squeeze %dma_wait3A_114 : memref<625x1x144xf32, #tpu.memory_space<hbm>> -> memref<625x144xf32, #tpu.memory_space<hbm>>
      %dma_wait3A_116 = arith.constant 0 : i32
      %dma_wait3A_117 = tpu.memref_slice %arg7[%mul3A_49, %dma_wait3A_116] : memref<10000x144xf32, #tpu.memory_space<vmem_shared>> -> memref<625x144xf32, #tpu.memory_space<vmem_shared>>
      tpu.wait_dma2 semaphore(%run_scoped3A : memref<!tpu.dma_semaphore, #tpu.memory_space<semaphore_mem>>) src(%dma_wait3A_117 : memref<625x144xf32, #tpu.memory_space<vmem_shared>>) dst(%dma_wait3A_115 : memref<625x144xf32, #tpu.memory_space<hbm>>)
      tpu.yield
    }) : () -> ()
    %barrier3A_52 = arith.constant 0 : index
    tpu.barrier barrier_id(%barrier3A_52)
    %mul3A_53 = arith.constant 2 : i32
    %mul3A_54 = arith.muli %arg0, %mul3A_53 : i32
    %add3A_55 = arith.constant 1 : i32
    %add3A_56 = arith.addi %mul3A_54, %add3A_55 : i32
    %scan3A_57 = arith.constant 0 : i32
    %scan3A_58 = arith.constant 0 : i32
    %scan3A_59 = arith.constant 80 : i32
    %scan3A_60 = arith.addi %scan3A_58, %scan3A_59 : i32
    %scan3A_61 = arith.constant 1 : i32
    %scan3A_62 = scf.for %scan3A_110 = %scan3A_58 to %scan3A_60 step %scan3A_61 iter_args(%scan3A_111 = %scan3A_57) -> (i32)  : i32 {
      %broadcast_in_dim3A = arith.constant 0.000000e+00 : f32
      %broadcast_in_dim3A_112 = vector.broadcast %broadcast_in_dim3A : f32 to vector<16xf32>
      %swap3A = arith.index_cast %scan3A_110 : i32 to index
      %swap3A_113 = arith.constant 0 : index
      %swap3A_114 = tpu.vector_load %arg9[%swap3A, %swap3A_113] {strides = array<i32>} : memref<80x144xf32, #tpu.memory_space<vmem>>, vector<16xf32>,
      tpu.vector_store %arg9[%swap3A, %swap3A_113], %broadcast_in_dim3A_112 {strides = array<i32>} : memref<80x144xf32, #tpu.memory_space<vmem>>, vector<16xf32>,
      %broadcast_in_dim3A_115 = arith.constant 0.000000e+00 : f32
      %broadcast_in_dim3A_116 = vector.broadcast %broadcast_in_dim3A_115 : f32 to vector<16xf32>
      %swap3A_117 = arith.index_cast %scan3A_110 : i32 to index
      %swap3A_118 = arith.constant 16 : index
      %swap3A_119 = tpu.vector_load %arg9[%swap3A_117, %swap3A_118] {strides = array<i32>} : memref<80x144xf32, #tpu.memory_space<vmem>>, vector<16xf32>,
      tpu.vector_store %arg9[%swap3A_117, %swap3A_118], %broadcast_in_dim3A_116 {strides = array<i32>} : memref<80x144xf32, #tpu.memory_space<vmem>>, vector<16xf32>,
      %broadcast_in_dim3A_120 = arith.constant 0.000000e+00 : f32
      %broadcast_in_dim3A_121 = vector.broadcast %broadcast_in_dim3A_120 : f32 to vector<16xf32>
      %swap3A_122 = arith.index_cast %scan3A_110 : i32 to index
      %swap3A_123 = arith.constant 32 : index
      %swap3A_124 = tpu.vector_load %arg9[%swap3A_122, %swap3A_123] {strides = array<i32>} : memref<80x144xf32, #tpu.memory_space<vmem>>, vector<16xf32>,
      tpu.vector_store %arg9[%swap3A_122, %swap3A_123], %broadcast_in_dim3A_121 {strides = array<i32>} : memref<80x144xf32, #tpu.memory_space<vmem>>, vector<16xf32>,
      %broadcast_in_dim3A_125 = arith.constant 0.000000e+00 : f32
      %broadcast_in_dim3A_126 = vector.broadcast %broadcast_in_dim3A_125 : f32 to vector<16xf32>
      %swap3A_127 = arith.index_cast %scan3A_110 : i32 to index
      %swap3A_128 = arith.constant 48 : index
      %swap3A_129 = tpu.vector_load %arg9[%swap3A_127, %swap3A_128] {strides = array<i32>} : memref<80x144xf32, #tpu.memory_space<vmem>>, vector<16xf32>,
      tpu.vector_store %arg9[%swap3A_127, %swap3A_128], %broadcast_in_dim3A_126 {strides = array<i32>} : memref<80x144xf32, #tpu.memory_space<vmem>>, vector<16xf32>,
      %broadcast_in_dim3A_130 = arith.constant 0.000000e+00 : f32
      %broadcast_in_dim3A_131 = vector.broadcast %broadcast_in_dim3A_130 : f32 to vector<16xf32>
      %swap3A_132 = arith.index_cast %scan3A_110 : i32 to index
      %swap3A_133 = arith.constant 64 : index
      %swap3A_134 = tpu.vector_load %arg9[%swap3A_132, %swap3A_133] {strides = array<i32>} : memref<80x144xf32, #tpu.memory_space<vmem>>, vector<16xf32>,
      tpu.vector_store %arg9[%swap3A_132, %swap3A_133], %broadcast_in_dim3A_131 {strides = array<i32>} : memref<80x144xf32, #tpu.memory_space<vmem>>, vector<16xf32>,
      %broadcast_in_dim3A_135 = arith.constant 0.000000e+00 : f32
      %broadcast_in_dim3A_136 = vector.broadcast %broadcast_in_dim3A_135 : f32 to vector<16xf32>
      %swap3A_137 = arith.index_cast %scan3A_110 : i32 to index
      %swap3A_138 = arith.constant 80 : index
      %swap3A_139 = tpu.vector_load %arg9[%swap3A_137, %swap3A_138] {strides = array<i32>} : memref<80x144xf32, #tpu.memory_space<vmem>>, vector<16xf32>,
      tpu.vector_store %arg9[%swap3A_137, %swap3A_138], %broadcast_in_dim3A_136 {strides = array<i32>} : memref<80x144xf32, #tpu.memory_space<vmem>>, vector<16xf32>,
      %broadcast_in_dim3A_140 = arith.constant 0.000000e+00 : f32
      %broadcast_in_dim3A_141 = vector.broadcast %broadcast_in_dim3A_140 : f32 to vector<16xf32>
      %swap3A_142 = arith.index_cast %scan3A_110 : i32 to index
      %swap3A_143 = arith.constant 96 : index
      %swap3A_144 = tpu.vector_load %arg9[%swap3A_142, %swap3A_143] {strides = array<i32>} : memref<80x144xf32, #tpu.memory_space<vmem>>, vector<16xf32>,
      tpu.vector_store %arg9[%swap3A_142, %swap3A_143], %broadcast_in_dim3A_141 {strides = array<i32>} : memref<80x144xf32, #tpu.memory_space<vmem>>, vector<16xf32>,
      %broadcast_in_dim3A_145 = arith.constant 0.000000e+00 : f32
      %broadcast_in_dim3A_146 = vector.broadcast %broadcast_in_dim3A_145 : f32 to vector<16xf32>
      %swap3A_147 = arith.index_cast %scan3A_110 : i32 to index
      %swap3A_148 = arith.constant 112 : index
      %swap3A_149 = tpu.vector_load %arg9[%swap3A_147, %swap3A_148] {strides = array<i32>} : memref<80x144xf32, #tpu.memory_space<vmem>>, vector<16xf32>,
      tpu.vector_store %arg9[%swap3A_147, %swap3A_148], %broadcast_in_dim3A_146 {strides = array<i32>} : memref<80x144xf32, #tpu.memory_space<vmem>>, vector<16xf32>,
      %broadcast_in_dim3A_150 = arith.constant 0.000000e+00 : f32
      %broadcast_in_dim3A_151 = vector.broadcast %broadcast_in_dim3A_150 : f32 to vector<16xf32>
      %swap3A_152 = arith.index_cast %scan3A_110 : i32 to index
      %swap3A_153 = arith.constant 128 : index
      %swap3A_154 = tpu.vector_load %arg9[%swap3A_152, %swap3A_153] {strides = array<i32>} : memref<80x144xf32, #tpu.memory_space<vmem>>, vector<16xf32>,
      tpu.vector_store %arg9[%swap3A_152, %swap3A_153], %broadcast_in_dim3A_151 {strides = array<i32>} : memref<80x144xf32, #tpu.memory_space<vmem>>, vector<16xf32>,
      %scan3A_155 = arith.constant 0 : i32
      scf.yield %scan3A_155 : i32
    }
    %scan3A_63 = arith.constant 80 : i32
    %mul3A_64 = arith.constant 625 : i32
    %mul3A_65 = arith.muli %arg1, %mul3A_64 : i32
    %add3A_66 = arith.constant 0 : i32
    %add3A_67 = arith.addi %mul3A_65, %add3A_66 : i32
    "tpu.region"() ({
      %run_scoped3A = tpu.sem_alloc : memref<!tpu.dma_semaphore, #tpu.memory_space<semaphore_mem>>
      %dma_start3A = arith.constant 0 : i32
      %dma_start3A_110 = tpu.memref_slice %arg7[%add3A_67, %dma_start3A] : memref<10000x144xf32, #tpu.memory_space<vmem_shared>> -> memref<80x144xf32, #tpu.memory_space<vmem_shared>>
      %dma_start3A_111 = arith.constant 0 : i32
      %dma_start3A_112 = tpu.memref_slice %arg7[%add3A_67, %dma_start3A_111] : memref<10000x144xf32, #tpu.memory_space<vmem_shared>> -> memref<80x144xf32, #tpu.memory_space<vmem_shared>>
      tpu.enqueue_dma source(%arg9 : memref<80x144xf32, #tpu.memory_space<vmem>>) target(%dma_start3A_112 : memref<80x144xf32, #tpu.memory_space<vmem_shared>>) target_semaphore(%run_scoped3A : memref<!tpu.dma_semaphore, #tpu.memory_space<semaphore_mem>>)
      %dma_wait3A = arith.constant 0 : i32
      %dma_wait3A_113 = tpu.memref_slice %arg7[%add3A_67, %dma_wait3A] : memref<10000x144xf32, #tpu.memory_space<vmem_shared>> -> memref<80x144xf32, #tpu.memory_space<vmem_shared>>
      %dma_wait3A_114 = arith.constant 0 : i32
      %dma_wait3A_115 = tpu.memref_slice %arg7[%add3A_67, %dma_wait3A_114] : memref<10000x144xf32, #tpu.memory_space<vmem_shared>> -> memref<80x144xf32, #tpu.memory_space<vmem_shared>>
      tpu.wait_dma2 semaphore(%run_scoped3A : memref<!tpu.dma_semaphore, #tpu.memory_space<semaphore_mem>>) src(%arg9 : memref<80x144xf32, #tpu.memory_space<vmem>>) dst(%dma_wait3A_115 : memref<80x144xf32, #tpu.memory_space<vmem_shared>>)
      tpu.yield
    }) : () -> ()
    %mul3A_68 = arith.constant 625 : i32
    %mul3A_69 = arith.muli %arg1, %mul3A_68 : i32
    %add3A_70 = arith.constant 80 : i32
    %add3A_71 = arith.addi %mul3A_69, %add3A_70 : i32
    "tpu.region"() ({
      %run_scoped3A = tpu.sem_alloc : memref<!tpu.dma_semaphore, #tpu.memory_space<semaphore_mem>>
      %dma_start3A = arith.constant 0 : i32
      %dma_start3A_110 = tpu.memref_slice %arg7[%add3A_71, %dma_start3A] : memref<10000x144xf32, #tpu.memory_space<vmem_shared>> -> memref<80x144xf32, #tpu.memory_space<vmem_shared>>
      %dma_start3A_111 = arith.constant 0 : i32
      %dma_start3A_112 = tpu.memref_slice %arg7[%add3A_71, %dma_start3A_111] : memref<10000x144xf32, #tpu.memory_space<vmem_shared>> -> memref<80x144xf32, #tpu.memory_space<vmem_shared>>
      tpu.enqueue_dma source(%arg9 : memref<80x144xf32, #tpu.memory_space<vmem>>) target(%dma_start3A_112 : memref<80x144xf32, #tpu.memory_space<vmem_shared>>) target_semaphore(%run_scoped3A : memref<!tpu.dma_semaphore, #tpu.memory_space<semaphore_mem>>)
      %dma_wait3A = arith.constant 0 : i32
      %dma_wait3A_113 = tpu.memref_slice %arg7[%add3A_71, %dma_wait3A] : memref<10000x144xf32, #tpu.memory_space<vmem_shared>> -> memref<80x144xf32, #tpu.memory_space<vmem_shared>>
      %dma_wait3A_114 = arith.constant 0 : i32
      %dma_wait3A_115 = tpu.memref_slice %arg7[%add3A_71, %dma_wait3A_114] : memref<10000x144xf32, #tpu.memory_space<vmem_shared>> -> memref<80x144xf32, #tpu.memory_space<vmem_shared>>
      tpu.wait_dma2 semaphore(%run_scoped3A : memref<!tpu.dma_semaphore, #tpu.memory_space<semaphore_mem>>) src(%arg9 : memref<80x144xf32, #tpu.memory_space<vmem>>) dst(%dma_wait3A_115 : memref<80x144xf32, #tpu.memory_space<vmem_shared>>)
      tpu.yield
    }) : () -> ()
    %mul3A_72 = arith.constant 625 : i32
    %mul3A_73 = arith.muli %arg1, %mul3A_72 : i32
    %add3A_74 = arith.constant 160 : i32
    %add3A_75 = arith.addi %mul3A_73, %add3A_74 : i32
    "tpu.region"() ({
      %run_scoped3A = tpu.sem_alloc : memref<!tpu.dma_semaphore, #tpu.memory_space<semaphore_mem>>
      %dma_start3A = arith.constant 0 : i32
      %dma_start3A_110 = tpu.memref_slice %arg7[%add3A_75, %dma_start3A] : memref<10000x144xf32, #tpu.memory_space<vmem_shared>> -> memref<80x144xf32, #tpu.memory_space<vmem_shared>>
      %dma_start3A_111 = arith.constant 0 : i32
      %dma_start3A_112 = tpu.memref_slice %arg7[%add3A_75, %dma_start3A_111] : memref<10000x144xf32, #tpu.memory_space<vmem_shared>> -> memref<80x144xf32, #tpu.memory_space<vmem_shared>>
      tpu.enqueue_dma source(%arg9 : memref<80x144xf32, #tpu.memory_space<vmem>>) target(%dma_start3A_112 : memref<80x144xf32, #tpu.memory_space<vmem_shared>>) target_semaphore(%run_scoped3A : memref<!tpu.dma_semaphore, #tpu.memory_space<semaphore_mem>>)
      %dma_wait3A = arith.constant 0 : i32
      %dma_wait3A_113 = tpu.memref_slice %arg7[%add3A_75, %dma_wait3A] : memref<10000x144xf32, #tpu.memory_space<vmem_shared>> -> memref<80x144xf32, #tpu.memory_space<vmem_shared>>
      %dma_wait3A_114 = arith.constant 0 : i32
      %dma_wait3A_115 = tpu.memref_slice %arg7[%add3A_75, %dma_wait3A_114] : memref<10000x144xf32, #tpu.memory_space<vmem_shared>> -> memref<80x144xf32, #tpu.memory_space<vmem_shared>>
      tpu.wait_dma2 semaphore(%run_scoped3A : memref<!tpu.dma_semaphore, #tpu.memory_space<semaphore_mem>>) src(%arg9 : memref<80x144xf32, #tpu.memory_space<vmem>>) dst(%dma_wait3A_115 : memref<80x144xf32, #tpu.memory_space<vmem_shared>>)
      tpu.yield
    }) : () -> ()
    %mul3A_76 = arith.constant 625 : i32
    %mul3A_77 = arith.muli %arg1, %mul3A_76 : i32
    %add3A_78 = arith.constant 240 : i32
    %add3A_79 = arith.addi %mul3A_77, %add3A_78 : i32
    "tpu.region"() ({
      %run_scoped3A = tpu.sem_alloc : memref<!tpu.dma_semaphore, #tpu.memory_space<semaphore_mem>>
      %dma_start3A = arith.constant 0 : i32
      %dma_start3A_110 = tpu.memref_slice %arg7[%add3A_79, %dma_start3A] : memref<10000x144xf32, #tpu.memory_space<vmem_shared>> -> memref<80x144xf32, #tpu.memory_space<vmem_shared>>
      %dma_start3A_111 = arith.constant 0 : i32
      %dma_start3A_112 = tpu.memref_slice %arg7[%add3A_79, %dma_start3A_111] : memref<10000x144xf32, #tpu.memory_space<vmem_shared>> -> memref<80x144xf32, #tpu.memory_space<vmem_shared>>
      tpu.enqueue_dma source(%arg9 : memref<80x144xf32, #tpu.memory_space<vmem>>) target(%dma_start3A_112 : memref<80x144xf32, #tpu.memory_space<vmem_shared>>) target_semaphore(%run_scoped3A : memref<!tpu.dma_semaphore, #tpu.memory_space<semaphore_mem>>)
      %dma_wait3A = arith.constant 0 : i32
      %dma_wait3A_113 = tpu.memref_slice %arg7[%add3A_79, %dma_wait3A] : memref<10000x144xf32, #tpu.memory_space<vmem_shared>> -> memref<80x144xf32, #tpu.memory_space<vmem_shared>>
      %dma_wait3A_114 = arith.constant 0 : i32
      %dma_wait3A_115 = tpu.memref_slice %arg7[%add3A_79, %dma_wait3A_114] : memref<10000x144xf32, #tpu.memory_space<vmem_shared>> -> memref<80x144xf32, #tpu.memory_space<vmem_shared>>
      tpu.wait_dma2 semaphore(%run_scoped3A : memref<!tpu.dma_semaphore, #tpu.memory_space<semaphore_mem>>) src(%arg9 : memref<80x144xf32, #tpu.memory_space<vmem>>) dst(%dma_wait3A_115 : memref<80x144xf32, #tpu.memory_space<vmem_shared>>)
      tpu.yield
    }) : () -> ()
    %mul3A_80 = arith.constant 625 : i32
    %mul3A_81 = arith.muli %arg1, %mul3A_80 : i32
    %add3A_82 = arith.constant 320 : i32
    %add3A_83 = arith.addi %mul3A_81, %add3A_82 : i32
    "tpu.region"() ({
      %run_scoped3A = tpu.sem_alloc : memref<!tpu.dma_semaphore, #tpu.memory_space<semaphore_mem>>
      %dma_start3A = arith.constant 0 : i32
      %dma_start3A_110 = tpu.memref_slice %arg7[%add3A_83, %dma_start3A] : memref<10000x144xf32, #tpu.memory_space<vmem_shared>> -> memref<80x144xf32, #tpu.memory_space<vmem_shared>>
      %dma_start3A_111 = arith.constant 0 : i32
      %dma_start3A_112 = tpu.memref_slice %arg7[%add3A_83, %dma_start3A_111] : memref<10000x144xf32, #tpu.memory_space<vmem_shared>> -> memref<80x144xf32, #tpu.memory_space<vmem_shared>>
      tpu.enqueue_dma source(%arg9 : memref<80x144xf32, #tpu.memory_space<vmem>>) target(%dma_start3A_112 : memref<80x144xf32, #tpu.memory_space<vmem_shared>>) target_semaphore(%run_scoped3A : memref<!tpu.dma_semaphore, #tpu.memory_space<semaphore_mem>>)
      %dma_wait3A = arith.constant 0 : i32
      %dma_wait3A_113 = tpu.memref_slice %arg7[%add3A_83, %dma_wait3A] : memref<10000x144xf32, #tpu.memory_space<vmem_shared>> -> memref<80x144xf32, #tpu.memory_space<vmem_shared>>
      %dma_wait3A_114 = arith.constant 0 : i32
      %dma_wait3A_115 = tpu.memref_slice %arg7[%add3A_83, %dma_wait3A_114] : memref<10000x144xf32, #tpu.memory_space<vmem_shared>> -> memref<80x144xf32, #tpu.memory_space<vmem_shared>>
      tpu.wait_dma2 semaphore(%run_scoped3A : memref<!tpu.dma_semaphore, #tpu.memory_space<semaphore_mem>>) src(%arg9 : memref<80x144xf32, #tpu.memory_space<vmem>>) dst(%dma_wait3A_115 : memref<80x144xf32, #tpu.memory_space<vmem_shared>>)
      tpu.yield
    }) : () -> ()
    %mul3A_84 = arith.constant 625 : i32
    %mul3A_85 = arith.muli %arg1, %mul3A_84 : i32
    %add3A_86 = arith.constant 400 : i32
    %add3A_87 = arith.addi %mul3A_85, %add3A_86 : i32
    "tpu.region"() ({
      %run_scoped3A = tpu.sem_alloc : memref<!tpu.dma_semaphore, #tpu.memory_space<semaphore_mem>>
      %dma_start3A = arith.constant 0 : i32
      %dma_start3A_110 = tpu.memref_slice %arg7[%add3A_87, %dma_start3A] : memref<10000x144xf32, #tpu.memory_space<vmem_shared>> -> memref<80x144xf32, #tpu.memory_space<vmem_shared>>
      %dma_start3A_111 = arith.constant 0 : i32
      %dma_start3A_112 = tpu.memref_slice %arg7[%add3A_87, %dma_start3A_111] : memref<10000x144xf32, #tpu.memory_space<vmem_shared>> -> memref<80x144xf32, #tpu.memory_space<vmem_shared>>
      tpu.enqueue_dma source(%arg9 : memref<80x144xf32, #tpu.memory_space<vmem>>) target(%dma_start3A_112 : memref<80x144xf32, #tpu.memory_space<vmem_shared>>) target_semaphore(%run_scoped3A : memref<!tpu.dma_semaphore, #tpu.memory_space<semaphore_mem>>)
      %dma_wait3A = arith.constant 0 : i32
      %dma_wait3A_113 = tpu.memref_slice %arg7[%add3A_87, %dma_wait3A] : memref<10000x144xf32, #tpu.memory_space<vmem_shared>> -> memref<80x144xf32, #tpu.memory_space<vmem_shared>>
      %dma_wait3A_114 = arith.constant 0 : i32
      %dma_wait3A_115 = tpu.memref_slice %arg7[%add3A_87, %dma_wait3A_114] : memref<10000x144xf32, #tpu.memory_space<vmem_shared>> -> memref<80x144xf32, #tpu.memory_space<vmem_shared>>
      tpu.wait_dma2 semaphore(%run_scoped3A : memref<!tpu.dma_semaphore, #tpu.memory_space<semaphore_mem>>) src(%arg9 : memref<80x144xf32, #tpu.memory_space<vmem>>) dst(%dma_wait3A_115 : memref<80x144xf32, #tpu.memory_space<vmem_shared>>)
      tpu.yield
    }) : () -> ()
    %mul3A_88 = arith.constant 625 : i32
    %mul3A_89 = arith.muli %arg1, %mul3A_88 : i32
    %add3A_90 = arith.constant 480 : i32
    %add3A_91 = arith.addi %mul3A_89, %add3A_90 : i32
    "tpu.region"() ({
      %run_scoped3A = tpu.sem_alloc : memref<!tpu.dma_semaphore, #tpu.memory_space<semaphore_mem>>
      %dma_start3A = arith.constant 0 : i32
      %dma_start3A_110 = tpu.memref_slice %arg7[%add3A_91, %dma_start3A] : memref<10000x144xf32, #tpu.memory_space<vmem_shared>> -> memref<80x144xf32, #tpu.memory_space<vmem_shared>>
      %dma_start3A_111 = arith.constant 0 : i32
      %dma_start3A_112 = tpu.memref_slice %arg7[%add3A_91, %dma_start3A_111] : memref<10000x144xf32, #tpu.memory_space<vmem_shared>> -> memref<80x144xf32, #tpu.memory_space<vmem_shared>>
      tpu.enqueue_dma source(%arg9 : memref<80x144xf32, #tpu.memory_space<vmem>>) target(%dma_start3A_112 : memref<80x144xf32, #tpu.memory_space<vmem_shared>>) target_semaphore(%run_scoped3A : memref<!tpu.dma_semaphore, #tpu.memory_space<semaphore_mem>>)
      %dma_wait3A = arith.constant 0 : i32
      %dma_wait3A_113 = tpu.memref_slice %arg7[%add3A_91, %dma_wait3A] : memref<10000x144xf32, #tpu.memory_space<vmem_shared>> -> memref<80x144xf32, #tpu.memory_space<vmem_shared>>
      %dma_wait3A_114 = arith.constant 0 : i32
      %dma_wait3A_115 = tpu.memref_slice %arg7[%add3A_91, %dma_wait3A_114] : memref<10000x144xf32, #tpu.memory_space<vmem_shared>> -> memref<80x144xf32, #tpu.memory_space<vmem_shared>>
      tpu.wait_dma2 semaphore(%run_scoped3A : memref<!tpu.dma_semaphore, #tpu.memory_space<semaphore_mem>>) src(%arg9 : memref<80x144xf32, #tpu.memory_space<vmem>>) dst(%dma_wait3A_115 : memref<80x144xf32, #tpu.memory_space<vmem_shared>>)
      tpu.yield
    }) : () -> ()
    %mul3A_92 = arith.constant 625 : i32
    %mul3A_93 = arith.muli %arg1, %mul3A_92 : i32
    %add3A_94 = arith.constant 560 : i32
    %add3A_95 = arith.addi %mul3A_93, %add3A_94 : i32
    "tpu.region"() ({
      %run_scoped3A = tpu.sem_alloc : memref<!tpu.dma_semaphore, #tpu.memory_space<semaphore_mem>>
      %dma_start3A = arith.constant 0 : i32
      %dma_start3A_110 = arith.constant 0 : i32
      %dma_start3A_111 = tpu.memref_slice %arg9[%dma_start3A, %dma_start3A_110] : memref<80x144xf32, #tpu.memory_space<vmem>> -> memref<65x144xf32, #tpu.memory_space<vmem>>
      %dma_start3A_112 = arith.constant 0 : i32
      %dma_start3A_113 = tpu.memref_slice %arg7[%add3A_95, %dma_start3A_112] : memref<10000x144xf32, #tpu.memory_space<vmem_shared>> -> memref<65x144xf32, #tpu.memory_space<vmem_shared>>
      %dma_start3A_114 = arith.constant 0 : i32
      %dma_start3A_115 = tpu.memref_slice %arg7[%add3A_95, %dma_start3A_114] : memref<10000x144xf32, #tpu.memory_space<vmem_shared>> -> memref<65x144xf32, #tpu.memory_space<vmem_shared>>
      %dma_start3A_116 = arith.constant 0 : i32
      %dma_start3A_117 = arith.constant 0 : i32
      %dma_start3A_118 = tpu.memref_slice %arg9[%dma_start3A_116, %dma_start3A_117] : memref<80x144xf32, #tpu.memory_space<vmem>> -> memref<65x144xf32, #tpu.memory_space<vmem>>
      tpu.enqueue_dma source(%dma_start3A_118 : memref<65x144xf32, #tpu.memory_space<vmem>>) target(%dma_start3A_115 : memref<65x144xf32, #tpu.memory_space<vmem_shared>>) target_semaphore(%run_scoped3A : memref<!tpu.dma_semaphore, #tpu.memory_space<semaphore_mem>>)
      %dma_wait3A = arith.constant 0 : i32
      %dma_wait3A_119 = arith.constant 0 : i32
      %dma_wait3A_120 = tpu.memref_slice %arg9[%dma_wait3A, %dma_wait3A_119] : memref<80x144xf32, #tpu.memory_space<vmem>> -> memref<65x144xf32, #tpu.memory_space<vmem>>
      %dma_wait3A_121 = arith.constant 0 : i32
      %dma_wait3A_122 = tpu.memref_slice %arg7[%add3A_95, %dma_wait3A_121] : memref<10000x144xf32, #tpu.memory_space<vmem_shared>> -> memref<65x144xf32, #tpu.memory_space<vmem_shared>>
      %dma_wait3A_123 = arith.constant 0 : i32
      %dma_wait3A_124 = tpu.memref_slice %arg7[%add3A_95, %dma_wait3A_123] : memref<10000x144xf32, #tpu.memory_space<vmem_shared>> -> memref<65x144xf32, #tpu.memory_space<vmem_shared>>
      %dma_wait3A_125 = arith.constant 0 : i32
      %dma_wait3A_126 = arith.constant 0 : i32
      %dma_wait3A_127 = tpu.memref_slice %arg9[%dma_wait3A_125, %dma_wait3A_126] : memref<80x144xf32, #tpu.memory_space<vmem>> -> memref<65x144xf32, #tpu.memory_space<vmem>>
      tpu.wait_dma2 semaphore(%run_scoped3A : memref<!tpu.dma_semaphore, #tpu.memory_space<semaphore_mem>>) src(%dma_wait3A_127 : memref<65x144xf32, #tpu.memory_space<vmem>>) dst(%dma_wait3A_124 : memref<65x144xf32, #tpu.memory_space<vmem_shared>>)
      tpu.yield
    }) : () -> ()
    %barrier3A_96 = arith.constant 0 : index
    tpu.barrier barrier_id(%barrier3A_96)
    %scan3A_97 = arith.constant 0 : i32
    %scan3A_98 = arith.constant 0 : i32
    %scan3A_99 = arith.constant 125 : i32
    %scan3A_100 = arith.addi %scan3A_98, %scan3A_99 : i32
    %scan3A_101 = arith.constant 1 : i32
    %scan3A_102 = scf.for %scan3A_110 = %scan3A_98 to %scan3A_100 step %scan3A_101 iter_args(%scan3A_111 = %scan3A_97) -> (i32)  : i32 {
      %mul3A_112 = arith.constant 20000 : i32
      %mul3A_113 = arith.muli %arg1, %mul3A_112 : i32
      %mul3A_114 = arith.constant 160 : i32
      %mul3A_115 = arith.muli %scan3A_110, %mul3A_114 : i32
      %add3A_116 = arith.addi %mul3A_113, %mul3A_115 : i32
      "tpu.region"() ({
        %run_scoped3A = tpu.sem_alloc : memref<!tpu.dma_semaphore, #tpu.memory_space<semaphore_mem>>
        %dma_start3A = tpu.memref_slice %arg2[%add3A_116] : memref<320000xi32, #tpu.memory_space<hbm>> -> memref<160xi32, #tpu.memory_space<hbm>>
        %dma_start3A_245 = tpu.memref_slice %arg2[%add3A_116] : memref<320000xi32, #tpu.memory_space<hbm>> -> memref<160xi32, #tpu.memory_space<hbm>>
        tpu.enqueue_dma source(%dma_start3A_245 : memref<160xi32, #tpu.memory_space<hbm>>) target(%arg10 : memref<160xi32, #tpu.memory_space<vmem>>) target_semaphore(%run_scoped3A : memref<!tpu.dma_semaphore, #tpu.memory_space<semaphore_mem>>)
        %dma_wait3A = tpu.memref_slice %arg2[%add3A_116] : memref<320000xi32, #tpu.memory_space<hbm>> -> memref<160xi32, #tpu.memory_space<hbm>>
        %dma_wait3A_246 = tpu.memref_slice %arg2[%add3A_116] : memref<320000xi32, #tpu.memory_space<hbm>> -> memref<160xi32, #tpu.memory_space<hbm>>
        tpu.wait_dma2 semaphore(%run_scoped3A : memref<!tpu.dma_semaphore, #tpu.memory_space<semaphore_mem>>) src(%dma_wait3A_246 : memref<160xi32, #tpu.memory_space<hbm>>) dst(%arg10 : memref<160xi32, #tpu.memory_space<vmem>>)
        tpu.yield
      }) : () -> ()
      %jit3A = arith.constant 80 : i32
      %div3A = arith.divsi %add3A_116, %jit3A : i32
      %sign3A = arith.constant 0 : i32
      %sign3A_117 = arith.cmpi sgt, %add3A_116, %sign3A : i32
      %sign3A_118 = arith.extui %sign3A_117 : i1 to i32
      %sign3A_119 = arith.constant 0 : i32
      %sign3A_120 = arith.cmpi slt, %add3A_116, %sign3A_119 : i32
      %sign3A_121 = arith.extui %sign3A_120 : i1 to i32
      %sign3A_122 = arith.subi %sign3A_118, %sign3A_121 : i32
      %sign3A_123 = arith.constant 0 : i32
      %sign3A_124 = arith.cmpi sgt, %jit3A, %sign3A_123 : i32
      %sign3A_125 = arith.extui %sign3A_124 : i1 to i32
      %sign3A_126 = arith.constant 0 : i32
      %sign3A_127 = arith.cmpi slt, %jit3A, %sign3A_126 : i32
      %sign3A_128 = arith.extui %sign3A_127 : i1 to i32
      %sign3A_129 = arith.subi %sign3A_125, %sign3A_128 : i32
      %ne3A = arith.cmpi ne, %sign3A_122, %sign3A_129 : i32
      %rem3A = arith.remsi %add3A_116, %jit3A : i32
      %ne3A_130 = arith.constant 0 : i32
      %ne3A_131 = arith.cmpi ne, %rem3A, %ne3A_130 : i32
      %and3A = arith.andi %ne3A, %ne3A_131 : i1
      %sub3A = arith.constant 1 : i32
      %sub3A_132 = arith.subi %div3A, %sub3A : i32
      %select_n3A = arith.select %and3A, %sub3A_132, %div3A : i32
      "tpu.region"() ({
        %run_scoped3A = tpu.sem_alloc : memref<!tpu.dma_semaphore, #tpu.memory_space<semaphore_mem>>
        %dma_start3A = arith.constant 0 : i32
        %dma_start3A_245 = tpu.memref_slice %arg3[%select_n3A, %dma_start3A] : memref<4000x80xi32, #tpu.memory_space<hbm>> -> memref<2x80xi32, #tpu.memory_space<hbm>>
        %dma_start3A_246 = arith.constant 0 : i32
        %dma_start3A_247 = tpu.memref_slice %arg3[%select_n3A, %dma_start3A_246] : memref<4000x80xi32, #tpu.memory_space<hbm>> -> memref<2x80xi32, #tpu.memory_space<hbm>>
        tpu.enqueue_dma source(%dma_start3A_247 : memref<2x80xi32, #tpu.memory_space<hbm>>) target(%arg11 : memref<2x80xi32, #tpu.memory_space<vmem>>) target_semaphore(%run_scoped3A : memref<!tpu.dma_semaphore, #tpu.memory_space<semaphore_mem>>)
        %dma_wait3A = arith.constant 0 : i32
        %dma_wait3A_248 = tpu.memref_slice %arg3[%select_n3A, %dma_wait3A] : memref<4000x80xi32, #tpu.memory_space<hbm>> -> memref<2x80xi32, #tpu.memory_space<hbm>>
        %dma_wait3A_249 = arith.constant 0 : i32
        %dma_wait3A_250 = tpu.memref_slice %arg3[%select_n3A, %dma_wait3A_249] : memref<4000x80xi32, #tpu.memory_space<hbm>> -> memref<2x80xi32, #tpu.memory_space<hbm>>
        tpu.wait_dma2 semaphore(%run_scoped3A : memref<!tpu.dma_semaphore, #tpu.memory_space<semaphore_mem>>) src(%dma_wait3A_250 : memref<2x80xi32, #tpu.memory_space<hbm>>) dst(%arg11 : memref<2x80xi32, #tpu.memory_space<vmem>>)
        tpu.yield
      }) : () -> ()
      %mul3A_133 = arith.constant 4 : i32
      %mul3A_134 = arith.muli %add3A_116, %mul3A_133 : i32
      "tpu.region"() ({
        %run_scoped3A = tpu.sem_alloc : memref<!tpu.dma_semaphore, #tpu.memory_space<semaphore_mem>>
        %dma_start3A = tpu.memref_slice %arg5[%mul3A_134] : memref<1280000xf32, #tpu.memory_space<hbm>> -> memref<640xf32, #tpu.memory_space<hbm>>
        %dma_start3A_245 = tpu.memref_slice %arg5[%mul3A_134] : memref<1280000xf32, #tpu.memory_space<hbm>> -> memref<640xf32, #tpu.memory_space<hbm>>
        tpu.enqueue_dma source(%dma_start3A_245 : memref<640xf32, #tpu.memory_space<hbm>>) target(%arg13 : memref<640xf32, #tpu.memory_space<vmem>>) target_semaphore(%run_scoped3A : memref<!tpu.dma_semaphore, #tpu.memory_space<semaphore_mem>>)
        %dma_wait3A = tpu.memref_slice %arg5[%mul3A_134] : memref<1280000xf32, #tpu.memory_space<hbm>> -> memref<640xf32, #tpu.memory_space<hbm>>
        %dma_wait3A_246 = tpu.memref_slice %arg5[%mul3A_134] : memref<1280000xf32, #tpu.memory_space<hbm>> -> memref<640xf32, #tpu.memory_space<hbm>>
        tpu.wait_dma2 semaphore(%run_scoped3A : memref<!tpu.dma_semaphore, #tpu.memory_space<semaphore_mem>>) src(%dma_wait3A_246 : memref<640xf32, #tpu.memory_space<hbm>>) dst(%arg13 : memref<640xf32, #tpu.memory_space<vmem>>)
        tpu.yield
      }) : () -> ()
      %get3A = arith.constant 0 : index
      %get3A_135 = tpu.vector_load %arg10[%get3A] {strides = array<i32>} : memref<160xi32, #tpu.memory_space<vmem>>, vector<16xi32>,
      %mul3A_136 = arith.constant 4 : i32
      %mul3A_137 = vector.broadcast %mul3A_136 : i32 to vector<16xi32>
      %mul3A_138 = arith.muli %get3A_135, %mul3A_137 : vector<16xi32>
      %add3A_139 = vector.broadcast %add3A_56 : i32 to vector<16xi32>
      %add3A_140 = arith.addi %mul3A_138, %add3A_139 : vector<16xi32>
      %swap3A = arith.constant 0 : index
      %swap3A_141 = tpu.vector_load %arg12[%swap3A] {strides = array<i32>} : memref<160xi32, #tpu.memory_space<vmem>>, vector<16xi32>,
      tpu.vector_store %arg12[%swap3A], %add3A_140 {strides = array<i32>} : memref<160xi32, #tpu.memory_space<vmem>>, vector<16xi32>,
      %get3A_142 = arith.constant 16 : index
      %get3A_143 = tpu.vector_load %arg10[%get3A_142] {strides = array<i32>} : memref<160xi32, #tpu.memory_space<vmem>>, vector<16xi32>,
      %mul3A_144 = arith.constant 4 : i32
      %mul3A_145 = vector.broadcast %mul3A_144 : i32 to vector<16xi32>
      %mul3A_146 = arith.muli %get3A_143, %mul3A_145 : vector<16xi32>
      %add3A_147 = vector.broadcast %add3A_56 : i32 to vector<16xi32>
      %add3A_148 = arith.addi %mul3A_146, %add3A_147 : vector<16xi32>
      %swap3A_149 = arith.constant 16 : index
      %swap3A_150 = tpu.vector_load %arg12[%swap3A_149] {strides = array<i32>} : memref<160xi32, #tpu.memory_space<vmem>>, vector<16xi32>,
      tpu.vector_store %arg12[%swap3A_149], %add3A_148 {strides = array<i32>} : memref<160xi32, #tpu.memory_space<vmem>>, vector<16xi32>,
      %get3A_151 = arith.constant 32 : index
      %get3A_152 = tpu.vector_load %arg10[%get3A_151] {strides = array<i32>} : memref<160xi32, #tpu.memory_space<vmem>>, vector<16xi32>,
      %mul3A_153 = arith.constant 4 : i32
      %mul3A_154 = vector.broadcast %mul3A_153 : i32 to vector<16xi32>
      %mul3A_155 = arith.muli %get3A_152, %mul3A_154 : vector<16xi32>
      %add3A_156 = vector.broadcast %add3A_56 : i32 to vector<16xi32>
      %add3A_157 = arith.addi %mul3A_155, %add3A_156 : vector<16xi32>
      %swap3A_158 = arith.constant 32 : index
      %swap3A_159 = tpu.vector_load %arg12[%swap3A_158] {strides = array<i32>} : memref<160xi32, #tpu.memory_space<vmem>>, vector<16xi32>,
      tpu.vector_store %arg12[%swap3A_158], %add3A_157 {strides = array<i32>} : memref<160xi32, #tpu.memory_space<vmem>>, vector<16xi32>,
      %get3A_160 = arith.constant 48 : index
      %get3A_161 = tpu.vector_load %arg10[%get3A_160] {strides = array<i32>} : memref<160xi32, #tpu.memory_space<vmem>>, vector<16xi32>,
      %mul3A_162 = arith.constant 4 : i32
      %mul3A_163 = vector.broadcast %mul3A_162 : i32 to vector<16xi32>
      %mul3A_164 = arith.muli %get3A_161, %mul3A_163 : vector<16xi32>
      %add3A_165 = vector.broadcast %add3A_56 : i32 to vector<16xi32>
      %add3A_166 = arith.addi %mul3A_164, %add3A_165 : vector<16xi32>
      %swap3A_167 = arith.constant 48 : index
      %swap3A_168 = tpu.vector_load %arg12[%swap3A_167] {strides = array<i32>} : memref<160xi32, #tpu.memory_space<vmem>>, vector<16xi32>,
      tpu.vector_store %arg12[%swap3A_167], %add3A_166 {strides = array<i32>} : memref<160xi32, #tpu.memory_space<vmem>>, vector<16xi32>,
      %get3A_169 = arith.constant 64 : index
      %get3A_170 = tpu.vector_load %arg10[%get3A_169] {strides = array<i32>} : memref<160xi32, #tpu.memory_space<vmem>>, vector<16xi32>,
      %mul3A_171 = arith.constant 4 : i32
      %mul3A_172 = vector.broadcast %mul3A_171 : i32 to vector<16xi32>
      %mul3A_173 = arith.muli %get3A_170, %mul3A_172 : vector<16xi32>
      %add3A_174 = vector.broadcast %add3A_56 : i32 to vector<16xi32>
      %add3A_175 = arith.addi %mul3A_173, %add3A_174 : vector<16xi32>
      %swap3A_176 = arith.constant 64 : index
      %swap3A_177 = tpu.vector_load %arg12[%swap3A_176] {strides = array<i32>} : memref<160xi32, #tpu.memory_space<vmem>>, vector<16xi32>,
      tpu.vector_store %arg12[%swap3A_176], %add3A_175 {strides = array<i32>} : memref<160xi32, #tpu.memory_space<vmem>>, vector<16xi32>,
      %get3A_178 = arith.constant 80 : index
      %get3A_179 = tpu.vector_load %arg10[%get3A_178] {strides = array<i32>} : memref<160xi32, #tpu.memory_space<vmem>>, vector<16xi32>,
      %mul3A_180 = arith.constant 4 : i32
      %mul3A_181 = vector.broadcast %mul3A_180 : i32 to vector<16xi32>
      %mul3A_182 = arith.muli %get3A_179, %mul3A_181 : vector<16xi32>
      %add3A_183 = vector.broadcast %add3A_56 : i32 to vector<16xi32>
      %add3A_184 = arith.addi %mul3A_182, %add3A_183 : vector<16xi32>
      %swap3A_185 = arith.constant 80 : index
      %swap3A_186 = tpu.vector_load %arg12[%swap3A_185] {strides = array<i32>} : memref<160xi32, #tpu.memory_space<vmem>>, vector<16xi32>,
      tpu.vector_store %arg12[%swap3A_185], %add3A_184 {strides = array<i32>} : memref<160xi32, #tpu.memory_space<vmem>>, vector<16xi32>,
      %get3A_187 = arith.constant 96 : index
      %get3A_188 = tpu.vector_load %arg10[%get3A_187] {strides = array<i32>} : memref<160xi32, #tpu.memory_space<vmem>>, vector<16xi32>,
      %mul3A_189 = arith.constant 4 : i32
      %mul3A_190 = vector.broadcast %mul3A_189 : i32 to vector<16xi32>
      %mul3A_191 = arith.muli %get3A_188, %mul3A_190 : vector<16xi32>
      %add3A_192 = vector.broadcast %add3A_56 : i32 to vector<16xi32>
      %add3A_193 = arith.addi %mul3A_191, %add3A_192 : vector<16xi32>
      %swap3A_194 = arith.constant 96 : index
      %swap3A_195 = tpu.vector_load %arg12[%swap3A_194] {strides = array<i32>} : memref<160xi32, #tpu.memory_space<vmem>>, vector<16xi32>,
      tpu.vector_store %arg12[%swap3A_194], %add3A_193 {strides = array<i32>} : memref<160xi32, #tpu.memory_space<vmem>>, vector<16xi32>,
      %get3A_196 = arith.constant 112 : index
      %get3A_197 = tpu.vector_load %arg10[%get3A_196] {strides = array<i32>} : memref<160xi32, #tpu.memory_space<vmem>>, vector<16xi32>,
      %mul3A_198 = arith.constant 4 : i32
      %mul3A_199 = vector.broadcast %mul3A_198 : i32 to vector<16xi32>
      %mul3A_200 = arith.muli %get3A_197, %mul3A_199 : vector<16xi32>
      %add3A_201 = vector.broadcast %add3A_56 : i32 to vector<16xi32>
      %add3A_202 = arith.addi %mul3A_200, %add3A_201 : vector<16xi32>
      %swap3A_203 = arith.constant 112 : index
      %swap3A_204 = tpu.vector_load %arg12[%swap3A_203] {strides = array<i32>} : memref<160xi32, #tpu.memory_space<vmem>>, vector<16xi32>,
      tpu.vector_store %arg12[%swap3A_203], %add3A_202 {strides = array<i32>} : memref<160xi32, #tpu.memory_space<vmem>>, vector<16xi32>,
      %get3A_205 = arith.constant 128 : index
      %get3A_206 = tpu.vector_load %arg10[%get3A_205] {strides = array<i32>} : memref<160xi32, #tpu.memory_space<vmem>>, vector<16xi32>,
      %mul3A_207 = arith.constant 4 : i32
      %mul3A_208 = vector.broadcast %mul3A_207 : i32 to vector<16xi32>
      %mul3A_209 = arith.muli %get3A_206, %mul3A_208 : vector<16xi32>
      %add3A_210 = vector.broadcast %add3A_56 : i32 to vector<16xi32>
      %add3A_211 = arith.addi %mul3A_209, %add3A_210 : vector<16xi32>
      %swap3A_212 = arith.constant 128 : index
      %swap3A_213 = tpu.vector_load %arg12[%swap3A_212] {strides = array<i32>} : memref<160xi32, #tpu.memory_space<vmem>>, vector<16xi32>,
      tpu.vector_store %arg12[%swap3A_212], %add3A_211 {strides = array<i32>} : memref<160xi32, #tpu.memory_space<vmem>>, vector<16xi32>,
      %get3A_214 = arith.constant 144 : index
      %get3A_215 = tpu.vector_load %arg10[%get3A_214] {strides = array<i32>} : memref<160xi32, #tpu.memory_space<vmem>>, vector<16xi32>,
      %mul3A_216 = arith.constant 4 : i32
      %mul3A_217 = vector.broadcast %mul3A_216 : i32 to vector<16xi32>
      %mul3A_218 = arith.muli %get3A_215, %mul3A_217 : vector<16xi32>
      %add3A_219 = vector.broadcast %add3A_56 : i32 to vector<16xi32>
      %add3A_220 = arith.addi %mul3A_218, %add3A_219 : vector<16xi32>
      %swap3A_221 = arith.constant 144 : index
      %swap3A_222 = tpu.vector_load %arg12[%swap3A_221] {strides = array<i32>} : memref<160xi32, #tpu.memory_space<vmem>>, vector<16xi32>,
      tpu.vector_store %arg12[%swap3A_221], %add3A_220 {strides = array<i32>} : memref<160xi32, #tpu.memory_space<vmem>>, vector<16xi32>,
      %scan3A_223 = arith.constant 0 : i32
      %scan3A_224 = arith.constant 0 : i32
      %scan3A_225 = arith.constant 2 : i32
      %scan3A_226 = arith.addi %scan3A_224, %scan3A_225 : i32
      %scan3A_227 = arith.constant 1 : i32
      %scan3A_228 = scf.for %scan3A_245 = %scan3A_224 to %scan3A_226 step %scan3A_227 iter_args(%scan3A_246 = %scan3A_223) -> (i32)  : i32 {
        %mul3A_247 = arith.constant 80 : i32
        %mul3A_248 = arith.muli %scan3A_245, %mul3A_247 : i32
        %mul3A_249 = arith.constant 80 : i32
        %mul3A_250 = arith.muli %scan3A_245, %mul3A_249 : i32
        %dma_start3A = arith.constant 0 : i32
        %dma_start3A_251 = tpu.memref_slice %arg8[%mul3A_250, %dma_start3A] : memref<160x144xf32, #tpu.memory_space<vmem>> -> memref<80x144xf32, #tpu.memory_space<vmem>>
        %dma_start3A_252 = tpu.memref_slice %arg12[%mul3A_248] : memref<160xi32, #tpu.memory_space<vmem>> -> memref<80xi32, #tpu.memory_space<vmem>>
        %dma_start3A_253 = arith.constant 0 : i32
        %dma_start3A_254 = arith.constant 0 : i32
        %dma_start3A_255 = tpu.memref_slice %arg4[%dma_start3A_253, %dma_start3A_254] : memref<40000x144xf32, #tpu.memory_space<hbm>> -> memref<40000x144xf32, #tpu.memory_space<hbm>>
        tpu.enqueue_indirect_dma source(%dma_start3A_255 : memref<40000x144xf32, #tpu.memory_space<hbm>>) target(%dma_start3A_251 : memref<80x144xf32, #tpu.memory_space<vmem>>) offsets(%dma_start3A_252 : memref<80xi32, #tpu.memory_space<vmem>>) semaphore(%arg14 : memref<!tpu.dma_semaphore, #tpu.memory_space<semaphore_mem>>)
        %scan3A_256 = arith.constant 0 : i32
        scf.yield %scan3A_256 : i32
      }
      %scan3A_229 = arith.constant 2 : i32
      %scan3A_230 = arith.constant 0 : i32
      %scan3A_231 = arith.constant 0 : i32
      %scan3A_232 = arith.constant 2 : i32
      %scan3A_233 = arith.addi %scan3A_231, %scan3A_232 : i32
      %scan3A_234 = arith.constant 1 : i32
      %scan3A_235 = scf.for %scan3A_245 = %scan3A_231 to %scan3A_233 step %scan3A_234 iter_args(%scan3A_246 = %scan3A_230) -> (i32)  : i32 {
        %mul3A_247 = arith.constant 80 : i32
        %mul3A_248 = arith.muli %scan3A_245, %mul3A_247 : i32
        %mul3A_249 = arith.constant 80 : i32
        %mul3A_250 = arith.muli %scan3A_245, %mul3A_249 : i32
        %dma_wait3A = arith.constant 0 : i32
        %dma_wait3A_251 = tpu.memref_slice %arg8[%mul3A_250, %dma_wait3A] : memref<160x144xf32, #tpu.memory_space<vmem>> -> memref<80x144xf32, #tpu.memory_space<vmem>>
        %dma_wait3A_252 = tpu.memref_slice %arg12[%mul3A_248] : memref<160xi32, #tpu.memory_space<vmem>> -> memref<80xi32, #tpu.memory_space<vmem>>
        %dma_wait3A_253 = arith.constant 0 : i32
        %dma_wait3A_254 = arith.constant 0 : i32
        %dma_wait3A_255 = tpu.memref_slice %arg4[%dma_wait3A_253, %dma_wait3A_254] : memref<40000x144xf32, #tpu.memory_space<hbm>> -> memref<40000x144xf32, #tpu.memory_space<hbm>>
        tpu.wait_indirect_dma semaphore(%arg14 : memref<!tpu.dma_semaphore, #tpu.memory_space<semaphore_mem>>) src(%dma_wait3A_255 : memref<40000x144xf32, #tpu.memory_space<hbm>>) dst(%dma_wait3A_251 : memref<80x144xf32, #tpu.memory_space<vmem>>)
        %scan3A_256 = arith.constant 0 : i32
        scf.yield %scan3A_256 : i32
      }
      %scan3A_236 = arith.constant 2 : i32
      %scan3A_237 = arith.constant 0 : i32
      %scan3A_238 = arith.constant 0 : i32
      %scan3A_239 = arith.constant 2 : i32
      %scan3A_240 = arith.addi %scan3A_238, %scan3A_239 : i32
      %scan3A_241 = arith.constant 1 : i32
      %scan3A_242 = scf.for %scan3A_245 = %scan3A_238 to %scan3A_240 step %scan3A_241 iter_args(%scan3A_246 = %scan3A_237) -> (i32)  : i32 {
        %scan3A_247 = arith.constant 0 : i32
        %scan3A_248 = arith.constant 0 : i32
        %scan3A_249 = arith.constant 80 : i32
        %scan3A_250 = arith.addi %scan3A_248, %scan3A_249 : i32
        %scan3A_251 = arith.constant 1 : i32
        %scan3A_252 = scf.for %scan3A_255 = %scan3A_248 to %scan3A_250 step %scan3A_251 iter_args(%scan3A_256 = %scan3A_247) -> (i32)  : i32 {
          %mul3A_257 = arith.constant 80 : i32
          %mul3A_258 = arith.muli %scan3A_245, %mul3A_257 : i32
          %add3A_259 = arith.addi %mul3A_258, %scan3A_255 : i32
          %mul3A_260 = arith.constant 4 : i32
          %mul3A_261 = arith.muli %add3A_259, %mul3A_260 : i32
          %add3A_262 = arith.addi %mul3A_261, %add3A_56 : i32
          %broadcast_in_dim3A = vector.broadcast %add3A_262 : i32 to vector<16xi32>
          %gather3A = tpu.vector_load_idx %arg13[%broadcast_in_dim3A] : memref<640xf32, #tpu.memory_space<vmem>>[vector<16xi32>], vector<16xf32>,
          %mul3A_263 = arith.constant 80 : i32
          %mul3A_264 = arith.muli %scan3A_245, %mul3A_263 : i32
          %add3A_265 = arith.addi %mul3A_264, %scan3A_255 : i32
          %get3A_266 = arith.index_cast %add3A_265 : i32 to index
          %get3A_267 = arith.constant 0 : index
          %get3A_268 = tpu.vector_load %arg8[%get3A_266, %get3A_267] {strides = array<i32>} : memref<160x144xf32, #tpu.memory_space<vmem>>, vector<16xf32>,
          %mul3A_269 = arith.mulf %get3A_268, %gather3A : vector<16xf32>
          %swap3A_270 = arith.index_cast %scan3A_255 : i32 to index
          %swap3A_271 = arith.constant 0 : index
          %swap3A_272 = tpu.vector_load %arg9[%swap3A_270, %swap3A_271] {strides = array<i32>} : memref<80x144xf32, #tpu.memory_space<vmem>>, vector<16xf32>,
          tpu.vector_store %arg9[%swap3A_270, %swap3A_271], %mul3A_269 {strides = array<i32>} : memref<80x144xf32, #tpu.memory_space<vmem>>, vector<16xf32>,
          %mul3A_273 = arith.constant 80 : i32
          %mul3A_274 = arith.muli %scan3A_245, %mul3A_273 : i32
          %add3A_275 = arith.addi %mul3A_274, %scan3A_255 : i32
          %get3A_276 = arith.index_cast %add3A_275 : i32 to index
          %get3A_277 = arith.constant 16 : index
          %get3A_278 = tpu.vector_load %arg8[%get3A_276, %get3A_277] {strides = array<i32>} : memref<160x144xf32, #tpu.memory_space<vmem>>, vector<16xf32>,
          %mul3A_279 = arith.mulf %get3A_278, %gather3A : vector<16xf32>
          %swap3A_280 = arith.index_cast %scan3A_255 : i32 to index
          %swap3A_281 = arith.constant 16 : index
          %swap3A_282 = tpu.vector_load %arg9[%swap3A_280, %swap3A_281] {strides = array<i32>} : memref<80x144xf32, #tpu.memory_space<vmem>>, vector<16xf32>,
          tpu.vector_store %arg9[%swap3A_280, %swap3A_281], %mul3A_279 {strides = array<i32>} : memref<80x144xf32, #tpu.memory_space<vmem>>, vector<16xf32>,
          %mul3A_283 = arith.constant 80 : i32
          %mul3A_284 = arith.muli %scan3A_245, %mul3A_283 : i32
          %add3A_285 = arith.addi %mul3A_284, %scan3A_255 : i32
          %get3A_286 = arith.index_cast %add3A_285 : i32 to index
          %get3A_287 = arith.constant 32 : index
          %get3A_288 = tpu.vector_load %arg8[%get3A_286, %get3A_287] {strides = array<i32>} : memref<160x144xf32, #tpu.memory_space<vmem>>, vector<16xf32>,
          %mul3A_289 = arith.mulf %get3A_288, %gather3A : vector<16xf32>
          %swap3A_290 = arith.index_cast %scan3A_255 : i32 to index
          %swap3A_291 = arith.constant 32 : index
          %swap3A_292 = tpu.vector_load %arg9[%swap3A_290, %swap3A_291] {strides = array<i32>} : memref<80x144xf32, #tpu.memory_space<vmem>>, vector<16xf32>,
          tpu.vector_store %arg9[%swap3A_290, %swap3A_291], %mul3A_289 {strides = array<i32>} : memref<80x144xf32, #tpu.memory_space<vmem>>, vector<16xf32>,
          %mul3A_293 = arith.constant 80 : i32
          %mul3A_294 = arith.muli %scan3A_245, %mul3A_293 : i32
          %add3A_295 = arith.addi %mul3A_294, %scan3A_255 : i32
          %get3A_296 = arith.index_cast %add3A_295 : i32 to index
          %get3A_297 = arith.constant 48 : index
          %get3A_298 = tpu.vector_load %arg8[%get3A_296, %get3A_297] {strides = array<i32>} : memref<160x144xf32, #tpu.memory_space<vmem>>, vector<16xf32>,
          %mul3A_299 = arith.mulf %get3A_298, %gather3A : vector<16xf32>
          %swap3A_300 = arith.index_cast %scan3A_255 : i32 to index
          %swap3A_301 = arith.constant 48 : index
          %swap3A_302 = tpu.vector_load %arg9[%swap3A_300, %swap3A_301] {strides = array<i32>} : memref<80x144xf32, #tpu.memory_space<vmem>>, vector<16xf32>,
          tpu.vector_store %arg9[%swap3A_300, %swap3A_301], %mul3A_299 {strides = array<i32>} : memref<80x144xf32, #tpu.memory_space<vmem>>, vector<16xf32>,
          %mul3A_303 = arith.constant 80 : i32
          %mul3A_304 = arith.muli %scan3A_245, %mul3A_303 : i32
          %add3A_305 = arith.addi %mul3A_304, %scan3A_255 : i32
          %get3A_306 = arith.index_cast %add3A_305 : i32 to index
          %get3A_307 = arith.constant 64 : index
          %get3A_308 = tpu.vector_load %arg8[%get3A_306, %get3A_307] {strides = array<i32>} : memref<160x144xf32, #tpu.memory_space<vmem>>, vector<16xf32>,
          %mul3A_309 = arith.mulf %get3A_308, %gather3A : vector<16xf32>
          %swap3A_310 = arith.index_cast %scan3A_255 : i32 to index
          %swap3A_311 = arith.constant 64 : index
          %swap3A_312 = tpu.vector_load %arg9[%swap3A_310, %swap3A_311] {strides = array<i32>} : memref<80x144xf32, #tpu.memory_space<vmem>>, vector<16xf32>,
          tpu.vector_store %arg9[%swap3A_310, %swap3A_311], %mul3A_309 {strides = array<i32>} : memref<80x144xf32, #tpu.memory_space<vmem>>, vector<16xf32>,
          %mul3A_313 = arith.constant 80 : i32
          %mul3A_314 = arith.muli %scan3A_245, %mul3A_313 : i32
          %add3A_315 = arith.addi %mul3A_314, %scan3A_255 : i32
          %get3A_316 = arith.index_cast %add3A_315 : i32 to index
          %get3A_317 = arith.constant 80 : index
          %get3A_318 = tpu.vector_load %arg8[%get3A_316, %get3A_317] {strides = array<i32>} : memref<160x144xf32, #tpu.memory_space<vmem>>, vector<16xf32>,
          %mul3A_319 = arith.mulf %get3A_318, %gather3A : vector<16xf32>
          %swap3A_320 = arith.index_cast %scan3A_255 : i32 to index
          %swap3A_321 = arith.constant 80 : index
          %swap3A_322 = tpu.vector_load %arg9[%swap3A_320, %swap3A_321] {strides = array<i32>} : memref<80x144xf32, #tpu.memory_space<vmem>>, vector<16xf32>,
          tpu.vector_store %arg9[%swap3A_320, %swap3A_321], %mul3A_319 {strides = array<i32>} : memref<80x144xf32, #tpu.memory_space<vmem>>, vector<16xf32>,
          %mul3A_323 = arith.constant 80 : i32
          %mul3A_324 = arith.muli %scan3A_245, %mul3A_323 : i32
          %add3A_325 = arith.addi %mul3A_324, %scan3A_255 : i32
          %get3A_326 = arith.index_cast %add3A_325 : i32 to index
          %get3A_327 = arith.constant 96 : index
          %get3A_328 = tpu.vector_load %arg8[%get3A_326, %get3A_327] {strides = array<i32>} : memref<160x144xf32, #tpu.memory_space<vmem>>, vector<16xf32>,
          %mul3A_329 = arith.mulf %get3A_328, %gather3A : vector<16xf32>
          %swap3A_330 = arith.index_cast %scan3A_255 : i32 to index
          %swap3A_331 = arith.constant 96 : index
          %swap3A_332 = tpu.vector_load %arg9[%swap3A_330, %swap3A_331] {strides = array<i32>} : memref<80x144xf32, #tpu.memory_space<vmem>>, vector<16xf32>,
          tpu.vector_store %arg9[%swap3A_330, %swap3A_331], %mul3A_329 {strides = array<i32>} : memref<80x144xf32, #tpu.memory_space<vmem>>, vector<16xf32>,
          %mul3A_333 = arith.constant 80 : i32
          %mul3A_334 = arith.muli %scan3A_245, %mul3A_333 : i32
          %add3A_335 = arith.addi %mul3A_334, %scan3A_255 : i32
          %get3A_336 = arith.index_cast %add3A_335 : i32 to index
          %get3A_337 = arith.constant 112 : index
          %get3A_338 = tpu.vector_load %arg8[%get3A_336, %get3A_337] {strides = array<i32>} : memref<160x144xf32, #tpu.memory_space<vmem>>, vector<16xf32>,
          %mul3A_339 = arith.mulf %get3A_338, %gather3A : vector<16xf32>
          %swap3A_340 = arith.index_cast %scan3A_255 : i32 to index
          %swap3A_341 = arith.constant 112 : index
          %swap3A_342 = tpu.vector_load %arg9[%swap3A_340, %swap3A_341] {strides = array<i32>} : memref<80x144xf32, #tpu.memory_space<vmem>>, vector<16xf32>,
          tpu.vector_store %arg9[%swap3A_340, %swap3A_341], %mul3A_339 {strides = array<i32>} : memref<80x144xf32, #tpu.memory_space<vmem>>, vector<16xf32>,
          %mul3A_343 = arith.constant 80 : i32
          %mul3A_344 = arith.muli %scan3A_245, %mul3A_343 : i32
          %add3A_345 = arith.addi %mul3A_344, %scan3A_255 : i32
          %get3A_346 = arith.index_cast %add3A_345 : i32 to index
          %get3A_347 = arith.constant 128 : index
          %get3A_348 = tpu.vector_load %arg8[%get3A_346, %get3A_347] {strides = array<i32>} : memref<160x144xf32, #tpu.memory_space<vmem>>, vector<16xf32>,
          %mul3A_349 = arith.mulf %get3A_348, %gather3A : vector<16xf32>
          %swap3A_350 = arith.index_cast %scan3A_255 : i32 to index
          %swap3A_351 = arith.constant 128 : index
          %swap3A_352 = tpu.vector_load %arg9[%swap3A_350, %swap3A_351] {strides = array<i32>} : memref<80x144xf32, #tpu.memory_space<vmem>>, vector<16xf32>,
          tpu.vector_store %arg9[%swap3A_350, %swap3A_351], %mul3A_349 {strides = array<i32>} : memref<80x144xf32, #tpu.memory_space<vmem>>, vector<16xf32>,
          %scan3A_353 = arith.constant 0 : i32
          scf.yield %scan3A_353 : i32
        }
        %scan3A_253 = arith.constant 80 : i32
        "tpu.region"() ({
          %run_scoped3A = tpu.sem_alloc : memref<!tpu.dma_semaphore, #tpu.memory_space<semaphore_mem>>
          %dma_start3A = arith.constant 0 : i32
          %dma_start3A_255 = tpu.memref_slice %arg11[%scan3A_245, %dma_start3A] : memref<2x80xi32, #tpu.memory_space<vmem>> -> memref<1x80xi32, #tpu.memory_space<vmem>>
          %dma_start3A_256 = tpu.memref_squeeze %dma_start3A_255 : memref<1x80xi32, #tpu.memory_space<vmem>> -> memref<80xi32, #tpu.memory_space<vmem>>
          %dma_start3A_257 = arith.constant 0 : i32
          %dma_start3A_258 = arith.constant 0 : i32
          %dma_start3A_259 = tpu.memref_slice %arg7[%dma_start3A_257, %dma_start3A_258] : memref<10000x144xf32, #tpu.memory_space<vmem_shared>> -> memref<10000x144xf32, #tpu.memory_space<vmem_shared>>
          tpu.enqueue_indirect_dma source(%arg9 : memref<80x144xf32, #tpu.memory_space<vmem>>) target(%dma_start3A_259 : memref<10000x144xf32, #tpu.memory_space<vmem_shared>>) offsets(%dma_start3A_256 : memref<80xi32, #tpu.memory_space<vmem>>) semaphore(%run_scoped3A : memref<!tpu.dma_semaphore, #tpu.memory_space<semaphore_mem>>) {add = true}
          %dma_wait3A = arith.constant 0 : i32
          %dma_wait3A_260 = tpu.memref_slice %arg11[%scan3A_245, %dma_wait3A] : memref<2x80xi32, #tpu.memory_space<vmem>> -> memref<1x80xi32, #tpu.memory_space<vmem>>
          %dma_wait3A_261 = tpu.memref_squeeze %dma_wait3A_260 : memref<1x80xi32, #tpu.memory_space<vmem>> -> memref<80xi32, #tpu.memory_space<vmem>>
          %dma_wait3A_262 = arith.constant 0 : i32
          %dma_wait3A_263 = arith.constant 0 : i32
          %dma_wait3A_264 = tpu.memref_slice %arg7[%dma_wait3A_262, %dma_wait3A_263] : memref<10000x144xf32, #tpu.memory_space<vmem_shared>> -> memref<10000x144xf32, #tpu.memory_space<vmem_shared>>
          tpu.wait_indirect_dma semaphore(%run_scoped3A : memref<!tpu.dma_semaphore, #tpu.memory_space<semaphore_mem>>) src(%arg9 : memref<80x144xf32, #tpu.memory_space<vmem>>) dst(%dma_wait3A_264 : memref<10000x144xf32, #tpu.memory_space<vmem_shared>>)
          tpu.yield
        }) : () -> ()
        %scan3A_254 = arith.constant 0 : i32
        scf.yield %scan3A_254 : i32
      }
      %scan3A_243 = arith.constant 2 : i32
      %scan3A_244 = arith.constant 0 : i32
      scf.yield %scan3A_244 : i32
    }
    %scan3A_103 = arith.constant 125 : i32
    %barrier3A_104 = arith.constant 0 : index
    tpu.barrier barrier_id(%barrier3A_104)
    %mul3A_105 = arith.constant 625 : i32
    %mul3A_106 = arith.muli %arg1, %mul3A_105 : i32
    %mul3A_107 = arith.constant 625 : i32
    %mul3A_108 = arith.muli %arg1, %mul3A_107 : i32
    "tpu.region"() ({
      %run_scoped3A = tpu.sem_alloc : memref<!tpu.dma_semaphore, #tpu.memory_space<semaphore_mem>>
      %dma_start3A = arith.constant 0 : i32
      %dma_start3A_110 = tpu.memref_slice %arg6[%mul3A_108, %add3A_56, %dma_start3A] : memref<10000x4x144xf32, #tpu.memory_space<hbm>> -> memref<625x1x144xf32, #tpu.memory_space<hbm>>
      %dma_start3A_111 = tpu.memref_squeeze %dma_start3A_110 : memref<625x1x144xf32, #tpu.memory_space<hbm>> -> memref<625x144xf32, #tpu.memory_space<hbm>>
      %dma_start3A_112 = arith.constant 0 : i32
      %dma_start3A_113 = tpu.memref_slice %arg7[%mul3A_106, %dma_start3A_112] : memref<10000x144xf32, #tpu.memory_space<vmem_shared>> -> memref<625x144xf32, #tpu.memory_space<vmem_shared>>
      tpu.enqueue_dma source(%dma_start3A_113 : memref<625x144xf32, #tpu.memory_space<vmem_shared>>) target(%dma_start3A_111 : memref<625x144xf32, #tpu.memory_space<hbm>>) target_semaphore(%run_scoped3A : memref<!tpu.dma_semaphore, #tpu.memory_space<semaphore_mem>>)
      %dma_wait3A = arith.constant 0 : i32
      %dma_wait3A_114 = tpu.memref_slice %arg6[%mul3A_108, %add3A_56, %dma_wait3A] : memref<10000x4x144xf32, #tpu.memory_space<hbm>> -> memref<625x1x144xf32, #tpu.memory_space<hbm>>
      %dma_wait3A_115 = tpu.memref_squeeze %dma_wait3A_114 : memref<625x1x144xf32, #tpu.memory_space<hbm>> -> memref<625x144xf32, #tpu.memory_space<hbm>>
      %dma_wait3A_116 = arith.constant 0 : i32
      %dma_wait3A_117 = tpu.memref_slice %arg7[%mul3A_106, %dma_wait3A_116] : memref<10000x144xf32, #tpu.memory_space<vmem_shared>> -> memref<625x144xf32, #tpu.memory_space<vmem_shared>>
      tpu.wait_dma2 semaphore(%run_scoped3A : memref<!tpu.dma_semaphore, #tpu.memory_space<semaphore_mem>>) src(%dma_wait3A_117 : memref<625x144xf32, #tpu.memory_space<vmem_shared>>) dst(%dma_wait3A_115 : memref<625x144xf32, #tpu.memory_space<hbm>>)
      tpu.yield
    }) : () -> ()
    %barrier3A_109 = arith.constant 0 : index
    tpu.barrier barrier_id(%barrier3A_109)
    return
  }
}

#map = affine_map<(d0, d1) -> (0)>
#map1 = affine_map<(d0, d1) -> (0, 0)>
module attributes {stable_mosaic.version = 14 : i64} {
  func.func @_sc_decode_body(%arg0: i32, %arg1: i32, %arg2: memref<320000xi32, #tpu.memory_space<hbm>>, %arg3: memref<320000xi32, #tpu.memory_space<hbm>>, %arg4: memref<10000x64xf32, #tpu.memory_space<hbm>>, %arg5: memref<10000x64xf32, #tpu.memory_space<hbm>>, %arg6: memref<16320000xf32, #tpu.memory_space<hbm>>, %arg7: memref<80xi32, #tpu.memory_space<vmem>>, %arg8: memref<80xi32, #tpu.memory_space<vmem>>, %arg9: memref<80x64xf32, #tpu.memory_space<vmem>>, %arg10: memref<80x64xf32, #tpu.memory_space<vmem>>, %arg11: memref<4080xf32, #tpu.memory_space<vmem>>, %arg12: memref<!tpu.dma_semaphore, #tpu.memory_space<semaphore_mem>>, %arg13: memref<!tpu.dma_semaphore, #tpu.memory_space<semaphore_mem>>) attributes {dimension_semantics = [#tpu.dimension_semantics<core_parallel>, #tpu.dimension_semantics<subcore_parallel>], iteration_bounds = array<i64: 2, 16>, scalar_prefetch = 0 : i64, scratch_operands = 7 : i64, tpu.core_type = #tpu.core_type<sc_vector_subcore>, window_params = [{transform_indices = #map}, {transform_indices = #map}, {transform_indices = #map1}, {transform_indices = #map1}, {transform_indices = #map}]} {
    %mul3A = arith.constant 2 : i32
    %mul3A_0 = arith.muli %arg1, %mul3A : i32
    %add3A = arith.addi %mul3A_0, %arg0 : i32
    %mul3A_1 = arith.constant 10000 : i32
    %mul3A_2 = arith.muli %add3A, %mul3A_1 : i32
    %scan3A = arith.constant 0 : i32
    %scan3A_3 = arith.constant 0 : i32
    %scan3A_4 = arith.constant 125 : i32
    %scan3A_5 = arith.addi %scan3A_3, %scan3A_4 : i32
    %scan3A_6 = arith.constant 1 : i32
    %scan3A_7 = scf.for %scan3A_9 = %scan3A_3 to %scan3A_5 step %scan3A_6 iter_args(%scan3A_10 = %scan3A) -> (i32)  : i32 {
      %mul3A_11 = arith.constant 80 : i32
      %mul3A_12 = arith.muli %scan3A_9, %mul3A_11 : i32
      %add3A_13 = arith.addi %mul3A_2, %mul3A_12 : i32
      "tpu.region"() ({
        %run_scoped3A = tpu.sem_alloc : memref<!tpu.dma_semaphore, #tpu.memory_space<semaphore_mem>>
        %dma_start3A_34 = tpu.memref_slice %arg2[%add3A_13] : memref<320000xi32, #tpu.memory_space<hbm>> -> memref<80xi32, #tpu.memory_space<hbm>>
        %dma_start3A_35 = tpu.memref_slice %arg2[%add3A_13] : memref<320000xi32, #tpu.memory_space<hbm>> -> memref<80xi32, #tpu.memory_space<hbm>>
        tpu.enqueue_dma source(%dma_start3A_35 : memref<80xi32, #tpu.memory_space<hbm>>) target(%arg7 : memref<80xi32, #tpu.memory_space<vmem>>) target_semaphore(%run_scoped3A : memref<!tpu.dma_semaphore, #tpu.memory_space<semaphore_mem>>)
        %dma_wait3A_36 = tpu.memref_slice %arg2[%add3A_13] : memref<320000xi32, #tpu.memory_space<hbm>> -> memref<80xi32, #tpu.memory_space<hbm>>
        %dma_wait3A_37 = tpu.memref_slice %arg2[%add3A_13] : memref<320000xi32, #tpu.memory_space<hbm>> -> memref<80xi32, #tpu.memory_space<hbm>>
        tpu.wait_dma2 semaphore(%run_scoped3A : memref<!tpu.dma_semaphore, #tpu.memory_space<semaphore_mem>>) src(%dma_wait3A_37 : memref<80xi32, #tpu.memory_space<hbm>>) dst(%arg7 : memref<80xi32, #tpu.memory_space<vmem>>)
        tpu.yield
      }) : () -> ()
      "tpu.region"() ({
        %run_scoped3A = tpu.sem_alloc : memref<!tpu.dma_semaphore, #tpu.memory_space<semaphore_mem>>
        %dma_start3A_34 = tpu.memref_slice %arg3[%add3A_13] : memref<320000xi32, #tpu.memory_space<hbm>> -> memref<80xi32, #tpu.memory_space<hbm>>
        %dma_start3A_35 = tpu.memref_slice %arg3[%add3A_13] : memref<320000xi32, #tpu.memory_space<hbm>> -> memref<80xi32, #tpu.memory_space<hbm>>
        tpu.enqueue_dma source(%dma_start3A_35 : memref<80xi32, #tpu.memory_space<hbm>>) target(%arg8 : memref<80xi32, #tpu.memory_space<vmem>>) target_semaphore(%run_scoped3A : memref<!tpu.dma_semaphore, #tpu.memory_space<semaphore_mem>>)
        %dma_wait3A_36 = tpu.memref_slice %arg3[%add3A_13] : memref<320000xi32, #tpu.memory_space<hbm>> -> memref<80xi32, #tpu.memory_space<hbm>>
        %dma_wait3A_37 = tpu.memref_slice %arg3[%add3A_13] : memref<320000xi32, #tpu.memory_space<hbm>> -> memref<80xi32, #tpu.memory_space<hbm>>
        tpu.wait_dma2 semaphore(%run_scoped3A : memref<!tpu.dma_semaphore, #tpu.memory_space<semaphore_mem>>) src(%dma_wait3A_37 : memref<80xi32, #tpu.memory_space<hbm>>) dst(%arg8 : memref<80xi32, #tpu.memory_space<vmem>>)
        tpu.yield
      }) : () -> ()
      %dma_start3A = arith.constant 0 : i32
      %dma_start3A_14 = arith.constant 0 : i32
      %dma_start3A_15 = tpu.memref_slice %arg4[%dma_start3A, %dma_start3A_14] : memref<10000x64xf32, #tpu.memory_space<hbm>> -> memref<10000x64xf32, #tpu.memory_space<hbm>>
      tpu.enqueue_indirect_dma source(%dma_start3A_15 : memref<10000x64xf32, #tpu.memory_space<hbm>>) target(%arg9 : memref<80x64xf32, #tpu.memory_space<vmem>>) offsets(%arg7 : memref<80xi32, #tpu.memory_space<vmem>>) semaphore(%arg12 : memref<!tpu.dma_semaphore, #tpu.memory_space<semaphore_mem>>)
      %dma_start3A_16 = arith.constant 0 : i32
      %dma_start3A_17 = arith.constant 0 : i32
      %dma_start3A_18 = tpu.memref_slice %arg5[%dma_start3A_16, %dma_start3A_17] : memref<10000x64xf32, #tpu.memory_space<hbm>> -> memref<10000x64xf32, #tpu.memory_space<hbm>>
      tpu.enqueue_indirect_dma source(%dma_start3A_18 : memref<10000x64xf32, #tpu.memory_space<hbm>>) target(%arg10 : memref<80x64xf32, #tpu.memory_space<vmem>>) offsets(%arg8 : memref<80xi32, #tpu.memory_space<vmem>>) semaphore(%arg13 : memref<!tpu.dma_semaphore, #tpu.memory_space<semaphore_mem>>)
      %dma_wait3A = arith.constant 0 : i32
      %dma_wait3A_19 = arith.constant 0 : i32
      %dma_wait3A_20 = tpu.memref_slice %arg4[%dma_wait3A, %dma_wait3A_19] : memref<10000x64xf32, #tpu.memory_space<hbm>> -> memref<10000x64xf32, #tpu.memory_space<hbm>>
      tpu.wait_indirect_dma semaphore(%arg12 : memref<!tpu.dma_semaphore, #tpu.memory_space<semaphore_mem>>) src(%dma_wait3A_20 : memref<10000x64xf32, #tpu.memory_space<hbm>>) dst(%arg9 : memref<80x64xf32, #tpu.memory_space<vmem>>)
      %dma_wait3A_21 = arith.constant 0 : i32
      %dma_wait3A_22 = arith.constant 0 : i32
      %dma_wait3A_23 = tpu.memref_slice %arg5[%dma_wait3A_21, %dma_wait3A_22] : memref<10000x64xf32, #tpu.memory_space<hbm>> -> memref<10000x64xf32, #tpu.memory_space<hbm>>
      tpu.wait_indirect_dma semaphore(%arg13 : memref<!tpu.dma_semaphore, #tpu.memory_space<semaphore_mem>>) src(%dma_wait3A_23 : memref<10000x64xf32, #tpu.memory_space<hbm>>) dst(%arg10 : memref<80x64xf32, #tpu.memory_space<vmem>>)
      %iota3A = tpu.iota {dimensions = array<i32: 0>} : vector<16xi32>
      %scan3A_24 = arith.constant 0 : i32
      %scan3A_25 = arith.constant 0 : i32
      %scan3A_26 = arith.constant 80 : i32
      %scan3A_27 = arith.addi %scan3A_25, %scan3A_26 : i32
      %scan3A_28 = arith.constant 1 : i32
      %scan3A_29 = scf.for %scan3A_34 = %scan3A_25 to %scan3A_27 step %scan3A_28 iter_args(%scan3A_35 = %scan3A_24) -> (i32)  : i32 {
        %get3A = arith.index_cast %scan3A_34 : i32 to index
        %get3A_36 = arith.constant 0 : index
        %get3A_37 = tpu.vector_load %arg9[%get3A, %get3A_36] {strides = array<i32>} : memref<80x64xf32, #tpu.memory_space<vmem>>, vector<16xf32>,
        %get3A_38 = arith.index_cast %scan3A_34 : i32 to index
        %get3A_39 = arith.constant 0 : index
        %get3A_40 = tpu.vector_load %arg10[%get3A_38, %get3A_39] {strides = array<i32>} : memref<80x64xf32, #tpu.memory_space<vmem>>, vector<16xf32>,
        %add3A_41 = arith.addf %get3A_37, %get3A_40 : vector<16xf32>
        %mul3A_42 = arith.constant 51 : i32
        %mul3A_43 = arith.muli %scan3A_34, %mul3A_42 : i32
        %add3A_44 = arith.constant 0 : i32
        %add3A_45 = arith.addi %mul3A_43, %add3A_44 : i32
        %add3A_46 = vector.broadcast %add3A_45 : i32 to vector<16xi32>
        %add3A_47 = arith.addi %add3A_46, %iota3A : vector<16xi32>
        tpu.vector_store_idx %arg11[%add3A_47], %add3A_41 : memref<4080xf32, #tpu.memory_space<vmem>>[vector<16xi32>], vector<16xf32>,
        %get3A_48 = arith.index_cast %scan3A_34 : i32 to index
        %get3A_49 = arith.constant 16 : index
        %get3A_50 = tpu.vector_load %arg9[%get3A_48, %get3A_49] {strides = array<i32>} : memref<80x64xf32, #tpu.memory_space<vmem>>, vector<16xf32>,
        %get3A_51 = arith.index_cast %scan3A_34 : i32 to index
        %get3A_52 = arith.constant 16 : index
        %get3A_53 = tpu.vector_load %arg10[%get3A_51, %get3A_52] {strides = array<i32>} : memref<80x64xf32, #tpu.memory_space<vmem>>, vector<16xf32>,
        %add3A_54 = arith.addf %get3A_50, %get3A_53 : vector<16xf32>
        %mul3A_55 = arith.constant 51 : i32
        %mul3A_56 = arith.muli %scan3A_34, %mul3A_55 : i32
        %add3A_57 = arith.constant 16 : i32
        %add3A_58 = arith.addi %mul3A_56, %add3A_57 : i32
        %add3A_59 = vector.broadcast %add3A_58 : i32 to vector<16xi32>
        %add3A_60 = arith.addi %add3A_59, %iota3A : vector<16xi32>
        tpu.vector_store_idx %arg11[%add3A_60], %add3A_54 : memref<4080xf32, #tpu.memory_space<vmem>>[vector<16xi32>], vector<16xf32>,
        %get3A_61 = arith.index_cast %scan3A_34 : i32 to index
        %get3A_62 = arith.constant 32 : index
        %get3A_63 = tpu.vector_load %arg9[%get3A_61, %get3A_62] {strides = array<i32>} : memref<80x64xf32, #tpu.memory_space<vmem>>, vector<16xf32>,
        %get3A_64 = arith.index_cast %scan3A_34 : i32 to index
        %get3A_65 = arith.constant 32 : index
        %get3A_66 = tpu.vector_load %arg10[%get3A_64, %get3A_65] {strides = array<i32>} : memref<80x64xf32, #tpu.memory_space<vmem>>, vector<16xf32>,
        %add3A_67 = arith.addf %get3A_63, %get3A_66 : vector<16xf32>
        %mul3A_68 = arith.constant 51 : i32
        %mul3A_69 = arith.muli %scan3A_34, %mul3A_68 : i32
        %add3A_70 = arith.constant 32 : i32
        %add3A_71 = arith.addi %mul3A_69, %add3A_70 : i32
        %add3A_72 = vector.broadcast %add3A_71 : i32 to vector<16xi32>
        %add3A_73 = arith.addi %add3A_72, %iota3A : vector<16xi32>
        tpu.vector_store_idx %arg11[%add3A_73], %add3A_67 : memref<4080xf32, #tpu.memory_space<vmem>>[vector<16xi32>], vector<16xf32>,
        %get3A_74 = arith.index_cast %scan3A_34 : i32 to index
        %get3A_75 = arith.constant 48 : index
        %get3A_76 = tpu.vector_load %arg9[%get3A_74, %get3A_75] {strides = array<i32>} : memref<80x64xf32, #tpu.memory_space<vmem>>, vector<16xf32>,
        %get3A_77 = arith.index_cast %scan3A_34 : i32 to index
        %get3A_78 = arith.constant 48 : index
        %get3A_79 = tpu.vector_load %arg10[%get3A_77, %get3A_78] {strides = array<i32>} : memref<80x64xf32, #tpu.memory_space<vmem>>, vector<16xf32>,
        %add3A_80 = arith.addf %get3A_76, %get3A_79 : vector<16xf32>
        %mul3A_81 = arith.constant 51 : i32
        %mul3A_82 = arith.muli %scan3A_34, %mul3A_81 : i32
        %add3A_83 = arith.constant 48 : i32
        %add3A_84 = arith.addi %mul3A_82, %add3A_83 : i32
        %add3A_85 = vector.broadcast %add3A_84 : i32 to vector<16xi32>
        %add3A_86 = arith.addi %add3A_85, %iota3A : vector<16xi32>
        %lt3A = arith.constant 3 : i32
        %lt3A_87 = vector.broadcast %lt3A : i32 to vector<16xi32>
        %lt3A_88 = arith.cmpi slt, %iota3A, %lt3A_87 : vector<16xi32>
        tpu.vector_store_idx %arg11[%add3A_86], %add3A_80 masked %lt3A_88 : memref<4080xf32, #tpu.memory_space<vmem>>[vector<16xi32>], vector<16xf32>, vector<16xi1>
        %scan3A_89 = arith.constant 0 : i32
        scf.yield %scan3A_89 : i32
      }
      %scan3A_30 = arith.constant 80 : i32
      %mul3A_31 = arith.constant 51 : i32
      %mul3A_32 = arith.muli %add3A_13, %mul3A_31 : i32
      "tpu.region"() ({
        %run_scoped3A = tpu.sem_alloc : memref<!tpu.dma_semaphore, #tpu.memory_space<semaphore_mem>>
        %dma_start3A_34 = tpu.memref_slice %arg6[%mul3A_32] : memref<16320000xf32, #tpu.memory_space<hbm>> -> memref<4080xf32, #tpu.memory_space<hbm>>
        %dma_start3A_35 = tpu.memref_slice %arg6[%mul3A_32] : memref<16320000xf32, #tpu.memory_space<hbm>> -> memref<4080xf32, #tpu.memory_space<hbm>>
        tpu.enqueue_dma source(%arg11 : memref<4080xf32, #tpu.memory_space<vmem>>) target(%dma_start3A_35 : memref<4080xf32, #tpu.memory_space<hbm>>) target_semaphore(%run_scoped3A : memref<!tpu.dma_semaphore, #tpu.memory_space<semaphore_mem>>)
        %dma_wait3A_36 = tpu.memref_slice %arg6[%mul3A_32] : memref<16320000xf32, #tpu.memory_space<hbm>> -> memref<4080xf32, #tpu.memory_space<hbm>>
        %dma_wait3A_37 = tpu.memref_slice %arg6[%mul3A_32] : memref<16320000xf32, #tpu.memory_space<hbm>> -> memref<4080xf32, #tpu.memory_space<hbm>>
        tpu.wait_dma2 semaphore(%run_scoped3A : memref<!tpu.dma_semaphore, #tpu.memory_space<semaphore_mem>>) src(%arg11 : memref<4080xf32, #tpu.memory_space<vmem>>) dst(%dma_wait3A_37 : memref<4080xf32, #tpu.memory_space<hbm>>)
        tpu.yield
      }) : () -> ()
      %scan3A_33 = arith.constant 0 : i32
      scf.yield %scan3A_33 : i32
    }
    %scan3A_8 = arith.constant 125 : i32
    return
  }
}

module attributes {stable_mosaic.version = 14 : i64} {
  func.func @_tcw_body(%arg0: memref<16x512xf32, #tpu.memory_space<vmem>>, %arg1: memref<4x128xf32, #tpu.memory_space<vmem>>, %arg2: memref<16x512xf32, #tpu.memory_space<vmem>>, %arg3: memref<4x128xf32, #tpu.memory_space<vmem>>, %arg4: memref<1024x256xf32, #tpu.memory_space<vmem>>, %arg5: memref<256x64xf32, #tpu.memory_space<vmem>>, %arg6: memref<256xf32, #tpu.memory_space<vmem>>, %arg7: memref<64xf32, #tpu.memory_space<vmem>>, %arg8: memref<16x4xf32, #tpu.memory_space<vmem>>, %arg9: memref<16x4xf32, #tpu.memory_space<vmem>>, %arg10: memref<512x64xf32, #tpu.memory_space<vmem>>, %arg11: memref<512x64xf32, #tpu.memory_space<vmem>>, %arg12: memref<1x64xf32, #tpu.memory_space<vmem>>) attributes {dimension_semantics = [], scalar_prefetch = 0 : i64, scratch_operands = 0 : i64, tpu.core_type = #tpu.core_type<tc>} {
    %get3A = arith.constant 0 : index
    %get3A_0 = arith.constant 0 : index
    %get3A_1 = vector.load %arg0[%get3A, %get3A_0] : memref<16x512xf32, #tpu.memory_space<vmem>>, vector<16x512xf32>
    %reshape3A = vector.shape_cast %get3A_1 : vector<16x512xf32> to vector<16x4x128xf32>
    %get3A_2 = arith.constant 0 : index
    %get3A_3 = arith.constant 0 : index
    %get3A_4 = vector.load %arg1[%get3A_2, %get3A_3] : memref<4x128xf32, #tpu.memory_space<vmem>>, vector<4x128xf32>
    %broadcast_in_dim3A = vector.shape_cast %get3A_4 : vector<4x128xf32> to vector<1x4x128xf32>
    %mul3A = vector.broadcast %broadcast_in_dim3A : vector<1x4x128xf32> to vector<16x4x128xf32>
    %mul3A_5 = arith.mulf %reshape3A, %mul3A : vector<16x4x128xf32>
    %reduce_sum3A = arith.constant dense<0.000000e+00> : vector<16x4xf32>
    %reduce_sum3A_6 = vector.multi_reduction <add>, %mul3A_5, %reduce_sum3A [2] : vector<16x4x128xf32> to vector<16x4xf32>
    %swap3A = arith.constant 0 : index
    %swap3A_7 = arith.constant 0 : index
    %swap3A_8 = vector.load %arg8[%swap3A, %swap3A_7] : memref<16x4xf32, #tpu.memory_space<vmem>>, vector<16x4xf32>
    tpu.vector_store %arg8[%swap3A, %swap3A_7], %reduce_sum3A_6 {strides = array<i32>} : memref<16x4xf32, #tpu.memory_space<vmem>>, vector<16x4xf32>,
    %get3A_9 = arith.constant 0 : index
    %get3A_10 = arith.constant 0 : index
    %get3A_11 = vector.load %arg2[%get3A_9, %get3A_10] : memref<16x512xf32, #tpu.memory_space<vmem>>, vector<16x512xf32>
    %reshape3A_12 = vector.shape_cast %get3A_11 : vector<16x512xf32> to vector<16x4x128xf32>
    %get3A_13 = arith.constant 0 : index
    %get3A_14 = arith.constant 0 : index
    %get3A_15 = vector.load %arg3[%get3A_13, %get3A_14] : memref<4x128xf32, #tpu.memory_space<vmem>>, vector<4x128xf32>
    %broadcast_in_dim3A_16 = vector.shape_cast %get3A_15 : vector<4x128xf32> to vector<1x4x128xf32>
    %mul3A_17 = vector.broadcast %broadcast_in_dim3A_16 : vector<1x4x128xf32> to vector<16x4x128xf32>
    %mul3A_18 = arith.mulf %reshape3A_12, %mul3A_17 : vector<16x4x128xf32>
    %reduce_sum3A_19 = arith.constant dense<0.000000e+00> : vector<16x4xf32>
    %reduce_sum3A_20 = vector.multi_reduction <add>, %mul3A_18, %reduce_sum3A_19 [2] : vector<16x4x128xf32> to vector<16x4xf32>
    %swap3A_21 = arith.constant 0 : index
    %swap3A_22 = arith.constant 0 : index
    %swap3A_23 = vector.load %arg9[%swap3A_21, %swap3A_22] : memref<16x4xf32, #tpu.memory_space<vmem>>, vector<16x4xf32>
    tpu.vector_store %arg9[%swap3A_21, %swap3A_22], %reduce_sum3A_20 {strides = array<i32>} : memref<16x4xf32, #tpu.memory_space<vmem>>, vector<16x4xf32>,
    %get3A_24 = arith.constant 0 : index
    %get3A_25 = arith.constant 0 : index
    %get3A_26 = vector.load %arg4[%get3A_24, %get3A_25] : memref<1024x256xf32, #tpu.memory_space<vmem>>, vector<512x256xf32>
    %get3A_27 = arith.constant 0 : index
    %get3A_28 = arith.constant 0 : index
    %get3A_29 = vector.load %arg5[%get3A_27, %get3A_28] : memref<256x64xf32, #tpu.memory_space<vmem>>, vector<256x64xf32>
    %dot_general3A = arith.constant dense<0.000000e+00> : vector<512x64xf32>
    %dot_general3A_30 = tpu.matmul %get3A_26, %get3A_29, %dot_general3A {dimension_numbers = #tpu.dot_dimension_numbers<[1], [0], [0], [1], [0, 0, 1, 1], [], []>, transpose_lhs_hint = false} : vector<512x256xf32>, vector<256x64xf32>, vector<512x64xf32> -> vector<512x64xf32>
    %swap3A_31 = arith.constant 0 : index
    %swap3A_32 = arith.constant 0 : index
    %swap3A_33 = vector.load %arg10[%swap3A_31, %swap3A_32] : memref<512x64xf32, #tpu.memory_space<vmem>>, vector<512x64xf32>
    tpu.vector_store %arg10[%swap3A_31, %swap3A_32], %dot_general3A_30 {strides = array<i32>} : memref<512x64xf32, #tpu.memory_space<vmem>>, vector<512x64xf32>,
    %get3A_34 = arith.constant 512 : index
    %get3A_35 = arith.constant 0 : index
    %get3A_36 = vector.load %arg4[%get3A_34, %get3A_35] : memref<1024x256xf32, #tpu.memory_space<vmem>>, vector<512x256xf32>
    %get3A_37 = arith.constant 0 : index
    %get3A_38 = arith.constant 0 : index
    %get3A_39 = vector.load %arg5[%get3A_37, %get3A_38] : memref<256x64xf32, #tpu.memory_space<vmem>>, vector<256x64xf32>
    %dot_general3A_40 = arith.constant dense<0.000000e+00> : vector<512x64xf32>
    %dot_general3A_41 = tpu.matmul %get3A_36, %get3A_39, %dot_general3A_40 {dimension_numbers = #tpu.dot_dimension_numbers<[1], [0], [0], [1], [0, 0, 1, 1], [], []>, transpose_lhs_hint = false} : vector<512x256xf32>, vector<256x64xf32>, vector<512x64xf32> -> vector<512x64xf32>
    %swap3A_42 = arith.constant 0 : index
    %swap3A_43 = arith.constant 0 : index
    %swap3A_44 = vector.load %arg11[%swap3A_42, %swap3A_43] : memref<512x64xf32, #tpu.memory_space<vmem>>, vector<512x64xf32>
    tpu.vector_store %arg11[%swap3A_42, %swap3A_43], %dot_general3A_41 {strides = array<i32>} : memref<512x64xf32, #tpu.memory_space<vmem>>, vector<512x64xf32>,
    %get3A_45 = arith.constant 0 : index
    %get3A_46 = vector.load %arg6[%get3A_45] : memref<256xf32, #tpu.memory_space<vmem>>, vector<256xf32>
    %reshape3A_47 = vector.shape_cast %get3A_46 : vector<256xf32> to vector<1x256xf32>
    %get3A_48 = arith.constant 0 : index
    %get3A_49 = arith.constant 0 : index
    %get3A_50 = vector.load %arg5[%get3A_48, %get3A_49] : memref<256x64xf32, #tpu.memory_space<vmem>>, vector<256x64xf32>
    %dot_general3A_51 = arith.constant dense<0.000000e+00> : vector<1x64xf32>
    %dot_general3A_52 = tpu.matmul %reshape3A_47, %get3A_50, %dot_general3A_51 {dimension_numbers = #tpu.dot_dimension_numbers<[1], [0], [0], [1], [0, 0, 1, 1], [], []>, transpose_lhs_hint = false} : vector<1x256xf32>, vector<256x64xf32>, vector<1x64xf32> -> vector<1x64xf32>
    %get3A_53 = arith.constant 0 : index
    %get3A_54 = vector.load %arg7[%get3A_53] : memref<64xf32, #tpu.memory_space<vmem>>, vector<64xf32>
    %reshape3A_55 = vector.shape_cast %get3A_54 : vector<64xf32> to vector<1x64xf32>
    %add3A = arith.addf %dot_general3A_52, %reshape3A_55 : vector<1x64xf32>
    %swap3A_56 = arith.constant 0 : index
    %swap3A_57 = arith.constant 0 : index
    %swap3A_58 = vector.load %arg12[%swap3A_56, %swap3A_57] : memref<1x64xf32, #tpu.memory_space<vmem>>, vector<1x64xf32>
    tpu.vector_store %arg12[%swap3A_56, %swap3A_57], %add3A {strides = array<i32>} : memref<1x64xf32, #tpu.memory_space<vmem>>, vector<1x64xf32>,
    return
  }
}

module attributes {stable_mosaic.version = 14 : i64} {
  func.func @_tce_body(%arg0: i32, %arg1: memref<8000x16xf32, #tpu.memory_space<vmem>>, %arg2: memref<16x4xf32, #tpu.memory_space<vmem>>, %arg3: memref<16x4xf32, #tpu.memory_space<vmem>>, %arg4: memref<8000x4xf32, #tpu.memory_space<vmem>>, %arg5: memref<8000x4xf32, #tpu.memory_space<vmem>>) attributes {dimension_semantics = [#tpu.dimension_semantics<arbitrary>], iteration_bounds = array<i64: 40>, scalar_prefetch = 0 : i64, scratch_operands = 0 : i64, tpu.core_type = #tpu.core_type<tc>, window_params = [{transform_indices = @transform_0, window_bounds = array<i64: 8000, 16>}, {pipeline_mode = #tpu.pipeline_mode<synchronous>, transform_indices = @transform_1, window_bounds = array<i64: 16, 4>}, {pipeline_mode = #tpu.pipeline_mode<synchronous>, transform_indices = @transform_2, window_bounds = array<i64: 16, 4>}, {transform_indices = @transform_3, window_bounds = array<i64: 8000, 4>}, {transform_indices = @transform_4, window_bounds = array<i64: 8000, 4>}]} {
    %get3A = arith.constant 0 : index
    %get3A_0 = arith.constant 0 : index
    %get3A_1 = vector.load %arg1[%get3A, %get3A_0] : memref<8000x16xf32, #tpu.memory_space<vmem>>, vector<8000x16xf32>
    %get3A_2 = arith.constant 0 : index
    %get3A_3 = arith.constant 0 : index
    %get3A_4 = vector.load %arg2[%get3A_2, %get3A_3] : memref<16x4xf32, #tpu.memory_space<vmem>>, vector<16x4xf32>
    %dot_general3A = arith.constant dense<0.000000e+00> : vector<8000x4xf32>
    %dot_general3A_5 = tpu.matmul %get3A_1, %get3A_4, %dot_general3A {dimension_numbers = #tpu.dot_dimension_numbers<[1], [0], [0], [1], [0, 0, 1, 1], [], []>, transpose_lhs_hint = false} : vector<8000x16xf32>, vector<16x4xf32>, vector<8000x4xf32> -> vector<8000x4xf32>
    %swap3A = arith.constant 0 : index
    %swap3A_6 = arith.constant 0 : index
    %swap3A_7 = vector.load %arg4[%swap3A, %swap3A_6] : memref<8000x4xf32, #tpu.memory_space<vmem>>, vector<8000x4xf32>
    tpu.vector_store %arg4[%swap3A, %swap3A_6], %dot_general3A_5 {strides = array<i32>} : memref<8000x4xf32, #tpu.memory_space<vmem>>, vector<8000x4xf32>,
    %get3A_8 = arith.constant 0 : index
    %get3A_9 = arith.constant 0 : index
    %get3A_10 = vector.load %arg3[%get3A_8, %get3A_9] : memref<16x4xf32, #tpu.memory_space<vmem>>, vector<16x4xf32>
    %dot_general3A_11 = arith.constant dense<0.000000e+00> : vector<8000x4xf32>
    %dot_general3A_12 = tpu.matmul %get3A_1, %get3A_10, %dot_general3A_11 {dimension_numbers = #tpu.dot_dimension_numbers<[1], [0], [0], [1], [0, 0, 1, 1], [], []>, transpose_lhs_hint = false} : vector<8000x16xf32>, vector<16x4xf32>, vector<8000x4xf32> -> vector<8000x4xf32>
    %swap3A_13 = arith.constant 0 : index
    %swap3A_14 = arith.constant 0 : index
    %swap3A_15 = vector.load %arg5[%swap3A_13, %swap3A_14] : memref<8000x4xf32, #tpu.memory_space<vmem>>, vector<8000x4xf32>
    tpu.vector_store %arg5[%swap3A_13, %swap3A_14], %dot_general3A_12 {strides = array<i32>} : memref<8000x4xf32, #tpu.memory_space<vmem>>, vector<8000x4xf32>,
    return
  }
  func.func @transform_0(%arg0: i32) -> (i32, i32) {
    %c0_i32 = arith.constant 0 : i32
    %c0_i32_0 = arith.constant 0 : i32
    return %arg0, %c0_i32 : i32, i32
  }
  func.func @transform_1(%arg0: i32) -> (i32, i32) {
    %c0_i32 = arith.constant 0 : i32
    %c0_i32_0 = arith.constant 0 : i32
    %c0_i32_1 = arith.constant 0 : i32
    return %c0_i32, %c0_i32_0 : i32, i32
  }
  func.func @transform_2(%arg0: i32) -> (i32, i32) {
    %c0_i32 = arith.constant 0 : i32
    %c0_i32_0 = arith.constant 0 : i32
    %c0_i32_1 = arith.constant 0 : i32
    return %c0_i32, %c0_i32_0 : i32, i32
  }
  func.func @transform_3(%arg0: i32) -> (i32, i32) {
    %c0_i32 = arith.constant 0 : i32
    %c0_i32_0 = arith.constant 0 : i32
    return %arg0, %c0_i32 : i32, i32
  }
  func.func @transform_4(%arg0: i32) -> (i32, i32) {
    %c0_i32 = arith.constant 0 : i32
    %c0_i32_0 = arith.constant 0 : i32
    return %arg0, %c0_i32 : i32, i32
  }
}

module attributes {stable_mosaic.version = 14 : i64} {
  func.func @_tc1_body(%arg0: i32, %arg1: memref<1000x128xf32, #tpu.memory_space<vmem>>, %arg2: memref<128x512xf32, #tpu.memory_space<vmem>>, %arg3: memref<4x128xf32, #tpu.memory_space<vmem>>, %arg4: memref<4x128xf32, #tpu.memory_space<vmem>>, %arg5: memref<1000x4x144xf32, #tpu.memory_space<vmem>>, %arg6: memref<1000x4xf32, #tpu.memory_space<vmem>>, %arg7: memref<1000x4xf32, #tpu.memory_space<vmem>>) attributes {dimension_semantics = [#tpu.dimension_semantics<arbitrary>], iteration_bounds = array<i64: 10>, scalar_prefetch = 0 : i64, scratch_operands = 0 : i64, tpu.core_type = #tpu.core_type<tc>, window_params = [{transform_indices = @transform_0, window_bounds = array<i64: 1000, 128>}, {pipeline_mode = #tpu.pipeline_mode<synchronous>, transform_indices = @transform_1, window_bounds = array<i64: 128, 512>}, {pipeline_mode = #tpu.pipeline_mode<synchronous>, transform_indices = @transform_2, window_bounds = array<i64: 4, 128>}, {pipeline_mode = #tpu.pipeline_mode<synchronous>, transform_indices = @transform_3, window_bounds = array<i64: 4, 128>}, {transform_indices = @transform_4, window_bounds = array<i64: 1000, 4, 144>}, {transform_indices = @transform_5, window_bounds = array<i64: 1000, 4>}, {transform_indices = @transform_6, window_bounds = array<i64: 1000, 4>}]} {
    %get3A = arith.constant 0 : index
    %get3A_0 = arith.constant 0 : index
    %get3A_1 = vector.load %arg1[%get3A, %get3A_0] : memref<1000x128xf32, #tpu.memory_space<vmem>>, vector<1000x128xf32>
    %get3A_2 = arith.constant 0 : index
    %get3A_3 = arith.constant 0 : index
    %get3A_4 = vector.load %arg2[%get3A_2, %get3A_3] : memref<128x512xf32, #tpu.memory_space<vmem>>, vector<128x512xf32>
    %dot_general3A = arith.constant dense<0.000000e+00> : vector<1000x512xf32>
    %dot_general3A_5 = tpu.matmul %get3A_1, %get3A_4, %dot_general3A {dimension_numbers = #tpu.dot_dimension_numbers<[1], [0], [0], [1], [0, 0, 1, 1], [], []>, transpose_lhs_hint = false} : vector<1000x128xf32>, vector<128x512xf32>, vector<1000x512xf32> -> vector<1000x512xf32>
    %reshape3A = vector.shape_cast %dot_general3A_5 : vector<1000x512xf32> to vector<1000x4x128xf32>
    %iota3A = tpu.iota {dimensions = array<i32: 2>} : vector<1000x4x16xi32>
    %eq3A = arith.constant 0 : i32
    %eq3A_6 = vector.broadcast %eq3A : i32 to vector<1000x4x16xi32>
    %eq3A_7 = arith.cmpi eq, %iota3A, %eq3A_6 : vector<1000x4x16xi32>
    %convert_element_type3A = arith.extui %eq3A_7 : vector<1000x4x16xi1> to vector<1000x4x16xi32>
    %convert_element_type3A_8 = arith.sitofp %convert_element_type3A : vector<1000x4x16xi32> to vector<1000x4x16xf32>
    %concatenate3A = tpu.concatenate %reshape3A, %convert_element_type3A_8 in 2 : vector<1000x4x128xf32>, vector<1000x4x16xf32> -> vector<1000x4x144xf32>
    %swap3A = arith.constant 0 : index
    %swap3A_9 = arith.constant 0 : index
    %swap3A_10 = arith.constant 0 : index
    %swap3A_11 = vector.load %arg5[%swap3A, %swap3A_9, %swap3A_10] : memref<1000x4x144xf32, #tpu.memory_space<vmem>>, vector<1000x4x144xf32>
    tpu.vector_store %arg5[%swap3A, %swap3A_9, %swap3A_10], %concatenate3A {strides = array<i32>} : memref<1000x4x144xf32, #tpu.memory_space<vmem>>, vector<1000x4x144xf32>,
    %get3A_12 = arith.constant 0 : index
    %get3A_13 = arith.constant 0 : index
    %get3A_14 = vector.load %arg3[%get3A_12, %get3A_13] : memref<4x128xf32, #tpu.memory_space<vmem>>, vector<4x128xf32>
    %broadcast_in_dim3A = vector.shape_cast %get3A_14 : vector<4x128xf32> to vector<1x4x128xf32>
    %mul3A = vector.broadcast %broadcast_in_dim3A : vector<1x4x128xf32> to vector<1000x4x128xf32>
    %mul3A_15 = arith.mulf %reshape3A, %mul3A : vector<1000x4x128xf32>
    %reduce_sum3A = arith.constant dense<0.000000e+00> : vector<1000x4xf32>
    %reduce_sum3A_16 = vector.multi_reduction <add>, %mul3A_15, %reduce_sum3A [2] : vector<1000x4x128xf32> to vector<1000x4xf32>
    %swap3A_17 = arith.constant 0 : index
    %swap3A_18 = arith.constant 0 : index
    %swap3A_19 = vector.load %arg6[%swap3A_17, %swap3A_18] : memref<1000x4xf32, #tpu.memory_space<vmem>>, vector<1000x4xf32>
    tpu.vector_store %arg6[%swap3A_17, %swap3A_18], %reduce_sum3A_16 {strides = array<i32>} : memref<1000x4xf32, #tpu.memory_space<vmem>>, vector<1000x4xf32>,
    %get3A_20 = arith.constant 0 : index
    %get3A_21 = arith.constant 0 : index
    %get3A_22 = vector.load %arg4[%get3A_20, %get3A_21] : memref<4x128xf32, #tpu.memory_space<vmem>>, vector<4x128xf32>
    %broadcast_in_dim3A_23 = vector.shape_cast %get3A_22 : vector<4x128xf32> to vector<1x4x128xf32>
    %mul3A_24 = vector.broadcast %broadcast_in_dim3A_23 : vector<1x4x128xf32> to vector<1000x4x128xf32>
    %mul3A_25 = arith.mulf %reshape3A, %mul3A_24 : vector<1000x4x128xf32>
    %reduce_sum3A_26 = arith.constant dense<0.000000e+00> : vector<1000x4xf32>
    %reduce_sum3A_27 = vector.multi_reduction <add>, %mul3A_25, %reduce_sum3A_26 [2] : vector<1000x4x128xf32> to vector<1000x4xf32>
    %swap3A_28 = arith.constant 0 : index
    %swap3A_29 = arith.constant 0 : index
    %swap3A_30 = vector.load %arg7[%swap3A_28, %swap3A_29] : memref<1000x4xf32, #tpu.memory_space<vmem>>, vector<1000x4xf32>
    tpu.vector_store %arg7[%swap3A_28, %swap3A_29], %reduce_sum3A_27 {strides = array<i32>} : memref<1000x4xf32, #tpu.memory_space<vmem>>, vector<1000x4xf32>,
    return
  }
  func.func @transform_0(%arg0: i32) -> (i32, i32) {
    %c0_i32 = arith.constant 0 : i32
    %c0_i32_0 = arith.constant 0 : i32
    return %arg0, %c0_i32 : i32, i32
  }
  func.func @transform_1(%arg0: i32) -> (i32, i32) {
    %c0_i32 = arith.constant 0 : i32
    %c0_i32_0 = arith.constant 0 : i32
    %c0_i32_1 = arith.constant 0 : i32
    return %c0_i32, %c0_i32_0 : i32, i32
  }
  func.func @transform_2(%arg0: i32) -> (i32, i32) {
    %c0_i32 = arith.constant 0 : i32
    %c0_i32_0 = arith.constant 0 : i32
    %c0_i32_1 = arith.constant 0 : i32
    return %c0_i32, %c0_i32_0 : i32, i32
  }
  func.func @transform_3(%arg0: i32) -> (i32, i32) {
    %c0_i32 = arith.constant 0 : i32
    %c0_i32_0 = arith.constant 0 : i32
    %c0_i32_1 = arith.constant 0 : i32
    return %c0_i32, %c0_i32_0 : i32, i32
  }
  func.func @transform_4(%arg0: i32) -> (i32, i32, i32) {
    %c0_i32 = arith.constant 0 : i32
    %c0_i32_0 = arith.constant 0 : i32
    %c0_i32_1 = arith.constant 0 : i32
    return %arg0, %c0_i32, %c0_i32_0 : i32, i32, i32
  }
  func.func @transform_5(%arg0: i32) -> (i32, i32) {
    %c0_i32 = arith.constant 0 : i32
    %c0_i32_0 = arith.constant 0 : i32
    return %arg0, %c0_i32 : i32, i32
  }
  func.func @transform_6(%arg0: i32) -> (i32, i32) {
    %c0_i32 = arith.constant 0 : i32
    %c0_i32_0 = arith.constant 0 : i32
    return %arg0, %c0_i32 : i32, i32
  }
}

module attributes {stable_mosaic.version = 14 : i64} {
  func.func @_tc2_body(%arg0: i32, %arg1: memref<1000x4x144xf32, #tpu.memory_space<vmem>>, %arg2: memref<512xf32, #tpu.memory_space<vmem>>, %arg3: memref<512x512xf32, #tpu.memory_space<vmem>>, %arg4: memref<4x128xf32, #tpu.memory_space<vmem>>, %arg5: memref<4x128xf32, #tpu.memory_space<vmem>>, %arg6: memref<1000x4x144xf32, #tpu.memory_space<vmem>>, %arg7: memref<1000x4xf32, #tpu.memory_space<vmem>>, %arg8: memref<1000x4xf32, #tpu.memory_space<vmem>>) attributes {dimension_semantics = [#tpu.dimension_semantics<arbitrary>], iteration_bounds = array<i64: 10>, scalar_prefetch = 0 : i64, scratch_operands = 0 : i64, tpu.core_type = #tpu.core_type<tc>, window_params = [{transform_indices = @transform_0, window_bounds = array<i64: 1000, 4, 144>}, {pipeline_mode = #tpu.pipeline_mode<synchronous>, transform_indices = @transform_1, window_bounds = array<i64: 512>}, {pipeline_mode = #tpu.pipeline_mode<synchronous>, transform_indices = @transform_2, window_bounds = array<i64: 512, 512>}, {pipeline_mode = #tpu.pipeline_mode<synchronous>, transform_indices = @transform_3, window_bounds = array<i64: 4, 128>}, {pipeline_mode = #tpu.pipeline_mode<synchronous>, transform_indices = @transform_4, window_bounds = array<i64: 4, 128>}, {transform_indices = @transform_5, window_bounds = array<i64: 1000, 4, 144>}, {transform_indices = @transform_6, window_bounds = array<i64: 1000, 4>}, {transform_indices = @transform_7, window_bounds = array<i64: 1000, 4>}]} {
    %get3A = arith.constant 0 : index
    %get3A_0 = arith.constant 0 : index
    %get3A_1 = arith.constant 0 : index
    %get3A_2 = vector.load %arg1[%get3A, %get3A_0, %get3A_1] : memref<1000x4x144xf32, #tpu.memory_space<vmem>>, vector<1000x4x144xf32>
    %slice3A = vector.extract_strided_slice %get3A_2 {offsets = [0, 0, 0], sizes = [1000, 4, 128], strides = [1, 1, 1]} : vector<1000x4x144xf32> to vector<1000x4x128xf32>
    %slice3A_3 = vector.extract_strided_slice %get3A_2 {offsets = [0, 0, 128], sizes = [1000, 4, 1], strides = [1, 1, 1]} : vector<1000x4x144xf32> to vector<1000x4x1xf32>
    %add3A = arith.constant 1.000000e-16 : f32
    %add3A_4 = vector.broadcast %add3A : f32 to vector<1000x4x1xf32>
    %add3A_5 = arith.addf %slice3A_3, %add3A_4 : vector<1000x4x1xf32>
    %div3A = vector.broadcast %add3A_5 : vector<1000x4x1xf32> to vector<1000x4x128xf32>
    %div3A_6 = arith.divf %slice3A, %div3A : vector<1000x4x128xf32>
    %get3A_7 = arith.constant 0 : index
    %get3A_8 = vector.load %arg2[%get3A_7] : memref<512xf32, #tpu.memory_space<vmem>>, vector<512xf32>
    %reshape3A = vector.shape_cast %get3A_8 : vector<512xf32> to vector<1x4x128xf32>
    %add3A_9 = vector.broadcast %reshape3A : vector<1x4x128xf32> to vector<1000x4x128xf32>
    %add3A_10 = arith.addf %div3A_6, %add3A_9 : vector<1000x4x128xf32>
    %gt3A = arith.constant 0.000000e+00 : f32
    %gt3A_11 = vector.broadcast %gt3A : f32 to vector<1000x4x128xf32>
    %gt3A_12 = arith.cmpf ogt, %add3A_10, %gt3A_11 : vector<1000x4x128xf32>
    %exp3A = math.exp %add3A_10 : vector<1000x4x128xf32>
    %sub3A = arith.constant 1.000000e+00 : f32
    %sub3A_13 = vector.broadcast %sub3A : f32 to vector<1000x4x128xf32>
    %sub3A_14 = arith.subf %exp3A, %sub3A_13 : vector<1000x4x128xf32>
    %select_n3A = arith.select %gt3A_12, %add3A_10, %sub3A_14 : vector<1000x4x128xi1>, vector<1000x4x128xf32>
    %reshape3A_15 = vector.shape_cast %select_n3A : vector<1000x4x128xf32> to vector<1000x512xf32>
    %get3A_16 = arith.constant 0 : index
    %get3A_17 = arith.constant 0 : index
    %get3A_18 = vector.load %arg3[%get3A_16, %get3A_17] : memref<512x512xf32, #tpu.memory_space<vmem>>, vector<512x512xf32>
    %dot_general3A = arith.constant dense<0.000000e+00> : vector<1000x512xf32>
    %dot_general3A_19 = tpu.matmul %reshape3A_15, %get3A_18, %dot_general3A {dimension_numbers = #tpu.dot_dimension_numbers<[1], [0], [0], [1], [0, 0, 1, 1], [], []>, transpose_lhs_hint = false} : vector<1000x512xf32>, vector<512x512xf32>, vector<1000x512xf32> -> vector<1000x512xf32>
    %reshape3A_20 = vector.shape_cast %dot_general3A_19 : vector<1000x512xf32> to vector<1000x4x128xf32>
    %iota3A = tpu.iota {dimensions = array<i32: 2>} : vector<1000x4x16xi32>
    %eq3A = arith.constant 0 : i32
    %eq3A_21 = vector.broadcast %eq3A : i32 to vector<1000x4x16xi32>
    %eq3A_22 = arith.cmpi eq, %iota3A, %eq3A_21 : vector<1000x4x16xi32>
    %convert_element_type3A = arith.extui %eq3A_22 : vector<1000x4x16xi1> to vector<1000x4x16xi32>
    %convert_element_type3A_23 = arith.sitofp %convert_element_type3A : vector<1000x4x16xi32> to vector<1000x4x16xf32>
    %concatenate3A = tpu.concatenate %reshape3A_20, %convert_element_type3A_23 in 2 : vector<1000x4x128xf32>, vector<1000x4x16xf32> -> vector<1000x4x144xf32>
    %swap3A = arith.constant 0 : index
    %swap3A_24 = arith.constant 0 : index
    %swap3A_25 = arith.constant 0 : index
    %swap3A_26 = vector.load %arg6[%swap3A, %swap3A_24, %swap3A_25] : memref<1000x4x144xf32, #tpu.memory_space<vmem>>, vector<1000x4x144xf32>
    tpu.vector_store %arg6[%swap3A, %swap3A_24, %swap3A_25], %concatenate3A {strides = array<i32>} : memref<1000x4x144xf32, #tpu.memory_space<vmem>>, vector<1000x4x144xf32>,
    %get3A_27 = arith.constant 0 : index
    %get3A_28 = arith.constant 0 : index
    %get3A_29 = vector.load %arg4[%get3A_27, %get3A_28] : memref<4x128xf32, #tpu.memory_space<vmem>>, vector<4x128xf32>
    %broadcast_in_dim3A = vector.shape_cast %get3A_29 : vector<4x128xf32> to vector<1x4x128xf32>
    %mul3A = vector.broadcast %broadcast_in_dim3A : vector<1x4x128xf32> to vector<1000x4x128xf32>
    %mul3A_30 = arith.mulf %reshape3A_20, %mul3A : vector<1000x4x128xf32>
    %reduce_sum3A = arith.constant dense<0.000000e+00> : vector<1000x4xf32>
    %reduce_sum3A_31 = vector.multi_reduction <add>, %mul3A_30, %reduce_sum3A [2] : vector<1000x4x128xf32> to vector<1000x4xf32>
    %swap3A_32 = arith.constant 0 : index
    %swap3A_33 = arith.constant 0 : index
    %swap3A_34 = vector.load %arg7[%swap3A_32, %swap3A_33] : memref<1000x4xf32, #tpu.memory_space<vmem>>, vector<1000x4xf32>
    tpu.vector_store %arg7[%swap3A_32, %swap3A_33], %reduce_sum3A_31 {strides = array<i32>} : memref<1000x4xf32, #tpu.memory_space<vmem>>, vector<1000x4xf32>,
    %get3A_35 = arith.constant 0 : index
    %get3A_36 = arith.constant 0 : index
    %get3A_37 = vector.load %arg5[%get3A_35, %get3A_36] : memref<4x128xf32, #tpu.memory_space<vmem>>, vector<4x128xf32>
    %broadcast_in_dim3A_38 = vector.shape_cast %get3A_37 : vector<4x128xf32> to vector<1x4x128xf32>
    %mul3A_39 = vector.broadcast %broadcast_in_dim3A_38 : vector<1x4x128xf32> to vector<1000x4x128xf32>
    %mul3A_40 = arith.mulf %reshape3A_20, %mul3A_39 : vector<1000x4x128xf32>
    %reduce_sum3A_41 = arith.constant dense<0.000000e+00> : vector<1000x4xf32>
    %reduce_sum3A_42 = vector.multi_reduction <add>, %mul3A_40, %reduce_sum3A_41 [2] : vector<1000x4x128xf32> to vector<1000x4xf32>
    %swap3A_43 = arith.constant 0 : index
    %swap3A_44 = arith.constant 0 : index
    %swap3A_45 = vector.load %arg8[%swap3A_43, %swap3A_44] : memref<1000x4xf32, #tpu.memory_space<vmem>>, vector<1000x4xf32>
    tpu.vector_store %arg8[%swap3A_43, %swap3A_44], %reduce_sum3A_42 {strides = array<i32>} : memref<1000x4xf32, #tpu.memory_space<vmem>>, vector<1000x4xf32>,
    return
  }
  func.func @transform_0(%arg0: i32) -> (i32, i32, i32) {
    %c0_i32 = arith.constant 0 : i32
    %c0_i32_0 = arith.constant 0 : i32
    %c0_i32_1 = arith.constant 0 : i32
    return %arg0, %c0_i32, %c0_i32_0 : i32, i32, i32
  }
  func.func @transform_1(%arg0: i32) -> i32 {
    %c0_i32 = arith.constant 0 : i32
    %c0_i32_0 = arith.constant 0 : i32
    return %c0_i32 : i32
  }
  func.func @transform_2(%arg0: i32) -> (i32, i32) {
    %c0_i32 = arith.constant 0 : i32
    %c0_i32_0 = arith.constant 0 : i32
    %c0_i32_1 = arith.constant 0 : i32
    return %c0_i32, %c0_i32_0 : i32, i32
  }
  func.func @transform_3(%arg0: i32) -> (i32, i32) {
    %c0_i32 = arith.constant 0 : i32
    %c0_i32_0 = arith.constant 0 : i32
    %c0_i32_1 = arith.constant 0 : i32
    return %c0_i32, %c0_i32_0 : i32, i32
  }
  func.func @transform_4(%arg0: i32) -> (i32, i32) {
    %c0_i32 = arith.constant 0 : i32
    %c0_i32_0 = arith.constant 0 : i32
    %c0_i32_1 = arith.constant 0 : i32
    return %c0_i32, %c0_i32_0 : i32, i32
  }
  func.func @transform_5(%arg0: i32) -> (i32, i32, i32) {
    %c0_i32 = arith.constant 0 : i32
    %c0_i32_0 = arith.constant 0 : i32
    %c0_i32_1 = arith.constant 0 : i32
    return %arg0, %c0_i32, %c0_i32_0 : i32, i32, i32
  }
  func.func @transform_6(%arg0: i32) -> (i32, i32) {
    %c0_i32 = arith.constant 0 : i32
    %c0_i32_0 = arith.constant 0 : i32
    return %arg0, %c0_i32 : i32, i32
  }
  func.func @transform_7(%arg0: i32) -> (i32, i32) {
    %c0_i32 = arith.constant 0 : i32
    %c0_i32_0 = arith.constant 0 : i32
    return %arg0, %c0_i32 : i32, i32
  }
}

module attributes {stable_mosaic.version = 14 : i64} {
  func.func @_tc3_body(%arg0: i32, %arg1: memref<1000x4x144xf32, #tpu.memory_space<vmem>>, %arg2: memref<512xf32, #tpu.memory_space<vmem>>, %arg3: memref<512x64xf32, #tpu.memory_space<vmem>>, %arg4: memref<512x64xf32, #tpu.memory_space<vmem>>, %arg5: memref<1x64xf32, #tpu.memory_space<vmem>>, %arg6: memref<1000x64xf32, #tpu.memory_space<vmem>>, %arg7: memref<1000x64xf32, #tpu.memory_space<vmem>>) attributes {dimension_semantics = [#tpu.dimension_semantics<arbitrary>], iteration_bounds = array<i64: 10>, scalar_prefetch = 0 : i64, scratch_operands = 0 : i64, tpu.core_type = #tpu.core_type<tc>, window_params = [{transform_indices = @transform_0, window_bounds = array<i64: 1000, 4, 144>}, {pipeline_mode = #tpu.pipeline_mode<synchronous>, transform_indices = @transform_1, window_bounds = array<i64: 512>}, {pipeline_mode = #tpu.pipeline_mode<synchronous>, transform_indices = @transform_2, window_bounds = array<i64: 512, 64>}, {pipeline_mode = #tpu.pipeline_mode<synchronous>, transform_indices = @transform_3, window_bounds = array<i64: 512, 64>}, {pipeline_mode = #tpu.pipeline_mode<synchronous>, transform_indices = @transform_4, window_bounds = array<i64: 1, 64>}, {transform_indices = @transform_5, window_bounds = array<i64: 1000, 64>}, {transform_indices = @transform_6, window_bounds = array<i64: 1000, 64>}]} {
    %get3A = arith.constant 0 : index
    %get3A_0 = arith.constant 0 : index
    %get3A_1 = arith.constant 0 : index
    %get3A_2 = vector.load %arg1[%get3A, %get3A_0, %get3A_1] : memref<1000x4x144xf32, #tpu.memory_space<vmem>>, vector<1000x4x144xf32>
    %slice3A = vector.extract_strided_slice %get3A_2 {offsets = [0, 0, 0], sizes = [1000, 4, 128], strides = [1, 1, 1]} : vector<1000x4x144xf32> to vector<1000x4x128xf32>
    %slice3A_3 = vector.extract_strided_slice %get3A_2 {offsets = [0, 0, 128], sizes = [1000, 4, 1], strides = [1, 1, 1]} : vector<1000x4x144xf32> to vector<1000x4x1xf32>
    %add3A = arith.constant 1.000000e-16 : f32
    %add3A_4 = vector.broadcast %add3A : f32 to vector<1000x4x1xf32>
    %add3A_5 = arith.addf %slice3A_3, %add3A_4 : vector<1000x4x1xf32>
    %div3A = vector.broadcast %add3A_5 : vector<1000x4x1xf32> to vector<1000x4x128xf32>
    %div3A_6 = arith.divf %slice3A, %div3A : vector<1000x4x128xf32>
    %get3A_7 = arith.constant 0 : index
    %get3A_8 = vector.load %arg2[%get3A_7] : memref<512xf32, #tpu.memory_space<vmem>>, vector<512xf32>
    %reshape3A = vector.shape_cast %get3A_8 : vector<512xf32> to vector<1x4x128xf32>
    %add3A_9 = vector.broadcast %reshape3A : vector<1x4x128xf32> to vector<1000x4x128xf32>
    %add3A_10 = arith.addf %div3A_6, %add3A_9 : vector<1000x4x128xf32>
    %gt3A = arith.constant 0.000000e+00 : f32
    %gt3A_11 = vector.broadcast %gt3A : f32 to vector<1000x4x128xf32>
    %gt3A_12 = arith.cmpf ogt, %add3A_10, %gt3A_11 : vector<1000x4x128xf32>
    %exp3A = math.exp %add3A_10 : vector<1000x4x128xf32>
    %sub3A = arith.constant 1.000000e+00 : f32
    %sub3A_13 = vector.broadcast %sub3A : f32 to vector<1000x4x128xf32>
    %sub3A_14 = arith.subf %exp3A, %sub3A_13 : vector<1000x4x128xf32>
    %select_n3A = arith.select %gt3A_12, %add3A_10, %sub3A_14 : vector<1000x4x128xi1>, vector<1000x4x128xf32>
    %reshape3A_15 = vector.shape_cast %select_n3A : vector<1000x4x128xf32> to vector<1000x512xf32>
    %get3A_16 = arith.constant 0 : index
    %get3A_17 = arith.constant 0 : index
    %get3A_18 = vector.load %arg3[%get3A_16, %get3A_17] : memref<512x64xf32, #tpu.memory_space<vmem>>, vector<512x64xf32>
    %dot_general3A = arith.constant dense<0.000000e+00> : vector<1000x64xf32>
    %dot_general3A_19 = tpu.matmul %reshape3A_15, %get3A_18, %dot_general3A {dimension_numbers = #tpu.dot_dimension_numbers<[1], [0], [0], [1], [0, 0, 1, 1], [], []>, transpose_lhs_hint = false} : vector<1000x512xf32>, vector<512x64xf32>, vector<1000x64xf32> -> vector<1000x64xf32>
    %get3A_20 = arith.constant 0 : index
    %get3A_21 = arith.constant 0 : index
    %get3A_22 = vector.load %arg5[%get3A_20, %get3A_21] : memref<1x64xf32, #tpu.memory_space<vmem>>, vector<1x64xf32>
    %add3A_23 = vector.broadcast %get3A_22 : vector<1x64xf32> to vector<1000x64xf32>
    %add3A_24 = arith.addf %dot_general3A_19, %add3A_23 : vector<1000x64xf32>
    %swap3A = arith.constant 0 : index
    %swap3A_25 = arith.constant 0 : index
    %swap3A_26 = vector.load %arg6[%swap3A, %swap3A_25] : memref<1000x64xf32, #tpu.memory_space<vmem>>, vector<1000x64xf32>
    tpu.vector_store %arg6[%swap3A, %swap3A_25], %add3A_24 {strides = array<i32>} : memref<1000x64xf32, #tpu.memory_space<vmem>>, vector<1000x64xf32>,
    %get3A_27 = arith.constant 0 : index
    %get3A_28 = arith.constant 0 : index
    %get3A_29 = vector.load %arg4[%get3A_27, %get3A_28] : memref<512x64xf32, #tpu.memory_space<vmem>>, vector<512x64xf32>
    %dot_general3A_30 = arith.constant dense<0.000000e+00> : vector<1000x64xf32>
    %dot_general3A_31 = tpu.matmul %reshape3A_15, %get3A_29, %dot_general3A_30 {dimension_numbers = #tpu.dot_dimension_numbers<[1], [0], [0], [1], [0, 0, 1, 1], [], []>, transpose_lhs_hint = false} : vector<1000x512xf32>, vector<512x64xf32>, vector<1000x64xf32> -> vector<1000x64xf32>
    %swap3A_32 = arith.constant 0 : index
    %swap3A_33 = arith.constant 0 : index
    %swap3A_34 = vector.load %arg7[%swap3A_32, %swap3A_33] : memref<1000x64xf32, #tpu.memory_space<vmem>>, vector<1000x64xf32>
    tpu.vector_store %arg7[%swap3A_32, %swap3A_33], %dot_general3A_31 {strides = array<i32>} : memref<1000x64xf32, #tpu.memory_space<vmem>>, vector<1000x64xf32>,
    return
  }
  func.func @transform_0(%arg0: i32) -> (i32, i32, i32) {
    %c0_i32 = arith.constant 0 : i32
    %c0_i32_0 = arith.constant 0 : i32
    %c0_i32_1 = arith.constant 0 : i32
    return %arg0, %c0_i32, %c0_i32_0 : i32, i32, i32
  }
  func.func @transform_1(%arg0: i32) -> i32 {
    %c0_i32 = arith.constant 0 : i32
    %c0_i32_0 = arith.constant 0 : i32
    return %c0_i32 : i32
  }
  func.func @transform_2(%arg0: i32) -> (i32, i32) {
    %c0_i32 = arith.constant 0 : i32
    %c0_i32_0 = arith.constant 0 : i32
    %c0_i32_1 = arith.constant 0 : i32
    return %c0_i32, %c0_i32_0 : i32, i32
  }
  func.func @transform_3(%arg0: i32) -> (i32, i32) {
    %c0_i32 = arith.constant 0 : i32
    %c0_i32_0 = arith.constant 0 : i32
    %c0_i32_1 = arith.constant 0 : i32
    return %c0_i32, %c0_i32_0 : i32, i32
  }
  func.func @transform_4(%arg0: i32) -> (i32, i32) {
    %c0_i32 = arith.constant 0 : i32
    %c0_i32_0 = arith.constant 0 : i32
    %c0_i32_1 = arith.constant 0 : i32
    return %c0_i32, %c0_i32_0 : i32, i32
  }
  func.func @transform_5(%arg0: i32) -> (i32, i32) {
    %c0_i32 = arith.constant 0 : i32
    %c0_i32_0 = arith.constant 0 : i32
    return %arg0, %c0_i32 : i32, i32
  }
  func.func @transform_6(%arg0: i32) -> (i32, i32) {
    %c0_i32 = arith.constant 0 : i32
    %c0_i32_0 = arith.constant 0 : i32
    return %arg0, %c0_i32 : i32, i32
  }
}

</mosaic_0001>

<sc_bundles>
// kernel: kernel.12.cloned.1.call-start
scs
__scs_entry_jumppad:
0x0: {  	(pc) =	sbr.rel $0x88, $3  }
0x1: {  	(tag) =	ssettag $0x0;
	lr =	simm.s32 $0x1  }
0x2: {  	[smem:$0x3F8E] =	sst lr;
	_ =	strace $0xD0000000  }
0x3: {  	_ = 	snop  }
0x4: {  	_ = 	snop  }
0x5: {  	_ = 	snop  }
0x6: {  	_ = 	snop  }
0x7: {  	_ = 	snop  }
__scs_overlays_trampoline_lowered:
0x8: {  	[smem:$0x3F9D] =	sst s0  }
0x9: {  	[smem:$0x3F9E] =	sst s1  }
0xa: {  	[smem:$0x3F9F] =	sst s2  }
0xb: {  	[smem:$0x3FA0] =	sst s3  }
0xc: {  	[smem:$0x3FA1] =	sst s4  }
0xd: {  	[smem:$0x3FA2] =	sst s5  }
0xe: {  	[smem:$0x3FA3] =	sst s6  }
0xf: {  	[smem:$0x3FA4] =	sst s7  }
0x10: {  	[smem:$0x3FA5] =	sst s8  }
0x11: {  	[smem:$0x3FA6] =	sst s9;
	s0 =	simm.s32 @!p0 $0x0  }
0x12: {  	s1 =	sld [smem:$0x3F8C];
	s0 =	simm.s32 @p0 $0x1  }
0x13: {  	[smem:$0x3FA7] =	sst s0;
	s0 =	simm.s32 @!p1 $0x0  }
0x14: {  	s2 =	sld [smem:$0x3F8B];
	s0 =	simm.s32 @p1 $0x1  }
0x15: {  	[smem:$0x3FA8] =	sst s0;
	s0 =	simm.s32 @!p2 $0x0  }
0x16: {  	s3 =	sld [smem:$0x3FDB];
	s0 =	simm.s32 @p2 $0x1  }
0x17: {  	s4 =	simm.s32 $0x1BF5;
	[smem:$0x3FAA] =	sst s0  }
0x18: {  	s0 =	sld [smem:$0x3F8D];
	_ =	swait.ge [sflag:s4], $0x0  }
0x19: {  	s7 =	sld [smem:$0x3F8E]  }
0x1a: {  	s8 =	sadd.s32 $0xFFFFE003, lr  }
0x1b: {  	s9 =	sadd.s32 $0xFFFFFEF7, lr;
	s5 =	simm.s32 $0xFFFFFFFF;
	p2 =	slt.u32 s8, $0xFFFFF086  }
0x1c: {  	p1 =	slt.u32 s9, $0xF7A;
	s5 =	simm.s32 @!p2 $0x0  }
0x1d: {  	s5 =	simm.s32 @p1 $0x1;
	p0 =	seq.s32 s7, s2  }
0x1e: {  	s7 =	smul.u32 @!p0 $0xF7A, s2;
	p2 =	seq.s32 @!p0 s5, $0x0  }
0x1f: {  	s9 =	smul.u32 $0xF7A, s1;
	s8 =	simm.s32 @!p0 $0x1BF5;
	p2 =	por !p2, p0  }
0x20: {  	[sflag:s8] =	ssyncset.s32 @!p0 $0xFFFFF086;
	s6 =	sadd.s32 @!p0 s3, s7;
	s7 =	simm.s32 @!p0 $0x108  }
0x21: {  	s3 =	sadd.s32 s3, s9;
	s6 =	sadd.s32 @!p0 $0x88, s6;
	s7 =	simm.s32 @p2 $0x1082  }
0x22: {  	[simem:s7], [sflag:s8] =	dma.local @!p0 [hbm:s6], $0xF7A  }
0x23: {  	s9 =	sor.u32 $0xD0000000, s2;
	s6 =	simm.s32 $0x108;
	_ =	swait.ge @!p0 [sflag:s8], $0x0  }
0x24: {  	s3 =	sadd.s32 $0x88, s3;
	s6 =	simm.s32 @!p1 $0x1082;
	[sflag:s4] =	ssyncset.s32 $0xFFFFF086  }
0x25: {  	[simem:s6], [sflag:s4] =	dma.local [hbm:s3], $0xF7A  }
0x26: {  	[smem:$0x3F8E] =	sst s1;
	(tag) =	ssettag s2;
	_ =	strace s9  }
0x27: {  	s1 =	sld [smem:$0x3F9E]  }
0x28: {  	s2 =	sld [smem:$0x3F9F]  }
0x29: {  	s4 =	sld [smem:$0x3FA1]  }
0x2a: {  	p0 =	seq.s32 s5, $0x0;
	s5 =	sld [smem:$0x3FA2]  }
0x2b: {  	s6 =	sld [smem:$0x3FA3]  }
0x2c: {  	s7 =	sld [smem:$0x3FA4]  }
0x2d: {  	s3 =	simm.s32 $0x108;
	s8 =	sld [smem:$0x3FA5]  }
0x2e: {  	s3 =	simm.s32 @!p0 $0x1082;
	s9 =	sld [smem:$0x3FA6]  }
0x2f: {  	lr =	sadd.s32 s0, s3;
	s0 =	sld [smem:$0x3F9D]  }
0x30: {  	s3 =	sld [smem:$0x3FA0]  }
0x31: {  	[smem:$0x3FA9] =	sst s10  }
0x32: {  	s10 =	sld [smem:$0x3FA7];
	_ =	sdelay $0x3  }
0x33: {  	p0 =	seq.s32 s10, $0x1;
	s10 =	sld [smem:$0x3FA9];
	_ =	sdelay $0x3  }
0x34: {  	[smem:$0x3FA9] =	sst s10  }
0x35: {  	s10 =	sld [smem:$0x3FA8];
	_ =	sdelay $0x3  }
0x36: {  	p1 =	seq.s32 s10, $0x1;
	s10 =	sld [smem:$0x3FA9];
	_ =	sdelay $0x3  }
0x37: {  	[smem:$0x3FA9] =	sst s10  }
0x38: {  	s10 =	sld [smem:$0x3FAA]  }
0x39: {  	_ = 	snop;
	(pc) =	sbr.ind lr, $3  }
0x3a: {  	_ = 	snop  }
0x3b: {  	_ = 	snop  }
0x3c: {  	p2 =	seq.s32 s10, $0x1;
	s10 =	sld [smem:$0x3FA9]  }
0x3d: {  	_ =	shalt  }
0x3e: {  	_ =	shalt  }
0x3f: {  	_ =	shalt  }
0x40: {  	_ =	shalt  }
0x41: {  	_ =	shalt  }
0x42: {  	_ =	shalt  }
0x43: {  	_ =	shalt  }
0x44: {  	_ =	shalt  }
0x45: {  	_ =	shalt  }
0x46: {  	_ =	shalt  }
0x47: {  	_ =	shalt  }
0x48: {  	_ =	shalt  }
0x49: {  	_ =	shalt  }
0x4a: {  	_ =	shalt  }
0x4b: {  	_ =	shalt  }
0x4c: {  	_ =	shalt  }
0x4d: {  	_ =	shalt  }
0x4e: {  	_ =	shalt  }
0x4f: {  	_ =	shalt  }
0x50: {  	_ =	shalt  }
0x51: {  	_ =	shalt  }
0x52: {  	_ =	shalt  }
0x53: {  	_ =	shalt  }
0x54: {  	_ =	shalt  }
0x55: {  	_ =	shalt  }
0x56: {  	_ =	shalt  }
0x57: {  	_ =	shalt  }
0x58: {  	_ =	shalt  }
0x59: {  	_ =	shalt  }
0x5a: {  	_ =	shalt  }
0x5b: {  	_ =	shalt  }
0x5c: {  	_ =	shalt  }
0x5d: {  	_ =	shalt  }
0x5e: {  	_ =	shalt  }
0x5f: {  	_ =	shalt  }
0x60: {  	_ =	shalt  }
0x61: {  	_ =	shalt  }
0x62: {  	_ =	shalt  }
0x63: {  	_ =	shalt  }
0x64: {  	_ =	shalt  }
0x65: {  	_ =	shalt  }
0x66: {  	_ =	shalt  }
0x67: {  	_ =	shalt  }
0x68: {  	_ =	shalt  }
0x69: {  	_ =	shalt  }
0x6a: {  	_ =	shalt  }
0x6b: {  	_ =	shalt  }
0x6c: {  	_ =	shalt  }
0x6d: {  	_ =	shalt  }
0x6e: {  	_ =	shalt  }
0x6f: {  	_ =	shalt  }
0x70: {  	_ =	shalt  }
0x71: {  	_ =	shalt  }
0x72: {  	_ =	shalt  }
0x73: {  	_ =	shalt  }
0x74: {  	_ =	shalt  }
0x75: {  	_ =	shalt  }
0x76: {  	_ =	shalt  }
0x77: {  	_ =	shalt  }
0x78: {  	_ =	shalt  }
0x79: {  	_ =	shalt  }
0x7a: {  	_ =	shalt  }
0x7b: {  	_ =	shalt  }
0x7c: {  	_ =	shalt  }
0x7d: {  	_ =	shalt  }
0x7e: {  	_ =	shalt  }
0x7f: {  	_ =	shalt  }
0x80: {  	_ =	shalt  }
0x81: {  	_ =	shalt  }
0x82: {  	_ =	shalt  }
0x83: {  	_ =	shalt  }
0x84: {  	_ =	shalt  }
0x85: {  	_ =	shalt  }
0x86: {  	_ =	shalt  }
0x87: {  	_ =	shalt  }
.Lfunc_end0:
.L_simem_size_0:
called_computation.1_lowered:
.L_overlay_start_0:
0x88: {  	s2 =	sld [smem:$0x3FD9]  }
0x89: {  	s3 =	sld [smem:$0x3FFE];
	_ =	sdelay $0x1  }
0x8a: {  	s1 =	srdreg.scid  }
0x8b: {  	s0 =	sand.u32 $0x1, s1  }
0x8c: {  	s16 =	sshll.u32 s0, $0xA;
	s2 =	sadd.s32 s3, s2  }
0x8d: {  	s2 =	sadd.s32 s2, s16  }
0x8e: {  	[smem:$0x3FB5] =	sst s2  }
0x8f: {  	_ = 	snop  }
0x90: {  	(tm) =	ssettm $0x1  }
0x91: {  	s17 =	sld [smem:$0x3FFB];
	_ =	sdelay $0x3  }
0x92: {  	_ =	strace s17  }
0x93: {  	s2 =	sld [smem:$0x3FFC];
	_ =	sdelay $0x3  }
0x94: {  	_ =	strace s2  }
0x95: {  	s2 =	sld [smem:$0x3FFD];
	_ =	sdelay $0x3  }
0x96: {  	_ =	strace s2  }
0x97: {  	_ =	strace $0x8FFFFFFF  }
0x98: {  	s18 =	sld [smem:$0x3FDB];
	_ =	sdelay $0x1  }
0x99: {  	s19 =	simm.s32 $_scs_section_size  }
0x9a: {  	s4 =	simm.s32 $_size__tile_overlayer_lowered;
	s5 =	simm.s32 $_tile_overlayer_lowered  }
0x9b: {  	s22 =	simm.s32 $0x1BFF;
	s21 =	sshll.u32 s5, $0x1;
	s2 =	sadd.s32 s19, s18  }
0x9c: {  	s6 =	simm.s32 $0x0;
	s20 =	sshll.u32 s4, $0x1;
	s4 =	sadd.s32 s21, s2  }
0x9d: {  	[timem:s6], [sflag:s22] =	dma.local [hbm:s4], s20  }
0x9e: {  	_ =	swait.ge [sflag:s22], s20  }
0x9f: {  	s3 =	ssub.s32 $0x0, s20;
	[sflag:s22] =	ssyncset.done $0x0  }
0xa0: {  	[sflag:s22] =	ssyncadd.s32 s3;
	_ =	sdelay $0x1  }
0xa1: {  	s23 =	simm.s32 $0x1B8B  }
0xa2: {  	_ =	swait.ge [sflag:s23], $0x1  }
0xa3: {  	[sflag:s23] =	ssyncset.done $0x0  }
0xa4: {  	s25 =	simm.s32 $0x1B8E;
	s24 =	sld [smem:$0x3FFE];
	[sflag:s23] =	ssyncadd.s32 $0xFFFFFFFF  }
0xa5: {  	s26 =	simm.s32 $execute0_lowered;
	[smem:$0x3FD2] =	sst s25  }
0xa6: {  	s4 =	sshll.u32 s26, $0x1;
	_ =	strace $0x80000046;
	[dreg:$0x1] =	wrdreg $0xFFFFFFFF  }
0xa7: {  	s28 =	simm.s32 $_size_execute0_lowered;
	s2 =	sadd.s32 s2, s4;
	[dreg:$0x0] =	wrdreg $0x0  }
0xa8: {  	s4 =	sshll.u32 s28, $0x1;
	[dreg:$0x2] =	wrdreg s2  }
0xa9: {  	[dreg:$0x3] =	wrdreg s4  }
0xaa: {  	[dreg:$0x4] =	wrdreg $0xC0  }
0xab: {  	_ =	task [dreg:s6], $0x5FFFF  }
0xac: {  	[dreg:$0x1] =	wrdreg $0xFFFFFFFF  }
0xad: {  	[dreg:$0x0] =	wrdreg $0x60  }
0xae: {  	[dreg:$0x2] =	wrdreg s24  }
0xaf: {  	[dreg:$0x3] =	wrdreg $0x9  }
0xb0: {  	_ =	task.clear_ibuf [dreg:s6], $0x4FFFF;
	_ =	strace $0x90000046  }
0xb1: {  	s29 =	simm.s32 $0x9;
	_ =	strace $0x80000048  }
0xb2: {  	_ =	swait.ge [sflag:s29], $0x1  }
0xb3: {  	[sflag:s29] =	ssyncadd.s32 $0xFFFFFFFF  }
0xb4: {  	_ =	strace $0x90000048  }
0xb5: {  	_ =	sfence  }
0xb6: {  	s30 =	sld [smem:$0x0];
	_ =	sdelay $0x2  }
0xb7: {  	s31 =	sshll.u32 s1, $0xD;
	s1 =	sshrl.u32 s1, $0x2  }
0xb8: {  	s3 =	sand.u32 $0x4000, s31;
	s1 =	sadd.s32 s1, s30  }
0xb9: {  	s0 =	sor.u32 s3, s0;
	s1 =	sshll.u32 s1, $0x11  }
0xba: {  	s0 =	sor.u32 s1, s0  }
0xbb: {  	s0 =	sadd.s32 $0x8F2B, s0  }
0xbc: {  	[sflag:s0] =	ssyncadd.remote.s32 $0x1  }
0xbd: {  	_ =	sfence.sel $0xFFFF  }
0xbe: {  	[dreg:$0x0] =	wrdreg $0xFFFFFFFF;
	(pc) =	sbr.abs _section_cstart, $3  }
0xbf: {  	[dreg:$0x1] =	wrdreg $0xFFFFFFFF  }
0xc0: {  	_ =	task.clear_ibuf [dreg:s6], $0x2FFFF;
	_ =	strace $0x9FFFFFFF  }
0xc1: {  	(tm) =	ssettm $0x7FFFFFFF  }
tec
execute0_lowered:
.L_overlay_start_1:
0x0: {  	(tag) =	ssettag $0x1  }
0x1: {  	s8 =	rddreg [dreg:$0x0]  }
0x2: {  	s0 =	rddreg [dreg:$0x1]  }
0x3: {  	s1 =	simm.s32 $0x0;
	s6 =	srdreg.scid;
	s2 =	stileid.u32  }
0x4: {  	s13 =	simm.s32 $0x13BA0;
	s14 =	simm.s32 $0x141E0;
	s15 =	simm.s32 $0x0  }
0x5: {  	[smem:$0x7FF] =	sst s1;
	s3 =	sadd.s32 $0x35C00, s8;
	s4 =	sadd.s32 $0x2BE00, s8  }
0x6: {  	s5 =	sadd.s32 $0x40E00, s8;
	s9 =	sand.u32 $0x1, s6;
	s6 =	sadd.s32 $0x3FA00, s8  }
0x7: {  	s11 =	sshll.u32 s2, $0x1;
	s7 =	sadd.s32 $0x4C00, s8;
	s10 =	ssub.s32 $0x2, s9  }
0x8: {  	s8 =	sadd.s32 $0x42200, s8;
	_ =	strace $0x80000047;
	s12 =	sshrl.u32 s10, $0x1  }
0x9: {  	v0 =	vlaneseq.u32;
	s9 =	sor.u32 s9, s11;
	s11 =	simm.s32 $0x1;
	s10 =	ssub.s32 s10, s12  }
0xa: {  	v0 =	vmul.u32 $0x4, v0;
	s9 =	smul.u32 $0x2710, s9;
	s12 =	simm.s32 $0x9C40;
	s10 =	smax.u32 s10, $0x1  }
.LBB2_1:
0xb: {  	[tilespmem:s1], [sflag:$0x1] =	stream.linear.gather [hbm4b:s5+s1], $0x9C40, $0x38;
	[tilespmem:$0x14820] =	vst v63  }
0xc: {  	_ =	swait.ge [sflag:s11], $0x9C40  }
0xd: {  	[sflag:s11] =	ssyncset.done $0x0  }
0xe: {  	[sflag:s11] =	ssyncadd.s32 $0xFFFF63C0  }
0xf: {  	[tilespmem:s12], [sflag:$0x1] =	stream.linear.gather [hbm4b:s6+s1], $0x9C40, $0x38;
	[tilespmem:$0x14820] =	vst v63  }
0x10: {  	_ =	swait.ge [sflag:s11], $0x9C40  }
0x11: {  	[sflag:s11] =	ssyncset.done $0x0  }
0x12: {  	s16 =	simm.s32 $0x0;
	[sflag:s11] =	ssyncadd.s32 $0xFFFF63C0  }
.LBB2_2:
0x13: {  	s17 =	smul.u32 $0x190, s16;
	_ =	sdelay $0x1  }
0x14: {  	s19 =	sadd.s32 s9, s17  }
0x15: {  	s18 =	sshrl.u32 s19, $0x3  }
0x16: {  	s21 =	simm.s32 $0x0;
	s17 =	simm.s32 $0x13880;
	s20 =	sadd.s32 s3, s18  }
0x17: {  	[tilespmem:s17], [sflag:$0x1] =	stream.linear.gather [hbm4b:s20+s21], $0x190, $0x38;
	[tilespmem:$0x14820] =	vst v63  }
0x18: {  	_ =	swait.ge [sflag:s11], $0x190  }
0x19: {  	[sflag:s11] =	ssyncset.done $0x0  }
0x1a: {  	s30 =	sadd.s32 s4, s18;
	s18 =	simm.s32 $0x13A10;
	[sflag:s11] =	ssyncadd.s32 $0xFFFFFE70  }
0x1b: {  	[tilespmem:s18], [sflag:$0x1] =	stream.linear.gather [hbm4b:s30+s21], $0x190, $0x38;
	[tilespmem:$0x14820] =	vst v63  }
0x1c: {  	_ =	swait.ge [sflag:s11], $0x190  }
0x1d: {  	s19 =	sshrl.u32 s19, $0x1;
	[sflag:s11] =	ssyncset.done $0x0  }
0x1e: {  	s31 =	sadd.s32 s7, s19;
	[sflag:s11] =	ssyncadd.s32 $0xFFFFFE70  }
0x1f: {  	[tilespmem:s13], [sflag:$0x1] =	stream.linear.gather [hbm4b:s31+s21], $0x640, $0x38;
	[tilespmem:$0x14820] =	vst v63  }
0x20: {  	_ =	swait.ge [sflag:s11], $0x640  }
0x21: {  	[sflag:s11] =	ssyncset.done $0x0  }
0x22: {  	[sflag:s11] =	ssyncadd.s32 $0xFFFFF9C0  }
0x23: {  	v1 =	vld [tilespmem:s17+$0x0]  }
0x24: {  	v2 =	vld [tilespmem:s18+$0x0];
	_ =	sdelay $0x3  }
0x25: {  	v1 =	vshll.u32 v1, $0x2  }
0x26: {  	v3 =	vmov s21;
	v2 =	vshll.u32 v2, $0x2  }
0x27: {  	v3 =	vshll.u32 v3, $0x2  }
0x28: {  	v3 =	vor.u32 v0, v3;
	_ =	sdelay $0x1  }
0x29: {  	v4 =	vld.idx.msk [tilespmem:v1+s1+$0x0], $0xffff  }
0x2a: {  	v5 =	vld.idx.msk [tilespmem:v2+s12+$0x0], $0xffff;
	_ =	sdelay $0x1  }
0x2b: {  	v6 =	vld.idx.msk [tilespmem:v3+s13+$0x0], $0xffff;
	_ =	sdelay $0x2  }
0x2c: {  	v4 =	vadd.f32 v5, v4;
	_ =	sdelay $0x1  }
0x2d: {  	v4 =	vadd.f32 v6, v4;
	_ =	sdelay $0x1  }
0x2e: {  	v53 =	vmul.f32 $2.000000030e-01, v4  }
0x2f: {  	vm0 =	vge.f32 v4, $0.0e+00  }
0x30: {  	v4 =	vsel vm0, v4, v53  }
0x31: {  	v4 =	vmul.f32 $1.442695020e+00, v4;
	_ =	sdelay $0x1  }
0x32: {  	(erf) = vpow2.f32 v4;
	_ =	sdelay $0x5  }
0x33: {  	v54 =	vor.u32 $0x1, v1  }
0x34: {  	v55 =	vor.u32 $0x1, v2;
	_ =	sdelay $0x1  }
0x35: {  	v56 =	vor.u32 $0x1, v3;
	v7 =	vpop (erf)  }
0x36: {  	[tilespmem:v3+s14+$0x0] =	vst.idx.msk $0xffff, v7  }
0x37: {  	v4 =	vld.idx.msk [tilespmem:v54+s1+$0x0], $0xffff  }
0x38: {  	v5 =	vld.idx.msk [tilespmem:v55+s12+$0x0], $0xffff;
	_ =	sdelay $0x1  }
0x39: {  	v7 =	vld.idx.msk [tilespmem:v56+s13+$0x0], $0xffff;
	_ =	sdelay $0x2  }
0x3a: {  	v4 =	vadd.f32 v5, v4;
	_ =	sdelay $0x1  }
0x3b: {  	v4 =	vadd.f32 v7, v4;
	_ =	sdelay $0x1  }
0x3c: {  	v57 =	vmul.f32 $2.000000030e-01, v4  }
0x3d: {  	vm13 =	vge.f32 v4, $0.0e+00  }
0x3e: {  	v4 =	vsel vm13, v4, v57  }
0x3f: {  	v4 =	vmul.f32 $1.442695020e+00, v4;
	_ =	sdelay $0x1  }
0x40: {  	(erf) = vpow2.f32 v4;
	_ =	sdelay $0x5  }
0x41: {  	v58 =	vor.u32 $0x2, v1  }
0x42: {  	v59 =	vor.u32 $0x2, v2;
	_ =	sdelay $0x1  }
0x43: {  	v60 =	vor.u32 $0x2, v3;
	v8 =	vpop (erf)  }
0x44: {  	[tilespmem:v56+s14+$0x0] =	vst.idx.msk $0xffff, v8  }
0x45: {  	v4 =	vld.idx.msk [tilespmem:v58+s1+$0x0], $0xffff  }
0x46: {  	v5 =	vld.idx.msk [tilespmem:v59+s12+$0x0], $0xffff;
	_ =	sdelay $0x1  }
0x47: {  	v6 =	vld.idx.msk [tilespmem:v60+s13+$0x0], $0xffff;
	_ =	sdelay $0x2  }
0x48: {  	v4 =	vadd.f32 v5, v4;
	_ =	sdelay $0x1  }
0x49: {  	v4 =	vadd.f32 v6, v4;
	_ =	sdelay $0x1  }
0x4a: {  	v61 =	vmul.f32 $2.000000030e-01, v4  }
0x4b: {  	vm14 =	vge.f32 v4, $0.0e+00  }
0x4c: {  	v4 =	vsel vm14, v4, v61  }
0x4d: {  	v4 =	vmul.f32 $1.442695020e+00, v4;
	_ =	sdelay $0x1  }
0x4e: {  	(erf) = vpow2.f32 v4;
	_ =	sdelay $0x5  }
0x4f: {  	v62 =	vor.u32 $0x3, v1  }
0x50: {  	v2 =	vor.u32 $0x3, v2;
	_ =	sdelay $0x1  }
0x51: {  	v1 =	vor.u32 $0x3, v3;
	v3 =	vpop (erf)  }
0x52: {  	[tilespmem:v60+s14+$0x0] =	vst.idx.msk $0xffff, v3  }
0x53: {  	v3 =	vld.idx.msk [tilespmem:v62+s1+$0x0], $0xffff  }
0x54: {  	v2 =	vld.idx.msk [tilespmem:v2+s12+$0x0], $0xffff;
	_ =	sdelay $0x1  }
0x55: {  	v63 =	vld.idx.msk [tilespmem:v1+s13+$0x0], $0xffff;
	_ =	sdelay $0x2  }
0x56: {  	v2 =	vadd.f32 v2, v3;
	_ =	sdelay $0x1  }
0x57: {  	v2 =	vadd.f32 v63, v2;
	_ =	sdelay $0x1  }
0x58: {  	v3 =	vmul.f32 $2.000000030e-01, v2  }
0x59: {  	vm15 =	vge.f32 v2, $0.0e+00  }
0x5a: {  	v2 =	vsel vm15, v2, v3  }
0x5b: {  	v2 =	vmul.f32 $1.442695020e+00, v2;
	_ =	sdelay $0x1  }
0x5c: {  	s20 =	simm.s32 $0x10;
	(erf) = vpow2.f32 v2  }
.LBB2_3:
0x5d: {  	_ =	sdelay $0x4  }
0x5e: {  	p0 =	sne.s32 s20, $0x180;
	s17 =	sadd.s32 $0x10, s17;
	s18 =	sadd.s32 $0x10, s18  }
0x5f: {  	s21 =	smov.u32 s20;
	s20 =	sadd.s32 $0x10, s20;
	_ =	sdelay $0x1  }
0x60: {  	v2 =	vpop (erf)  }
0x61: {  	[tilespmem:v1+s14+$0x0] =	vst.idx.msk $0xffff, v2  }
0x62: {  	v1 =	vld [tilespmem:s17+$0x0]  }
0x63: {  	v2 =	vld [tilespmem:s18+$0x0];
	_ =	sdelay $0x3  }
0x64: {  	v1 =	vshll.u32 v1, $0x2  }
0x65: {  	v3 =	vmov s21;
	v2 =	vshll.u32 v2, $0x2  }
0x66: {  	v3 =	vshll.u32 v3, $0x2  }
0x67: {  	v3 =	vor.u32 v0, v3;
	_ =	sdelay $0x1  }
0x68: {  	v4 =	vld.idx.msk [tilespmem:v1+s1+$0x0], $0xffff  }
0x69: {  	v5 =	vld.idx.msk [tilespmem:v2+s12+$0x0], $0xffff;
	_ =	sdelay $0x1  }
0x6a: {  	v6 =	vld.idx.msk [tilespmem:v3+s13+$0x0], $0xffff;
	_ =	sdelay $0x3  }
0x6b: {  	v4 =	vadd.f32 v5, v4;
	_ =	sdelay $0x1  }
0x6c: {  	v4 =	vadd.f32 v6, v4;
	_ =	sdelay $0x1  }
0x6d: {  	v5 =	vmul.f32 $2.000000030e-01, v4  }
0x6e: {  	vm0 =	vge.f32 v4, $0.0e+00  }
0x6f: {  	v4 =	vsel vm0, v4, v5  }
0x70: {  	v4 =	vmul.f32 $1.442695020e+00, v4;
	_ =	sdelay $0x1  }
0x71: {  	(erf) = vpow2.f32 v4;
	_ =	sdelay $0x5  }
0x72: {  	v4 =	vor.u32 $0x1, v1  }
0x73: {  	v5 =	vor.u32 $0x1, v2;
	_ =	sdelay $0x1  }
0x74: {  	v6 =	vor.u32 $0x1, v3;
	v7 =	vpop (erf)  }
0x75: {  	[tilespmem:v3+s14+$0x0] =	vst.idx.msk $0xffff, v7  }
0x76: {  	v4 =	vld.idx.msk [tilespmem:v4+s1+$0x0], $0xffff  }
0x77: {  	v5 =	vld.idx.msk [tilespmem:v5+s12+$0x0], $0xffff;
	_ =	sdelay $0x1  }
0x78: {  	v7 =	vld.idx.msk [tilespmem:v6+s13+$0x0], $0xffff;
	_ =	sdelay $0x3  }
0x79: {  	v4 =	vadd.f32 v5, v4;
	_ =	sdelay $0x1  }
0x7a: {  	v4 =	vadd.f32 v7, v4;
	_ =	sdelay $0x1  }
0x7b: {  	v5 =	vmul.f32 $2.000000030e-01, v4  }
0x7c: {  	vm0 =	vge.f32 v4, $0.0e+00  }
0x7d: {  	v4 =	vsel vm0, v4, v5  }
0x7e: {  	v4 =	vmul.f32 $1.442695020e+00, v4;
	_ =	sdelay $0x1  }
0x7f: {  	(erf) = vpow2.f32 v4;
	_ =	sdelay $0x5  }
0x80: {  	v4 =	vor.u32 $0x2, v1  }
0x81: {  	v5 =	vor.u32 $0x2, v2;
	_ =	sdelay $0x1  }
0x82: {  	v7 =	vor.u32 $0x2, v3;
	v8 =	vpop (erf)  }
0x83: {  	[tilespmem:v6+s14+$0x0] =	vst.idx.msk $0xffff, v8  }
0x84: {  	v4 =	vld.idx.msk [tilespmem:v4+s1+$0x0], $0xffff  }
0x85: {  	v5 =	vld.idx.msk [tilespmem:v5+s12+$0x0], $0xffff;
	_ =	sdelay $0x1  }
0x86: {  	v6 =	vld.idx.msk [tilespmem:v7+s13+$0x0], $0xffff;
	_ =	sdelay $0x3  }
0x87: {  	v4 =	vadd.f32 v5, v4;
	_ =	sdelay $0x1  }
0x88: {  	v4 =	vadd.f32 v6, v4;
	_ =	sdelay $0x1  }
0x89: {  	v5 =	vmul.f32 $2.000000030e-01, v4  }
0x8a: {  	vm0 =	vge.f32 v4, $0.0e+00  }
0x8b: {  	v4 =	vsel vm0, v4, v5  }
0x8c: {  	v4 =	vmul.f32 $1.442695020e+00, v4;
	_ =	sdelay $0x1  }
0x8d: {  	(erf) = vpow2.f32 v4;
	_ =	sdelay $0x5  }
0x8e: {  	v4 =	vor.u32 $0x3, v1  }
0x8f: {  	v2 =	vor.u32 $0x3, v2  }
0x90: {  	v1 =	vor.u32 $0x3, v3  }
0x91: {  	v3 =	vpop (erf)  }
0x92: {  	[tilespmem:v7+s14+$0x0] =	vst.idx.msk $0xffff, v3  }
0x93: {  	v3 =	vld.idx.msk [tilespmem:v4+s1+$0x0], $0xffff  }
0x94: {  	v2 =	vld.idx.msk [tilespmem:v2+s12+$0x0], $0xffff  }
0x95: {  	v4 =	vld.idx.msk [tilespmem:v1+s13+$0x0], $0xffff;
	_ =	sdelay $0x4  }
0x96: {  	v2 =	vadd.f32 v2, v3;
	_ =	sdelay $0x1  }
0x97: {  	v2 =	vadd.f32 v4, v2;
	_ =	sdelay $0x1  }
0x98: {  	vm0 =	vge.f32 v2, $0.0e+00;
	v3 =	vmul.f32 $2.000000030e-01, v2  }
.Ltmp0:
0x99: {  	(pc) =	sbr.rel @p0 .LBB2_3-.Ltmp0, $3  }
0x9a: {  	v2 =	vsel vm0, v2, v3  }
0x9b: {  	v2 =	vmul.f32 $1.442695020e+00, v2;
	_ =	sdelay $0x1  }
0x9c: {  	(erf) = vpow2.f32 v2  }
0x9d: {  	_ =	sdelay $0x6  }
0x9e: {  	s16 =	sadd.s32 $0x1, s16  }
0x9f: {  	p0 =	sne.s32 s16, $0x19;
	v2 =	vpop (erf)  }
.Ltmp1:
0xa0: {  	s17 =	sadd.s32 s8, s19;
	[tilespmem:v1+s14+$0x0] =	vst.idx.msk $0xffff, v2;
	(pc) =	sbr.rel @p0 .LBB2_2-.Ltmp1, $4  }
0xa1: {  	[hbm4b:s17+s1] =	stream.linear.scatter [tilespmem:s14], [sflag:$0x1], $0x640, $0x38;
	[tilespmem:$0x14820] =	vst v63  }
0xa2: {  	_ =	swait.ge [sflag:s11], $0x640  }
0xa3: {  	[sflag:s11] =	ssyncset.done $0x0  }
0xa4: {  	[sflag:s11] =	ssyncadd.s32 $0xFFFFF9C0  }
0xa5: {  	s15 =	sadd.s32 $0x1, s15  }
0xa6: {  	p0 =	sne.s32 s15, s10  }
.Ltmp2:
0xa7: {  	_ = 	snop;
	(pc) =	sbr.rel @p0 .LBB2_1-.Ltmp2, $1  }
0xa8: {  	_ =	sdelay $0x3  }
0xa9: {  	_ =	sfence.sel $0x180000  }
0xaa: {  	[bflag:$0x0] =	sbarrier.arrive $0xFFFF  }
0xab: {  	p0 =	sne.s32 s2, $0x0;
	_ =	strace $0x90000047  }
0xac: {  	s0 =	sadd.s32 @!p0 $0x100000, s0;
	[bflag:$0x2] =	sbarrier.arrive $0xFFFF  }
0xad: {  	[sflag:s0] =	ssyncadd.tile.s32 @!p0 $0x1;
	_ =	shalt  }
.Lfunc_end2:
_tile_overlayer_lowered:
.L_overlay_start_2:
0xae: {  	(tag) =	ssettag $0x2  }
0xaf: {  	s0 =	rddreg [dreg:$0x0];
	s2 =	stileid.u32  }
0xb0: {  	s1 =	rddreg [dreg:$0x1];
	p0 =	sne.s32 s2, $0x0  }
0xb1: {  	s3 =	rddreg [dreg:$0x2];
	[bflag:$0x3] =	sbarrier.arrive $0xFFFF;
	s2 =	simm.s32 @!p0 $0x1C01  }
0xb2: {  	[timem:s3], [sflag:s2] =	dma.local @!p0 [hbm:s0], s1  }
0xb3: {  	s0 =	simm.s32 @!p0 $0x1  }
0xb4: {  	_ =	swait.ge @!p0 [sflag:s0], s1  }
0xb5: {  	s1 =	ssub.s32 @!p0 $0x0, s1;
	[sflag:s0] =	ssyncset.done @!p0 $0x0  }
0xb6: {  	[sflag:s0] =	ssyncadd.s32 @!p0 s1  }
0xb7: {  	[bflag:$0x3] =	sbarrier.arrive $0xFFFF  }
0xb8: {  	_ =	shalt  }

// kernel: kernel.15.cloned.1.call-start
scs
__scs_entry_jumppad:
0x0: {  	(pc) =	sbr.rel $0x88, $3  }
0x1: {  	(tag) =	ssettag $0x0;
	lr =	simm.s32 $0x1  }
0x2: {  	[smem:$0x3F8E] =	sst lr;
	_ =	strace $0xD0000000  }
0x3: {  	_ = 	snop  }
0x4: {  	_ = 	snop  }
0x5: {  	_ = 	snop  }
0x6: {  	_ = 	snop  }
0x7: {  	_ = 	snop  }
__scs_overlays_trampoline_lowered:
0x8: {  	[smem:$0x3F9D] =	sst s0  }
0x9: {  	[smem:$0x3F9E] =	sst s1  }
0xa: {  	[smem:$0x3F9F] =	sst s2  }
0xb: {  	[smem:$0x3FA0] =	sst s3  }
0xc: {  	[smem:$0x3FA1] =	sst s4  }
0xd: {  	[smem:$0x3FA2] =	sst s5  }
0xe: {  	[smem:$0x3FA3] =	sst s6  }
0xf: {  	[smem:$0x3FA4] =	sst s7  }
0x10: {  	[smem:$0x3FA5] =	sst s8  }
0x11: {  	[smem:$0x3FA6] =	sst s9;
	s0 =	simm.s32 @!p0 $0x0  }
0x12: {  	s1 =	sld [smem:$0x3F8C];
	s0 =	simm.s32 @p0 $0x1  }
0x13: {  	[smem:$0x3FA7] =	sst s0;
	s0 =	simm.s32 @!p1 $0x0  }
0x14: {  	s2 =	sld [smem:$0x3F8B];
	s0 =	simm.s32 @p1 $0x1  }
0x15: {  	[smem:$0x3FA8] =	sst s0;
	s0 =	simm.s32 @!p2 $0x0  }
0x16: {  	s3 =	sld [smem:$0x3FDB];
	s0 =	simm.s32 @p2 $0x1  }
0x17: {  	s4 =	simm.s32 $0x1BF5;
	[smem:$0x3FAA] =	sst s0  }
0x18: {  	s0 =	sld [smem:$0x3F8D];
	_ =	swait.ge [sflag:s4], $0x0  }
0x19: {  	s7 =	sld [smem:$0x3F8E]  }
0x1a: {  	s8 =	sadd.s32 $0xFFFFE003, lr  }
0x1b: {  	s9 =	sadd.s32 $0xFFFFFEF7, lr;
	s5 =	simm.s32 $0xFFFFFFFF;
	p2 =	slt.u32 s8, $0xFFFFF086  }
0x1c: {  	p1 =	slt.u32 s9, $0xF7A;
	s5 =	simm.s32 @!p2 $0x0  }
0x1d: {  	s5 =	simm.s32 @p1 $0x1;
	p0 =	seq.s32 s7, s2  }
0x1e: {  	s7 =	smul.u32 @!p0 $0xF7A, s2;
	p2 =	seq.s32 @!p0 s5, $0x0  }
0x1f: {  	s9 =	smul.u32 $0xF7A, s1;
	s8 =	simm.s32 @!p0 $0x1BF5;
	p2 =	por !p2, p0  }
0x20: {  	[sflag:s8] =	ssyncset.s32 @!p0 $0xFFFFF086;
	s6 =	sadd.s32 @!p0 s3, s7;
	s7 =	simm.s32 @!p0 $0x108  }
0x21: {  	s3 =	sadd.s32 s3, s9;
	s6 =	sadd.s32 @!p0 $0x88, s6;
	s7 =	simm.s32 @p2 $0x1082  }
0x22: {  	[simem:s7], [sflag:s8] =	dma.local @!p0 [hbm:s6], $0xF7A  }
0x23: {  	s9 =	sor.u32 $0xD0000000, s2;
	s6 =	simm.s32 $0x108;
	_ =	swait.ge @!p0 [sflag:s8], $0x0  }
0x24: {  	s3 =	sadd.s32 $0x88, s3;
	s6 =	simm.s32 @!p1 $0x1082;
	[sflag:s4] =	ssyncset.s32 $0xFFFFF086  }
0x25: {  	[simem:s6], [sflag:s4] =	dma.local [hbm:s3], $0xF7A  }
0x26: {  	[smem:$0x3F8E] =	sst s1;
	(tag) =	ssettag s2;
	_ =	strace s9  }
0x27: {  	s1 =	sld [smem:$0x3F9E]  }
0x28: {  	s2 =	sld [smem:$0x3F9F]  }
0x29: {  	s4 =	sld [smem:$0x3FA1]  }
0x2a: {  	p0 =	seq.s32 s5, $0x0;
	s5 =	sld [smem:$0x3FA2]  }
0x2b: {  	s6 =	sld [smem:$0x3FA3]  }
0x2c: {  	s7 =	sld [smem:$0x3FA4]  }
0x2d: {  	s3 =	simm.s32 $0x108;
	s8 =	sld [smem:$0x3FA5]  }
0x2e: {  	s3 =	simm.s32 @!p0 $0x1082;
	s9 =	sld [smem:$0x3FA6]  }
0x2f: {  	lr =	sadd.s32 s0, s3;
	s0 =	sld [smem:$0x3F9D]  }
0x30: {  	s3 =	sld [smem:$0x3FA0]  }
0x31: {  	[smem:$0x3FA9] =	sst s10  }
0x32: {  	s10 =	sld [smem:$0x3FA7];
	_ =	sdelay $0x3  }
0x33: {  	p0 =	seq.s32 s10, $0x1;
	s10 =	sld [smem:$0x3FA9];
	_ =	sdelay $0x3  }
0x34: {  	[smem:$0x3FA9] =	sst s10  }
0x35: {  	s10 =	sld [smem:$0x3FA8];
	_ =	sdelay $0x3  }
0x36: {  	p1 =	seq.s32 s10, $0x1;
	s10 =	sld [smem:$0x3FA9];
	_ =	sdelay $0x3  }
0x37: {  	[smem:$0x3FA9] =	sst s10  }
0x38: {  	s10 =	sld [smem:$0x3FAA]  }
0x39: {  	_ = 	snop;
	(pc) =	sbr.ind lr, $3  }
0x3a: {  	_ = 	snop  }
0x3b: {  	_ = 	snop  }
0x3c: {  	p2 =	seq.s32 s10, $0x1;
	s10 =	sld [smem:$0x3FA9]  }
0x3d: {  	_ =	shalt  }
0x3e: {  	_ =	shalt  }
0x3f: {  	_ =	shalt  }
0x40: {  	_ =	shalt  }
0x41: {  	_ =	shalt  }
0x42: {  	_ =	shalt  }
0x43: {  	_ =	shalt  }
0x44: {  	_ =	shalt  }
0x45: {  	_ =	shalt  }
0x46: {  	_ =	shalt  }
0x47: {  	_ =	shalt  }
0x48: {  	_ =	shalt  }
0x49: {  	_ =	shalt  }
0x4a: {  	_ =	shalt  }
0x4b: {  	_ =	shalt  }
0x4c: {  	_ =	shalt  }
0x4d: {  	_ =	shalt  }
0x4e: {  	_ =	shalt  }
0x4f: {  	_ =	shalt  }
0x50: {  	_ =	shalt  }
0x51: {  	_ =	shalt  }
0x52: {  	_ =	shalt  }
0x53: {  	_ =	shalt  }
0x54: {  	_ =	shalt  }
0x55: {  	_ =	shalt  }
0x56: {  	_ =	shalt  }
0x57: {  	_ =	shalt  }
0x58: {  	_ =	shalt  }
0x59: {  	_ =	shalt  }
0x5a: {  	_ =	shalt  }
0x5b: {  	_ =	shalt  }
0x5c: {  	_ =	shalt  }
0x5d: {  	_ =	shalt  }
0x5e: {  	_ =	shalt  }
0x5f: {  	_ =	shalt  }
0x60: {  	_ =	shalt  }
0x61: {  	_ =	shalt  }
0x62: {  	_ =	shalt  }
0x63: {  	_ =	shalt  }
0x64: {  	_ =	shalt  }
0x65: {  	_ =	shalt  }
0x66: {  	_ =	shalt  }
0x67: {  	_ =	shalt  }
0x68: {  	_ =	shalt  }
0x69: {  	_ =	shalt  }
0x6a: {  	_ =	shalt  }
0x6b: {  	_ =	shalt  }
0x6c: {  	_ =	shalt  }
0x6d: {  	_ =	shalt  }
0x6e: {  	_ =	shalt  }
0x6f: {  	_ =	shalt  }
0x70: {  	_ =	shalt  }
0x71: {  	_ =	shalt  }
0x72: {  	_ =	shalt  }
0x73: {  	_ =	shalt  }
0x74: {  	_ =	shalt  }
0x75: {  	_ =	shalt  }
0x76: {  	_ =	shalt  }
0x77: {  	_ =	shalt  }
0x78: {  	_ =	shalt  }
0x79: {  	_ =	shalt  }
0x7a: {  	_ =	shalt  }
0x7b: {  	_ =	shalt  }
0x7c: {  	_ =	shalt  }
0x7d: {  	_ =	shalt  }
0x7e: {  	_ =	shalt  }
0x7f: {  	_ =	shalt  }
0x80: {  	_ =	shalt  }
0x81: {  	_ =	shalt  }
0x82: {  	_ =	shalt  }
0x83: {  	_ =	shalt  }
0x84: {  	_ =	shalt  }
0x85: {  	_ =	shalt  }
0x86: {  	_ =	shalt  }
0x87: {  	_ =	shalt  }
.Lfunc_end0:
.L_simem_size_0:
called_computation.2_lowered:
.L_overlay_start_0:
0x88: {  	s2 =	sld [smem:$0x3FD9]  }
0x89: {  	s3 =	sld [smem:$0x3FFE];
	_ =	sdelay $0x1  }
0x8a: {  	s1 =	srdreg.scid  }
0x8b: {  	s0 =	sand.u32 $0x1, s1  }
0x8c: {  	s16 =	sshll.u32 s0, $0xA;
	s2 =	sadd.s32 s3, s2  }
0x8d: {  	s2 =	sadd.s32 s2, s16  }
0x8e: {  	[smem:$0x3FB5] =	sst s2  }
0x8f: {  	_ = 	snop  }
0x90: {  	(tm) =	ssettm $0x1  }
0x91: {  	s17 =	sld [smem:$0x3FFB];
	_ =	sdelay $0x3  }
0x92: {  	_ =	strace s17  }
0x93: {  	s2 =	sld [smem:$0x3FFC];
	_ =	sdelay $0x3  }
0x94: {  	_ =	strace s2  }
0x95: {  	s2 =	sld [smem:$0x3FFD];
	_ =	sdelay $0x3  }
0x96: {  	_ =	strace s2  }
0x97: {  	_ =	strace $0x8FFFFFFF  }
0x98: {  	s18 =	sld [smem:$0x3FDB];
	_ =	sdelay $0x1  }
0x99: {  	s19 =	simm.s32 $_scs_section_size  }
0x9a: {  	s4 =	simm.s32 $_size__tile_overlayer_lowered;
	s5 =	simm.s32 $_tile_overlayer_lowered  }
0x9b: {  	s22 =	simm.s32 $0x1BFF;
	s21 =	sshll.u32 s5, $0x1;
	s2 =	sadd.s32 s19, s18  }
0x9c: {  	s6 =	simm.s32 $0x0;
	s20 =	sshll.u32 s4, $0x1;
	s4 =	sadd.s32 s21, s2  }
0x9d: {  	[timem:s6], [sflag:s22] =	dma.local [hbm:s4], s20  }
0x9e: {  	_ =	swait.ge [sflag:s22], s20  }
0x9f: {  	s3 =	ssub.s32 $0x0, s20;
	[sflag:s22] =	ssyncset.done $0x0  }
0xa0: {  	[sflag:s22] =	ssyncadd.s32 s3;
	_ =	sdelay $0x1  }
0xa1: {  	s23 =	simm.s32 $0x1B8B  }
0xa2: {  	_ =	swait.ge [sflag:s23], $0x1  }
0xa3: {  	[sflag:s23] =	ssyncset.done $0x0  }
0xa4: {  	s25 =	simm.s32 $0x1B8E;
	s24 =	sld [smem:$0x3FFE];
	[sflag:s23] =	ssyncadd.s32 $0xFFFFFFFF  }
0xa5: {  	s26 =	simm.s32 $execute0_lowered;
	[smem:$0x3FD2] =	sst s25  }
0xa6: {  	s4 =	sshll.u32 s26, $0x1;
	_ =	strace $0x80000049;
	[dreg:$0x1] =	wrdreg $0xFFFFFFFF  }
0xa7: {  	s28 =	simm.s32 $_size_execute0_lowered;
	s2 =	sadd.s32 s2, s4;
	[dreg:$0x0] =	wrdreg $0x0  }
0xa8: {  	s4 =	sshll.u32 s28, $0x1;
	[dreg:$0x2] =	wrdreg s2  }
0xa9: {  	[dreg:$0x3] =	wrdreg s4  }
0xaa: {  	[dreg:$0x4] =	wrdreg $0xC0  }
0xab: {  	_ =	task [dreg:s6], $0x5FFFF  }
0xac: {  	[dreg:$0x1] =	wrdreg $0xFFFFFFFF  }
0xad: {  	[dreg:$0x0] =	wrdreg $0x60  }
0xae: {  	[dreg:$0x2] =	wrdreg s24  }
0xaf: {  	[dreg:$0x3] =	wrdreg $0x0  }
0xb0: {  	[dreg:$0x4] =	wrdreg $0x9  }
0xb1: {  	_ =	task.clear_ibuf [dreg:s6], $0x5FFFF;
	_ =	strace $0x90000049  }
0xb2: {  	s29 =	simm.s32 $0x9;
	_ =	strace $0x8000004B  }
0xb3: {  	_ =	swait.ge [sflag:s29], $0x1  }
0xb4: {  	[sflag:s29] =	ssyncadd.s32 $0xFFFFFFFF  }
0xb5: {  	_ =	strace $0x9000004B  }
0xb6: {  	_ =	sfence  }
0xb7: {  	s30 =	sld [smem:$0x0];
	_ =	sdelay $0x2  }
0xb8: {  	s31 =	sshll.u32 s1, $0xD;
	s1 =	sshrl.u32 s1, $0x2  }
0xb9: {  	s3 =	sand.u32 $0x4000, s31;
	s1 =	sadd.s32 s1, s30  }
0xba: {  	s0 =	sor.u32 s3, s0;
	s1 =	sshll.u32 s1, $0x11  }
0xbb: {  	s0 =	sor.u32 s1, s0  }
0xbc: {  	s0 =	sadd.s32 $0x8F2B, s0  }
0xbd: {  	[sflag:s0] =	ssyncadd.remote.s32 $0x1  }
0xbe: {  	_ =	sfence.sel $0xFFFF  }
0xbf: {  	[dreg:$0x0] =	wrdreg $0xFFFFFFFF;
	(pc) =	sbr.abs _section_cstart, $3  }
0xc0: {  	[dreg:$0x1] =	wrdreg $0xFFFFFFFF  }
0xc1: {  	_ =	task.clear_ibuf [dreg:s6], $0x2FFFF;
	_ =	strace $0x9FFFFFFF  }
0xc2: {  	(tm) =	ssettm $0x7FFFFFFF  }
0xc3: {  	_ =	shalt  }
tec
execute0_lowered:
.L_overlay_start_1:
0x0: {  	(tag) =	ssettag $0x1  }
0x1: {  	s0 =	rddreg [dreg:$0x0]  }
0x2: {  	s1 =	rddreg [dreg:$0x1];
	s3 =	simm.s32 $0x0  }
0x3: {  	s13 =	stileid.u32;
	s2 =	srdreg.scid;
	s28 =	simm.s32 $0x1E730  }
0x4: {  	s29 =	simm.s32 $0x1E870;
	s30 =	simm.s32 $0x50;
	s31 =	simm.s32 $0x1E7D0  }
0x5: {  	[smem:$0x7FF] =	sst s3;
	s4 =	sadd.s32 $0x35C00, s0;
	s8 =	smul.u32 $0x57E40, s13  }
0x6: {  	s5 =	sadd.s32 $0x2BE00, s0;
	s6 =	sadd.s32 $0x69400, s0;
	s7 =	sadd.s32 $0x42200, s0  }
0x7: {  	s2 =	sand.u32 $0x1, s2;
	s0 =	sadd.s32 $0x119200, s0;
	_ =	strace $0x8000004A  }
0x8: {  	s9 =	ssub.s32 $0x2, s2;
	s19 =	smul.u32 $0x120, s2;
	s10 =	sshrl.u32 s8, $0x2  }
0x9: {  	s12 =	sshllo.u32 s2, $0x1;
	s11 =	sshrl.u32 s9, $0x1;
	s17 =	sadd.s32 s10, s1  }
0xa: {  	s22 =	smul.u32 $0x90, s12;
	s16 =	sadd.s32 $0x2D00, s17;
	[dreg:$0x3] =	wrdreg s17  }
0xb: {  	s15 =	ssub.s32 s9, s11;
	s18 =	sadd.s32 $0x5A00, s17;
	[dreg:$0x4] =	wrdreg s16  }
0xc: {  	s9 =	sshll.u32 s2, $0x1;
	s20 =	sadd.s32 $0x8700, s17;
	[dreg:$0x5] =	wrdreg s18  }
0xd: {  	s11 =	sadd.s32 s19, s8;
	s21 =	sadd.s32 $0xB400, s17;
	[dreg:$0x6] =	wrdreg s20  }
0xe: {  	s19 =	simm.s32 $0x18C90;
	s14 =	sadd.s32 $0xE100, s17;
	[dreg:$0x7] =	wrdreg s21  }
0xf: {  	s23 =	sadd.s32 $0x10E00, s17;
	s24 =	sadd.s32 $0x13B00, s17;
	[dreg:$0x8] =	wrdreg s14  }
0x10: {  	s11 =	sshrl.u32 s11, $0x3;
	s2 =	sadd.s32 s8, s22;
	[dreg:$0x9] =	wrdreg s23  }
0x11: {  	s26 =	smax.u32 s15, $0x1;
	s22 =	sor.u32 $0x140, s9;
	[dreg:$0xa] =	wrdreg s24  }
0x12: {  	s18 =	smul.u32 $0x4E20, s13;
	s25 =	sadd.s32 s0, s11;
	s2 =	sshrl.u32 s2, $0x3  }
0x13: {  	[dreg:$0xd] =	wrdreg s26;
	s23 =	sor.u32 $0x141, s9;
	s24 =	simm.s32 $0x1B990  }
0x14: {  	s26 =	simm.s32 $0x1E690;
	s20 =	simm.s32 $0x1;
	s21 =	simm.s32 $0x1E780  }
0x15: {  	[dreg:$0xb] =	wrdreg s25;
	s0 =	sadd.s32 s0, s2;
	s25 =	simm.s32 $0x2  }
0x16: {  	v2 =	vimm.f32 $0.0e+00;
	v1 =	vmov s12;
	v0 =	vmov s9;
	s2 =	simm.s32 $0x1E820;
	[dreg:$0xc] =	wrdreg s0;
	s0 =	simm.s32 $0x15F90  }
.LBB2_1:
0x17: {  	s8 =	simm.s32 $0x0;
	s10 =	simm.s32 $0x240  }
.LBB2_2:
0x18: {  	p0 =	sne.s32 s10, $0xB1C0;
	[tilespmem:s8+$0x1BA10] =	vst v2  }
0x19: {  	[tilespmem:s8+$0x1B990] =	vst v2  }
0x1a: {  	[tilespmem:s8+$0x1B9A0] =	vst v2  }
0x1b: {  	[tilespmem:s8+$0x1B9B0] =	vst v2  }
.Ltmp0:
0x1c: {  	[tilespmem:s8+$0x1B9C0] =	vst v2;
	(pc) =	sbr.rel @p0 .LBB2_2-.Ltmp0, $4  }
0x1d: {  	[tilespmem:s8+$0x1B9D0] =	vst v2  }
0x1e: {  	[tilespmem:s8+$0x1B9E0] =	vst v2  }
0x1f: {  	[tilespmem:s8+$0x1B9F0] =	vst v2  }
0x20: {  	[tilespmem:s8+$0x1BA00] =	vst v2;
	s8 =	sshra.s32 s10, $0x2;
	s10 =	sadd.s32 $0x240, s10  }
0x21: {  	[tilespmem:s8+$0x1BA10] =	vst v2  }
0x22: {  	[tilespmem:s8+$0x1B990] =	vst v2  }
0x23: {  	[tilespmem:s8+$0x1B9A0] =	vst v2  }
0x24: {  	[tilespmem:s8+$0x1B9B0] =	vst v2  }
0x25: {  	[tilespmem:s8+$0x1B9C0] =	vst v2  }
0x26: {  	[tilespmem:s8+$0x1B9D0] =	vst v2  }
0x27: {  	[tilespmem:s8+$0x1B9E0] =	vst v2  }
0x28: {  	[tilespmem:s8+$0x1B9F0] =	vst v2  }
0x29: {  	[tilespmem:s8+$0x1BA00] =	vst v2  }
0x2a: {  	[spmem:s17] =	stream.linear.scatter [tilespmem:s24], [sflag:$0x2], $0x2D00, $0x38;
	[tilespmem:$0x1EAF0] =	vst v63  }
0x2b: {  	_ =	swait.ge [sflag:s25], $0x2D00  }
0x2c: {  	[sflag:s25] =	ssyncset.done $0x0  }
0x2d: {  	s16 =	rddreg [dreg:$0x4];
	[sflag:s25] =	ssyncadd.s32 $0xFFFFD300  }
0x2e: {  	[spmem:s16] =	stream.linear.scatter [tilespmem:s24], [sflag:$0x2], $0x2D00, $0x38;
	[tilespmem:$0x1EAF0] =	vst v63  }
0x2f: {  	_ =	swait.ge [sflag:s25], $0x2D00  }
0x30: {  	[sflag:s25] =	ssyncset.done $0x0  }
0x31: {  	s10 =	rddreg [dreg:$0x5];
	[sflag:s25] =	ssyncadd.s32 $0xFFFFD300  }
0x32: {  	[spmem:s10] =	stream.linear.scatter [tilespmem:s24], [sflag:$0x2], $0x2D00, $0x38;
	[tilespmem:$0x1EAF0] =	vst v63  }
0x33: {  	_ =	swait.ge [sflag:s25], $0x2D00  }
0x34: {  	[sflag:s25] =	ssyncset.done $0x0  }
0x35: {  	s11 =	rddreg [dreg:$0x6];
	[sflag:s25] =	ssyncadd.s32 $0xFFFFD300  }
0x36: {  	[spmem:s11] =	stream.linear.scatter [tilespmem:s24], [sflag:$0x2], $0x2D00, $0x38;
	[tilespmem:$0x1EAF0] =	vst v63  }
0x37: {  	_ =	swait.ge [sflag:s25], $0x2D00  }
0x38: {  	[sflag:s25] =	ssyncset.done $0x0  }
0x39: {  	s13 =	rddreg [dreg:$0x7];
	[sflag:s25] =	ssyncadd.s32 $0xFFFFD300  }
0x3a: {  	[spmem:s13] =	stream.linear.scatter [tilespmem:s24], [sflag:$0x2], $0x2D00, $0x38;
	[tilespmem:$0x1EAF0] =	vst v63  }
0x3b: {  	_ =	swait.ge [sflag:s25], $0x2D00  }
0x3c: {  	[sflag:s25] =	ssyncset.done $0x0  }
0x3d: {  	s14 =	rddreg [dreg:$0x8];
	[sflag:s25] =	ssyncadd.s32 $0xFFFFD300  }
0x3e: {  	[spmem:s14] =	stream.linear.scatter [tilespmem:s24], [sflag:$0x2], $0x2D00, $0x38;
	[tilespmem:$0x1EAF0] =	vst v63  }
0x3f: {  	_ =	swait.ge [sflag:s25], $0x2D00  }
0x40: {  	[sflag:s25] =	ssyncset.done $0x0  }
0x41: {  	s15 =	rddreg [dreg:$0x9];
	[sflag:s25] =	ssyncadd.s32 $0xFFFFD300  }
0x42: {  	[spmem:s15] =	stream.linear.scatter [tilespmem:s24], [sflag:$0x2], $0x2D00, $0x38;
	[tilespmem:$0x1EAF0] =	vst v63  }
0x43: {  	_ =	swait.ge [sflag:s25], $0x2D00  }
0x44: {  	[sflag:s25] =	ssyncset.done $0x0  }
0x45: {  	s16 =	rddreg [dreg:$0xa];
	[sflag:s25] =	ssyncadd.s32 $0xFFFFD300  }
0x46: {  	[spmem:s16] =	stream.linear.scatter [tilespmem:s24], [sflag:$0x2], $0x2490, $0x38;
	[tilespmem:$0x1EAF0] =	vst v63  }
0x47: {  	_ =	swait.ge [sflag:s25], $0x2490  }
0x48: {  	[sflag:s25] =	ssyncset.done $0x0  }
0x49: {  	[sflag:s25] =	ssyncadd.s32 $0xFFFFDB70  }
0x4a: {  	s10 =	simm.s32 $0x0;
	s11 =	simm.s32 $0x0;
	[bflag:$0x0] =	sbarrier.arrive $0xFFFF  }
.LBB2_4:
0x4b: {  	s8 =	smul.u32 $0xA0, s11;
	_ =	sdelay $0x1  }
0x4c: {  	s8 =	sadd.s32 s18, s8  }
0x4d: {  	s13 =	sshrl.u32 s8, $0x3  }
0x4e: {  	s14 =	smulhi.u32 $0xCCCCCCCD, s8;
	s13 =	sadd.s32 s4, s13  }
0x4f: {  	[tilespmem:s26], [sflag:$0x2] =	stream.linear.gather [hbm4b:s13+s10], $0xA0, $0x38;
	[tilespmem:$0x1EAF0] =	vst v63  }
0x50: {  	s16 =	sshrl.u32 s14, $0x6  }
0x51: {  	s13 =	smul.u32 $0x50, s16  }
0x52: {  	_ =	swait.ge [sflag:s25], $0xA0  }
0x53: {  	[sflag:s25] =	ssyncset.done $0x0;
	s13 =	sshrl.u32 s13, $0x3  }
0x54: {  	[sflag:s25] =	ssyncadd.s32 $0xFFFFFF60;
	s13 =	sadd.s32 s5, s13  }
0x55: {  	[tilespmem:s28], [sflag:$0x2] =	stream.linear.gather [hbm4b:s13+s10], $0xA0, $0x38;
	[tilespmem:$0x1EAF0] =	vst v63  }
0x56: {  	s8 =	sshrl.u32 s8, $0x1;
	_ =	swait.ge [sflag:s25], $0xA0  }
0x57: {  	s8 =	sand.u32 $0x1FFFFFF0, s8;
	[sflag:s25] =	ssyncset.done $0x0  }
0x58: {  	s8 =	sadd.s32 s7, s8;
	[sflag:s25] =	ssyncadd.s32 $0xFFFFFF60  }
0x59: {  	[tilespmem:s29], [sflag:$0x2] =	stream.linear.gather [hbm4b:s8+s10], $0x280, $0x38;
	[tilespmem:$0x1EAF0] =	vst v63  }
0x5a: {  	_ =	swait.ge [sflag:s25], $0x280  }
0x5b: {  	[sflag:s25] =	ssyncset.done $0x0  }
0x5c: {  	[sflag:s25] =	ssyncadd.s32 $0xFFFFFD80  }
0x5d: {  	v3 =	vld [tilespmem:$0x1E690]  }
0x5e: {  	v4 =	vld [tilespmem:$0x1E6A0]  }
0x5f: {  	v5 =	vld [tilespmem:$0x1E6B0]  }
0x60: {  	v6 =	vld [tilespmem:$0x1E6C0]  }
0x61: {  	v7 =	vld [tilespmem:$0x1E6D0]  }
0x62: {  	v8 =	vld [tilespmem:$0x1E6E0];
	v3 =	vshll.u32 v3, $0x2  }
0x63: {  	v9 =	vld [tilespmem:$0x1E6F0];
	v4 =	vshll.u32 v4, $0x2;
	v3 =	vor.u32 v0, v3  }
0x64: {  	[tilespmem:$0x1E7D0] =	vst v3;
	v3 =	vor.u32 v0, v4;
	v4 =	vshll.u32 v5, $0x2;
	v5 =	vld [tilespmem:$0x1E700]  }
0x65: {  	[tilespmem:$0x1E7E0] =	vst v3;
	v3 =	vor.u32 v0, v4;
	v4 =	vshll.u32 v6, $0x2;
	v6 =	vld [tilespmem:$0x1E710]  }
0x66: {  	[tilespmem:$0x1E7F0] =	vst v3;
	v3 =	vor.u32 v0, v4;
	v4 =	vshll.u32 v7, $0x2;
	v7 =	vld [tilespmem:$0x1E720]  }
0x67: {  	[tilespmem:$0x1E800] =	vst v3;
	v3 =	vor.u32 v0, v4;
	v4 =	vshll.u32 v8, $0x2  }
0x68: {  	[tilespmem:$0x1E810] =	vst v3;
	v3 =	vor.u32 v0, v4;
	v4 =	vshll.u32 v9, $0x2  }
0x69: {  	[tilespmem:$0x1E820] =	vst v3;
	v3 =	vor.u32 v0, v4;
	v4 =	vshll.u32 v5, $0x2  }
0x6a: {  	[tilespmem:$0x1E830] =	vst v3;
	v3 =	vor.u32 v0, v4;
	v4 =	vshll.u32 v6, $0x2  }
0x6b: {  	[tilespmem:$0x1E840] =	vst v3;
	v3 =	vor.u32 v0, v4;
	v4 =	vshll.u32 v7, $0x2  }
0x6c: {  	[tilespmem:$0x1E850] =	vst v3;
	v3 =	vor.u32 v0, v4  }
0x6d: {  	[tilespmem:$0x1E860] =	vst v3  }
0x6e: {  	[tilespmem:s0], [sflag:$0x1] =	stream.indirect.gather [hbm4b:s6+s30], $0x90, s31, s30, $0xb8;
	[tilespmem:$0x1EAF0] =	vst v63  }
0x6f: {  	_ = 	snop  }
0x70: {  	[tilespmem:s19], [sflag:$0x1] =	stream.indirect.gather [hbm4b:s6+s30], $0x90, s2, s30, $0xb8;
	[tilespmem:$0x1EAF0] =	vst v63  }
0x71: {  	_ =	swait.ge [sflag:s20], $0x2D00  }
0x72: {  	[sflag:s20] =	ssyncset.done $0x0  }
0x73: {  	[sflag:s20] =	ssyncadd.s32 $0xFFFFD300  }
0x74: {  	v3 =	vand.u32 $0xFFFFFFFE, v0;
	_ =	swait.ge [sflag:s20], $0x2D00  }
0x75: {  	v3 =	vbroadcast v3, $0x0;
	[sflag:s20] =	ssyncset.done $0x0  }
0x76: {  	s13 =	simm.s32 $0x0;
	[sflag:s20] =	ssyncadd.s32 $0xFFFFD300  }
0x77: {  	v4 =	vld [tilespmem:s13+$0x15F90]  }
0x78: {  	v5 =	vld [tilespmem:s13+$0x15FA0]  }
0x79: {  	v6 =	vld [tilespmem:s13+$0x15FB0]  }
0x7a: {  	v7 =	vld [tilespmem:s13+$0x15FC0]  }
0x7b: {  	v3 =	vld.idx.msk [tilespmem:v3+s29+$0x0], $0xffff  }
0x7c: {  	v8 =	vld [tilespmem:s13+$0x15FD0]  }
0x7d: {  	v9 =	vld [tilespmem:s13+$0x15FE0]  }
0x7e: {  	v12 =	vld [tilespmem:s13+$0x15FF0]  }
0x7f: {  	v13 =	vld [tilespmem:s13+$0x16000]  }
0x80: {  	v11 =	vmul.f32 v4, v3;
	v4 =	vld [tilespmem:s13+$0x16010]  }
0x81: {  	v14 =	vmul.f32 v5, v3  }
0x82: {  	v10 =	vmul.f32 v6, v3;
	v7 =	vmul.f32 v7, v3  }
0x83: {  	s15 =	sadd.s32 $0x4, s9;
	v8 =	vmul.f32 v8, v3;
	v5 =	vmul.f32 v9, v3;
	[tilespmem:s13+$0x1B990] =	vst v11  }
0x84: {  	s14 =	simm.s32 $0x240;
	s16 =	simm.s32 $0x480;
	v9 =	vmul.f32 v12, v3;
	v6 =	vmul.f32 v13, v3;
	v11 =	vmov s15;
	[tilespmem:s13+$0x1B9A0] =	vst v14  }
.LBB2_5:
0x85: {  	p0 =	sne.s32 s16, $0xB1C0;
	v11 =	vand.u32 $0xFFFFFFFE, v11;
	[tilespmem:s13+$0x1B9B0] =	vst v10;
	v3 =	vmul.f32 v4, v3  }
0x86: {  	v4 =	vbroadcast v11, $0x0;
	[tilespmem:s13+$0x1B9C0] =	vst v7  }
0x87: {  	s8 =	sshra.s32 s14, $0x2;
	s14 =	smov.u32 s16;
	[tilespmem:s13+$0x1B9D0] =	vst v8  }
0x88: {  	v7 =	vld [tilespmem:s8+$0x15F90];
	[tilespmem:s13+$0x1B9E0] =	vst v5  }
0x89: {  	v5 =	vld [tilespmem:s8+$0x15FA0];
	[tilespmem:s13+$0x1B9F0] =	vst v9  }
0x8a: {  	v8 =	vld [tilespmem:s8+$0x15FB0];
	[tilespmem:s13+$0x1BA00] =	vst v6  }
0x8b: {  	v6 =	vld [tilespmem:s8+$0x15FC0];
	[tilespmem:s13+$0x1BA10] =	vst v3;
	s13 =	smov.u32 s8  }
0x8c: {  	v3 =	vld.idx.msk [tilespmem:v4+s29+$0x0], $0xffff  }
0x8d: {  	v9 =	vld [tilespmem:s13+$0x15FD0]  }
0x8e: {  	v11 =	vld [tilespmem:s13+$0x15FE0]  }
0x8f: {  	v12 =	vld [tilespmem:s13+$0x15FF0]  }
0x90: {  	v13 =	vld [tilespmem:s13+$0x16000]  }
.Ltmp1:
0x91: {  	v4 =	vld [tilespmem:s13+$0x16010];
	(pc) =	sbr.rel @p0 .LBB2_5-.Ltmp1, $4  }
0x92: {  	v14 =	vmul.f32 v7, v3;
	v15 =	vmul.f32 v5, v3  }
0x93: {  	v10 =	vmul.f32 v8, v3;
	v7 =	vmul.f32 v6, v3  }
0x94: {  	s15 =	sadd.s32 $0x4, s15;
	v8 =	vmul.f32 v9, v3;
	v5 =	vmul.f32 v11, v3;
	[tilespmem:s13+$0x1B990] =	vst v14  }
0x95: {  	s16 =	sadd.s32 $0x240, s16;
	v11 =	vmov s15;
	v9 =	vmul.f32 v12, v3;
	[tilespmem:s13+$0x1B9A0] =	vst v15;
	v6 =	vmul.f32 v13, v3  }
0x96: {  	[tilespmem:s13+$0x1B9B0] =	vst v10  }
0x97: {  	[tilespmem:s13+$0x1B9C0] =	vst v7  }
0x98: {  	s8 =	sshra.s32 s14, $0x2;
	[tilespmem:s13+$0x1B9D0] =	vst v8;
	v8 =	vand.u32 $0xFFFFFFFE, v11  }
0x99: {  	v7 =	vld [tilespmem:s8+$0x15F90];
	[tilespmem:s13+$0x1B9E0] =	vst v5;
	v5 =	vbroadcast v8, $0x0;
	_ =	sdelay $0x2  }
0x9a: {  	v3 =	vmul.f32 v4, v3;
	v8 =	vld [tilespmem:s8+$0x15FA0];
	[tilespmem:s13+$0x1B9F0] =	vst v9  }
0x9b: {  	v9 =	vld [tilespmem:s8+$0x15FB0];
	[tilespmem:s13+$0x1BA00] =	vst v6  }
0x9c: {  	v4 =	vld [tilespmem:s8+$0x15FC0];
	[tilespmem:s13+$0x1BA10] =	vst v3  }
0x9d: {  	v3 =	vld.idx.msk [tilespmem:v5+s29+$0x0], $0xffff;
	_ =	sdelay $0x3  }
0x9e: {  	v5 =	vld [tilespmem:s8+$0x15FD0]  }
0x9f: {  	v6 =	vld [tilespmem:s8+$0x15FE0];
	v7 =	vmul.f32 v7, v3  }
0xa0: {  	v10 =	vld [tilespmem:s8+$0x15FF0];
	v8 =	vmul.f32 v8, v3  }
0xa1: {  	v11 =	vld [tilespmem:s8+$0x16000];
	v9 =	vmul.f32 v9, v3;
	[tilespmem:s8+$0x1B990] =	vst v7  }
0xa2: {  	v4 =	vmul.f32 v4, v3;
	v7 =	vld [tilespmem:s8+$0x16010];
	[tilespmem:s8+$0x1B9A0] =	vst v8  }
0xa3: {  	v5 =	vmul.f32 v5, v3;
	[tilespmem:s8+$0x1B9B0] =	vst v9  }
0xa4: {  	v6 =	vmul.f32 v6, v3;
	[tilespmem:s8+$0x1B9C0] =	vst v4  }
0xa5: {  	v4 =	vmul.f32 v10, v3;
	[tilespmem:s8+$0x1B9D0] =	vst v5  }
0xa6: {  	v5 =	vmul.f32 v11, v3;
	[tilespmem:s8+$0x1B9E0] =	vst v6  }
0xa7: {  	[tilespmem:s8+$0x1B9F0] =	vst v4;
	v3 =	vmul.f32 v7, v3  }
0xa8: {  	[tilespmem:s8+$0x1BA00] =	vst v5  }
0xa9: {  	[tilespmem:s8+$0x1BA10] =	vst v3  }
0xaa: {  	v3 =	vmov s22;
	[spmem:s1] =	stream.indirect.scatter.add.f32 [tilespmem:s24], [sflag:$0x2], $0x90, s28, s30, $0xb8;
	[tilespmem:$0x1EAF0] =	vst v63  }
0xab: {  	v3 =	vand.u32 $0xFFFFFFFE, v3;
	_ =	swait.ge [sflag:s25], $0x2D00  }
0xac: {  	v3 =	vbroadcast v3, $0x0;
	[sflag:s25] =	ssyncset.done $0x0  }
0xad: {  	s13 =	simm.s32 $0x0;
	[sflag:s25] =	ssyncadd.s32 $0xFFFFD300  }
0xae: {  	v4 =	vld [tilespmem:s13+$0x18C90]  }
0xaf: {  	v5 =	vld [tilespmem:s13+$0x18CA0]  }
0xb0: {  	v6 =	vld [tilespmem:s13+$0x18CB0]  }
0xb1: {  	v7 =	vld [tilespmem:s13+$0x18CC0]  }
0xb2: {  	v3 =	vld.idx.msk [tilespmem:v3+s29+$0x0], $0xffff  }
0xb3: {  	v8 =	vld [tilespmem:s13+$0x18CD0]  }
0xb4: {  	v9 =	vld [tilespmem:s13+$0x18CE0]  }
0xb5: {  	v12 =	vld [tilespmem:s13+$0x18CF0]  }
0xb6: {  	v13 =	vld [tilespmem:s13+$0x18D00]  }
0xb7: {  	v11 =	vmul.f32 v4, v3;
	v4 =	vld [tilespmem:s13+$0x18D10]  }
0xb8: {  	v14 =	vmul.f32 v5, v3  }
0xb9: {  	v10 =	vmul.f32 v6, v3;
	v7 =	vmul.f32 v7, v3  }
0xba: {  	s15 =	sadd.s32 $0x4, s22;
	v8 =	vmul.f32 v8, v3;
	v5 =	vmul.f32 v9, v3;
	[tilespmem:s13+$0x1B990] =	vst v11  }
0xbb: {  	s14 =	simm.s32 $0x240;
	s16 =	simm.s32 $0x480;
	v9 =	vmul.f32 v12, v3;
	v6 =	vmul.f32 v13, v3;
	v11 =	vmov s15;
	[tilespmem:s13+$0x1B9A0] =	vst v14  }
.LBB2_7:
0xbc: {  	p0 =	sne.s32 s16, $0xB1C0;
	v11 =	vand.u32 $0xFFFFFFFE, v11;
	[tilespmem:s13+$0x1B9B0] =	vst v10;
	v3 =	vmul.f32 v4, v3  }
0xbd: {  	v4 =	vbroadcast v11, $0x0;
	[tilespmem:s13+$0x1B9C0] =	vst v7  }
0xbe: {  	s8 =	sshra.s32 s14, $0x2;
	s14 =	smov.u32 s16;
	[tilespmem:s13+$0x1B9D0] =	vst v8  }
0xbf: {  	v7 =	vld [tilespmem:s8+$0x18C90];
	[tilespmem:s13+$0x1B9E0] =	vst v5  }
0xc0: {  	v5 =	vld [tilespmem:s8+$0x18CA0];
	[tilespmem:s13+$0x1B9F0] =	vst v9  }
0xc1: {  	v8 =	vld [tilespmem:s8+$0x18CB0];
	[tilespmem:s13+$0x1BA00] =	vst v6  }
0xc2: {  	v6 =	vld [tilespmem:s8+$0x18CC0];
	[tilespmem:s13+$0x1BA10] =	vst v3;
	s13 =	smov.u32 s8  }
0xc3: {  	v3 =	vld.idx.msk [tilespmem:v4+s29+$0x0], $0xffff  }
0xc4: {  	v9 =	vld [tilespmem:s13+$0x18CD0]  }
0xc5: {  	v11 =	vld [tilespmem:s13+$0x18CE0]  }
0xc6: {  	v12 =	vld [tilespmem:s13+$0x18CF0]  }
0xc7: {  	v13 =	vld [tilespmem:s13+$0x18D00]  }
.Ltmp2:
0xc8: {  	v4 =	vld [tilespmem:s13+$0x18D10];
	(pc) =	sbr.rel @p0 .LBB2_7-.Ltmp2, $4  }
0xc9: {  	v14 =	vmul.f32 v7, v3;
	v15 =	vmul.f32 v5, v3  }
0xca: {  	v10 =	vmul.f32 v8, v3;
	v7 =	vmul.f32 v6, v3  }
0xcb: {  	s15 =	sadd.s32 $0x4, s15;
	v8 =	vmul.f32 v9, v3;
	v5 =	vmul.f32 v11, v3;
	[tilespmem:s13+$0x1B990] =	vst v14  }
0xcc: {  	s16 =	sadd.s32 $0x240, s16;
	v11 =	vmov s15;
	v9 =	vmul.f32 v12, v3;
	[tilespmem:s13+$0x1B9A0] =	vst v15;
	v6 =	vmul.f32 v13, v3  }
0xcd: {  	[tilespmem:s13+$0x1B9B0] =	vst v10;
	v55 =	vand.u32 $0xFFFFFFFE, v11  }
0xce: {  	[tilespmem:s13+$0x1B9C0] =	vst v7;
	v56 =	vbroadcast v55, $0x0  }
0xcf: {  	s8 =	sshra.s32 s14, $0x2;
	[tilespmem:s13+$0x1B9D0] =	vst v8  }
0xd0: {  	v7 =	vld [tilespmem:s8+$0x18C90];
	[tilespmem:s13+$0x1B9E0] =	vst v5  }
0xd1: {  	v3 =	vmul.f32 v4, v3;
	v57 =	vld [tilespmem:s8+$0x18CA0];
	[tilespmem:s13+$0x1B9F0] =	vst v9  }
0xd2: {  	v9 =	vld [tilespmem:s8+$0x18CB0];
	[tilespmem:s13+$0x1BA00] =	vst v6  }
0xd3: {  	v58 =	vld [tilespmem:s8+$0x18CC0];
	[tilespmem:s13+$0x1BA10] =	vst v3  }
0xd4: {  	v3 =	vld.idx.msk [tilespmem:v56+s29+$0x0], $0xffff;
	_ =	sdelay $0x3  }
0xd5: {  	v59 =	vld [tilespmem:s8+$0x18CD0]  }
0xd6: {  	v6 =	vld [tilespmem:s8+$0x18CE0];
	v7 =	vmul.f32 v7, v3  }
0xd7: {  	v10 =	vld [tilespmem:s8+$0x18CF0];
	v8 =	vmul.f32 v57, v3  }
0xd8: {  	v60 =	vld [tilespmem:s8+$0x18D00];
	v9 =	vmul.f32 v9, v3;
	[tilespmem:s8+$0x1B990] =	vst v7  }
0xd9: {  	v61 =	vld [tilespmem:s8+$0x18D10];
	v4 =	vmul.f32 v58, v3;
	[tilespmem:s8+$0x1B9A0] =	vst v8  }
0xda: {  	v5 =	vmul.f32 v59, v3;
	[tilespmem:s8+$0x1B9B0] =	vst v9  }
0xdb: {  	v6 =	vmul.f32 v6, v3;
	[tilespmem:s8+$0x1B9C0] =	vst v4  }
0xdc: {  	v62 =	vmul.f32 v10, v3;
	[tilespmem:s8+$0x1B9D0] =	vst v5  }
0xdd: {  	v63 =	vmul.f32 v60, v3;
	[tilespmem:s8+$0x1B9E0] =	vst v6  }
0xde: {  	s11 =	sadd.s32 $0x1, s11;
	v3 =	vmul.f32 v61, v3;
	[tilespmem:s8+$0x1B9F0] =	vst v62  }
0xdf: {  	p0 =	sne.s32 s11, $0x7D;
	[tilespmem:s8+$0x1BA00] =	vst v63  }
.Ltmp3:
0xe0: {  	[tilespmem:s8+$0x1BA10] =	vst v3;
	(pc) =	sbr.rel @p0 .LBB2_4-.Ltmp3, $4  }
0xe1: {  	[spmem:s1] =	stream.indirect.scatter.add.f32 [tilespmem:s24], [sflag:$0x2], $0x90, s21, s30, $0xb8;
	[tilespmem:$0x1EAF0] =	vst v63  }
0xe2: {  	_ =	swait.ge [sflag:s25], $0x2D00  }
0xe3: {  	[sflag:s25] =	ssyncset.done $0x0  }
0xe4: {  	[sflag:s25] =	ssyncadd.s32 $0xFFFFD300  }
0xe5: {  	s8 =	stileid.u32;
	[bflag:$0x0] =	sbarrier.arrive $0xFFFF  }
0xe6: {  	s11 =	sshrl.u32 s17, $0x3;
	s13 =	simm.s32 $0x48;
	s8 =	sshll.u32 s8, $0x6  }
0xe7: {  	s14 =	simm.s32 $0x12;
	s16 =	rddreg [dreg:$0xb];
	s10 =	sor.u32 $0x1C02, s8  }
0xe8: {  	[hbm:s16@s13], [sflag:s10] =	dma.strided [spmem:s11@s14], $0x2BF2, s25, $0x9   }
0xe9: {  	_ =	swait.ge [sflag:s25], $0x2BF2  }
0xea: {  	[sflag:s25] =	ssyncset.done $0x0  }
0xeb: {  	[sflag:s25] =	ssyncadd.s32 $0xFFFFD40E  }
0xec: {  	s8 =	simm.s32 $0x0;
	s13 =	simm.s32 $0x240;
	[bflag:$0x0] =	sbarrier.arrive $0xFFFF  }
.LBB2_10:
0xed: {  	p0 =	sne.s32 s13, $0xB1C0;
	[tilespmem:s8+$0x1BA10] =	vst v2  }
0xee: {  	[tilespmem:s8+$0x1B990] =	vst v2  }
0xef: {  	[tilespmem:s8+$0x1B9A0] =	vst v2  }
0xf0: {  	[tilespmem:s8+$0x1B9B0] =	vst v2  }
.Ltmp4:
0xf1: {  	[tilespmem:s8+$0x1B9C0] =	vst v2;
	(pc) =	sbr.rel @p0 .LBB2_10-.Ltmp4, $4  }
0xf2: {  	[tilespmem:s8+$0x1B9D0] =	vst v2  }
0xf3: {  	[tilespmem:s8+$0x1B9E0] =	vst v2  }
0xf4: {  	[tilespmem:s8+$0x1B9F0] =	vst v2  }
0xf5: {  	[tilespmem:s8+$0x1BA00] =	vst v2;
	s8 =	sshra.s32 s13, $0x2;
	s13 =	sadd.s32 $0x240, s13  }
0xf6: {  	[tilespmem:s8+$0x1BA10] =	vst v2  }
0xf7: {  	[tilespmem:s8+$0x1B990] =	vst v2  }
0xf8: {  	[tilespmem:s8+$0x1B9A0] =	vst v2  }
0xf9: {  	[tilespmem:s8+$0x1B9B0] =	vst v2  }
0xfa: {  	[tilespmem:s8+$0x1B9C0] =	vst v2  }
0xfb: {  	[tilespmem:s8+$0x1B9D0] =	vst v2  }
0xfc: {  	[tilespmem:s8+$0x1B9E0] =	vst v2  }
0xfd: {  	[tilespmem:s8+$0x1B9F0] =	vst v2  }
0xfe: {  	[tilespmem:s8+$0x1BA00] =	vst v2  }
0xff: {  	[spmem:s17] =	stream.linear.scatter [tilespmem:s24], [sflag:$0x2], $0x2D00, $0x38;
	[tilespmem:$0x1EAF0] =	vst v63  }
0x100: {  	_ =	swait.ge [sflag:s25], $0x2D00  }
0x101: {  	[sflag:s25] =	ssyncset.done $0x0  }
0x102: {  	s16 =	rddreg [dreg:$0x4];
	[sflag:s25] =	ssyncadd.s32 $0xFFFFD300  }
0x103: {  	[spmem:s16] =	stream.linear.scatter [tilespmem:s24], [sflag:$0x2], $0x2D00, $0x38;
	[tilespmem:$0x1EAF0] =	vst v63  }
0x104: {  	_ =	swait.ge [sflag:s25], $0x2D00  }
0x105: {  	[sflag:s25] =	ssyncset.done $0x0  }
0x106: {  	s17 =	rddreg [dreg:$0x5];
	[sflag:s25] =	ssyncadd.s32 $0xFFFFD300  }
0x107: {  	[spmem:s17] =	stream.linear.scatter [tilespmem:s24], [sflag:$0x2], $0x2D00, $0x38;
	[tilespmem:$0x1EAF0] =	vst v63  }
0x108: {  	_ =	swait.ge [sflag:s25], $0x2D00  }
0x109: {  	[sflag:s25] =	ssyncset.done $0x0  }
0x10a: {  	s13 =	rddreg [dreg:$0x6];
	[sflag:s25] =	ssyncadd.s32 $0xFFFFD300  }
0x10b: {  	[spmem:s13] =	stream.linear.scatter [tilespmem:s24], [sflag:$0x2], $0x2D00, $0x38;
	[tilespmem:$0x1EAF0] =	vst v63  }
0x10c: {  	_ =	swait.ge [sflag:s25], $0x2D00  }
0x10d: {  	[sflag:s25] =	ssyncset.done $0x0  }
0x10e: {  	s14 =	rddreg [dreg:$0x7];
	[sflag:s25] =	ssyncadd.s32 $0xFFFFD300  }
0x10f: {  	[spmem:s14] =	stream.linear.scatter [tilespmem:s24], [sflag:$0x2], $0x2D00, $0x38;
	[tilespmem:$0x1EAF0] =	vst v63  }
0x110: {  	_ =	swait.ge [sflag:s25], $0x2D00  }
0x111: {  	[sflag:s25] =	ssyncset.done $0x0  }
0x112: {  	s15 =	rddreg [dreg:$0x8];
	[sflag:s25] =	ssyncadd.s32 $0xFFFFD300  }
0x113: {  	[spmem:s15] =	stream.linear.scatter [tilespmem:s24], [sflag:$0x2], $0x2D00, $0x38;
	[tilespmem:$0x1EAF0] =	vst v63  }
0x114: {  	_ =	swait.ge [sflag:s25], $0x2D00  }
0x115: {  	[sflag:s25] =	ssyncset.done $0x0  }
0x116: {  	s16 =	rddreg [dreg:$0x9];
	[sflag:s25] =	ssyncadd.s32 $0xFFFFD300  }
0x117: {  	[spmem:s16] =	stream.linear.scatter [tilespmem:s24], [sflag:$0x2], $0x2D00, $0x38;
	[tilespmem:$0x1EAF0] =	vst v63  }
0x118: {  	_ =	swait.ge [sflag:s25], $0x2D00  }
0x119: {  	[sflag:s25] =	ssyncset.done $0x0  }
0x11a: {  	s17 =	rddreg [dreg:$0xa];
	[sflag:s25] =	ssyncadd.s32 $0xFFFFD300  }
0x11b: {  	[spmem:s17] =	stream.linear.scatter [tilespmem:s24], [sflag:$0x2], $0x2490, $0x38;
	[tilespmem:$0x1EAF0] =	vst v63  }
0x11c: {  	_ =	swait.ge [sflag:s25], $0x2490  }
0x11d: {  	[sflag:s25] =	ssyncset.done $0x0  }
0x11e: {  	[sflag:s25] =	ssyncadd.s32 $0xFFFFDB70  }
0x11f: {  	s13 =	simm.s32 $0x0;
	s14 =	simm.s32 $0x0;
	[bflag:$0x0] =	sbarrier.arrive $0xFFFF  }
.LBB2_12:
0x120: {  	s8 =	smul.u32 $0xA0, s14;
	_ =	sdelay $0x1  }
0x121: {  	s8 =	sadd.s32 s18, s8  }
0x122: {  	s15 =	sshrl.u32 s8, $0x3  }
0x123: {  	s16 =	smulhi.u32 $0xCCCCCCCD, s8;
	s15 =	sadd.s32 s4, s15  }
0x124: {  	[tilespmem:s26], [sflag:$0x2] =	stream.linear.gather [hbm4b:s15+s13], $0xA0, $0x38;
	[tilespmem:$0x1EAF0] =	vst v63  }
0x125: {  	s17 =	sshrl.u32 s16, $0x6  }
0x126: {  	s15 =	smul.u32 $0x50, s17  }
0x127: {  	_ =	swait.ge [sflag:s25], $0xA0  }
0x128: {  	[sflag:s25] =	ssyncset.done $0x0;
	s15 =	sshrl.u32 s15, $0x3  }
0x129: {  	[sflag:s25] =	ssyncadd.s32 $0xFFFFFF60;
	s15 =	sadd.s32 s5, s15  }
0x12a: {  	[tilespmem:s28], [sflag:$0x2] =	stream.linear.gather [hbm4b:s15+s13], $0xA0, $0x38;
	[tilespmem:$0x1EAF0] =	vst v63  }
0x12b: {  	s8 =	sshrl.u32 s8, $0x1;
	_ =	swait.ge [sflag:s25], $0xA0  }
0x12c: {  	s8 =	sand.u32 $0x1FFFFFF0, s8;
	[sflag:s25] =	ssyncset.done $0x0  }
0x12d: {  	s8 =	sadd.s32 s7, s8;
	[sflag:s25] =	ssyncadd.s32 $0xFFFFFF60  }
0x12e: {  	[tilespmem:s29], [sflag:$0x2] =	stream.linear.gather [hbm4b:s8+s13], $0x280, $0x38;
	[tilespmem:$0x1EAF0] =	vst v63  }
0x12f: {  	_ =	swait.ge [sflag:s25], $0x280  }
0x130: {  	[sflag:s25] =	ssyncset.done $0x0  }
0x131: {  	[sflag:s25] =	ssyncadd.s32 $0xFFFFFD80  }
0x132: {  	v3 =	vld [tilespmem:$0x1E690]  }
0x133: {  	v4 =	vld [tilespmem:$0x1E6A0]  }
0x134: {  	v5 =	vld [tilespmem:$0x1E6B0]  }
0x135: {  	v6 =	vld [tilespmem:$0x1E6C0]  }
0x136: {  	v7 =	vld [tilespmem:$0x1E6D0]  }
0x137: {  	v8 =	vld [tilespmem:$0x1E6E0];
	v3 =	vshll.u32 v3, $0x2  }
0x138: {  	v9 =	vld [tilespmem:$0x1E6F0];
	v4 =	vshll.u32 v4, $0x2;
	v3 =	vor.u32 v1, v3  }
0x139: {  	[tilespmem:$0x1E7D0] =	vst v3;
	v3 =	vor.u32 v1, v4;
	v4 =	vshll.u32 v5, $0x2;
	v5 =	vld [tilespmem:$0x1E700]  }
0x13a: {  	[tilespmem:$0x1E7E0] =	vst v3;
	v3 =	vor.u32 v1, v4;
	v4 =	vshll.u32 v6, $0x2;
	v6 =	vld [tilespmem:$0x1E710]  }
0x13b: {  	[tilespmem:$0x1E7F0] =	vst v3;
	v3 =	vor.u32 v1, v4;
	v4 =	vshll.u32 v7, $0x2;
	v7 =	vld [tilespmem:$0x1E720]  }
0x13c: {  	[tilespmem:$0x1E800] =	vst v3;
	v3 =	vor.u32 v1, v4;
	v4 =	vshll.u32 v8, $0x2  }
0x13d: {  	[tilespmem:$0x1E810] =	vst v3;
	v3 =	vor.u32 v1, v4;
	v4 =	vshll.u32 v9, $0x2  }
0x13e: {  	[tilespmem:$0x1E820] =	vst v3;
	v3 =	vor.u32 v1, v4;
	v4 =	vshll.u32 v5, $0x2  }
0x13f: {  	[tilespmem:$0x1E830] =	vst v3;
	v3 =	vor.u32 v1, v4;
	v4 =	vshll.u32 v6, $0x2  }
0x140: {  	[tilespmem:$0x1E840] =	vst v3;
	v3 =	vor.u32 v1, v4;
	v4 =	vshll.u32 v7, $0x2  }
0x141: {  	[tilespmem:$0x1E850] =	vst v3;
	v3 =	vor.u32 v1, v4  }
0x142: {  	[tilespmem:$0x1E860] =	vst v3  }
0x143: {  	[tilespmem:s0], [sflag:$0x1] =	stream.indirect.gather [hbm4b:s6+s30], $0x90, s31, s30, $0xb8;
	[tilespmem:$0x1EAF0] =	vst v63  }
0x144: {  	_ = 	snop  }
0x145: {  	[tilespmem:s19], [sflag:$0x1] =	stream.indirect.gather [hbm4b:s6+s30], $0x90, s2, s30, $0xb8;
	[tilespmem:$0x1EAF0] =	vst v63  }
0x146: {  	_ =	swait.ge [sflag:s20], $0x2D00  }
0x147: {  	[sflag:s20] =	ssyncset.done $0x0  }
0x148: {  	[sflag:s20] =	ssyncadd.s32 $0xFFFFD300  }
0x149: {  	_ =	swait.ge [sflag:s20], $0x2D00  }
0x14a: {  	[sflag:s20] =	ssyncset.done $0x0  }
0x14b: {  	s15 =	simm.s32 $0x0;
	[sflag:s20] =	ssyncadd.s32 $0xFFFFD300  }
0x14c: {  	v3 =	vld [tilespmem:s15+$0x15F90]  }
0x14d: {  	v4 =	vld [tilespmem:s15+$0x15FA0]  }
0x14e: {  	v5 =	vld [tilespmem:s15+$0x15FB0]  }
0x14f: {  	v6 =	vld.idx.msk [tilespmem:v1+s29+$0x0], $0xffff  }
0x150: {  	v7 =	vld [tilespmem:s15+$0x15FC0]  }
0x151: {  	v8 =	vld [tilespmem:s15+$0x15FD0]  }
0x152: {  	v63 =	vld [tilespmem:s15+$0x15FE0]  }
0x153: {  	v10 =	vld [tilespmem:s15+$0x15FF0]  }
0x154: {  	v11 =	vld [tilespmem:s15+$0x16000];
	v3 =	vmul.f32 v3, v6  }
0x155: {  	v12 =	vld [tilespmem:s15+$0x16010];
	v4 =	vmul.f32 v4, v6  }
0x156: {  	v5 =	vmul.f32 v5, v6;
	[tilespmem:s15+$0x1B990] =	vst v3  }
0x157: {  	v8 =	vmul.f32 v8, v6;
	[tilespmem:s15+$0x1B9A0] =	vst v4  }
0x158: {  	v3 =	vmul.f32 v7, v6;
	[tilespmem:s15+$0x1B9B0] =	vst v5  }
0x159: {  	s16 =	sadd.s32 $0x4, s12;
	v7 =	vmul.f32 v63, v6;
	v5 =	vmul.f32 v10, v6;
	[tilespmem:s15+$0x1B9D0] =	vst v8  }
0x15a: {  	s17 =	simm.s32 $0x480;
	s8 =	simm.s32 $0x90;
	v4 =	vmul.f32 v11, v6;
	[tilespmem:s15+$0x1B9C0] =	vst v3;
	v3 =	vmul.f32 v12, v6;
	v6 =	vmov s16  }
.LBB2_13:
0x15b: {  	p0 =	sne.s32 s17, $0xB1C0;
	v8 =	vld [tilespmem:s8+$0x15F90];
	[tilespmem:s15+$0x1B9E0] =	vst v7  }
0x15c: {  	v7 =	vld [tilespmem:s8+$0x15FA0];
	[tilespmem:s15+$0x1B9F0] =	vst v5  }
0x15d: {  	v5 =	vld [tilespmem:s8+$0x15FB0];
	[tilespmem:s15+$0x1BA00] =	vst v4  }
0x15e: {  	v4 =	vld [tilespmem:s8+$0x15FC0];
	[tilespmem:s15+$0x1BA10] =	vst v3;
	s15 =	smov.u32 s8  }
0x15f: {  	v3 =	vld.idx.msk [tilespmem:v6+s29+$0x0], $0xffff  }
0x160: {  	v6 =	vld [tilespmem:s15+$0x15FD0]  }
0x161: {  	v9 =	vld [tilespmem:s15+$0x15FE0]  }
0x162: {  	v10 =	vld [tilespmem:s15+$0x15FF0]  }
0x163: {  	v11 =	vld [tilespmem:s15+$0x16000]  }
0x164: {  	v12 =	vld [tilespmem:s15+$0x16010]  }
0x165: {  	v8 =	vmul.f32 v8, v3;
	v13 =	vmul.f32 v7, v3  }
0x166: {  	v14 =	vmul.f32 v5, v3;
	v15 =	vmul.f32 v4, v3  }
.Ltmp5:
0x167: {  	v7 =	vmul.f32 v9, v3;
	[tilespmem:s15+$0x1B990] =	vst v8;
	v8 =	vmul.f32 v6, v3;
	(pc) =	sbr.rel @p0 .LBB2_13-.Ltmp5, $4  }
0x168: {  	v5 =	vmul.f32 v10, v3;
	[tilespmem:s15+$0x1B9A0] =	vst v13;
	v4 =	vmul.f32 v11, v3  }
0x169: {  	[tilespmem:s15+$0x1B9B0] =	vst v14;
	v3 =	vmul.f32 v12, v3  }
0x16a: {  	s16 =	sadd.s32 $0x4, s16;
	[tilespmem:s15+$0x1B9C0] =	vst v15  }
0x16b: {  	s8 =	sshra.s32 s17, $0x2;
	s17 =	sadd.s32 $0x240, s17;
	v6 =	vmov s16;
	[tilespmem:s15+$0x1B9D0] =	vst v8  }
0x16c: {  	v8 =	vld [tilespmem:s8+$0x15F90];
	[tilespmem:s15+$0x1B9E0] =	vst v7  }
0x16d: {  	v7 =	vld [tilespmem:s8+$0x15FA0];
	[tilespmem:s15+$0x1B9F0] =	vst v5  }
0x16e: {  	v5 =	vld [tilespmem:s8+$0x15FB0];
	[tilespmem:s15+$0x1BA00] =	vst v4  }
0x16f: {  	v4 =	vld [tilespmem:s8+$0x15FC0];
	[tilespmem:s15+$0x1BA10] =	vst v3  }
0x170: {  	v3 =	vld.idx.msk [tilespmem:v6+s29+$0x0], $0xffff;
	_ =	sdelay $0x3  }
0x171: {  	v6 =	vld [tilespmem:s8+$0x15FD0]  }
0x172: {  	v9 =	vld [tilespmem:s8+$0x15FE0];
	v8 =	vmul.f32 v8, v3  }
0x173: {  	v10 =	vld [tilespmem:s8+$0x15FF0];
	v7 =	vmul.f32 v7, v3  }
0x174: {  	v11 =	vld [tilespmem:s8+$0x16000];
	v5 =	vmul.f32 v5, v3;
	[tilespmem:s8+$0x1B990] =	vst v8  }
0x175: {  	v12 =	vld [tilespmem:s8+$0x16010];
	v4 =	vmul.f32 v4, v3;
	[tilespmem:s8+$0x1B9A0] =	vst v7  }
0x176: {  	v6 =	vmul.f32 v6, v3;
	[tilespmem:s8+$0x1B9B0] =	vst v5  }
0x177: {  	v5 =	vmul.f32 v9, v3;
	[tilespmem:s8+$0x1B9C0] =	vst v4  }
0x178: {  	v4 =	vmul.f32 v10, v3;
	[tilespmem:s8+$0x1B9D0] =	vst v6  }
0x179: {  	v6 =	vmul.f32 v11, v3;
	[tilespmem:s8+$0x1B9E0] =	vst v5  }
0x17a: {  	v3 =	vmul.f32 v12, v3;
	[tilespmem:s8+$0x1B9F0] =	vst v4  }
0x17b: {  	[tilespmem:s8+$0x1BA00] =	vst v6  }
0x17c: {  	[tilespmem:s8+$0x1BA10] =	vst v3  }
0x17d: {  	[spmem:s1] =	stream.indirect.scatter.add.f32 [tilespmem:s24], [sflag:$0x2], $0x90, s28, s30, $0xb8;
	[tilespmem:$0x1EAF0] =	vst v63  }
0x17e: {  	_ =	swait.ge [sflag:s25], $0x2D00  }
0x17f: {  	v3 =	vmov s23;
	[sflag:s25] =	ssyncset.done $0x0  }
0x180: {  	s15 =	simm.s32 $0x0;
	[sflag:s25] =	ssyncadd.s32 $0xFFFFD300  }
0x181: {  	v4 =	vld [tilespmem:s15+$0x18C90]  }
0x182: {  	v5 =	vld [tilespmem:s15+$0x18CA0]  }
0x183: {  	v6 =	vld [tilespmem:s15+$0x18CB0]  }
0x184: {  	v3 =	vld.idx.msk [tilespmem:v3+s29+$0x0], $0xffff  }
0x185: {  	v7 =	vld [tilespmem:s15+$0x18CC0]  }
0x186: {  	v8 =	vld [tilespmem:s15+$0x18CD0]  }
0x187: {  	v60 =	vld [tilespmem:s15+$0x18CE0]  }
0x188: {  	v61 =	vld [tilespmem:s15+$0x18CF0]  }
0x189: {  	v62 =	vld [tilespmem:s15+$0x18D00];
	v4 =	vmul.f32 v4, v3  }
0x18a: {  	v63 =	vld [tilespmem:s15+$0x18D10];
	v5 =	vmul.f32 v5, v3  }
0x18b: {  	v6 =	vmul.f32 v6, v3;
	[tilespmem:s15+$0x1B990] =	vst v4  }
0x18c: {  	v8 =	vmul.f32 v8, v3;
	[tilespmem:s15+$0x1B9A0] =	vst v5  }
0x18d: {  	v4 =	vmul.f32 v7, v3;
	[tilespmem:s15+$0x1B9B0] =	vst v6  }
0x18e: {  	s16 =	sadd.s32 $0x4, s23;
	v7 =	vmul.f32 v60, v3;
	v5 =	vmul.f32 v61, v3;
	[tilespmem:s15+$0x1B9D0] =	vst v8  }
0x18f: {  	s17 =	simm.s32 $0x480;
	s8 =	simm.s32 $0x90;
	v6 =	vmov s16;
	[tilespmem:s15+$0x1B9C0] =	vst v4;
	v4 =	vmul.f32 v62, v3;
	v3 =	vmul.f32 v63, v3  }
.LBB2_15:
0x190: {  	p0 =	sne.s32 s17, $0xB1C0;
	v8 =	vld [tilespmem:s8+$0x18C90];
	[tilespmem:s15+$0x1B9E0] =	vst v7  }
0x191: {  	v7 =	vld [tilespmem:s8+$0x18CA0];
	[tilespmem:s15+$0x1B9F0] =	vst v5  }
0x192: {  	v5 =	vld [tilespmem:s8+$0x18CB0];
	[tilespmem:s15+$0x1BA00] =	vst v4  }
0x193: {  	v4 =	vld [tilespmem:s8+$0x18CC0];
	[tilespmem:s15+$0x1BA10] =	vst v3;
	s15 =	smov.u32 s8  }
0x194: {  	v3 =	vld.idx.msk [tilespmem:v6+s29+$0x0], $0xffff  }
0x195: {  	v6 =	vld [tilespmem:s15+$0x18CD0]  }
0x196: {  	v9 =	vld [tilespmem:s15+$0x18CE0]  }
0x197: {  	v10 =	vld [tilespmem:s15+$0x18CF0]  }
0x198: {  	v11 =	vld [tilespmem:s15+$0x18D00]  }
0x199: {  	v12 =	vld [tilespmem:s15+$0x18D10]  }
0x19a: {  	v8 =	vmul.f32 v8, v3;
	v13 =	vmul.f32 v7, v3  }
0x19b: {  	v14 =	vmul.f32 v5, v3;
	v15 =	vmul.f32 v4, v3  }
.Ltmp6:
0x19c: {  	v7 =	vmul.f32 v9, v3;
	[tilespmem:s15+$0x1B990] =	vst v8;
	v8 =	vmul.f32 v6, v3;
	(pc) =	sbr.rel @p0 .LBB2_15-.Ltmp6, $4  }
0x19d: {  	v5 =	vmul.f32 v10, v3;
	[tilespmem:s15+$0x1B9A0] =	vst v13;
	v4 =	vmul.f32 v11, v3  }
0x19e: {  	[tilespmem:s15+$0x1B9B0] =	vst v14;
	v3 =	vmul.f32 v12, v3  }
0x19f: {  	s16 =	sadd.s32 $0x4, s16;
	[tilespmem:s15+$0x1B9C0] =	vst v15  }
0x1a0: {  	s8 =	sshra.s32 s17, $0x2;
	s17 =	sadd.s32 $0x240, s17;
	v6 =	vmov s16;
	[tilespmem:s15+$0x1B9D0] =	vst v8  }
0x1a1: {  	v8 =	vld [tilespmem:s8+$0x18C90];
	[tilespmem:s15+$0x1B9E0] =	vst v7  }
0x1a2: {  	v7 =	vld [tilespmem:s8+$0x18CA0];
	[tilespmem:s15+$0x1B9F0] =	vst v5  }
0x1a3: {  	v5 =	vld [tilespmem:s8+$0x18CB0];
	[tilespmem:s15+$0x1BA00] =	vst v4  }
0x1a4: {  	v4 =	vld [tilespmem:s8+$0x18CC0];
	[tilespmem:s15+$0x1BA10] =	vst v3  }
0x1a5: {  	v3 =	vld.idx.msk [tilespmem:v6+s29+$0x0], $0xffff;
	_ =	sdelay $0x3  }
0x1a6: {  	v60 =	vld [tilespmem:s8+$0x18CD0]  }
0x1a7: {  	v9 =	vld [tilespmem:s8+$0x18CE0];
	v8 =	vmul.f32 v8, v3  }
0x1a8: {  	v10 =	vld [tilespmem:s8+$0x18CF0];
	v7 =	vmul.f32 v7, v3  }
0x1a9: {  	v11 =	vld [tilespmem:s8+$0x18D00];
	v5 =	vmul.f32 v5, v3;
	[tilespmem:s8+$0x1B990] =	vst v8  }
0x1aa: {  	v12 =	vld [tilespmem:s8+$0x18D10];
	v4 =	vmul.f32 v4, v3;
	[tilespmem:s8+$0x1B9A0] =	vst v7  }
0x1ab: {  	v6 =	vmul.f32 v60, v3;
	[tilespmem:s8+$0x1B9B0] =	vst v5  }
0x1ac: {  	v61 =	vmul.f32 v9, v3;
	[tilespmem:s8+$0x1B9C0] =	vst v4  }
0x1ad: {  	v62 =	vmul.f32 v10, v3;
	[tilespmem:s8+$0x1B9D0] =	vst v6  }
0x1ae: {  	v63 =	vmul.f32 v11, v3;
	[tilespmem:s8+$0x1B9E0] =	vst v61  }
0x1af: {  	s14 =	sadd.s32 $0x1, s14;
	v3 =	vmul.f32 v12, v3;
	[tilespmem:s8+$0x1B9F0] =	vst v62  }
0x1b0: {  	p0 =	sne.s32 s14, $0x7D;
	[tilespmem:s8+$0x1BA00] =	vst v63  }
.Ltmp7:
0x1b1: {  	[tilespmem:s8+$0x1BA10] =	vst v3;
	(pc) =	sbr.rel @p0 .LBB2_12-.Ltmp7, $4  }
0x1b2: {  	[spmem:s1] =	stream.indirect.scatter.add.f32 [tilespmem:s24], [sflag:$0x2], $0x90, s21, s30, $0xb8;
	[tilespmem:$0x1EAF0] =	vst v63  }
0x1b3: {  	_ =	swait.ge [sflag:s25], $0x2D00  }
0x1b4: {  	[sflag:s25] =	ssyncset.done $0x0  }
0x1b5: {  	[sflag:s25] =	ssyncadd.s32 $0xFFFFD300  }
0x1b6: {  	[bflag:$0x0] =	sbarrier.arrive $0xFFFF  }
0x1b7: {  	s13 =	simm.s32 $0x48;
	s14 =	simm.s32 $0x12;
	s8 =	rddreg [dreg:$0xc]  }
0x1b8: {  	[hbm:s8@s13], [sflag:s10] =	dma.strided [spmem:s11@s14], $0x2BF2, s25, $0x9   }
0x1b9: {  	_ =	swait.ge [sflag:s25], $0x2BF2  }
0x1ba: {  	s3 =	sadd.s32 $0x1, s3;
	s17 =	rddreg [dreg:$0xd]  }
0x1bb: {  	p0 =	sne.s32 s3, s17  }
.Ltmp8:
0x1bc: {  	_ = 	snop;
	(pc) =	sbr.rel @p0 .LBB2_1-.Ltmp8, $4  }
0x1bd: {  	[sflag:s25] =	ssyncset.done $0x0  }
0x1be: {  	[sflag:s25] =	ssyncadd.s32 $0xFFFFD40E  }
0x1bf: {  	[bflag:$0x0] =	sbarrier.arrive $0xFFFF  }
0x1c0: {  	s17 =	rddreg [dreg:$0x3]  }
0x1c1: {  	_ =	sfence.sel $0x180000  }
0x1c2: {  	[bflag:$0x0] =	sbarrier.arrive $0xFFFF  }
0x1c3: {  	_ =	strace $0x9000004A  }
0x1c4: {  	s0 =	stileid.u32;
	[bflag:$0x2] =	sbarrier.arrive $0xFFFF  }
0x1c5: {  	p0 =	sne.s32 s0, $0x0;
	s0 =	rddreg [dreg:$0x2]  }
0x1c6: {  	s0 =	sadd.s32 @!p0 $0x100000, s0  }
0x1c7: {  	[sflag:s0] =	ssyncadd.tile.s32 @!p0 $0x1;
	_ =	shalt  }
.Lfunc_end2:
_tile_overlayer_lowered:
.L_overlay_start_2:
0x1c8: {  	(tag) =	ssettag $0x2  }
0x1c9: {  	s0 =	rddreg [dreg:$0x0];
	s2 =	stileid.u32  }
0x1ca: {  	s1 =	rddreg [dreg:$0x1];
	p0 =	sne.s32 s2, $0x0  }
0x1cb: {  	s3 =	rddreg [dreg:$0x2];
	[bflag:$0x3] =	sbarrier.arrive $0xFFFF;
	s2 =	simm.s32 @!p0 $0x1C02  }
0x1cc: {  	[timem:s3], [sflag:s2] =	dma.local @!p0 [hbm:s0], s1  }
0x1cd: {  	s0 =	simm.s32 @!p0 $0x2  }
0x1ce: {  	_ =	swait.ge @!p0 [sflag:s0], s1  }
0x1cf: {  	s1 =	ssub.s32 @!p0 $0x0, s1;
	[sflag:s0] =	ssyncset.done @!p0 $0x0  }
0x1d0: {  	[sflag:s0] =	ssyncadd.s32 @!p0 s1  }
0x1d1: {  	[bflag:$0x3] =	sbarrier.arrive $0xFFFF  }
0x1d2: {  	_ =	shalt  }

// kernel: kernel.18.cloned.1.call-start
scs
__scs_entry_jumppad:
0x0: {  	(pc) =	sbr.rel $0x88, $3  }
0x1: {  	(tag) =	ssettag $0x0;
	lr =	simm.s32 $0x1  }
0x2: {  	[smem:$0x3F8E] =	sst lr;
	_ =	strace $0xD0000000  }
0x3: {  	_ = 	snop  }
0x4: {  	_ = 	snop  }
0x5: {  	_ = 	snop  }
0x6: {  	_ = 	snop  }
0x7: {  	_ = 	snop  }
__scs_overlays_trampoline_lowered:
0x8: {  	[smem:$0x3F9D] =	sst s0  }
0x9: {  	[smem:$0x3F9E] =	sst s1  }
0xa: {  	[smem:$0x3F9F] =	sst s2  }
0xb: {  	[smem:$0x3FA0] =	sst s3  }
0xc: {  	[smem:$0x3FA1] =	sst s4  }
0xd: {  	[smem:$0x3FA2] =	sst s5  }
0xe: {  	[smem:$0x3FA3] =	sst s6  }
0xf: {  	[smem:$0x3FA4] =	sst s7  }
0x10: {  	[smem:$0x3FA5] =	sst s8  }
0x11: {  	[smem:$0x3FA6] =	sst s9;
	s0 =	simm.s32 @!p0 $0x0  }
0x12: {  	s1 =	sld [smem:$0x3F8C];
	s0 =	simm.s32 @p0 $0x1  }
0x13: {  	[smem:$0x3FA7] =	sst s0;
	s0 =	simm.s32 @!p1 $0x0  }
0x14: {  	s2 =	sld [smem:$0x3F8B];
	s0 =	simm.s32 @p1 $0x1  }
0x15: {  	[smem:$0x3FA8] =	sst s0;
	s0 =	simm.s32 @!p2 $0x0  }
0x16: {  	s3 =	sld [smem:$0x3FDB];
	s0 =	simm.s32 @p2 $0x1  }
0x17: {  	s4 =	simm.s32 $0x1BF5;
	[smem:$0x3FAA] =	sst s0  }
0x18: {  	s0 =	sld [smem:$0x3F8D];
	_ =	swait.ge [sflag:s4], $0x0  }
0x19: {  	s7 =	sld [smem:$0x3F8E]  }
0x1a: {  	s8 =	sadd.s32 $0xFFFFE003, lr  }
0x1b: {  	s9 =	sadd.s32 $0xFFFFFEF7, lr;
	s5 =	simm.s32 $0xFFFFFFFF;
	p2 =	slt.u32 s8, $0xFFFFF086  }
0x1c: {  	p1 =	slt.u32 s9, $0xF7A;
	s5 =	simm.s32 @!p2 $0x0  }
0x1d: {  	s5 =	simm.s32 @p1 $0x1;
	p0 =	seq.s32 s7, s2  }
0x1e: {  	s7 =	smul.u32 @!p0 $0xF7A, s2;
	p2 =	seq.s32 @!p0 s5, $0x0  }
0x1f: {  	s9 =	smul.u32 $0xF7A, s1;
	s8 =	simm.s32 @!p0 $0x1BF5;
	p2 =	por !p2, p0  }
0x20: {  	[sflag:s8] =	ssyncset.s32 @!p0 $0xFFFFF086;
	s6 =	sadd.s32 @!p0 s3, s7;
	s7 =	simm.s32 @!p0 $0x108  }
0x21: {  	s3 =	sadd.s32 s3, s9;
	s6 =	sadd.s32 @!p0 $0x88, s6;
	s7 =	simm.s32 @p2 $0x1082  }
0x22: {  	[simem:s7], [sflag:s8] =	dma.local @!p0 [hbm:s6], $0xF7A  }
0x23: {  	s9 =	sor.u32 $0xD0000000, s2;
	s6 =	simm.s32 $0x108;
	_ =	swait.ge @!p0 [sflag:s8], $0x0  }
0x24: {  	s3 =	sadd.s32 $0x88, s3;
	s6 =	simm.s32 @!p1 $0x1082;
	[sflag:s4] =	ssyncset.s32 $0xFFFFF086  }
0x25: {  	[simem:s6], [sflag:s4] =	dma.local [hbm:s3], $0xF7A  }
0x26: {  	[smem:$0x3F8E] =	sst s1;
	(tag) =	ssettag s2;
	_ =	strace s9  }
0x27: {  	s1 =	sld [smem:$0x3F9E]  }
0x28: {  	s2 =	sld [smem:$0x3F9F]  }
0x29: {  	s4 =	sld [smem:$0x3FA1]  }
0x2a: {  	p0 =	seq.s32 s5, $0x0;
	s5 =	sld [smem:$0x3FA2]  }
0x2b: {  	s6 =	sld [smem:$0x3FA3]  }
0x2c: {  	s7 =	sld [smem:$0x3FA4]  }
0x2d: {  	s3 =	simm.s32 $0x108;
	s8 =	sld [smem:$0x3FA5]  }
0x2e: {  	s3 =	simm.s32 @!p0 $0x1082;
	s9 =	sld [smem:$0x3FA6]  }
0x2f: {  	lr =	sadd.s32 s0, s3;
	s0 =	sld [smem:$0x3F9D]  }
0x30: {  	s3 =	sld [smem:$0x3FA0]  }
0x31: {  	[smem:$0x3FA9] =	sst s10  }
0x32: {  	s10 =	sld [smem:$0x3FA7];
	_ =	sdelay $0x3  }
0x33: {  	p0 =	seq.s32 s10, $0x1;
	s10 =	sld [smem:$0x3FA9];
	_ =	sdelay $0x3  }
0x34: {  	[smem:$0x3FA9] =	sst s10  }
0x35: {  	s10 =	sld [smem:$0x3FA8];
	_ =	sdelay $0x3  }
0x36: {  	p1 =	seq.s32 s10, $0x1;
	s10 =	sld [smem:$0x3FA9];
	_ =	sdelay $0x3  }
0x37: {  	[smem:$0x3FA9] =	sst s10  }
0x38: {  	s10 =	sld [smem:$0x3FAA]  }
0x39: {  	_ = 	snop;
	(pc) =	sbr.ind lr, $3  }
0x3a: {  	_ = 	snop  }
0x3b: {  	_ = 	snop  }
0x3c: {  	p2 =	seq.s32 s10, $0x1;
	s10 =	sld [smem:$0x3FA9]  }
0x3d: {  	_ =	shalt  }
0x3e: {  	_ =	shalt  }
0x3f: {  	_ =	shalt  }
0x40: {  	_ =	shalt  }
0x41: {  	_ =	shalt  }
0x42: {  	_ =	shalt  }
0x43: {  	_ =	shalt  }
0x44: {  	_ =	shalt  }
0x45: {  	_ =	shalt  }
0x46: {  	_ =	shalt  }
0x47: {  	_ =	shalt  }
0x48: {  	_ =	shalt  }
0x49: {  	_ =	shalt  }
0x4a: {  	_ =	shalt  }
0x4b: {  	_ =	shalt  }
0x4c: {  	_ =	shalt  }
0x4d: {  	_ =	shalt  }
0x4e: {  	_ =	shalt  }
0x4f: {  	_ =	shalt  }
0x50: {  	_ =	shalt  }
0x51: {  	_ =	shalt  }
0x52: {  	_ =	shalt  }
0x53: {  	_ =	shalt  }
0x54: {  	_ =	shalt  }
0x55: {  	_ =	shalt  }
0x56: {  	_ =	shalt  }
0x57: {  	_ =	shalt  }
0x58: {  	_ =	shalt  }
0x59: {  	_ =	shalt  }
0x5a: {  	_ =	shalt  }
0x5b: {  	_ =	shalt  }
0x5c: {  	_ =	shalt  }
0x5d: {  	_ =	shalt  }
0x5e: {  	_ =	shalt  }
0x5f: {  	_ =	shalt  }
0x60: {  	_ =	shalt  }
0x61: {  	_ =	shalt  }
0x62: {  	_ =	shalt  }
0x63: {  	_ =	shalt  }
0x64: {  	_ =	shalt  }
0x65: {  	_ =	shalt  }
0x66: {  	_ =	shalt  }
0x67: {  	_ =	shalt  }
0x68: {  	_ =	shalt  }
0x69: {  	_ =	shalt  }
0x6a: {  	_ =	shalt  }
0x6b: {  	_ =	shalt  }
0x6c: {  	_ =	shalt  }
0x6d: {  	_ =	shalt  }
0x6e: {  	_ =	shalt  }
0x6f: {  	_ =	shalt  }
0x70: {  	_ =	shalt  }
0x71: {  	_ =	shalt  }
0x72: {  	_ =	shalt  }
0x73: {  	_ =	shalt  }
0x74: {  	_ =	shalt  }
0x75: {  	_ =	shalt  }
0x76: {  	_ =	shalt  }
0x77: {  	_ =	shalt  }
0x78: {  	_ =	shalt  }
0x79: {  	_ =	shalt  }
0x7a: {  	_ =	shalt  }
0x7b: {  	_ =	shalt  }
0x7c: {  	_ =	shalt  }
0x7d: {  	_ =	shalt  }
0x7e: {  	_ =	shalt  }
0x7f: {  	_ =	shalt  }
0x80: {  	_ =	shalt  }
0x81: {  	_ =	shalt  }
0x82: {  	_ =	shalt  }
0x83: {  	_ =	shalt  }
0x84: {  	_ =	shalt  }
0x85: {  	_ =	shalt  }
0x86: {  	_ =	shalt  }
0x87: {  	_ =	shalt  }
.Lfunc_end0:
.L_simem_size_0:
called_computation.3_lowered:
.L_overlay_start_0:
0x88: {  	s2 =	sld [smem:$0x3FD9]  }
0x89: {  	s3 =	sld [smem:$0x3FFE];
	_ =	sdelay $0x1  }
0x8a: {  	s1 =	srdreg.scid  }
0x8b: {  	s0 =	sand.u32 $0x1, s1  }
0x8c: {  	s16 =	sshll.u32 s0, $0xA;
	s2 =	sadd.s32 s3, s2  }
0x8d: {  	s2 =	sadd.s32 s2, s16  }
0x8e: {  	[smem:$0x3FB5] =	sst s2  }
0x8f: {  	_ = 	snop  }
0x90: {  	(tm) =	ssettm $0x1  }
0x91: {  	s17 =	sld [smem:$0x3FFB];
	_ =	sdelay $0x3  }
0x92: {  	_ =	strace s17  }
0x93: {  	s2 =	sld [smem:$0x3FFC];
	_ =	sdelay $0x3  }
0x94: {  	_ =	strace s2  }
0x95: {  	s2 =	sld [smem:$0x3FFD];
	_ =	sdelay $0x3  }
0x96: {  	_ =	strace s2  }
0x97: {  	_ =	strace $0x8FFFFFFF  }
0x98: {  	s18 =	sld [smem:$0x3FDB];
	_ =	sdelay $0x1  }
0x99: {  	s19 =	simm.s32 $_scs_section_size  }
0x9a: {  	s4 =	simm.s32 $_size__tile_overlayer_lowered;
	s5 =	simm.s32 $_tile_overlayer_lowered  }
0x9b: {  	s22 =	simm.s32 $0x1BFF;
	s21 =	sshll.u32 s5, $0x1;
	s2 =	sadd.s32 s19, s18  }
0x9c: {  	s6 =	simm.s32 $0x0;
	s20 =	sshll.u32 s4, $0x1;
	s4 =	sadd.s32 s21, s2  }
0x9d: {  	[timem:s6], [sflag:s22] =	dma.local [hbm:s4], s20  }
0x9e: {  	_ =	swait.ge [sflag:s22], s20  }
0x9f: {  	s3 =	ssub.s32 $0x0, s20;
	[sflag:s22] =	ssyncset.done $0x0  }
0xa0: {  	[sflag:s22] =	ssyncadd.s32 s3;
	_ =	sdelay $0x1  }
0xa1: {  	s23 =	simm.s32 $0x1B8B  }
0xa2: {  	_ =	swait.ge [sflag:s23], $0x1  }
0xa3: {  	[sflag:s23] =	ssyncset.done $0x0  }
0xa4: {  	s25 =	simm.s32 $0x1B8E;
	s24 =	sld [smem:$0x3FFE];
	[sflag:s23] =	ssyncadd.s32 $0xFFFFFFFF  }
0xa5: {  	s26 =	simm.s32 $execute0_lowered;
	[smem:$0x3FD2] =	sst s25  }
0xa6: {  	s4 =	sshll.u32 s26, $0x1;
	_ =	strace $0x8000004C;
	[dreg:$0x1] =	wrdreg $0xFFFFFFFF  }
0xa7: {  	s28 =	simm.s32 $_size_execute0_lowered;
	s2 =	sadd.s32 s2, s4;
	[dreg:$0x0] =	wrdreg $0x0  }
0xa8: {  	s4 =	sshll.u32 s28, $0x1;
	[dreg:$0x2] =	wrdreg s2  }
0xa9: {  	[dreg:$0x3] =	wrdreg s4  }
0xaa: {  	[dreg:$0x4] =	wrdreg $0xC0  }
0xab: {  	_ =	task [dreg:s6], $0x5FFFF  }
0xac: {  	[dreg:$0x1] =	wrdreg $0xFFFFFFFF  }
0xad: {  	[dreg:$0x0] =	wrdreg $0x60  }
0xae: {  	[dreg:$0x2] =	wrdreg s24  }
0xaf: {  	[dreg:$0x3] =	wrdreg $0x9  }
0xb0: {  	_ =	task.clear_ibuf [dreg:s6], $0x4FFFF;
	_ =	strace $0x9000004C  }
0xb1: {  	s29 =	simm.s32 $0x9;
	_ =	strace $0x8000004E  }
0xb2: {  	_ =	swait.ge [sflag:s29], $0x1  }
0xb3: {  	[sflag:s29] =	ssyncadd.s32 $0xFFFFFFFF  }
0xb4: {  	_ =	strace $0x9000004E  }
0xb5: {  	_ =	sfence  }
0xb6: {  	s30 =	sld [smem:$0x0];
	_ =	sdelay $0x2  }
0xb7: {  	s31 =	sshll.u32 s1, $0xD;
	s1 =	sshrl.u32 s1, $0x2  }
0xb8: {  	s3 =	sand.u32 $0x4000, s31;
	s1 =	sadd.s32 s1, s30  }
0xb9: {  	s0 =	sor.u32 s3, s0;
	s1 =	sshll.u32 s1, $0x11  }
0xba: {  	s0 =	sor.u32 s1, s0  }
0xbb: {  	s0 =	sadd.s32 $0x8F2B, s0  }
0xbc: {  	[sflag:s0] =	ssyncadd.remote.s32 $0x1  }
0xbd: {  	_ =	sfence.sel $0xFFFF  }
0xbe: {  	[dreg:$0x0] =	wrdreg $0xFFFFFFFF;
	(pc) =	sbr.abs _section_cstart, $3  }
0xbf: {  	[dreg:$0x1] =	wrdreg $0xFFFFFFFF  }
0xc0: {  	_ =	task.clear_ibuf [dreg:s6], $0x2FFFF;
	_ =	strace $0x9FFFFFFF  }
0xc1: {  	(tm) =	ssettm $0x7FFFFFFF  }
tec
execute0_lowered:
.L_overlay_start_1:
0x0: {  	(tag) =	ssettag $0x1  }
0x1: {  	s8 =	rddreg [dreg:$0x0]  }
0x2: {  	s0 =	rddreg [dreg:$0x1]  }
0x3: {  	s1 =	simm.s32 $0x0;
	s6 =	srdreg.scid;
	s2 =	stileid.u32  }
0x4: {  	s13 =	simm.s32 $0x13BA0;
	s14 =	simm.s32 $0x141E0;
	s15 =	simm.s32 $0x0  }
0x5: {  	[smem:$0x7FF] =	sst s1;
	s3 =	sadd.s32 $0x35C00, s8;
	s4 =	sadd.s32 $0x2BE00, s8  }
0x6: {  	s5 =	sadd.s32 $0x179600, s8;
	s9 =	sand.u32 $0x1, s6;
	s6 =	sadd.s32 $0x178200, s8  }
0x7: {  	s11 =	sshll.u32 s2, $0x1;
	s7 =	sadd.s32 $0x4C00, s8;
	s10 =	ssub.s32 $0x2, s9  }
0x8: {  	s8 =	sadd.s32 $0x17AA00, s8;
	_ =	strace $0x8000004D;
	s12 =	sshrl.u32 s10, $0x1  }
0x9: {  	v0 =	vlaneseq.u32;
	s9 =	sor.u32 s9, s11;
	s11 =	simm.s32 $0x1;
	s10 =	ssub.s32 s10, s12  }
0xa: {  	v0 =	vmul.u32 $0x4, v0;
	s9 =	smul.u32 $0x2710, s9;
	s12 =	simm.s32 $0x9C40;
	s10 =	smax.u32 s10, $0x1  }
.LBB2_1:
0xb: {  	[tilespmem:s1], [sflag:$0x1] =	stream.linear.gather [hbm4b:s5+s1], $0x9C40, $0x38;
	[tilespmem:$0x14820] =	vst v63  }
0xc: {  	_ =	swait.ge [sflag:s11], $0x9C40  }
0xd: {  	[sflag:s11] =	ssyncset.done $0x0  }
0xe: {  	[sflag:s11] =	ssyncadd.s32 $0xFFFF63C0  }
0xf: {  	[tilespmem:s12], [sflag:$0x1] =	stream.linear.gather [hbm4b:s6+s1], $0x9C40, $0x38;
	[tilespmem:$0x14820] =	vst v63  }
0x10: {  	_ =	swait.ge [sflag:s11], $0x9C40  }
0x11: {  	[sflag:s11] =	ssyncset.done $0x0  }
0x12: {  	s16 =	simm.s32 $0x0;
	[sflag:s11] =	ssyncadd.s32 $0xFFFF63C0  }
.LBB2_2:
0x13: {  	s17 =	smul.u32 $0x190, s16;
	_ =	sdelay $0x1  }
0x14: {  	s19 =	sadd.s32 s9, s17  }
0x15: {  	s18 =	sshrl.u32 s19, $0x3  }
0x16: {  	s21 =	simm.s32 $0x0;
	s17 =	simm.s32 $0x13880;
	s20 =	sadd.s32 s3, s18  }
0x17: {  	[tilespmem:s17], [sflag:$0x1] =	stream.linear.gather [hbm4b:s20+s21], $0x190, $0x38;
	[tilespmem:$0x14820] =	vst v63  }
0x18: {  	_ =	swait.ge [sflag:s11], $0x190  }
0x19: {  	[sflag:s11] =	ssyncset.done $0x0  }
0x1a: {  	s30 =	sadd.s32 s4, s18;
	s18 =	simm.s32 $0x13A10;
	[sflag:s11] =	ssyncadd.s32 $0xFFFFFE70  }
0x1b: {  	[tilespmem:s18], [sflag:$0x1] =	stream.linear.gather [hbm4b:s30+s21], $0x190, $0x38;
	[tilespmem:$0x14820] =	vst v63  }
0x1c: {  	_ =	swait.ge [sflag:s11], $0x190  }
0x1d: {  	s19 =	sshrl.u32 s19, $0x1;
	[sflag:s11] =	ssyncset.done $0x0  }
0x1e: {  	s31 =	sadd.s32 s7, s19;
	[sflag:s11] =	ssyncadd.s32 $0xFFFFFE70  }
0x1f: {  	[tilespmem:s13], [sflag:$0x1] =	stream.linear.gather [hbm4b:s31+s21], $0x640, $0x38;
	[tilespmem:$0x14820] =	vst v63  }
0x20: {  	_ =	swait.ge [sflag:s11], $0x640  }
0x21: {  	[sflag:s11] =	ssyncset.done $0x0  }
0x22: {  	[sflag:s11] =	ssyncadd.s32 $0xFFFFF9C0  }
0x23: {  	v1 =	vld [tilespmem:s17+$0x0]  }
0x24: {  	v2 =	vld [tilespmem:s18+$0x0];
	_ =	sdelay $0x3  }
0x25: {  	v1 =	vshll.u32 v1, $0x2  }
0x26: {  	v3 =	vmov s21;
	v2 =	vshll.u32 v2, $0x2  }
0x27: {  	v3 =	vshll.u32 v3, $0x2  }
0x28: {  	v3 =	vor.u32 v0, v3;
	_ =	sdelay $0x1  }
0x29: {  	v4 =	vld.idx.msk [tilespmem:v1+s1+$0x0], $0xffff  }
0x2a: {  	v5 =	vld.idx.msk [tilespmem:v2+s12+$0x0], $0xffff;
	_ =	sdelay $0x1  }
0x2b: {  	v6 =	vld.idx.msk [tilespmem:v3+s13+$0x0], $0xffff;
	_ =	sdelay $0x2  }
0x2c: {  	v4 =	vadd.f32 v5, v4;
	_ =	sdelay $0x1  }
0x2d: {  	v4 =	vadd.f32 v6, v4;
	_ =	sdelay $0x1  }
0x2e: {  	v53 =	vmul.f32 $2.000000030e-01, v4  }
0x2f: {  	vm0 =	vge.f32 v4, $0.0e+00  }
0x30: {  	v4 =	vsel vm0, v4, v53  }
0x31: {  	v4 =	vmul.f32 $1.442695020e+00, v4;
	_ =	sdelay $0x1  }
0x32: {  	(erf) = vpow2.f32 v4;
	_ =	sdelay $0x5  }
0x33: {  	v54 =	vor.u32 $0x1, v1  }
0x34: {  	v55 =	vor.u32 $0x1, v2;
	_ =	sdelay $0x1  }
0x35: {  	v56 =	vor.u32 $0x1, v3;
	v7 =	vpop (erf)  }
0x36: {  	[tilespmem:v3+s14+$0x0] =	vst.idx.msk $0xffff, v7  }
0x37: {  	v4 =	vld.idx.msk [tilespmem:v54+s1+$0x0], $0xffff  }
0x38: {  	v5 =	vld.idx.msk [tilespmem:v55+s12+$0x0], $0xffff;
	_ =	sdelay $0x1  }
0x39: {  	v7 =	vld.idx.msk [tilespmem:v56+s13+$0x0], $0xffff;
	_ =	sdelay $0x2  }
0x3a: {  	v4 =	vadd.f32 v5, v4;
	_ =	sdelay $0x1  }
0x3b: {  	v4 =	vadd.f32 v7, v4;
	_ =	sdelay $0x1  }
0x3c: {  	v57 =	vmul.f32 $2.000000030e-01, v4  }
0x3d: {  	vm13 =	vge.f32 v4, $0.0e+00  }
0x3e: {  	v4 =	vsel vm13, v4, v57  }
0x3f: {  	v4 =	vmul.f32 $1.442695020e+00, v4;
	_ =	sdelay $0x1  }
0x40: {  	(erf) = vpow2.f32 v4;
	_ =	sdelay $0x5  }
0x41: {  	v58 =	vor.u32 $0x2, v1  }
0x42: {  	v59 =	vor.u32 $0x2, v2;
	_ =	sdelay $0x1  }
0x43: {  	v60 =	vor.u32 $0x2, v3;
	v8 =	vpop (erf)  }
0x44: {  	[tilespmem:v56+s14+$0x0] =	vst.idx.msk $0xffff, v8  }
0x45: {  	v4 =	vld.idx.msk [tilespmem:v58+s1+$0x0], $0xffff  }
0x46: {  	v5 =	vld.idx.msk [tilespmem:v59+s12+$0x0], $0xffff;
	_ =	sdelay $0x1  }
0x47: {  	v6 =	vld.idx.msk [tilespmem:v60+s13+$0x0], $0xffff;
	_ =	sdelay $0x2  }
0x48: {  	v4 =	vadd.f32 v5, v4;
	_ =	sdelay $0x1  }
0x49: {  	v4 =	vadd.f32 v6, v4;
	_ =	sdelay $0x1  }
0x4a: {  	v61 =	vmul.f32 $2.000000030e-01, v4  }
0x4b: {  	vm14 =	vge.f32 v4, $0.0e+00  }
0x4c: {  	v4 =	vsel vm14, v4, v61  }
0x4d: {  	v4 =	vmul.f32 $1.442695020e+00, v4;
	_ =	sdelay $0x1  }
0x4e: {  	(erf) = vpow2.f32 v4;
	_ =	sdelay $0x5  }
0x4f: {  	v62 =	vor.u32 $0x3, v1  }
0x50: {  	v2 =	vor.u32 $0x3, v2;
	_ =	sdelay $0x1  }
0x51: {  	v1 =	vor.u32 $0x3, v3;
	v3 =	vpop (erf)  }
0x52: {  	[tilespmem:v60+s14+$0x0] =	vst.idx.msk $0xffff, v3  }
0x53: {  	v3 =	vld.idx.msk [tilespmem:v62+s1+$0x0], $0xffff  }
0x54: {  	v2 =	vld.idx.msk [tilespmem:v2+s12+$0x0], $0xffff;
	_ =	sdelay $0x1  }
0x55: {  	v63 =	vld.idx.msk [tilespmem:v1+s13+$0x0], $0xffff;
	_ =	sdelay $0x2  }
0x56: {  	v2 =	vadd.f32 v2, v3;
	_ =	sdelay $0x1  }
0x57: {  	v2 =	vadd.f32 v63, v2;
	_ =	sdelay $0x1  }
0x58: {  	v3 =	vmul.f32 $2.000000030e-01, v2  }
0x59: {  	vm15 =	vge.f32 v2, $0.0e+00  }
0x5a: {  	v2 =	vsel vm15, v2, v3  }
0x5b: {  	v2 =	vmul.f32 $1.442695020e+00, v2;
	_ =	sdelay $0x1  }
0x5c: {  	s20 =	simm.s32 $0x10;
	(erf) = vpow2.f32 v2  }
.LBB2_3:
0x5d: {  	_ =	sdelay $0x4  }
0x5e: {  	p0 =	sne.s32 s20, $0x180;
	s17 =	sadd.s32 $0x10, s17;
	s18 =	sadd.s32 $0x10, s18  }
0x5f: {  	s21 =	smov.u32 s20;
	s20 =	sadd.s32 $0x10, s20;
	_ =	sdelay $0x1  }
0x60: {  	v2 =	vpop (erf)  }
0x61: {  	[tilespmem:v1+s14+$0x0] =	vst.idx.msk $0xffff, v2  }
0x62: {  	v1 =	vld [tilespmem:s17+$0x0]  }
0x63: {  	v2 =	vld [tilespmem:s18+$0x0];
	_ =	sdelay $0x3  }
0x64: {  	v1 =	vshll.u32 v1, $0x2  }
0x65: {  	v3 =	vmov s21;
	v2 =	vshll.u32 v2, $0x2  }
0x66: {  	v3 =	vshll.u32 v3, $0x2  }
0x67: {  	v3 =	vor.u32 v0, v3;
	_ =	sdelay $0x1  }
0x68: {  	v4 =	vld.idx.msk [tilespmem:v1+s1+$0x0], $0xffff  }
0x69: {  	v5 =	vld.idx.msk [tilespmem:v2+s12+$0x0], $0xffff;
	_ =	sdelay $0x1  }
0x6a: {  	v6 =	vld.idx.msk [tilespmem:v3+s13+$0x0], $0xffff;
	_ =	sdelay $0x3  }
0x6b: {  	v4 =	vadd.f32 v5, v4;
	_ =	sdelay $0x1  }
0x6c: {  	v4 =	vadd.f32 v6, v4;
	_ =	sdelay $0x1  }
0x6d: {  	v5 =	vmul.f32 $2.000000030e-01, v4  }
0x6e: {  	vm0 =	vge.f32 v4, $0.0e+00  }
0x6f: {  	v4 =	vsel vm0, v4, v5  }
0x70: {  	v4 =	vmul.f32 $1.442695020e+00, v4;
	_ =	sdelay $0x1  }
0x71: {  	(erf) = vpow2.f32 v4;
	_ =	sdelay $0x5  }
0x72: {  	v4 =	vor.u32 $0x1, v1  }
0x73: {  	v5 =	vor.u32 $0x1, v2;
	_ =	sdelay $0x1  }
0x74: {  	v6 =	vor.u32 $0x1, v3;
	v7 =	vpop (erf)  }
0x75: {  	[tilespmem:v3+s14+$0x0] =	vst.idx.msk $0xffff, v7  }
0x76: {  	v4 =	vld.idx.msk [tilespmem:v4+s1+$0x0], $0xffff  }
0x77: {  	v5 =	vld.idx.msk [tilespmem:v5+s12+$0x0], $0xffff;
	_ =	sdelay $0x1  }
0x78: {  	v7 =	vld.idx.msk [tilespmem:v6+s13+$0x0], $0xffff;
	_ =	sdelay $0x3  }
0x79: {  	v4 =	vadd.f32 v5, v4;
	_ =	sdelay $0x1  }
0x7a: {  	v4 =	vadd.f32 v7, v4;
	_ =	sdelay $0x1  }
0x7b: {  	v5 =	vmul.f32 $2.000000030e-01, v4  }
0x7c: {  	vm0 =	vge.f32 v4, $0.0e+00  }
0x7d: {  	v4 =	vsel vm0, v4, v5  }
0x7e: {  	v4 =	vmul.f32 $1.442695020e+00, v4;
	_ =	sdelay $0x1  }
0x7f: {  	(erf) = vpow2.f32 v4;
	_ =	sdelay $0x5  }
0x80: {  	v4 =	vor.u32 $0x2, v1  }
0x81: {  	v5 =	vor.u32 $0x2, v2;
	_ =	sdelay $0x1  }
0x82: {  	v7 =	vor.u32 $0x2, v3;
	v8 =	vpop (erf)  }
0x83: {  	[tilespmem:v6+s14+$0x0] =	vst.idx.msk $0xffff, v8  }
0x84: {  	v4 =	vld.idx.msk [tilespmem:v4+s1+$0x0], $0xffff  }
0x85: {  	v5 =	vld.idx.msk [tilespmem:v5+s12+$0x0], $0xffff;
	_ =	sdelay $0x1  }
0x86: {  	v6 =	vld.idx.msk [tilespmem:v7+s13+$0x0], $0xffff;
	_ =	sdelay $0x3  }
0x87: {  	v4 =	vadd.f32 v5, v4;
	_ =	sdelay $0x1  }
0x88: {  	v4 =	vadd.f32 v6, v4;
	_ =	sdelay $0x1  }
0x89: {  	v5 =	vmul.f32 $2.000000030e-01, v4  }
0x8a: {  	vm0 =	vge.f32 v4, $0.0e+00  }
0x8b: {  	v4 =	vsel vm0, v4, v5  }
0x8c: {  	v4 =	vmul.f32 $1.442695020e+00, v4;
	_ =	sdelay $0x1  }
0x8d: {  	(erf) = vpow2.f32 v4;
	_ =	sdelay $0x5  }
0x8e: {  	v4 =	vor.u32 $0x3, v1  }
0x8f: {  	v2 =	vor.u32 $0x3, v2  }
0x90: {  	v1 =	vor.u32 $0x3, v3  }
0x91: {  	v3 =	vpop (erf)  }
0x92: {  	[tilespmem:v7+s14+$0x0] =	vst.idx.msk $0xffff, v3  }
0x93: {  	v3 =	vld.idx.msk [tilespmem:v4+s1+$0x0], $0xffff  }
0x94: {  	v2 =	vld.idx.msk [tilespmem:v2+s12+$0x0], $0xffff  }
0x95: {  	v4 =	vld.idx.msk [tilespmem:v1+s13+$0x0], $0xffff;
	_ =	sdelay $0x4  }
0x96: {  	v2 =	vadd.f32 v2, v3;
	_ =	sdelay $0x1  }
0x97: {  	v2 =	vadd.f32 v4, v2;
	_ =	sdelay $0x1  }
0x98: {  	vm0 =	vge.f32 v2, $0.0e+00;
	v3 =	vmul.f32 $2.000000030e-01, v2  }
.Ltmp0:
0x99: {  	(pc) =	sbr.rel @p0 .LBB2_3-.Ltmp0, $3  }
0x9a: {  	v2 =	vsel vm0, v2, v3  }
0x9b: {  	v2 =	vmul.f32 $1.442695020e+00, v2;
	_ =	sdelay $0x1  }
0x9c: {  	(erf) = vpow2.f32 v2  }
0x9d: {  	_ =	sdelay $0x6  }
0x9e: {  	s16 =	sadd.s32 $0x1, s16  }
0x9f: {  	p0 =	sne.s32 s16, $0x19;
	v2 =	vpop (erf)  }
.Ltmp1:
0xa0: {  	s17 =	sadd.s32 s8, s19;
	[tilespmem:v1+s14+$0x0] =	vst.idx.msk $0xffff, v2;
	(pc) =	sbr.rel @p0 .LBB2_2-.Ltmp1, $4  }
0xa1: {  	[hbm4b:s17+s1] =	stream.linear.scatter [tilespmem:s14], [sflag:$0x1], $0x640, $0x38;
	[tilespmem:$0x14820] =	vst v63  }
0xa2: {  	_ =	swait.ge [sflag:s11], $0x640  }
0xa3: {  	[sflag:s11] =	ssyncset.done $0x0  }
0xa4: {  	[sflag:s11] =	ssyncadd.s32 $0xFFFFF9C0  }
0xa5: {  	s15 =	sadd.s32 $0x1, s15  }
0xa6: {  	p0 =	sne.s32 s15, s10  }
.Ltmp2:
0xa7: {  	_ = 	snop;
	(pc) =	sbr.rel @p0 .LBB2_1-.Ltmp2, $1  }
0xa8: {  	_ =	sdelay $0x3  }
0xa9: {  	_ =	sfence.sel $0x180000  }
0xaa: {  	[bflag:$0x0] =	sbarrier.arrive $0xFFFF  }
0xab: {  	p0 =	sne.s32 s2, $0x0;
	_ =	strace $0x9000004D  }
0xac: {  	s0 =	sadd.s32 @!p0 $0x100000, s0;
	[bflag:$0x2] =	sbarrier.arrive $0xFFFF  }
0xad: {  	[sflag:s0] =	ssyncadd.tile.s32 @!p0 $0x1;
	_ =	shalt  }
.Lfunc_end2:
_tile_overlayer_lowered:
.L_overlay_start_2:
0xae: {  	(tag) =	ssettag $0x2  }
0xaf: {  	s0 =	rddreg [dreg:$0x0];
	s2 =	stileid.u32  }
0xb0: {  	s1 =	rddreg [dreg:$0x1];
	p0 =	sne.s32 s2, $0x0  }
0xb1: {  	s3 =	rddreg [dreg:$0x2];
	[bflag:$0x3] =	sbarrier.arrive $0xFFFF;
	s2 =	simm.s32 @!p0 $0x1C01  }
0xb2: {  	[timem:s3], [sflag:s2] =	dma.local @!p0 [hbm:s0], s1  }
0xb3: {  	s0 =	simm.s32 @!p0 $0x1  }
0xb4: {  	_ =	swait.ge @!p0 [sflag:s0], s1  }
0xb5: {  	s1 =	ssub.s32 @!p0 $0x0, s1;
	[sflag:s0] =	ssyncset.done @!p0 $0x0  }
0xb6: {  	[sflag:s0] =	ssyncadd.s32 @!p0 s1  }
0xb7: {  	[bflag:$0x3] =	sbarrier.arrive $0xFFFF  }
0xb8: {  	_ =	shalt  }

// kernel: kernel.21.cloned.1.call-start
scs
__scs_entry_jumppad:
0x0: {  	(pc) =	sbr.rel $0x88, $3  }
0x1: {  	(tag) =	ssettag $0x0;
	lr =	simm.s32 $0x1  }
0x2: {  	[smem:$0x3F8E] =	sst lr;
	_ =	strace $0xD0000000  }
0x3: {  	_ = 	snop  }
0x4: {  	_ = 	snop  }
0x5: {  	_ = 	snop  }
0x6: {  	_ = 	snop  }
0x7: {  	_ = 	snop  }
__scs_overlays_trampoline_lowered:
0x8: {  	[smem:$0x3F9D] =	sst s0  }
0x9: {  	[smem:$0x3F9E] =	sst s1  }
0xa: {  	[smem:$0x3F9F] =	sst s2  }
0xb: {  	[smem:$0x3FA0] =	sst s3  }
0xc: {  	[smem:$0x3FA1] =	sst s4  }
0xd: {  	[smem:$0x3FA2] =	sst s5  }
0xe: {  	[smem:$0x3FA3] =	sst s6  }
0xf: {  	[smem:$0x3FA4] =	sst s7  }
0x10: {  	[smem:$0x3FA5] =	sst s8  }
0x11: {  	[smem:$0x3FA6] =	sst s9;
	s0 =	simm.s32 @!p0 $0x0  }
0x12: {  	s1 =	sld [smem:$0x3F8C];
	s0 =	simm.s32 @p0 $0x1  }
0x13: {  	[smem:$0x3FA7] =	sst s0;
	s0 =	simm.s32 @!p1 $0x0  }
0x14: {  	s2 =	sld [smem:$0x3F8B];
	s0 =	simm.s32 @p1 $0x1  }
0x15: {  	[smem:$0x3FA8] =	sst s0;
	s0 =	simm.s32 @!p2 $0x0  }
0x16: {  	s3 =	sld [smem:$0x3FDB];
	s0 =	simm.s32 @p2 $0x1  }
0x17: {  	s4 =	simm.s32 $0x1BF5;
	[smem:$0x3FAA] =	sst s0  }
0x18: {  	s0 =	sld [smem:$0x3F8D];
	_ =	swait.ge [sflag:s4], $0x0  }
0x19: {  	s7 =	sld [smem:$0x3F8E]  }
0x1a: {  	s8 =	sadd.s32 $0xFFFFE003, lr  }
0x1b: {  	s9 =	sadd.s32 $0xFFFFFEF7, lr;
	s5 =	simm.s32 $0xFFFFFFFF;
	p2 =	slt.u32 s8, $0xFFFFF086  }
0x1c: {  	p1 =	slt.u32 s9, $0xF7A;
	s5 =	simm.s32 @!p2 $0x0  }
0x1d: {  	s5 =	simm.s32 @p1 $0x1;
	p0 =	seq.s32 s7, s2  }
0x1e: {  	s7 =	smul.u32 @!p0 $0xF7A, s2;
	p2 =	seq.s32 @!p0 s5, $0x0  }
0x1f: {  	s9 =	smul.u32 $0xF7A, s1;
	s8 =	simm.s32 @!p0 $0x1BF5;
	p2 =	por !p2, p0  }
0x20: {  	[sflag:s8] =	ssyncset.s32 @!p0 $0xFFFFF086;
	s6 =	sadd.s32 @!p0 s3, s7;
	s7 =	simm.s32 @!p0 $0x108  }
0x21: {  	s3 =	sadd.s32 s3, s9;
	s6 =	sadd.s32 @!p0 $0x88, s6;
	s7 =	simm.s32 @p2 $0x1082  }
0x22: {  	[simem:s7], [sflag:s8] =	dma.local @!p0 [hbm:s6], $0xF7A  }
0x23: {  	s9 =	sor.u32 $0xD0000000, s2;
	s6 =	simm.s32 $0x108;
	_ =	swait.ge @!p0 [sflag:s8], $0x0  }
0x24: {  	s3 =	sadd.s32 $0x88, s3;
	s6 =	simm.s32 @!p1 $0x1082;
	[sflag:s4] =	ssyncset.s32 $0xFFFFF086  }
0x25: {  	[simem:s6], [sflag:s4] =	dma.local [hbm:s3], $0xF7A  }
0x26: {  	[smem:$0x3F8E] =	sst s1;
	(tag) =	ssettag s2;
	_ =	strace s9  }
0x27: {  	s1 =	sld [smem:$0x3F9E]  }
0x28: {  	s2 =	sld [smem:$0x3F9F]  }
0x29: {  	s4 =	sld [smem:$0x3FA1]  }
0x2a: {  	p0 =	seq.s32 s5, $0x0;
	s5 =	sld [smem:$0x3FA2]  }
0x2b: {  	s6 =	sld [smem:$0x3FA3]  }
0x2c: {  	s7 =	sld [smem:$0x3FA4]  }
0x2d: {  	s3 =	simm.s32 $0x108;
	s8 =	sld [smem:$0x3FA5]  }
0x2e: {  	s3 =	simm.s32 @!p0 $0x1082;
	s9 =	sld [smem:$0x3FA6]  }
0x2f: {  	lr =	sadd.s32 s0, s3;
	s0 =	sld [smem:$0x3F9D]  }
0x30: {  	s3 =	sld [smem:$0x3FA0]  }
0x31: {  	[smem:$0x3FA9] =	sst s10  }
0x32: {  	s10 =	sld [smem:$0x3FA7];
	_ =	sdelay $0x3  }
0x33: {  	p0 =	seq.s32 s10, $0x1;
	s10 =	sld [smem:$0x3FA9];
	_ =	sdelay $0x3  }
0x34: {  	[smem:$0x3FA9] =	sst s10  }
0x35: {  	s10 =	sld [smem:$0x3FA8];
	_ =	sdelay $0x3  }
0x36: {  	p1 =	seq.s32 s10, $0x1;
	s10 =	sld [smem:$0x3FA9];
	_ =	sdelay $0x3  }
0x37: {  	[smem:$0x3FA9] =	sst s10  }
0x38: {  	s10 =	sld [smem:$0x3FAA]  }
0x39: {  	_ = 	snop;
	(pc) =	sbr.ind lr, $3  }
0x3a: {  	_ = 	snop  }
0x3b: {  	_ = 	snop  }
0x3c: {  	p2 =	seq.s32 s10, $0x1;
	s10 =	sld [smem:$0x3FA9]  }
0x3d: {  	_ =	shalt  }
0x3e: {  	_ =	shalt  }
0x3f: {  	_ =	shalt  }
0x40: {  	_ =	shalt  }
0x41: {  	_ =	shalt  }
0x42: {  	_ =	shalt  }
0x43: {  	_ =	shalt  }
0x44: {  	_ =	shalt  }
0x45: {  	_ =	shalt  }
0x46: {  	_ =	shalt  }
0x47: {  	_ =	shalt  }
0x48: {  	_ =	shalt  }
0x49: {  	_ =	shalt  }
0x4a: {  	_ =	shalt  }
0x4b: {  	_ =	shalt  }
0x4c: {  	_ =	shalt  }
0x4d: {  	_ =	shalt  }
0x4e: {  	_ =	shalt  }
0x4f: {  	_ =	shalt  }
0x50: {  	_ =	shalt  }
0x51: {  	_ =	shalt  }
0x52: {  	_ =	shalt  }
0x53: {  	_ =	shalt  }
0x54: {  	_ =	shalt  }
0x55: {  	_ =	shalt  }
0x56: {  	_ =	shalt  }
0x57: {  	_ =	shalt  }
0x58: {  	_ =	shalt  }
0x59: {  	_ =	shalt  }
0x5a: {  	_ =	shalt  }
0x5b: {  	_ =	shalt  }
0x5c: {  	_ =	shalt  }
0x5d: {  	_ =	shalt  }
0x5e: {  	_ =	shalt  }
0x5f: {  	_ =	shalt  }
0x60: {  	_ =	shalt  }
0x61: {  	_ =	shalt  }
0x62: {  	_ =	shalt  }
0x63: {  	_ =	shalt  }
0x64: {  	_ =	shalt  }
0x65: {  	_ =	shalt  }
0x66: {  	_ =	shalt  }
0x67: {  	_ =	shalt  }
0x68: {  	_ =	shalt  }
0x69: {  	_ =	shalt  }
0x6a: {  	_ =	shalt  }
0x6b: {  	_ =	shalt  }
0x6c: {  	_ =	shalt  }
0x6d: {  	_ =	shalt  }
0x6e: {  	_ =	shalt  }
0x6f: {  	_ =	shalt  }
0x70: {  	_ =	shalt  }
0x71: {  	_ =	shalt  }
0x72: {  	_ =	shalt  }
0x73: {  	_ =	shalt  }
0x74: {  	_ =	shalt  }
0x75: {  	_ =	shalt  }
0x76: {  	_ =	shalt  }
0x77: {  	_ =	shalt  }
0x78: {  	_ =	shalt  }
0x79: {  	_ =	shalt  }
0x7a: {  	_ =	shalt  }
0x7b: {  	_ =	shalt  }
0x7c: {  	_ =	shalt  }
0x7d: {  	_ =	shalt  }
0x7e: {  	_ =	shalt  }
0x7f: {  	_ =	shalt  }
0x80: {  	_ =	shalt  }
0x81: {  	_ =	shalt  }
0x82: {  	_ =	shalt  }
0x83: {  	_ =	shalt  }
0x84: {  	_ =	shalt  }
0x85: {  	_ =	shalt  }
0x86: {  	_ =	shalt  }
0x87: {  	_ =	shalt  }
.Lfunc_end0:
.L_simem_size_0:
called_computation.4_lowered:
.L_overlay_start_0:
0x88: {  	s2 =	sld [smem:$0x3FD9]  }
0x89: {  	s3 =	sld [smem:$0x3FFE];
	_ =	sdelay $0x1  }
0x8a: {  	s1 =	srdreg.scid  }
0x8b: {  	s0 =	sand.u32 $0x1, s1  }
0x8c: {  	s17 =	sshll.u32 s0, $0xA;
	s2 =	sadd.s32 s3, s2  }
0x8d: {  	s2 =	sadd.s32 s2, s17  }
0x8e: {  	[smem:$0x3FB5] =	sst s2  }
0x8f: {  	_ = 	snop  }
0x90: {  	s2 =	sld [smem:$0x3FD0];
	(tm) =	ssettm $0x1  }
0x91: {  	s18 =	sld [smem:$0x3FFB];
	_ =	sdelay $0x3  }
0x92: {  	_ =	strace s18  }
0x93: {  	s3 =	sld [smem:$0x3FFC];
	_ =	sdelay $0x3  }
0x94: {  	_ =	strace s3  }
0x95: {  	s3 =	sld [smem:$0x3FFD];
	_ =	sdelay $0x3  }
0x96: {  	_ =	strace s3  }
0x97: {  	_ =	strace $0x8FFFFFFF  }
0x98: {  	s19 =	sld [smem:$0x3FDB];
	_ =	sdelay $0x1  }
0x99: {  	s4 =	simm.s32 $_scs_section_size  }
0x9a: {  	s5 =	simm.s32 $_size__tile_overlayer_lowered;
	s6 =	simm.s32 $_tile_overlayer_lowered  }
0x9b: {  	s22 =	simm.s32 $0x1BFF;
	s21 =	sshll.u32 s6, $0x1;
	s3 =	sadd.s32 s4, s19  }
0x9c: {  	s7 =	simm.s32 $0x0;
	s20 =	sshll.u32 s5, $0x1;
	s5 =	sadd.s32 s21, s3  }
0x9d: {  	[timem:s7], [sflag:s22] =	dma.local [hbm:s5], s20  }
0x9e: {  	_ =	swait.ge [sflag:s22], s20  }
0x9f: {  	s4 =	ssub.s32 $0x0, s20;
	[sflag:s22] =	ssyncset.done $0x0  }
0xa0: {  	[sflag:s22] =	ssyncadd.s32 s4;
	_ =	sdelay $0x1  }
0xa1: {  	s23 =	simm.s32 $0x1B8B  }
0xa2: {  	_ =	swait.ge [sflag:s23], $0x1  }
0xa3: {  	[sflag:s23] =	ssyncset.done $0x0  }
0xa4: {  	s25 =	simm.s32 $0x1B8E;
	s24 =	sld [smem:$0x3FFE];
	[sflag:s23] =	ssyncadd.s32 $0xFFFFFFFF  }
0xa5: {  	s26 =	simm.s32 $execute0_lowered;
	[smem:$0x3FD2] =	sst s25  }
0xa6: {  	s5 =	sshll.u32 s26, $0x1;
	_ =	strace $0x8000004F;
	[dreg:$0x1] =	wrdreg $0xFFFFFFFF  }
0xa7: {  	s28 =	simm.s32 $_size_execute0_lowered;
	s3 =	sadd.s32 s3, s5;
	[dreg:$0x0] =	wrdreg $0x0  }
0xa8: {  	s5 =	sshll.u32 s28, $0x1;
	[dreg:$0x2] =	wrdreg s3  }
0xa9: {  	[dreg:$0x3] =	wrdreg s5  }
0xaa: {  	[dreg:$0x4] =	wrdreg $0xC0  }
0xab: {  	_ =	task [dreg:s7], $0x5FFFF  }
0xac: {  	[dreg:$0x1] =	wrdreg $0xFFFFFFFF  }
0xad: {  	[dreg:$0x0] =	wrdreg $0x60  }
0xae: {  	[dreg:$0x2] =	wrdreg s24  }
0xaf: {  	[dreg:$0x3] =	wrdreg s2  }
0xb0: {  	[dreg:$0x4] =	wrdreg $0x0  }
0xb1: {  	[dreg:$0x5] =	wrdreg $0x9  }
0xb2: {  	_ =	task.clear_ibuf [dreg:s7], $0x6FFFF;
	_ =	strace $0x9000004F  }
0xb3: {  	s29 =	simm.s32 $0x9;
	_ =	strace $0x80000051  }
0xb4: {  	_ =	swait.ge [sflag:s29], $0x1  }
0xb5: {  	[sflag:s29] =	ssyncadd.s32 $0xFFFFFFFF  }
0xb6: {  	_ =	strace $0x90000051  }
0xb7: {  	_ =	sfence  }
0xb8: {  	s30 =	sld [smem:$0x0];
	_ =	sdelay $0x2  }
0xb9: {  	s31 =	sshll.u32 s1, $0xD;
	s1 =	sshrl.u32 s1, $0x2  }
0xba: {  	s3 =	sand.u32 $0x4000, s31;
	s1 =	sadd.s32 s1, s30  }
0xbb: {  	s0 =	sor.u32 s3, s0;
	s1 =	sshll.u32 s1, $0x11  }
0xbc: {  	s0 =	sor.u32 s1, s0  }
0xbd: {  	s0 =	sadd.s32 $0x8F2B, s0  }
0xbe: {  	[sflag:s0] =	ssyncadd.remote.s32 $0x1  }
0xbf: {  	_ =	sfence.sel $0xFFFF  }
0xc0: {  	[dreg:$0x0] =	wrdreg $0xFFFFFFFF;
	(pc) =	sbr.abs _section_cstart, $3  }
0xc1: {  	[dreg:$0x1] =	wrdreg $0xFFFFFFFF  }
0xc2: {  	_ =	task.clear_ibuf [dreg:s7], $0x2FFFF;
	_ =	strace $0x9FFFFFFF  }
0xc3: {  	(tm) =	ssettm $0x7FFFFFFF  }
tec
execute0_lowered:
.L_overlay_start_1:
0x0: {  	(tag) =	ssettag $0x1  }
0x1: {  	s0 =	rddreg [dreg:$0x0]  }
0x2: {  	s1 =	rddreg [dreg:$0x1]  }
0x3: {  	s3 =	rddreg [dreg:$0x2]  }
0x4: {  	s4 =	simm.s32 $0x0;
	s13 =	stileid.u32;
	s2 =	srdreg.scid  }
0x5: {  	s28 =	simm.s32 $0x1E730;
	s29 =	simm.s32 $0x1E870;
	s30 =	simm.s32 $0x50  }
0x6: {  	s31 =	simm.s32 $0x1E7D0;
	[smem:$0x7FF] =	sst s4;
	s8 =	smul.u32 $0x57E40, s13  }
0x7: {  	s5 =	sadd.s32 $0x35C00, s0;
	s6 =	sadd.s32 $0x2BE00, s0;
	s7 =	sadd.s32 $0x17AA00, s0  }
0x8: {  	s2 =	sand.u32 $0x1, s2;
	s0 =	sadd.s32 $0x3FA00, s0;
	_ =	strace $0x80000050  }
0x9: {  	s9 =	ssub.s32 $0x2, s2;
	s19 =	smul.u32 $0x120, s2;
	s10 =	sshrl.u32 s8, $0x2  }
0xa: {  	s12 =	sshllo.u32 s2, $0x1;
	s11 =	sshrl.u32 s9, $0x1;
	s17 =	sadd.s32 s10, s3  }
0xb: {  	s22 =	smul.u32 $0x90, s12;
	s16 =	sadd.s32 $0x2D00, s17;
	[dreg:$0x4] =	wrdreg s17  }
0xc: {  	s15 =	ssub.s32 s9, s11;
	s18 =	sadd.s32 $0x5A00, s17;
	[dreg:$0x5] =	wrdreg s16  }
0xd: {  	s9 =	sshll.u32 s2, $0x1;
	s20 =	sadd.s32 $0x8700, s17;
	[dreg:$0x6] =	wrdreg s18  }
0xe: {  	s11 =	sadd.s32 s19, s8;
	s21 =	sadd.s32 $0xB400, s17;
	[dreg:$0x7] =	wrdreg s20  }
0xf: {  	s19 =	simm.s32 $0x18C90;
	s14 =	sadd.s32 $0xE100, s17;
	[dreg:$0x8] =	wrdreg s21  }
0x10: {  	s23 =	sadd.s32 $0x10E00, s17;
	s24 =	sadd.s32 $0x13B00, s17;
	[dreg:$0x9] =	wrdreg s14  }
0x11: {  	s11 =	sshrl.u32 s11, $0x3;
	s2 =	sadd.s32 s8, s22;
	[dreg:$0xa] =	wrdreg s23  }
0x12: {  	s26 =	smax.u32 s15, $0x1;
	s22 =	sor.u32 $0x140, s9;
	[dreg:$0xb] =	wrdreg s24  }
0x13: {  	s18 =	smul.u32 $0x4E20, s13;
	s25 =	sadd.s32 s0, s11;
	s2 =	sshrl.u32 s2, $0x3  }
0x14: {  	[dreg:$0xe] =	wrdreg s26;
	s23 =	sor.u32 $0x141, s9;
	s24 =	simm.s32 $0x1B990  }
0x15: {  	s26 =	simm.s32 $0x1E690;
	s20 =	simm.s32 $0x1;
	s21 =	simm.s32 $0x1E780  }
0x16: {  	[dreg:$0xc] =	wrdreg s25;
	s0 =	sadd.s32 s0, s2;
	s25 =	simm.s32 $0x2  }
0x17: {  	v2 =	vimm.f32 $0.0e+00;
	v1 =	vmov s12;
	v0 =	vmov s9;
	s2 =	simm.s32 $0x1E820;
	[dreg:$0xd] =	wrdreg s0;
	s0 =	simm.s32 $0x15F90  }
.LBB2_1:
0x18: {  	s8 =	simm.s32 $0x0;
	s10 =	simm.s32 $0x240  }
.LBB2_2:
0x19: {  	p0 =	sne.s32 s10, $0xB1C0;
	[tilespmem:s8+$0x1BA10] =	vst v2  }
0x1a: {  	[tilespmem:s8+$0x1B990] =	vst v2  }
0x1b: {  	[tilespmem:s8+$0x1B9A0] =	vst v2  }
0x1c: {  	[tilespmem:s8+$0x1B9B0] =	vst v2  }
.Ltmp0:
0x1d: {  	[tilespmem:s8+$0x1B9C0] =	vst v2;
	(pc) =	sbr.rel @p0 .LBB2_2-.Ltmp0, $4  }
0x1e: {  	[tilespmem:s8+$0x1B9D0] =	vst v2  }
0x1f: {  	[tilespmem:s8+$0x1B9E0] =	vst v2  }
0x20: {  	[tilespmem:s8+$0x1B9F0] =	vst v2  }
0x21: {  	[tilespmem:s8+$0x1BA00] =	vst v2;
	s8 =	sshra.s32 s10, $0x2;
	s10 =	sadd.s32 $0x240, s10  }
0x22: {  	[tilespmem:s8+$0x1BA10] =	vst v2  }
0x23: {  	[tilespmem:s8+$0x1B990] =	vst v2  }
0x24: {  	[tilespmem:s8+$0x1B9A0] =	vst v2  }
0x25: {  	[tilespmem:s8+$0x1B9B0] =	vst v2  }
0x26: {  	[tilespmem:s8+$0x1B9C0] =	vst v2  }
0x27: {  	[tilespmem:s8+$0x1B9D0] =	vst v2  }
0x28: {  	[tilespmem:s8+$0x1B9E0] =	vst v2  }
0x29: {  	[tilespmem:s8+$0x1B9F0] =	vst v2  }
0x2a: {  	[tilespmem:s8+$0x1BA00] =	vst v2  }
0x2b: {  	[spmem:s17] =	stream.linear.scatter [tilespmem:s24], [sflag:$0x2], $0x2D00, $0x38;
	[tilespmem:$0x1EAF0] =	vst v63  }
0x2c: {  	_ =	swait.ge [sflag:s25], $0x2D00  }
0x2d: {  	[sflag:s25] =	ssyncset.done $0x0  }
0x2e: {  	s16 =	rddreg [dreg:$0x5];
	[sflag:s25] =	ssyncadd.s32 $0xFFFFD300  }
0x2f: {  	[spmem:s16] =	stream.linear.scatter [tilespmem:s24], [sflag:$0x2], $0x2D00, $0x38;
	[tilespmem:$0x1EAF0] =	vst v63  }
0x30: {  	_ =	swait.ge [sflag:s25], $0x2D00  }
0x31: {  	[sflag:s25] =	ssyncset.done $0x0  }
0x32: {  	s10 =	rddreg [dreg:$0x6];
	[sflag:s25] =	ssyncadd.s32 $0xFFFFD300  }
0x33: {  	[spmem:s10] =	stream.linear.scatter [tilespmem:s24], [sflag:$0x2], $0x2D00, $0x38;
	[tilespmem:$0x1EAF0] =	vst v63  }
0x34: {  	_ =	swait.ge [sflag:s25], $0x2D00  }
0x35: {  	[sflag:s25] =	ssyncset.done $0x0  }
0x36: {  	s11 =	rddreg [dreg:$0x7];
	[sflag:s25] =	ssyncadd.s32 $0xFFFFD300  }
0x37: {  	[spmem:s11] =	stream.linear.scatter [tilespmem:s24], [sflag:$0x2], $0x2D00, $0x38;
	[tilespmem:$0x1EAF0] =	vst v63  }
0x38: {  	_ =	swait.ge [sflag:s25], $0x2D00  }
0x39: {  	[sflag:s25] =	ssyncset.done $0x0  }
0x3a: {  	s13 =	rddreg [dreg:$0x8];
	[sflag:s25] =	ssyncadd.s32 $0xFFFFD300  }
0x3b: {  	[spmem:s13] =	stream.linear.scatter [tilespmem:s24], [sflag:$0x2], $0x2D00, $0x38;
	[tilespmem:$0x1EAF0] =	vst v63  }
0x3c: {  	_ =	swait.ge [sflag:s25], $0x2D00  }
0x3d: {  	[sflag:s25] =	ssyncset.done $0x0  }
0x3e: {  	s14 =	rddreg [dreg:$0x9];
	[sflag:s25] =	ssyncadd.s32 $0xFFFFD300  }
0x3f: {  	[spmem:s14] =	stream.linear.scatter [tilespmem:s24], [sflag:$0x2], $0x2D00, $0x38;
	[tilespmem:$0x1EAF0] =	vst v63  }
0x40: {  	_ =	swait.ge [sflag:s25], $0x2D00  }
0x41: {  	[sflag:s25] =	ssyncset.done $0x0  }
0x42: {  	s15 =	rddreg [dreg:$0xa];
	[sflag:s25] =	ssyncadd.s32 $0xFFFFD300  }
0x43: {  	[spmem:s15] =	stream.linear.scatter [tilespmem:s24], [sflag:$0x2], $0x2D00, $0x38;
	[tilespmem:$0x1EAF0] =	vst v63  }
0x44: {  	_ =	swait.ge [sflag:s25], $0x2D00  }
0x45: {  	[sflag:s25] =	ssyncset.done $0x0  }
0x46: {  	s16 =	rddreg [dreg:$0xb];
	[sflag:s25] =	ssyncadd.s32 $0xFFFFD300  }
0x47: {  	[spmem:s16] =	stream.linear.scatter [tilespmem:s24], [sflag:$0x2], $0x2490, $0x38;
	[tilespmem:$0x1EAF0] =	vst v63  }
0x48: {  	_ =	swait.ge [sflag:s25], $0x2490  }
0x49: {  	[sflag:s25] =	ssyncset.done $0x0  }
0x4a: {  	[sflag:s25] =	ssyncadd.s32 $0xFFFFDB70  }
0x4b: {  	s10 =	simm.s32 $0x0;
	s11 =	simm.s32 $0x0;
	[bflag:$0x0] =	sbarrier.arrive $0xFFFF  }
.LBB2_4:
0x4c: {  	s8 =	smul.u32 $0xA0, s11;
	_ =	sdelay $0x1  }
0x4d: {  	s8 =	sadd.s32 s18, s8  }
0x4e: {  	s13 =	sshrl.u32 s8, $0x3  }
0x4f: {  	s14 =	smulhi.u32 $0xCCCCCCCD, s8;
	s13 =	sadd.s32 s5, s13  }
0x50: {  	[tilespmem:s26], [sflag:$0x2] =	stream.linear.gather [hbm4b:s13+s10], $0xA0, $0x38;
	[tilespmem:$0x1EAF0] =	vst v63  }
0x51: {  	s16 =	sshrl.u32 s14, $0x6  }
0x52: {  	s13 =	smul.u32 $0x50, s16  }
0x53: {  	_ =	swait.ge [sflag:s25], $0xA0  }
0x54: {  	[sflag:s25] =	ssyncset.done $0x0;
	s13 =	sshrl.u32 s13, $0x3  }
0x55: {  	[sflag:s25] =	ssyncadd.s32 $0xFFFFFF60;
	s13 =	sadd.s32 s6, s13  }
0x56: {  	[tilespmem:s28], [sflag:$0x2] =	stream.linear.gather [hbm4b:s13+s10], $0xA0, $0x38;
	[tilespmem:$0x1EAF0] =	vst v63  }
0x57: {  	s8 =	sshrl.u32 s8, $0x1;
	_ =	swait.ge [sflag:s25], $0xA0  }
0x58: {  	s8 =	sand.u32 $0x1FFFFFF0, s8;
	[sflag:s25] =	ssyncset.done $0x0  }
0x59: {  	s8 =	sadd.s32 s7, s8;
	[sflag:s25] =	ssyncadd.s32 $0xFFFFFF60  }
0x5a: {  	[tilespmem:s29], [sflag:$0x2] =	stream.linear.gather [hbm4b:s8+s10], $0x280, $0x38;
	[tilespmem:$0x1EAF0] =	vst v63  }
0x5b: {  	_ =	swait.ge [sflag:s25], $0x280  }
0x5c: {  	[sflag:s25] =	ssyncset.done $0x0  }
0x5d: {  	[sflag:s25] =	ssyncadd.s32 $0xFFFFFD80  }
0x5e: {  	v3 =	vld [tilespmem:$0x1E690]  }
0x5f: {  	v4 =	vld [tilespmem:$0x1E6A0]  }
0x60: {  	v5 =	vld [tilespmem:$0x1E6B0]  }
0x61: {  	v6 =	vld [tilespmem:$0x1E6C0]  }
0x62: {  	v7 =	vld [tilespmem:$0x1E6D0]  }
0x63: {  	v8 =	vld [tilespmem:$0x1E6E0];
	v3 =	vshll.u32 v3, $0x2  }
0x64: {  	v9 =	vld [tilespmem:$0x1E6F0];
	v4 =	vshll.u32 v4, $0x2;
	v3 =	vor.u32 v0, v3  }
0x65: {  	[tilespmem:$0x1E7D0] =	vst v3;
	v3 =	vor.u32 v0, v4;
	v4 =	vshll.u32 v5, $0x2;
	v5 =	vld [tilespmem:$0x1E700]  }
0x66: {  	[tilespmem:$0x1E7E0] =	vst v3;
	v3 =	vor.u32 v0, v4;
	v4 =	vshll.u32 v6, $0x2;
	v6 =	vld [tilespmem:$0x1E710]  }
0x67: {  	[tilespmem:$0x1E7F0] =	vst v3;
	v3 =	vor.u32 v0, v4;
	v4 =	vshll.u32 v7, $0x2;
	v7 =	vld [tilespmem:$0x1E720]  }
0x68: {  	[tilespmem:$0x1E800] =	vst v3;
	v3 =	vor.u32 v0, v4;
	v4 =	vshll.u32 v8, $0x2  }
0x69: {  	[tilespmem:$0x1E810] =	vst v3;
	v3 =	vor.u32 v0, v4;
	v4 =	vshll.u32 v9, $0x2  }
0x6a: {  	[tilespmem:$0x1E820] =	vst v3;
	v3 =	vor.u32 v0, v4;
	v4 =	vshll.u32 v5, $0x2  }
0x6b: {  	[tilespmem:$0x1E830] =	vst v3;
	v3 =	vor.u32 v0, v4;
	v4 =	vshll.u32 v6, $0x2  }
0x6c: {  	[tilespmem:$0x1E840] =	vst v3;
	v3 =	vor.u32 v0, v4;
	v4 =	vshll.u32 v7, $0x2  }
0x6d: {  	[tilespmem:$0x1E850] =	vst v3;
	v3 =	vor.u32 v0, v4  }
0x6e: {  	[tilespmem:$0x1E860] =	vst v3  }
0x6f: {  	[tilespmem:s0], [sflag:$0x1] =	stream.indirect.gather [hbm4b:s1+s30], $0x90, s31, s30, $0xb8;
	[tilespmem:$0x1EAF0] =	vst v63  }
0x70: {  	_ = 	snop  }
0x71: {  	[tilespmem:s19], [sflag:$0x1] =	stream.indirect.gather [hbm4b:s1+s30], $0x90, s2, s30, $0xb8;
	[tilespmem:$0x1EAF0] =	vst v63  }
0x72: {  	_ =	swait.ge [sflag:s20], $0x2D00  }
0x73: {  	[sflag:s20] =	ssyncset.done $0x0  }
0x74: {  	[sflag:s20] =	ssyncadd.s32 $0xFFFFD300  }
0x75: {  	v3 =	vand.u32 $0xFFFFFFFE, v0;
	_ =	swait.ge [sflag:s20], $0x2D00  }
0x76: {  	v3 =	vbroadcast v3, $0x0;
	[sflag:s20] =	ssyncset.done $0x0  }
0x77: {  	s13 =	simm.s32 $0x0;
	[sflag:s20] =	ssyncadd.s32 $0xFFFFD300  }
0x78: {  	v4 =	vld [tilespmem:s13+$0x15F90]  }
0x79: {  	v5 =	vld [tilespmem:s13+$0x15FA0]  }
0x7a: {  	v6 =	vld [tilespmem:s13+$0x15FB0]  }
0x7b: {  	v7 =	vld [tilespmem:s13+$0x15FC0]  }
0x7c: {  	v3 =	vld.idx.msk [tilespmem:v3+s29+$0x0], $0xffff  }
0x7d: {  	v8 =	vld [tilespmem:s13+$0x15FD0]  }
0x7e: {  	v9 =	vld [tilespmem:s13+$0x15FE0]  }
0x7f: {  	v12 =	vld [tilespmem:s13+$0x15FF0]  }
0x80: {  	v13 =	vld [tilespmem:s13+$0x16000]  }
0x81: {  	v11 =	vmul.f32 v4, v3;
	v4 =	vld [tilespmem:s13+$0x16010]  }
0x82: {  	v14 =	vmul.f32 v5, v3  }
0x83: {  	v10 =	vmul.f32 v6, v3;
	v7 =	vmul.f32 v7, v3  }
0x84: {  	s15 =	sadd.s32 $0x4, s9;
	v8 =	vmul.f32 v8, v3;
	v5 =	vmul.f32 v9, v3;
	[tilespmem:s13+$0x1B990] =	vst v11  }
0x85: {  	s14 =	simm.s32 $0x240;
	s16 =	simm.s32 $0x480;
	v9 =	vmul.f32 v12, v3;
	v6 =	vmul.f32 v13, v3;
	v11 =	vmov s15;
	[tilespmem:s13+$0x1B9A0] =	vst v14  }
.LBB2_5:
0x86: {  	p0 =	sne.s32 s16, $0xB1C0;
	v11 =	vand.u32 $0xFFFFFFFE, v11;
	[tilespmem:s13+$0x1B9B0] =	vst v10;
	v3 =	vmul.f32 v4, v3  }
0x87: {  	v4 =	vbroadcast v11, $0x0;
	[tilespmem:s13+$0x1B9C0] =	vst v7  }
0x88: {  	s8 =	sshra.s32 s14, $0x2;
	s14 =	smov.u32 s16;
	[tilespmem:s13+$0x1B9D0] =	vst v8  }
0x89: {  	v7 =	vld [tilespmem:s8+$0x15F90];
	[tilespmem:s13+$0x1B9E0] =	vst v5  }
0x8a: {  	v5 =	vld [tilespmem:s8+$0x15FA0];
	[tilespmem:s13+$0x1B9F0] =	vst v9  }
0x8b: {  	v8 =	vld [tilespmem:s8+$0x15FB0];
	[tilespmem:s13+$0x1BA00] =	vst v6  }
0x8c: {  	v6 =	vld [tilespmem:s8+$0x15FC0];
	[tilespmem:s13+$0x1BA10] =	vst v3;
	s13 =	smov.u32 s8  }
0x8d: {  	v3 =	vld.idx.msk [tilespmem:v4+s29+$0x0], $0xffff  }
0x8e: {  	v9 =	vld [tilespmem:s13+$0x15FD0]  }
0x8f: {  	v11 =	vld [tilespmem:s13+$0x15FE0]  }
0x90: {  	v12 =	vld [tilespmem:s13+$0x15FF0]  }
0x91: {  	v13 =	vld [tilespmem:s13+$0x16000]  }
.Ltmp1:
0x92: {  	v4 =	vld [tilespmem:s13+$0x16010];
	(pc) =	sbr.rel @p0 .LBB2_5-.Ltmp1, $4  }
0x93: {  	v14 =	vmul.f32 v7, v3;
	v15 =	vmul.f32 v5, v3  }
0x94: {  	v10 =	vmul.f32 v8, v3;
	v7 =	vmul.f32 v6, v3  }
0x95: {  	s15 =	sadd.s32 $0x4, s15;
	v8 =	vmul.f32 v9, v3;
	v5 =	vmul.f32 v11, v3;
	[tilespmem:s13+$0x1B990] =	vst v14  }
0x96: {  	s16 =	sadd.s32 $0x240, s16;
	v11 =	vmov s15;
	v9 =	vmul.f32 v12, v3;
	[tilespmem:s13+$0x1B9A0] =	vst v15;
	v6 =	vmul.f32 v13, v3  }
0x97: {  	[tilespmem:s13+$0x1B9B0] =	vst v10  }
0x98: {  	[tilespmem:s13+$0x1B9C0] =	vst v7  }
0x99: {  	s8 =	sshra.s32 s14, $0x2;
	[tilespmem:s13+$0x1B9D0] =	vst v8;
	v8 =	vand.u32 $0xFFFFFFFE, v11  }
0x9a: {  	v7 =	vld [tilespmem:s8+$0x15F90];
	[tilespmem:s13+$0x1B9E0] =	vst v5;
	v5 =	vbroadcast v8, $0x0;
	_ =	sdelay $0x2  }
0x9b: {  	v3 =	vmul.f32 v4, v3;
	v8 =	vld [tilespmem:s8+$0x15FA0];
	[tilespmem:s13+$0x1B9F0] =	vst v9  }
0x9c: {  	v9 =	vld [tilespmem:s8+$0x15FB0];
	[tilespmem:s13+$0x1BA00] =	vst v6  }
0x9d: {  	v4 =	vld [tilespmem:s8+$0x15FC0];
	[tilespmem:s13+$0x1BA10] =	vst v3  }
0x9e: {  	v3 =	vld.idx.msk [tilespmem:v5+s29+$0x0], $0xffff;
	_ =	sdelay $0x3  }
0x9f: {  	v5 =	vld [tilespmem:s8+$0x15FD0]  }
0xa0: {  	v6 =	vld [tilespmem:s8+$0x15FE0];
	v7 =	vmul.f32 v7, v3  }
0xa1: {  	v10 =	vld [tilespmem:s8+$0x15FF0];
	v8 =	vmul.f32 v8, v3  }
0xa2: {  	v11 =	vld [tilespmem:s8+$0x16000];
	v9 =	vmul.f32 v9, v3;
	[tilespmem:s8+$0x1B990] =	vst v7  }
0xa3: {  	v4 =	vmul.f32 v4, v3;
	v7 =	vld [tilespmem:s8+$0x16010];
	[tilespmem:s8+$0x1B9A0] =	vst v8  }
0xa4: {  	v5 =	vmul.f32 v5, v3;
	[tilespmem:s8+$0x1B9B0] =	vst v9  }
0xa5: {  	v6 =	vmul.f32 v6, v3;
	[tilespmem:s8+$0x1B9C0] =	vst v4  }
0xa6: {  	v4 =	vmul.f32 v10, v3;
	[tilespmem:s8+$0x1B9D0] =	vst v5  }
0xa7: {  	v5 =	vmul.f32 v11, v3;
	[tilespmem:s8+$0x1B9E0] =	vst v6  }
0xa8: {  	[tilespmem:s8+$0x1B9F0] =	vst v4;
	v3 =	vmul.f32 v7, v3  }
0xa9: {  	[tilespmem:s8+$0x1BA00] =	vst v5  }
0xaa: {  	[tilespmem:s8+$0x1BA10] =	vst v3  }
0xab: {  	v3 =	vmov s22;
	[spmem:s3] =	stream.indirect.scatter.add.f32 [tilespmem:s24], [sflag:$0x2], $0x90, s28, s30, $0xb8;
	[tilespmem:$0x1EAF0] =	vst v63  }
0xac: {  	v3 =	vand.u32 $0xFFFFFFFE, v3;
	_ =	swait.ge [sflag:s25], $0x2D00  }
0xad: {  	v3 =	vbroadcast v3, $0x0;
	[sflag:s25] =	ssyncset.done $0x0  }
0xae: {  	s13 =	simm.s32 $0x0;
	[sflag:s25] =	ssyncadd.s32 $0xFFFFD300  }
0xaf: {  	v4 =	vld [tilespmem:s13+$0x18C90]  }
0xb0: {  	v5 =	vld [tilespmem:s13+$0x18CA0]  }
0xb1: {  	v6 =	vld [tilespmem:s13+$0x18CB0]  }
0xb2: {  	v7 =	vld [tilespmem:s13+$0x18CC0]  }
0xb3: {  	v3 =	vld.idx.msk [tilespmem:v3+s29+$0x0], $0xffff  }
0xb4: {  	v8 =	vld [tilespmem:s13+$0x18CD0]  }
0xb5: {  	v9 =	vld [tilespmem:s13+$0x18CE0]  }
0xb6: {  	v12 =	vld [tilespmem:s13+$0x18CF0]  }
0xb7: {  	v13 =	vld [tilespmem:s13+$0x18D00]  }
0xb8: {  	v11 =	vmul.f32 v4, v3;
	v4 =	vld [tilespmem:s13+$0x18D10]  }
0xb9: {  	v14 =	vmul.f32 v5, v3  }
0xba: {  	v10 =	vmul.f32 v6, v3;
	v7 =	vmul.f32 v7, v3  }
0xbb: {  	s15 =	sadd.s32 $0x4, s22;
	v8 =	vmul.f32 v8, v3;
	v5 =	vmul.f32 v9, v3;
	[tilespmem:s13+$0x1B990] =	vst v11  }
0xbc: {  	s14 =	simm.s32 $0x240;
	s16 =	simm.s32 $0x480;
	v9 =	vmul.f32 v12, v3;
	v6 =	vmul.f32 v13, v3;
	v11 =	vmov s15;
	[tilespmem:s13+$0x1B9A0] =	vst v14  }
.LBB2_7:
0xbd: {  	p0 =	sne.s32 s16, $0xB1C0;
	v11 =	vand.u32 $0xFFFFFFFE, v11;
	[tilespmem:s13+$0x1B9B0] =	vst v10;
	v3 =	vmul.f32 v4, v3  }
0xbe: {  	v4 =	vbroadcast v11, $0x0;
	[tilespmem:s13+$0x1B9C0] =	vst v7  }
0xbf: {  	s8 =	sshra.s32 s14, $0x2;
	s14 =	smov.u32 s16;
	[tilespmem:s13+$0x1B9D0] =	vst v8  }
0xc0: {  	v7 =	vld [tilespmem:s8+$0x18C90];
	[tilespmem:s13+$0x1B9E0] =	vst v5  }
0xc1: {  	v5 =	vld [tilespmem:s8+$0x18CA0];
	[tilespmem:s13+$0x1B9F0] =	vst v9  }
0xc2: {  	v8 =	vld [tilespmem:s8+$0x18CB0];
	[tilespmem:s13+$0x1BA00] =	vst v6  }
0xc3: {  	v6 =	vld [tilespmem:s8+$0x18CC0];
	[tilespmem:s13+$0x1BA10] =	vst v3;
	s13 =	smov.u32 s8  }
0xc4: {  	v3 =	vld.idx.msk [tilespmem:v4+s29+$0x0], $0xffff  }
0xc5: {  	v9 =	vld [tilespmem:s13+$0x18CD0]  }
0xc6: {  	v11 =	vld [tilespmem:s13+$0x18CE0]  }
0xc7: {  	v12 =	vld [tilespmem:s13+$0x18CF0]  }
0xc8: {  	v13 =	vld [tilespmem:s13+$0x18D00]  }
.Ltmp2:
0xc9: {  	v4 =	vld [tilespmem:s13+$0x18D10];
	(pc) =	sbr.rel @p0 .LBB2_7-.Ltmp2, $4  }
0xca: {  	v14 =	vmul.f32 v7, v3;
	v15 =	vmul.f32 v5, v3  }
0xcb: {  	v10 =	vmul.f32 v8, v3;
	v7 =	vmul.f32 v6, v3  }
0xcc: {  	s15 =	sadd.s32 $0x4, s15;
	v8 =	vmul.f32 v9, v3;
	v5 =	vmul.f32 v11, v3;
	[tilespmem:s13+$0x1B990] =	vst v14  }
0xcd: {  	s16 =	sadd.s32 $0x240, s16;
	v11 =	vmov s15;
	v9 =	vmul.f32 v12, v3;
	[tilespmem:s13+$0x1B9A0] =	vst v15;
	v6 =	vmul.f32 v13, v3  }
0xce: {  	[tilespmem:s13+$0x1B9B0] =	vst v10;
	v55 =	vand.u32 $0xFFFFFFFE, v11  }
0xcf: {  	[tilespmem:s13+$0x1B9C0] =	vst v7;
	v56 =	vbroadcast v55, $0x0  }
0xd0: {  	s8 =	sshra.s32 s14, $0x2;
	[tilespmem:s13+$0x1B9D0] =	vst v8  }
0xd1: {  	v7 =	vld [tilespmem:s8+$0x18C90];
	[tilespmem:s13+$0x1B9E0] =	vst v5  }
0xd2: {  	v3 =	vmul.f32 v4, v3;
	v57 =	vld [tilespmem:s8+$0x18CA0];
	[tilespmem:s13+$0x1B9F0] =	vst v9  }
0xd3: {  	v9 =	vld [tilespmem:s8+$0x18CB0];
	[tilespmem:s13+$0x1BA00] =	vst v6  }
0xd4: {  	v58 =	vld [tilespmem:s8+$0x18CC0];
	[tilespmem:s13+$0x1BA10] =	vst v3  }
0xd5: {  	v3 =	vld.idx.msk [tilespmem:v56+s29+$0x0], $0xffff;
	_ =	sdelay $0x3  }
0xd6: {  	v59 =	vld [tilespmem:s8+$0x18CD0]  }
0xd7: {  	v6 =	vld [tilespmem:s8+$0x18CE0];
	v7 =	vmul.f32 v7, v3  }
0xd8: {  	v10 =	vld [tilespmem:s8+$0x18CF0];
	v8 =	vmul.f32 v57, v3  }
0xd9: {  	v60 =	vld [tilespmem:s8+$0x18D00];
	v9 =	vmul.f32 v9, v3;
	[tilespmem:s8+$0x1B990] =	vst v7  }
0xda: {  	v61 =	vld [tilespmem:s8+$0x18D10];
	v4 =	vmul.f32 v58, v3;
	[tilespmem:s8+$0x1B9A0] =	vst v8  }
0xdb: {  	v5 =	vmul.f32 v59, v3;
	[tilespmem:s8+$0x1B9B0] =	vst v9  }
0xdc: {  	v6 =	vmul.f32 v6, v3;
	[tilespmem:s8+$0x1B9C0] =	vst v4  }
0xdd: {  	v62 =	vmul.f32 v10, v3;
	[tilespmem:s8+$0x1B9D0] =	vst v5  }
0xde: {  	v63 =	vmul.f32 v60, v3;
	[tilespmem:s8+$0x1B9E0] =	vst v6  }
0xdf: {  	s11 =	sadd.s32 $0x1, s11;
	v3 =	vmul.f32 v61, v3;
	[tilespmem:s8+$0x1B9F0] =	vst v62  }
0xe0: {  	p0 =	sne.s32 s11, $0x7D;
	[tilespmem:s8+$0x1BA00] =	vst v63  }
.Ltmp3:
0xe1: {  	[tilespmem:s8+$0x1BA10] =	vst v3;
	(pc) =	sbr.rel @p0 .LBB2_4-.Ltmp3, $4  }
0xe2: {  	[spmem:s3] =	stream.indirect.scatter.add.f32 [tilespmem:s24], [sflag:$0x2], $0x90, s21, s30, $0xb8;
	[tilespmem:$0x1EAF0] =	vst v63  }
0xe3: {  	_ =	swait.ge [sflag:s25], $0x2D00  }
0xe4: {  	[sflag:s25] =	ssyncset.done $0x0  }
0xe5: {  	[sflag:s25] =	ssyncadd.s32 $0xFFFFD300  }
0xe6: {  	s8 =	stileid.u32;
	[bflag:$0x0] =	sbarrier.arrive $0xFFFF  }
0xe7: {  	s11 =	sshrl.u32 s17, $0x3;
	s13 =	simm.s32 $0x48;
	s8 =	sshll.u32 s8, $0x6  }
0xe8: {  	s14 =	simm.s32 $0x12;
	s16 =	rddreg [dreg:$0xc];
	s10 =	sor.u32 $0x1C02, s8  }
0xe9: {  	[hbm:s16@s13], [sflag:s10] =	dma.strided [spmem:s11@s14], $0x2BF2, s25, $0x9   }
0xea: {  	_ =	swait.ge [sflag:s25], $0x2BF2  }
0xeb: {  	[sflag:s25] =	ssyncset.done $0x0  }
0xec: {  	[sflag:s25] =	ssyncadd.s32 $0xFFFFD40E  }
0xed: {  	s8 =	simm.s32 $0x0;
	s13 =	simm.s32 $0x240;
	[bflag:$0x0] =	sbarrier.arrive $0xFFFF  }
.LBB2_10:
0xee: {  	p0 =	sne.s32 s13, $0xB1C0;
	[tilespmem:s8+$0x1BA10] =	vst v2  }
0xef: {  	[tilespmem:s8+$0x1B990] =	vst v2  }
0xf0: {  	[tilespmem:s8+$0x1B9A0] =	vst v2  }
0xf1: {  	[tilespmem:s8+$0x1B9B0] =	vst v2  }
.Ltmp4:
0xf2: {  	[tilespmem:s8+$0x1B9C0] =	vst v2;
	(pc) =	sbr.rel @p0 .LBB2_10-.Ltmp4, $4  }
0xf3: {  	[tilespmem:s8+$0x1B9D0] =	vst v2  }
0xf4: {  	[tilespmem:s8+$0x1B9E0] =	vst v2  }
0xf5: {  	[tilespmem:s8+$0x1B9F0] =	vst v2  }
0xf6: {  	[tilespmem:s8+$0x1BA00] =	vst v2;
	s8 =	sshra.s32 s13, $0x2;
	s13 =	sadd.s32 $0x240, s13  }
0xf7: {  	[tilespmem:s8+$0x1BA10] =	vst v2  }
0xf8: {  	[tilespmem:s8+$0x1B990] =	vst v2  }
0xf9: {  	[tilespmem:s8+$0x1B9A0] =	vst v2  }
0xfa: {  	[tilespmem:s8+$0x1B9B0] =	vst v2  }
0xfb: {  	[tilespmem:s8+$0x1B9C0] =	vst v2  }
0xfc: {  	[tilespmem:s8+$0x1B9D0] =	vst v2  }
0xfd: {  	[tilespmem:s8+$0x1B9E0] =	vst v2  }
0xfe: {  	[tilespmem:s8+$0x1B9F0] =	vst v2  }
0xff: {  	[tilespmem:s8+$0x1BA00] =	vst v2  }
0x100: {  	[spmem:s17] =	stream.linear.scatter [tilespmem:s24], [sflag:$0x2], $0x2D00, $0x38;
	[tilespmem:$0x1EAF0] =	vst v63  }
0x101: {  	_ =	swait.ge [sflag:s25], $0x2D00  }
0x102: {  	[sflag:s25] =	ssyncset.done $0x0  }
0x103: {  	s16 =	rddreg [dreg:$0x5];
	[sflag:s25] =	ssyncadd.s32 $0xFFFFD300  }
0x104: {  	[spmem:s16] =	stream.linear.scatter [tilespmem:s24], [sflag:$0x2], $0x2D00, $0x38;
	[tilespmem:$0x1EAF0] =	vst v63  }
0x105: {  	_ =	swait.ge [sflag:s25], $0x2D00  }
0x106: {  	[sflag:s25] =	ssyncset.done $0x0  }
0x107: {  	s17 =	rddreg [dreg:$0x6];
	[sflag:s25] =	ssyncadd.s32 $0xFFFFD300  }
0x108: {  	[spmem:s17] =	stream.linear.scatter [tilespmem:s24], [sflag:$0x2], $0x2D00, $0x38;
	[tilespmem:$0x1EAF0] =	vst v63  }
0x109: {  	_ =	swait.ge [sflag:s25], $0x2D00  }
0x10a: {  	[sflag:s25] =	ssyncset.done $0x0  }
0x10b: {  	s13 =	rddreg [dreg:$0x7];
	[sflag:s25] =	ssyncadd.s32 $0xFFFFD300  }
0x10c: {  	[spmem:s13] =	stream.linear.scatter [tilespmem:s24], [sflag:$0x2], $0x2D00, $0x38;
	[tilespmem:$0x1EAF0] =	vst v63  }
0x10d: {  	_ =	swait.ge [sflag:s25], $0x2D00  }
0x10e: {  	[sflag:s25] =	ssyncset.done $0x0  }
0x10f: {  	s14 =	rddreg [dreg:$0x8];
	[sflag:s25] =	ssyncadd.s32 $0xFFFFD300  }
0x110: {  	[spmem:s14] =	stream.linear.scatter [tilespmem:s24], [sflag:$0x2], $0x2D00, $0x38;
	[tilespmem:$0x1EAF0] =	vst v63  }
0x111: {  	_ =	swait.ge [sflag:s25], $0x2D00  }
0x112: {  	[sflag:s25] =	ssyncset.done $0x0  }
0x113: {  	s15 =	rddreg [dreg:$0x9];
	[sflag:s25] =	ssyncadd.s32 $0xFFFFD300  }
0x114: {  	[spmem:s15] =	stream.linear.scatter [tilespmem:s24], [sflag:$0x2], $0x2D00, $0x38;
	[tilespmem:$0x1EAF0] =	vst v63  }
0x115: {  	_ =	swait.ge [sflag:s25], $0x2D00  }
0x116: {  	[sflag:s25] =	ssyncset.done $0x0  }
0x117: {  	s16 =	rddreg [dreg:$0xa];
	[sflag:s25] =	ssyncadd.s32 $0xFFFFD300  }
0x118: {  	[spmem:s16] =	stream.linear.scatter [tilespmem:s24], [sflag:$0x2], $0x2D00, $0x38;
	[tilespmem:$0x1EAF0] =	vst v63  }
0x119: {  	_ =	swait.ge [sflag:s25], $0x2D00  }
0x11a: {  	[sflag:s25] =	ssyncset.done $0x0  }
0x11b: {  	s17 =	rddreg [dreg:$0xb];
	[sflag:s25] =	ssyncadd.s32 $0xFFFFD300  }
0x11c: {  	[spmem:s17] =	stream.linear.scatter [tilespmem:s24], [sflag:$0x2], $0x2490, $0x38;
	[tilespmem:$0x1EAF0] =	vst v63  }
0x11d: {  	_ =	swait.ge [sflag:s25], $0x2490  }
0x11e: {  	[sflag:s25] =	ssyncset.done $0x0  }
0x11f: {  	[sflag:s25] =	ssyncadd.s32 $0xFFFFDB70  }
0x120: {  	s13 =	simm.s32 $0x0;
	s14 =	simm.s32 $0x0;
	[bflag:$0x0] =	sbarrier.arrive $0xFFFF  }
.LBB2_12:
0x121: {  	s8 =	smul.u32 $0xA0, s14;
	_ =	sdelay $0x1  }
0x122: {  	s8 =	sadd.s32 s18, s8  }
0x123: {  	s15 =	sshrl.u32 s8, $0x3  }
0x124: {  	s16 =	smulhi.u32 $0xCCCCCCCD, s8;
	s15 =	sadd.s32 s5, s15  }
0x125: {  	[tilespmem:s26], [sflag:$0x2] =	stream.linear.gather [hbm4b:s15+s13], $0xA0, $0x38;
	[tilespmem:$0x1EAF0] =	vst v63  }
0x126: {  	s17 =	sshrl.u32 s16, $0x6  }
0x127: {  	s15 =	smul.u32 $0x50, s17  }
0x128: {  	_ =	swait.ge [sflag:s25], $0xA0  }
0x129: {  	[sflag:s25] =	ssyncset.done $0x0;
	s15 =	sshrl.u32 s15, $0x3  }
0x12a: {  	[sflag:s25] =	ssyncadd.s32 $0xFFFFFF60;
	s15 =	sadd.s32 s6, s15  }
0x12b: {  	[tilespmem:s28], [sflag:$0x2] =	stream.linear.gather [hbm4b:s15+s13], $0xA0, $0x38;
	[tilespmem:$0x1EAF0] =	vst v63  }
0x12c: {  	s8 =	sshrl.u32 s8, $0x1;
	_ =	swait.ge [sflag:s25], $0xA0  }
0x12d: {  	s8 =	sand.u32 $0x1FFFFFF0, s8;
	[sflag:s25] =	ssyncset.done $0x0  }
0x12e: {  	s8 =	sadd.s32 s7, s8;
	[sflag:s25] =	ssyncadd.s32 $0xFFFFFF60  }
0x12f: {  	[tilespmem:s29], [sflag:$0x2] =	stream.linear.gather [hbm4b:s8+s13], $0x280, $0x38;
	[tilespmem:$0x1EAF0] =	vst v63  }
0x130: {  	_ =	swait.ge [sflag:s25], $0x280  }
0x131: {  	[sflag:s25] =	ssyncset.done $0x0  }
0x132: {  	[sflag:s25] =	ssyncadd.s32 $0xFFFFFD80  }
0x133: {  	v3 =	vld [tilespmem:$0x1E690]  }
0x134: {  	v4 =	vld [tilespmem:$0x1E6A0]  }
0x135: {  	v5 =	vld [tilespmem:$0x1E6B0]  }
0x136: {  	v6 =	vld [tilespmem:$0x1E6C0]  }
0x137: {  	v7 =	vld [tilespmem:$0x1E6D0]  }
0x138: {  	v8 =	vld [tilespmem:$0x1E6E0];
	v3 =	vshll.u32 v3, $0x2  }
0x139: {  	v9 =	vld [tilespmem:$0x1E6F0];
	v4 =	vshll.u32 v4, $0x2;
	v3 =	vor.u32 v1, v3  }
0x13a: {  	[tilespmem:$0x1E7D0] =	vst v3;
	v3 =	vor.u32 v1, v4;
	v4 =	vshll.u32 v5, $0x2;
	v5 =	vld [tilespmem:$0x1E700]  }
0x13b: {  	[tilespmem:$0x1E7E0] =	vst v3;
	v3 =	vor.u32 v1, v4;
	v4 =	vshll.u32 v6, $0x2;
	v6 =	vld [tilespmem:$0x1E710]  }
0x13c: {  	[tilespmem:$0x1E7F0] =	vst v3;
	v3 =	vor.u32 v1, v4;
	v4 =	vshll.u32 v7, $0x2;
	v7 =	vld [tilespmem:$0x1E720]  }
0x13d: {  	[tilespmem:$0x1E800] =	vst v3;
	v3 =	vor.u32 v1, v4;
	v4 =	vshll.u32 v8, $0x2  }
0x13e: {  	[tilespmem:$0x1E810] =	vst v3;
	v3 =	vor.u32 v1, v4;
	v4 =	vshll.u32 v9, $0x2  }
0x13f: {  	[tilespmem:$0x1E820] =	vst v3;
	v3 =	vor.u32 v1, v4;
	v4 =	vshll.u32 v5, $0x2  }
0x140: {  	[tilespmem:$0x1E830] =	vst v3;
	v3 =	vor.u32 v1, v4;
	v4 =	vshll.u32 v6, $0x2  }
0x141: {  	[tilespmem:$0x1E840] =	vst v3;
	v3 =	vor.u32 v1, v4;
	v4 =	vshll.u32 v7, $0x2  }
0x142: {  	[tilespmem:$0x1E850] =	vst v3;
	v3 =	vor.u32 v1, v4  }
0x143: {  	[tilespmem:$0x1E860] =	vst v3  }
0x144: {  	[tilespmem:s0], [sflag:$0x1] =	stream.indirect.gather [hbm4b:s1+s30], $0x90, s31, s30, $0xb8;
	[tilespmem:$0x1EAF0] =	vst v63  }
0x145: {  	_ = 	snop  }
0x146: {  	[tilespmem:s19], [sflag:$0x1] =	stream.indirect.gather [hbm4b:s1+s30], $0x90, s2, s30, $0xb8;
	[tilespmem:$0x1EAF0] =	vst v63  }
0x147: {  	_ =	swait.ge [sflag:s20], $0x2D00  }
0x148: {  	[sflag:s20] =	ssyncset.done $0x0  }
0x149: {  	[sflag:s20] =	ssyncadd.s32 $0xFFFFD300  }
0x14a: {  	_ =	swait.ge [sflag:s20], $0x2D00  }
0x14b: {  	[sflag:s20] =	ssyncset.done $0x0  }
0x14c: {  	s15 =	simm.s32 $0x0;
	[sflag:s20] =	ssyncadd.s32 $0xFFFFD300  }
0x14d: {  	v3 =	vld [tilespmem:s15+$0x15F90]  }
0x14e: {  	v4 =	vld [tilespmem:s15+$0x15FA0]  }
0x14f: {  	v5 =	vld [tilespmem:s15+$0x15FB0]  }
0x150: {  	v6 =	vld.idx.msk [tilespmem:v1+s29+$0x0], $0xffff  }
0x151: {  	v7 =	vld [tilespmem:s15+$0x15FC0]  }
0x152: {  	v8 =	vld [tilespmem:s15+$0x15FD0]  }
0x153: {  	v63 =	vld [tilespmem:s15+$0x15FE0]  }
0x154: {  	v10 =	vld [tilespmem:s15+$0x15FF0]  }
0x155: {  	v11 =	vld [tilespmem:s15+$0x16000];
	v3 =	vmul.f32 v3, v6  }
0x156: {  	v12 =	vld [tilespmem:s15+$0x16010];
	v4 =	vmul.f32 v4, v6  }
0x157: {  	v5 =	vmul.f32 v5, v6;
	[tilespmem:s15+$0x1B990] =	vst v3  }
0x158: {  	v8 =	vmul.f32 v8, v6;
	[tilespmem:s15+$0x1B9A0] =	vst v4  }
0x159: {  	v3 =	vmul.f32 v7, v6;
	[tilespmem:s15+$0x1B9B0] =	vst v5  }
0x15a: {  	s16 =	sadd.s32 $0x4, s12;
	v7 =	vmul.f32 v63, v6;
	v5 =	vmul.f32 v10, v6;
	[tilespmem:s15+$0x1B9D0] =	vst v8  }
0x15b: {  	s17 =	simm.s32 $0x480;
	s8 =	simm.s32 $0x90;
	v4 =	vmul.f32 v11, v6;
	[tilespmem:s15+$0x1B9C0] =	vst v3;
	v3 =	vmul.f32 v12, v6;
	v6 =	vmov s16  }
.LBB2_13:
0x15c: {  	p0 =	sne.s32 s17, $0xB1C0;
	v8 =	vld [tilespmem:s8+$0x15F90];
	[tilespmem:s15+$0x1B9E0] =	vst v7  }
0x15d: {  	v7 =	vld [tilespmem:s8+$0x15FA0];
	[tilespmem:s15+$0x1B9F0] =	vst v5  }
0x15e: {  	v5 =	vld [tilespmem:s8+$0x15FB0];
	[tilespmem:s15+$0x1BA00] =	vst v4  }
0x15f: {  	v4 =	vld [tilespmem:s8+$0x15FC0];
	[tilespmem:s15+$0x1BA10] =	vst v3;
	s15 =	smov.u32 s8  }
0x160: {  	v3 =	vld.idx.msk [tilespmem:v6+s29+$0x0], $0xffff  }
0x161: {  	v6 =	vld [tilespmem:s15+$0x15FD0]  }
0x162: {  	v9 =	vld [tilespmem:s15+$0x15FE0]  }
0x163: {  	v10 =	vld [tilespmem:s15+$0x15FF0]  }
0x164: {  	v11 =	vld [tilespmem:s15+$0x16000]  }
0x165: {  	v12 =	vld [tilespmem:s15+$0x16010]  }
0x166: {  	v8 =	vmul.f32 v8, v3;
	v13 =	vmul.f32 v7, v3  }
0x167: {  	v14 =	vmul.f32 v5, v3;
	v15 =	vmul.f32 v4, v3  }
.Ltmp5:
0x168: {  	v7 =	vmul.f32 v9, v3;
	[tilespmem:s15+$0x1B990] =	vst v8;
	v8 =	vmul.f32 v6, v3;
	(pc) =	sbr.rel @p0 .LBB2_13-.Ltmp5, $4  }
0x169: {  	v5 =	vmul.f32 v10, v3;
	[tilespmem:s15+$0x1B9A0] =	vst v13;
	v4 =	vmul.f32 v11, v3  }
0x16a: {  	[tilespmem:s15+$0x1B9B0] =	vst v14;
	v3 =	vmul.f32 v12, v3  }
0x16b: {  	s16 =	sadd.s32 $0x4, s16;
	[tilespmem:s15+$0x1B9C0] =	vst v15  }
0x16c: {  	s8 =	sshra.s32 s17, $0x2;
	s17 =	sadd.s32 $0x240, s17;
	v6 =	vmov s16;
	[tilespmem:s15+$0x1B9D0] =	vst v8  }
0x16d: {  	v8 =	vld [tilespmem:s8+$0x15F90];
	[tilespmem:s15+$0x1B9E0] =	vst v7  }
0x16e: {  	v7 =	vld [tilespmem:s8+$0x15FA0];
	[tilespmem:s15+$0x1B9F0] =	vst v5  }
0x16f: {  	v5 =	vld [tilespmem:s8+$0x15FB0];
	[tilespmem:s15+$0x1BA00] =	vst v4  }
0x170: {  	v4 =	vld [tilespmem:s8+$0x15FC0];
	[tilespmem:s15+$0x1BA10] =	vst v3  }
0x171: {  	v3 =	vld.idx.msk [tilespmem:v6+s29+$0x0], $0xffff;
	_ =	sdelay $0x3  }
0x172: {  	v6 =	vld [tilespmem:s8+$0x15FD0]  }
0x173: {  	v9 =	vld [tilespmem:s8+$0x15FE0];
	v8 =	vmul.f32 v8, v3  }
0x174: {  	v10 =	vld [tilespmem:s8+$0x15FF0];
	v7 =	vmul.f32 v7, v3  }
0x175: {  	v11 =	vld [tilespmem:s8+$0x16000];
	v5 =	vmul.f32 v5, v3;
	[tilespmem:s8+$0x1B990] =	vst v8  }
0x176: {  	v12 =	vld [tilespmem:s8+$0x16010];
	v4 =	vmul.f32 v4, v3;
	[tilespmem:s8+$0x1B9A0] =	vst v7  }
0x177: {  	v6 =	vmul.f32 v6, v3;
	[tilespmem:s8+$0x1B9B0] =	vst v5  }
0x178: {  	v5 =	vmul.f32 v9, v3;
	[tilespmem:s8+$0x1B9C0] =	vst v4  }
0x179: {  	v4 =	vmul.f32 v10, v3;
	[tilespmem:s8+$0x1B9D0] =	vst v6  }
0x17a: {  	v6 =	vmul.f32 v11, v3;
	[tilespmem:s8+$0x1B9E0] =	vst v5  }
0x17b: {  	v3 =	vmul.f32 v12, v3;
	[tilespmem:s8+$0x1B9F0] =	vst v4  }
0x17c: {  	[tilespmem:s8+$0x1BA00] =	vst v6  }
0x17d: {  	[tilespmem:s8+$0x1BA10] =	vst v3  }
0x17e: {  	[spmem:s3] =	stream.indirect.scatter.add.f32 [tilespmem:s24], [sflag:$0x2], $0x90, s28, s30, $0xb8;
	[tilespmem:$0x1EAF0] =	vst v63  }
0x17f: {  	_ =	swait.ge [sflag:s25], $0x2D00  }
0x180: {  	v3 =	vmov s23;
	[sflag:s25] =	ssyncset.done $0x0  }
0x181: {  	s15 =	simm.s32 $0x0;
	[sflag:s25] =	ssyncadd.s32 $0xFFFFD300  }
0x182: {  	v4 =	vld [tilespmem:s15+$0x18C90]  }
0x183: {  	v5 =	vld [tilespmem:s15+$0x18CA0]  }
0x184: {  	v6 =	vld [tilespmem:s15+$0x18CB0]  }
0x185: {  	v3 =	vld.idx.msk [tilespmem:v3+s29+$0x0], $0xffff  }
0x186: {  	v7 =	vld [tilespmem:s15+$0x18CC0]  }
0x187: {  	v8 =	vld [tilespmem:s15+$0x18CD0]  }
0x188: {  	v60 =	vld [tilespmem:s15+$0x18CE0]  }
0x189: {  	v61 =	vld [tilespmem:s15+$0x18CF0]  }
0x18a: {  	v62 =	vld [tilespmem:s15+$0x18D00];
	v4 =	vmul.f32 v4, v3  }
0x18b: {  	v63 =	vld [tilespmem:s15+$0x18D10];
	v5 =	vmul.f32 v5, v3  }
0x18c: {  	v6 =	vmul.f32 v6, v3;
	[tilespmem:s15+$0x1B990] =	vst v4  }
0x18d: {  	v8 =	vmul.f32 v8, v3;
	[tilespmem:s15+$0x1B9A0] =	vst v5  }
0x18e: {  	v4 =	vmul.f32 v7, v3;
	[tilespmem:s15+$0x1B9B0] =	vst v6  }
0x18f: {  	s16 =	sadd.s32 $0x4, s23;
	v7 =	vmul.f32 v60, v3;
	v5 =	vmul.f32 v61, v3;
	[tilespmem:s15+$0x1B9D0] =	vst v8  }
0x190: {  	s17 =	simm.s32 $0x480;
	s8 =	simm.s32 $0x90;
	v6 =	vmov s16;
	[tilespmem:s15+$0x1B9C0] =	vst v4;
	v4 =	vmul.f32 v62, v3;
	v3 =	vmul.f32 v63, v3  }
.LBB2_15:
0x191: {  	p0 =	sne.s32 s17, $0xB1C0;
	v8 =	vld [tilespmem:s8+$0x18C90];
	[tilespmem:s15+$0x1B9E0] =	vst v7  }
0x192: {  	v7 =	vld [tilespmem:s8+$0x18CA0];
	[tilespmem:s15+$0x1B9F0] =	vst v5  }
0x193: {  	v5 =	vld [tilespmem:s8+$0x18CB0];
	[tilespmem:s15+$0x1BA00] =	vst v4  }
0x194: {  	v4 =	vld [tilespmem:s8+$0x18CC0];
	[tilespmem:s15+$0x1BA10] =	vst v3;
	s15 =	smov.u32 s8  }
0x195: {  	v3 =	vld.idx.msk [tilespmem:v6+s29+$0x0], $0xffff  }
0x196: {  	v6 =	vld [tilespmem:s15+$0x18CD0]  }
0x197: {  	v9 =	vld [tilespmem:s15+$0x18CE0]  }
0x198: {  	v10 =	vld [tilespmem:s15+$0x18CF0]  }
0x199: {  	v11 =	vld [tilespmem:s15+$0x18D00]  }
0x19a: {  	v12 =	vld [tilespmem:s15+$0x18D10]  }
0x19b: {  	v8 =	vmul.f32 v8, v3;
	v13 =	vmul.f32 v7, v3  }
0x19c: {  	v14 =	vmul.f32 v5, v3;
	v15 =	vmul.f32 v4, v3  }
.Ltmp6:
0x19d: {  	v7 =	vmul.f32 v9, v3;
	[tilespmem:s15+$0x1B990] =	vst v8;
	v8 =	vmul.f32 v6, v3;
	(pc) =	sbr.rel @p0 .LBB2_15-.Ltmp6, $4  }
0x19e: {  	v5 =	vmul.f32 v10, v3;
	[tilespmem:s15+$0x1B9A0] =	vst v13;
	v4 =	vmul.f32 v11, v3  }
0x19f: {  	[tilespmem:s15+$0x1B9B0] =	vst v14;
	v3 =	vmul.f32 v12, v3  }
0x1a0: {  	s16 =	sadd.s32 $0x4, s16;
	[tilespmem:s15+$0x1B9C0] =	vst v15  }
0x1a1: {  	s8 =	sshra.s32 s17, $0x2;
	s17 =	sadd.s32 $0x240, s17;
	v6 =	vmov s16;
	[tilespmem:s15+$0x1B9D0] =	vst v8  }
0x1a2: {  	v8 =	vld [tilespmem:s8+$0x18C90];
	[tilespmem:s15+$0x1B9E0] =	vst v7  }
0x1a3: {  	v7 =	vld [tilespmem:s8+$0x18CA0];
	[tilespmem:s15+$0x1B9F0] =	vst v5  }
0x1a4: {  	v5 =	vld [tilespmem:s8+$0x18CB0];
	[tilespmem:s15+$0x1BA00] =	vst v4  }
0x1a5: {  	v4 =	vld [tilespmem:s8+$0x18CC0];
	[tilespmem:s15+$0x1BA10] =	vst v3  }
0x1a6: {  	v3 =	vld.idx.msk [tilespmem:v6+s29+$0x0], $0xffff;
	_ =	sdelay $0x3  }
0x1a7: {  	v60 =	vld [tilespmem:s8+$0x18CD0]  }
0x1a8: {  	v9 =	vld [tilespmem:s8+$0x18CE0];
	v8 =	vmul.f32 v8, v3  }
0x1a9: {  	v10 =	vld [tilespmem:s8+$0x18CF0];
	v7 =	vmul.f32 v7, v3  }
0x1aa: {  	v11 =	vld [tilespmem:s8+$0x18D00];
	v5 =	vmul.f32 v5, v3;
	[tilespmem:s8+$0x1B990] =	vst v8  }
0x1ab: {  	v12 =	vld [tilespmem:s8+$0x18D10];
	v4 =	vmul.f32 v4, v3;
	[tilespmem:s8+$0x1B9A0] =	vst v7  }
0x1ac: {  	v6 =	vmul.f32 v60, v3;
	[tilespmem:s8+$0x1B9B0] =	vst v5  }
0x1ad: {  	v61 =	vmul.f32 v9, v3;
	[tilespmem:s8+$0x1B9C0] =	vst v4  }
0x1ae: {  	v62 =	vmul.f32 v10, v3;
	[tilespmem:s8+$0x1B9D0] =	vst v6  }
0x1af: {  	v63 =	vmul.f32 v11, v3;
	[tilespmem:s8+$0x1B9E0] =	vst v61  }
0x1b0: {  	s14 =	sadd.s32 $0x1, s14;
	v3 =	vmul.f32 v12, v3;
	[tilespmem:s8+$0x1B9F0] =	vst v62  }
0x1b1: {  	p0 =	sne.s32 s14, $0x7D;
	[tilespmem:s8+$0x1BA00] =	vst v63  }
.Ltmp7:
0x1b2: {  	[tilespmem:s8+$0x1BA10] =	vst v3;
	(pc) =	sbr.rel @p0 .LBB2_12-.Ltmp7, $4  }
0x1b3: {  	[spmem:s3] =	stream.indirect.scatter.add.f32 [tilespmem:s24], [sflag:$0x2], $0x90, s21, s30, $0xb8;
	[tilespmem:$0x1EAF0] =	vst v63  }
0x1b4: {  	_ =	swait.ge [sflag:s25], $0x2D00  }
0x1b5: {  	[sflag:s25] =	ssyncset.done $0x0  }
0x1b6: {  	[sflag:s25] =	ssyncadd.s32 $0xFFFFD300  }
0x1b7: {  	[bflag:$0x0] =	sbarrier.arrive $0xFFFF  }
0x1b8: {  	s13 =	simm.s32 $0x48;
	s14 =	simm.s32 $0x12;
	s8 =	rddreg [dreg:$0xd]  }
0x1b9: {  	[hbm:s8@s13], [sflag:s10] =	dma.strided [spmem:s11@s14], $0x2BF2, s25, $0x9   }
0x1ba: {  	_ =	swait.ge [sflag:s25], $0x2BF2  }
0x1bb: {  	s4 =	sadd.s32 $0x1, s4;
	s17 =	rddreg [dreg:$0xe]  }
0x1bc: {  	p0 =	sne.s32 s4, s17  }
.Ltmp8:
0x1bd: {  	_ = 	snop;
	(pc) =	sbr.rel @p0 .LBB2_1-.Ltmp8, $4  }
0x1be: {  	[sflag:s25] =	ssyncset.done $0x0  }
0x1bf: {  	[sflag:s25] =	ssyncadd.s32 $0xFFFFD40E  }
0x1c0: {  	[bflag:$0x0] =	sbarrier.arrive $0xFFFF  }
0x1c1: {  	s17 =	rddreg [dreg:$0x4]  }
0x1c2: {  	_ =	sfence.sel $0x180000  }
0x1c3: {  	[bflag:$0x0] =	sbarrier.arrive $0xFFFF  }
0x1c4: {  	_ =	strace $0x90000050  }
0x1c5: {  	s0 =	stileid.u32;
	[bflag:$0x2] =	sbarrier.arrive $0xFFFF  }
0x1c6: {  	p0 =	sne.s32 s0, $0x0;
	s0 =	rddreg [dreg:$0x3]  }
0x1c7: {  	s0 =	sadd.s32 @!p0 $0x100000, s0  }
0x1c8: {  	[sflag:s0] =	ssyncadd.tile.s32 @!p0 $0x1;
	_ =	shalt  }
.Lfunc_end2:
_tile_overlayer_lowered:
.L_overlay_start_2:
0x1c9: {  	(tag) =	ssettag $0x2  }
0x1ca: {  	s0 =	rddreg [dreg:$0x0];
	s2 =	stileid.u32  }
0x1cb: {  	s1 =	rddreg [dreg:$0x1];
	p0 =	sne.s32 s2, $0x0  }
0x1cc: {  	s3 =	rddreg [dreg:$0x2];
	[bflag:$0x3] =	sbarrier.arrive $0xFFFF;
	s2 =	simm.s32 @!p0 $0x1C02  }
0x1cd: {  	[timem:s3], [sflag:s2] =	dma.local @!p0 [hbm:s0], s1  }
0x1ce: {  	s0 =	simm.s32 @!p0 $0x2  }
0x1cf: {  	_ =	swait.ge @!p0 [sflag:s0], s1  }
0x1d0: {  	s1 =	ssub.s32 @!p0 $0x0, s1;
	[sflag:s0] =	ssyncset.done @!p0 $0x0  }
0x1d1: {  	[sflag:s0] =	ssyncadd.s32 @!p0 s1  }
0x1d2: {  	[bflag:$0x3] =	sbarrier.arrive $0xFFFF  }
0x1d3: {  	_ =	shalt  }

// kernel: kernel.24.cloned.1.call-start
scs
__scs_entry_jumppad:
0x0: {  	(pc) =	sbr.rel $0x88, $3  }
0x1: {  	(tag) =	ssettag $0x0;
	lr =	simm.s32 $0x1  }
0x2: {  	[smem:$0x3F8E] =	sst lr;
	_ =	strace $0xD0000000  }
0x3: {  	_ = 	snop  }
0x4: {  	_ = 	snop  }
0x5: {  	_ = 	snop  }
0x6: {  	_ = 	snop  }
0x7: {  	_ = 	snop  }
__scs_overlays_trampoline_lowered:
0x8: {  	[smem:$0x3F9D] =	sst s0  }
0x9: {  	[smem:$0x3F9E] =	sst s1  }
0xa: {  	[smem:$0x3F9F] =	sst s2  }
0xb: {  	[smem:$0x3FA0] =	sst s3  }
0xc: {  	[smem:$0x3FA1] =	sst s4  }
0xd: {  	[smem:$0x3FA2] =	sst s5  }
0xe: {  	[smem:$0x3FA3] =	sst s6  }
0xf: {  	[smem:$0x3FA4] =	sst s7  }
0x10: {  	[smem:$0x3FA5] =	sst s8  }
0x11: {  	[smem:$0x3FA6] =	sst s9;
	s0 =	simm.s32 @!p0 $0x0  }
0x12: {  	s1 =	sld [smem:$0x3F8C];
	s0 =	simm.s32 @p0 $0x1  }
0x13: {  	[smem:$0x3FA7] =	sst s0;
	s0 =	simm.s32 @!p1 $0x0  }
0x14: {  	s2 =	sld [smem:$0x3F8B];
	s0 =	simm.s32 @p1 $0x1  }
0x15: {  	[smem:$0x3FA8] =	sst s0;
	s0 =	simm.s32 @!p2 $0x0  }
0x16: {  	s3 =	sld [smem:$0x3FDB];
	s0 =	simm.s32 @p2 $0x1  }
0x17: {  	s4 =	simm.s32 $0x1BF5;
	[smem:$0x3FAA] =	sst s0  }
0x18: {  	s0 =	sld [smem:$0x3F8D];
	_ =	swait.ge [sflag:s4], $0x0  }
0x19: {  	s7 =	sld [smem:$0x3F8E]  }
0x1a: {  	s8 =	sadd.s32 $0xFFFFE003, lr  }
0x1b: {  	s9 =	sadd.s32 $0xFFFFFEF7, lr;
	s5 =	simm.s32 $0xFFFFFFFF;
	p2 =	slt.u32 s8, $0xFFFFF086  }
0x1c: {  	p1 =	slt.u32 s9, $0xF7A;
	s5 =	simm.s32 @!p2 $0x0  }
0x1d: {  	s5 =	simm.s32 @p1 $0x1;
	p0 =	seq.s32 s7, s2  }
0x1e: {  	s7 =	smul.u32 @!p0 $0xF7A, s2;
	p2 =	seq.s32 @!p0 s5, $0x0  }
0x1f: {  	s9 =	smul.u32 $0xF7A, s1;
	s8 =	simm.s32 @!p0 $0x1BF5;
	p2 =	por !p2, p0  }
0x20: {  	[sflag:s8] =	ssyncset.s32 @!p0 $0xFFFFF086;
	s6 =	sadd.s32 @!p0 s3, s7;
	s7 =	simm.s32 @!p0 $0x108  }
0x21: {  	s3 =	sadd.s32 s3, s9;
	s6 =	sadd.s32 @!p0 $0x88, s6;
	s7 =	simm.s32 @p2 $0x1082  }
0x22: {  	[simem:s7], [sflag:s8] =	dma.local @!p0 [hbm:s6], $0xF7A  }
0x23: {  	s9 =	sor.u32 $0xD0000000, s2;
	s6 =	simm.s32 $0x108;
	_ =	swait.ge @!p0 [sflag:s8], $0x0  }
0x24: {  	s3 =	sadd.s32 $0x88, s3;
	s6 =	simm.s32 @!p1 $0x1082;
	[sflag:s4] =	ssyncset.s32 $0xFFFFF086  }
0x25: {  	[simem:s6], [sflag:s4] =	dma.local [hbm:s3], $0xF7A  }
0x26: {  	[smem:$0x3F8E] =	sst s1;
	(tag) =	ssettag s2;
	_ =	strace s9  }
0x27: {  	s1 =	sld [smem:$0x3F9E]  }
0x28: {  	s2 =	sld [smem:$0x3F9F]  }
0x29: {  	s4 =	sld [smem:$0x3FA1]  }
0x2a: {  	p0 =	seq.s32 s5, $0x0;
	s5 =	sld [smem:$0x3FA2]  }
0x2b: {  	s6 =	sld [smem:$0x3FA3]  }
0x2c: {  	s7 =	sld [smem:$0x3FA4]  }
0x2d: {  	s3 =	simm.s32 $0x108;
	s8 =	sld [smem:$0x3FA5]  }
0x2e: {  	s3 =	simm.s32 @!p0 $0x1082;
	s9 =	sld [smem:$0x3FA6]  }
0x2f: {  	lr =	sadd.s32 s0, s3;
	s0 =	sld [smem:$0x3F9D]  }
0x30: {  	s3 =	sld [smem:$0x3FA0]  }
0x31: {  	[smem:$0x3FA9] =	sst s10  }
0x32: {  	s10 =	sld [smem:$0x3FA7];
	_ =	sdelay $0x3  }
0x33: {  	p0 =	seq.s32 s10, $0x1;
	s10 =	sld [smem:$0x3FA9];
	_ =	sdelay $0x3  }
0x34: {  	[smem:$0x3FA9] =	sst s10  }
0x35: {  	s10 =	sld [smem:$0x3FA8];
	_ =	sdelay $0x3  }
0x36: {  	p1 =	seq.s32 s10, $0x1;
	s10 =	sld [smem:$0x3FA9];
	_ =	sdelay $0x3  }
0x37: {  	[smem:$0x3FA9] =	sst s10  }
0x38: {  	s10 =	sld [smem:$0x3FAA]  }
0x39: {  	_ = 	snop;
	(pc) =	sbr.ind lr, $3  }
0x3a: {  	_ = 	snop  }
0x3b: {  	_ = 	snop  }
0x3c: {  	p2 =	seq.s32 s10, $0x1;
	s10 =	sld [smem:$0x3FA9]  }
0x3d: {  	_ =	shalt  }
0x3e: {  	_ =	shalt  }
0x3f: {  	_ =	shalt  }
0x40: {  	_ =	shalt  }
0x41: {  	_ =	shalt  }
0x42: {  	_ =	shalt  }
0x43: {  	_ =	shalt  }
0x44: {  	_ =	shalt  }
0x45: {  	_ =	shalt  }
0x46: {  	_ =	shalt  }
0x47: {  	_ =	shalt  }
0x48: {  	_ =	shalt  }
0x49: {  	_ =	shalt  }
0x4a: {  	_ =	shalt  }
0x4b: {  	_ =	shalt  }
0x4c: {  	_ =	shalt  }
0x4d: {  	_ =	shalt  }
0x4e: {  	_ =	shalt  }
0x4f: {  	_ =	shalt  }
0x50: {  	_ =	shalt  }
0x51: {  	_ =	shalt  }
0x52: {  	_ =	shalt  }
0x53: {  	_ =	shalt  }
0x54: {  	_ =	shalt  }
0x55: {  	_ =	shalt  }
0x56: {  	_ =	shalt  }
0x57: {  	_ =	shalt  }
0x58: {  	_ =	shalt  }
0x59: {  	_ =	shalt  }
0x5a: {  	_ =	shalt  }
0x5b: {  	_ =	shalt  }
0x5c: {  	_ =	shalt  }
0x5d: {  	_ =	shalt  }
0x5e: {  	_ =	shalt  }
0x5f: {  	_ =	shalt  }
0x60: {  	_ =	shalt  }
0x61: {  	_ =	shalt  }
0x62: {  	_ =	shalt  }
0x63: {  	_ =	shalt  }
0x64: {  	_ =	shalt  }
0x65: {  	_ =	shalt  }
0x66: {  	_ =	shalt  }
0x67: {  	_ =	shalt  }
0x68: {  	_ =	shalt  }
0x69: {  	_ =	shalt  }
0x6a: {  	_ =	shalt  }
0x6b: {  	_ =	shalt  }
0x6c: {  	_ =	shalt  }
0x6d: {  	_ =	shalt  }
0x6e: {  	_ =	shalt  }
0x6f: {  	_ =	shalt  }
0x70: {  	_ =	shalt  }
0x71: {  	_ =	shalt  }
0x72: {  	_ =	shalt  }
0x73: {  	_ =	shalt  }
0x74: {  	_ =	shalt  }
0x75: {  	_ =	shalt  }
0x76: {  	_ =	shalt  }
0x77: {  	_ =	shalt  }
0x78: {  	_ =	shalt  }
0x79: {  	_ =	shalt  }
0x7a: {  	_ =	shalt  }
0x7b: {  	_ =	shalt  }
0x7c: {  	_ =	shalt  }
0x7d: {  	_ =	shalt  }
0x7e: {  	_ =	shalt  }
0x7f: {  	_ =	shalt  }
0x80: {  	_ =	shalt  }
0x81: {  	_ =	shalt  }
0x82: {  	_ =	shalt  }
0x83: {  	_ =	shalt  }
0x84: {  	_ =	shalt  }
0x85: {  	_ =	shalt  }
0x86: {  	_ =	shalt  }
0x87: {  	_ =	shalt  }
.Lfunc_end0:
.L_simem_size_0:
called_computation.5_lowered:
.L_overlay_start_0:
0x88: {  	s2 =	sld [smem:$0x3FD9]  }
0x89: {  	s3 =	sld [smem:$0x3FFE];
	_ =	sdelay $0x1  }
0x8a: {  	s1 =	srdreg.scid  }
0x8b: {  	s0 =	sand.u32 $0x1, s1  }
0x8c: {  	s17 =	sshll.u32 s0, $0xA;
	s2 =	sadd.s32 s3, s2  }
0x8d: {  	s2 =	sadd.s32 s2, s17  }
0x8e: {  	[smem:$0x3FB5] =	sst s2  }
0x8f: {  	_ = 	snop  }
0x90: {  	s2 =	sld [smem:$0x3FD0];
	(tm) =	ssettm $0x1  }
0x91: {  	s18 =	sld [smem:$0x3FFB];
	_ =	sdelay $0x3  }
0x92: {  	_ =	strace s18  }
0x93: {  	s3 =	sld [smem:$0x3FFC];
	_ =	sdelay $0x3  }
0x94: {  	_ =	strace s3  }
0x95: {  	s3 =	sld [smem:$0x3FFD];
	_ =	sdelay $0x3  }
0x96: {  	_ =	strace s3  }
0x97: {  	_ =	strace $0x8FFFFFFF  }
0x98: {  	s19 =	sld [smem:$0x3FDB];
	_ =	sdelay $0x1  }
0x99: {  	s4 =	simm.s32 $_scs_section_size  }
0x9a: {  	s5 =	simm.s32 $_size__tile_overlayer_lowered;
	s6 =	simm.s32 $_tile_overlayer_lowered  }
0x9b: {  	s22 =	simm.s32 $0x1BFF;
	s21 =	sshll.u32 s6, $0x1;
	s3 =	sadd.s32 s4, s19  }
0x9c: {  	s7 =	simm.s32 $0x0;
	s20 =	sshll.u32 s5, $0x1;
	s5 =	sadd.s32 s21, s3  }
0x9d: {  	[timem:s7], [sflag:s22] =	dma.local [hbm:s5], s20  }
0x9e: {  	_ =	swait.ge [sflag:s22], s20  }
0x9f: {  	s4 =	ssub.s32 $0x0, s20;
	[sflag:s22] =	ssyncset.done $0x0  }
0xa0: {  	[sflag:s22] =	ssyncadd.s32 s4;
	_ =	sdelay $0x1  }
0xa1: {  	s23 =	simm.s32 $0x1B8B  }
0xa2: {  	_ =	swait.ge [sflag:s23], $0x1  }
0xa3: {  	[sflag:s23] =	ssyncset.done $0x0  }
0xa4: {  	s25 =	simm.s32 $0x1B8E;
	s24 =	sld [smem:$0x3FFE];
	[sflag:s23] =	ssyncadd.s32 $0xFFFFFFFF  }
0xa5: {  	s26 =	simm.s32 $execute0_lowered;
	[smem:$0x3FD2] =	sst s25  }
0xa6: {  	s5 =	sshll.u32 s26, $0x1;
	_ =	strace $0x80000052;
	[dreg:$0x1] =	wrdreg $0xFFFFFFFF  }
0xa7: {  	s28 =	simm.s32 $_size_execute0_lowered;
	s3 =	sadd.s32 s3, s5;
	[dreg:$0x0] =	wrdreg $0x0  }
0xa8: {  	s5 =	sshll.u32 s28, $0x1;
	[dreg:$0x2] =	wrdreg s3  }
0xa9: {  	[dreg:$0x3] =	wrdreg s5  }
0xaa: {  	[dreg:$0x4] =	wrdreg $0xC0  }
0xab: {  	_ =	task [dreg:s7], $0x5FFFF  }
0xac: {  	[dreg:$0x1] =	wrdreg $0xFFFFFFFF  }
0xad: {  	[dreg:$0x0] =	wrdreg $0x60  }
0xae: {  	[dreg:$0x2] =	wrdreg s24  }
0xaf: {  	[dreg:$0x3] =	wrdreg s2  }
0xb0: {  	[dreg:$0x4] =	wrdreg $0x9  }
0xb1: {  	_ =	task.clear_ibuf [dreg:s7], $0x5FFFF;
	_ =	strace $0x90000052  }
0xb2: {  	s29 =	simm.s32 $0x9;
	_ =	strace $0x80000054  }
0xb3: {  	_ =	swait.ge [sflag:s29], $0x1  }
0xb4: {  	[sflag:s29] =	ssyncadd.s32 $0xFFFFFFFF  }
0xb5: {  	_ =	strace $0x90000054  }
0xb6: {  	_ =	sfence  }
0xb7: {  	s30 =	sld [smem:$0x0];
	_ =	sdelay $0x2  }
0xb8: {  	s31 =	sshll.u32 s1, $0xD;
	s1 =	sshrl.u32 s1, $0x2  }
0xb9: {  	s3 =	sand.u32 $0x4000, s31;
	s1 =	sadd.s32 s1, s30  }
0xba: {  	s0 =	sor.u32 s3, s0;
	s1 =	sshll.u32 s1, $0x11  }
0xbb: {  	s0 =	sor.u32 s1, s0  }
0xbc: {  	s0 =	sadd.s32 $0x8F2B, s0  }
0xbd: {  	[sflag:s0] =	ssyncadd.remote.s32 $0x1  }
0xbe: {  	_ =	sfence.sel $0xFFFF  }
0xbf: {  	[dreg:$0x0] =	wrdreg $0xFFFFFFFF;
	(pc) =	sbr.abs _section_cstart, $3  }
0xc0: {  	[dreg:$0x1] =	wrdreg $0xFFFFFFFF  }
0xc1: {  	_ =	task.clear_ibuf [dreg:s7], $0x2FFFF;
	_ =	strace $0x9FFFFFFF  }
0xc2: {  	(tm) =	ssettm $0x7FFFFFFF  }
0xc3: {  	_ =	shalt  }
tec
execute0_lowered:
.L_overlay_start_1:
0x0: {  	(tag) =	ssettag $0x1  }
0x1: {  	s7 =	rddreg [dreg:$0x0]  }
0x2: {  	s1 =	rddreg [dreg:$0x1]  }
0x3: {  	s0 =	rddreg [dreg:$0x2];
	s2 =	simm.s32 $0x0  }
0x4: {  	s5 =	srdreg.scid;
	s3 =	stileid.u32;
	s12 =	simm.s32 $0xA0  }
0x5: {  	s13 =	simm.s32 $0x14A0;
	s14 =	simm.s32 $0x1;
	s15 =	simm.s32 $0x2  }
0x6: {  	s16 =	simm.s32 $0x28A0;
	s17 =	simm.s32 $0x0;
	[smem:$0x7FF] =	sst s2  }
0x7: {  	s4 =	sadd.s32 $0x35C00, s7;
	s8 =	sand.u32 $0x1, s5;
	s5 =	sadd.s32 $0x2BE00, s7  }
0x8: {  	s10 =	sshll.u32 s3, $0x1;
	s6 =	sadd.s32 $0x3FA00, s7;
	s9 =	ssub.s32 $0x2, s8  }
0x9: {  	s7 =	sadd.s32 $0x4C00, s7;
	_ =	strace $0x80000053;
	s11 =	sshrl.u32 s9, $0x1  }
0xa: {  	s8 =	sor.u32 s8, s10;
	s10 =	simm.s32 $0x3;
	s9 =	ssub.s32 s9, s11  }
0xb: {  	v0 =	vlaneseq.u32;
	s8 =	smul.u32 $0x2710, s8;
	s11 =	simm.s32 $0x50;
	s9 =	smax.u32 s9, $0x1  }
.LBB2_1:
0xc: {  	s18 =	simm.s32 $0x0  }
.LBB2_2:
0xd: {  	s19 =	smul.u32 $0x50, s18;
	_ =	sdelay $0x1  }
0xe: {  	s19 =	sadd.s32 s8, s19  }
0xf: {  	s20 =	sshrl.u32 s19, $0x3  }
0x10: {  	s22 =	simm.s32 $0x0;
	s21 =	sadd.s32 s4, s20  }
0x11: {  	[tilespmem:s22], [sflag:$0x3] =	stream.linear.gather [hbm4b:s21+s22], $0x50, $0x38;
	[tilespmem:$0x3890] =	vst v63  }
0x12: {  	_ =	swait.ge [sflag:s10], $0x50  }
0x13: {  	[sflag:s10] =	ssyncset.done $0x0  }
0x14: {  	s20 =	sadd.s32 s5, s20;
	[sflag:s10] =	ssyncadd.s32 $0xFFFFFFB0  }
0x15: {  	[tilespmem:s11], [sflag:$0x3] =	stream.linear.gather [hbm4b:s20+s22], $0x50, $0x38;
	[tilespmem:$0x3890] =	vst v63  }
0x16: {  	_ =	swait.ge [sflag:s10], $0x50  }
0x17: {  	[sflag:s10] =	ssyncset.done $0x0  }
0x18: {  	[sflag:s10] =	ssyncadd.s32 $0xFFFFFFB0  }
0x19: {  	[tilespmem:s12], [sflag:$0x1] =	stream.indirect.gather [hbm4b:s6+s11], $0x40, s22, s11, $0xb8;
	[tilespmem:$0x3890] =	vst v63  }
0x1a: {  	_ = 	snop  }
0x1b: {  	[tilespmem:s13], [sflag:$0x2] =	stream.indirect.gather [hbm4b:s7+s11], $0x40, s11, s11, $0xb8;
	[tilespmem:$0x3890] =	vst v63  }
0x1c: {  	_ =	swait.ge [sflag:s14], $0x1400  }
0x1d: {  	[sflag:s14] =	ssyncset.done $0x0  }
0x1e: {  	[sflag:s14] =	ssyncadd.s32 $0xFFFFEC00  }
0x1f: {  	_ =	swait.ge [sflag:s15], $0x1400  }
0x20: {  	[sflag:s15] =	ssyncset.done $0x0  }
0x21: {  	s20 =	simm.s32 $0xC0;
	[sflag:s15] =	ssyncadd.s32 $0xFFFFEC00  }
0x22: {  	s21 =	simm.s32 $0x14C0;
	v1 =	vld [tilespmem:s20+$0xFFFFFFE0]  }
0x23: {  	v2 =	vld [tilespmem:s21+$0xFFFFFFE0];
	_ =	sdelay $0x1  }
0x24: {  	v3 =	vadd.s32 s22, v0;
	_ =	sdelay $0x2  }
0x25: {  	v1 =	vadd.f32 v2, v1;
	_ =	sdelay $0x1  }
0x26: {  	[tilespmem:v3+s16+$0x0] =	vst.idx.msk $0xffff, v1  }
0x27: {  	v1 =	vld [tilespmem:s20+$0xFFFFFFF0]  }
0x28: {  	v2 =	vld [tilespmem:s21+$0xFFFFFFF0]  }
0x29: {  	s30 =	simm.s32 $0x10  }
0x2a: {  	v3 =	vadd.s32 s30, v0;
	_ =	sdelay $0x2  }
0x2b: {  	v1 =	vadd.f32 v2, v1;
	_ =	sdelay $0x1  }
0x2c: {  	[tilespmem:v3+s16+$0x0] =	vst.idx.msk $0xffff, v1  }
0x2d: {  	v1 =	vld [tilespmem:s20+$0x0]  }
0x2e: {  	v2 =	vld [tilespmem:s21+$0x0]  }
0x2f: {  	s31 =	simm.s32 $0x20  }
0x30: {  	v3 =	vadd.s32 s31, v0;
	_ =	sdelay $0x2  }
0x31: {  	v1 =	vadd.f32 v2, v1;
	_ =	sdelay $0x1  }
0x32: {  	[tilespmem:v3+s16+$0x0] =	vst.idx.msk $0xffff, v1  }
0x33: {  	s23 =	simm.s32 $0x30;
	v2 =	vld [tilespmem:s20+$0x10]  }
0x34: {  	s22 =	simm.s32 $0x33;
	v1 =	vadd.s32 s23, v0;
	v3 =	vld [tilespmem:s21+$0x10]  }
.LBB2_3:
0x35: {  	_ =	sdelay $0x2  }
0x36: {  	p0 =	sne.s32 s22, $0xFBD;
	s20 =	sadd.s32 $0x40, s20;
	s21 =	sadd.s32 $0x40, s21  }
0x37: {  	s23 =	smov.u32 s22;
	s22 =	sadd.s32 $0x33, s22;
	v2 =	vadd.f32 v3, v2;
	_ =	sdelay $0x1  }
0x38: {  	[tilespmem:v1+s16+$0x0] =	vst.idx.msk $0x7, v2  }
0x39: {  	v1 =	vld [tilespmem:s20+$0xFFFFFFE0]  }
0x3a: {  	v2 =	vld [tilespmem:s21+$0xFFFFFFE0];
	_ =	sdelay $0x1  }
0x3b: {  	v3 =	vadd.s32 s23, v0;
	_ =	sdelay $0x2  }
0x3c: {  	v1 =	vadd.f32 v2, v1;
	_ =	sdelay $0x1  }
0x3d: {  	[tilespmem:v3+s16+$0x0] =	vst.idx.msk $0xffff, v1  }
0x3e: {  	v1 =	vld [tilespmem:s20+$0xFFFFFFF0]  }
0x3f: {  	s24 =	sadd.s32 $0x10, s23;
	v2 =	vld [tilespmem:s21+$0xFFFFFFF0]  }
0x40: {  	v3 =	vadd.s32 s24, v0;
	_ =	sdelay $0x3  }
0x41: {  	v1 =	vadd.f32 v2, v1;
	_ =	sdelay $0x1  }
0x42: {  	[tilespmem:v3+s16+$0x0] =	vst.idx.msk $0xffff, v1  }
0x43: {  	s24 =	sadd.s32 $0x20, s23;
	v1 =	vld [tilespmem:s20+$0x0]  }
0x44: {  	v3 =	vadd.s32 s24, v0;
	v2 =	vld [tilespmem:s21+$0x0];
	_ =	sdelay $0x4  }
.Ltmp0:
0x45: {  	v1 =	vadd.f32 v2, v1;
	(pc) =	sbr.rel @p0 .LBB2_3-.Ltmp0, $4  }
0x46: {  	_ = 	snop  }
0x47: {  	s23 =	sadd.s32 $0x30, s23;
	[tilespmem:v3+s16+$0x0] =	vst.idx.msk $0xffff, v1  }
0x48: {  	v1 =	vadd.s32 s23, v0;
	v2 =	vld [tilespmem:s20+$0x10]  }
0x49: {  	v3 =	vld [tilespmem:s21+$0x10]  }
0x4a: {  	_ =	sdelay $0x2  }
0x4b: {  	s19 =	smul.u32 $0x33, s19  }
0x4c: {  	s18 =	sadd.s32 $0x1, s18;
	v2 =	vadd.f32 v3, v2  }
0x4d: {  	p0 =	sne.s32 s18, $0x7D;
	s19 =	sshrl.u32 s19, $0x3  }
.Ltmp1:
0x4e: {  	s19 =	sadd.s32 s1, s19;
	[tilespmem:v1+s16+$0x0] =	vst.idx.msk $0x7, v2;
	(pc) =	sbr.rel @p0 .LBB2_2-.Ltmp1, $4  }
0x4f: {  	[hbm4b:s19+s2] =	stream.linear.scatter [tilespmem:s16], [sflag:$0x3], $0xFF0, $0x38;
	[tilespmem:$0x3890] =	vst v63  }
0x50: {  	_ =	swait.ge [sflag:s10], $0xFF0  }
0x51: {  	[sflag:s10] =	ssyncset.done $0x0  }
0x52: {  	[sflag:s10] =	ssyncadd.s32 $0xFFFFF010  }
0x53: {  	s17 =	sadd.s32 $0x1, s17  }
0x54: {  	p0 =	sne.s32 s17, s9  }
.Ltmp2:
0x55: {  	_ = 	snop;
	(pc) =	sbr.rel @p0 .LBB2_1-.Ltmp2, $1  }
0x56: {  	_ =	sdelay $0x3  }
0x57: {  	_ =	sfence.sel $0x180000  }
0x58: {  	[bflag:$0x0] =	sbarrier.arrive $0xFFFF  }
0x59: {  	p0 =	sne.s32 s3, $0x0;
	_ =	strace $0x90000053  }
0x5a: {  	s0 =	sadd.s32 @!p0 $0x100000, s0;
	[bflag:$0x2] =	sbarrier.arrive $0xFFFF  }
0x5b: {  	[sflag:s0] =	ssyncadd.tile.s32 @!p0 $0x1;
	_ =	shalt  }
.Lfunc_end2:
_tile_overlayer_lowered:
.L_overlay_start_2:
0x5c: {  	(tag) =	ssettag $0x2  }
0x5d: {  	s0 =	rddreg [dreg:$0x0];
	s2 =	stileid.u32  }
0x5e: {  	s1 =	rddreg [dreg:$0x1];
	p0 =	sne.s32 s2, $0x0  }
0x5f: {  	s3 =	rddreg [dreg:$0x2];
	[bflag:$0x3] =	sbarrier.arrive $0xFFFF;
	s2 =	simm.s32 @!p0 $0x1C03  }
0x60: {  	[timem:s3], [sflag:s2] =	dma.local @!p0 [hbm:s0], s1  }
0x61: {  	s0 =	simm.s32 @!p0 $0x3  }
0x62: {  	_ =	swait.ge @!p0 [sflag:s0], s1  }
0x63: {  	s1 =	ssub.s32 @!p0 $0x0, s1;
	[sflag:s0] =	ssyncset.done @!p0 $0x0  }
0x64: {  	[sflag:s0] =	ssyncadd.s32 @!p0 s1  }
0x65: {  	[bflag:$0x3] =	sbarrier.arrive $0xFFFF  }
0x66: {  	_ =	shalt  }

// kernel: sparse-core-data-format-call.cloned.1.call-start
scs
called_computation_lowered:
.L_overlay_start_0:
0x0: {  	s2 =	sld [smem:$0x3FD9]  }
0x1: {  	s3 =	sld [smem:$0x3FFE];
	_ =	sdelay $0x1  }
0x2: {  	s1 =	srdreg.scid  }
0x3: {  	s0 =	sand.u32 $0x1, s1  }
0x4: {  	s18 =	sshll.u32 s0, $0xA;
	s2 =	sadd.s32 s3, s2  }
0x5: {  	s2 =	sadd.s32 s2, s18  }
0x6: {  	[smem:$0x3FB5] =	sst s2  }
0x7: {  	_ = 	snop  }
0x8: {  	s2 =	sld [smem:$0x3FD0];
	(tm) =	ssettm $0x1  }
0x9: {  	s19 =	sld [smem:$0x3FFB];
	_ =	sdelay $0x3  }
0xa: {  	_ =	strace s19  }
0xb: {  	s3 =	sld [smem:$0x3FFC];
	_ =	sdelay $0x3  }
0xc: {  	_ =	strace s3  }
0xd: {  	s3 =	sld [smem:$0x3FFD];
	_ =	sdelay $0x3  }
0xe: {  	_ =	strace s3  }
0xf: {  	_ =	strace $0x8FFFFFFF  }
0x10: {  	s20 =	sld [smem:$0x3FDB];
	_ =	sdelay $0x1  }
0x11: {  	s4 =	simm.s32 $_scs_section_size  }
0x12: {  	s5 =	simm.s32 $_size__tile_overlayer_lowered;
	s6 =	simm.s32 $_tile_overlayer_lowered  }
0x13: {  	s23 =	simm.s32 $0x1BFF;
	s22 =	sshll.u32 s6, $0x1;
	s3 =	sadd.s32 s4, s20  }
0x14: {  	s7 =	simm.s32 $0x0;
	s21 =	sshll.u32 s5, $0x1;
	s5 =	sadd.s32 s22, s3  }
0x15: {  	[timem:s7], [sflag:s23] =	dma.local [hbm:s5], s21  }
0x16: {  	_ =	swait.ge [sflag:s23], s21  }
0x17: {  	s4 =	ssub.s32 $0x0, s21;
	[sflag:s23] =	ssyncset.done $0x0  }
0x18: {  	[sflag:s23] =	ssyncadd.s32 s4;
	_ =	sdelay $0x1  }
0x19: {  	s24 =	simm.s32 $0x1B8B  }
0x1a: {  	_ =	swait.ge [sflag:s24], $0x1  }
0x1b: {  	[sflag:s24] =	ssyncset.done $0x0  }
0x1c: {  	s26 =	simm.s32 $0x1B8E;
	s25 =	sld [smem:$0x3FFE];
	[sflag:s24] =	ssyncadd.s32 $0xFFFFFFFF  }
0x1d: {  	s27 =	simm.s32 $execute0_lowered;
	[smem:$0x3FD2] =	sst s26  }
0x1e: {  	s5 =	sshll.u32 s27, $0x1;
	_ =	strace $0x80000055;
	[dreg:$0x1] =	wrdreg $0xFFFFFFFF  }
0x1f: {  	s28 =	simm.s32 $_size_execute0_lowered;
	s3 =	sadd.s32 s3, s5;
	[dreg:$0x0] =	wrdreg $0x0  }
0x20: {  	s5 =	sshll.u32 s28, $0x1;
	[dreg:$0x2] =	wrdreg s3  }
0x21: {  	[dreg:$0x3] =	wrdreg s5  }
0x22: {  	[dreg:$0x4] =	wrdreg $0xC0  }
0x23: {  	_ =	task [dreg:s7], $0x5FFFF  }
0x24: {  	[dreg:$0x1] =	wrdreg $0xFFFFFFFF  }
0x25: {  	[dreg:$0x0] =	wrdreg $0x60  }
0x26: {  	[dreg:$0x2] =	wrdreg s25  }
0x27: {  	[dreg:$0x3] =	wrdreg s2  }
0x28: {  	[dreg:$0x4] =	wrdreg $0x9  }
0x29: {  	_ =	task.clear_ibuf [dreg:s7], $0x5FFFF;
	_ =	strace $0x90000055  }
0x2a: {  	s29 =	simm.s32 $0x9;
	_ =	strace $0x80000057  }
0x2b: {  	_ =	swait.ge [sflag:s29], $0x1  }
0x2c: {  	[sflag:s29] =	ssyncadd.s32 $0xFFFFFFFF  }
0x2d: {  	_ =	strace $0x90000057  }
0x2e: {  	_ =	sfence  }
0x2f: {  	s30 =	sld [smem:$0x0];
	_ =	sdelay $0x2  }
0x30: {  	s31 =	sshll.u32 s1, $0xD;
	s1 =	sshrl.u32 s1, $0x2  }
0x31: {  	s3 =	sand.u32 $0x4000, s31;
	s1 =	sadd.s32 s1, s30  }
0x32: {  	s0 =	sor.u32 s3, s0;
	s1 =	sshll.u32 s1, $0x11  }
0x33: {  	s0 =	sor.u32 s1, s0  }
0x34: {  	s0 =	sadd.s32 $0x8F2B, s0  }
0x35: {  	[sflag:s0] =	ssyncadd.remote.s32 $0x1  }
0x36: {  	_ =	sfence.sel $0xFFFF  }
0x37: {  	[dreg:$0x0] =	wrdreg $0xFFFFFFFF;
	(pc) =	sbr.abs _section_cstart, $3  }
0x38: {  	[dreg:$0x1] =	wrdreg $0xFFFFFFFF  }
0x39: {  	_ =	task.clear_ibuf [dreg:s7], $0x2FFFF;
	_ =	strace $0x9FFFFFFF  }
0x3a: {  	(tm) =	ssettm $0x7FFFFFFF  }
0x3b: {  	_ =	shalt  }
tec
execute0_lowered:
.L_overlay_start_1:
0x0: {  	(tag) =	ssettag $0x1  }
0x1: {  	s0 =	srdreg.scid  }
0x2: {  	s5 =	rddreg [dreg:$0x0];
	s1 =	sshll.u32 s0, $0x4  }
0x3: {  	s2 =	rddreg [dreg:$0x1];
	s0 =	stileid.u32;
	s1 =	sand.u32 $0x10, s1  }
0x4: {  	s4 =	simm.s32 $0x1;
	s8 =	simm.s32 $0x2;
	s1 =	sor.u32 s0, s1  }
0x5: {  	s12 =	simm.s32 $0x0;
	s9 =	simm.s32 $0x0;
	s3 =	sshll.u32 s1, $0x7  }
0x6: {  	s11 =	simm.s32 $0x0;
	s5 =	sadd.s32 $0x4C00, s5;
	s6 =	ssub.s32 $0x4E200, s3  }
.Ltmp0:
0x7: {  	s1 =	rddreg [dreg:$0x2];
	s7 =	sand.u32 $0xF80, s6;
	(pc) =	sbr.rel .LBB1_1-.Ltmp0, $4  }
0x8: {  	_ =	strace $0x80000056;
	p0 =	sne.s32 s7, $0x0;
	s7 =	simm.s32 $0x1  }
0x9: {  	[sflag:s4] =	ssyncpa.u1 $0x0;
	s6 =	sshrl.u32 s6, $0xC;
	s7 =	simm.s32 @!p0 $0x0  }
0xa: {  	s10 =	smov.u32 s3;
	[sflag:s8] =	ssyncpa.u1 $0x0;
	s6 =	sadd.s32 s7, s6  }
0xb: {  	s8 =	simm.s32 $0x271000;
	p0 =	por $0x0, $0x0;
	s7 =	sadd.s32 $0x1, s6  }
.LBB1_4:
0xc: {  	s15 =	sshll.u32 s9, $0x3  }
0xd: {  	s16 =	sand.u32 $0x7F, s9;
	s15 =	sand.u32 $0xFFFFFC00, s15  }
0xe: {  	s16 =	sor.u32 s16, s15;
	s15 =	smulhi.u32 $0xD1B71759, s15;
	_ =	sdelay $0x1  }
0xf: {  	s17 =	smulhi.u32 $0xD1B71759, s16;
	s15 =	sshrl.u32 s15, $0x12  }
0x10: {  	p1 =	sgt.s32 s9, $0x4E180;
	s19 =	smov.u32 s9;
	s18 =	smul.u32 $0x4925, s15  }
0x11: {  	s20 =	sshra.s32 s9, $0x1F;
	s19 =	simm.s32 @!p1 $0x4E180;
	s17 =	sshrl.u32 s17, $0x12  }
0x12: {  	s20 =	sand.u32 s20, s9;
	s17 =	smul.u32 $0x4E200, s17;
	s18 =	sshrl.u32 s18, $0x14  }
0x13: {  	s27 =	ssub.s32 s19, s20;
	s18 =	smul.u32 $0x38, s18  }
0x14: {  	s28 =	sadd.s32 $0xFFFB1E80, s27  }
0x15: {  	s16 =	ssub.s32 s16, s17;
	s17 =	ssub.s32 $0x4E200, s27;
	s15 =	ssub.s32 s15, s18  }
0x16: {  	p1 =	sgt.s32 s28, $0x7F;
	s17 =	smul.u32 $0xE0, s17;
	s15 =	sand.u32 $0xFFFF, s15  }
0x17: {  	[tilespmem:s14+$0x810 ss:$0x81] =	vst.msk $0xffff, v2;
	s29 =	sshrl.u32 s16, $0x3;
	s16 =	sand.u32 $0x7, s16;
	s15 =	smul.u32 $0x9C40, s15  }
0x18: {  	[tilespmem:s14+$0x1020 ss:$0x81] =	vst.msk $0xffff, v0;
	s18 =	sadd.s32 s2, s29;
	s16 =	sshll.u32 s16, $0x12;
	s17 =	sshrl.u32 s17, $0x2  }
0x19: {  	[tilespmem:s14+$0x0 ss:$0x81] =	vst.msk $0xffff, v1;
	s31 =	sor.u32 $0x400, s16;
	s17 =	simm.s32 @p1 $0x0;
	s30 =	sadd.s32 s15, s18  }
0x1a: {  	[hbm4b:s30+s31] =	stream.strided.scatter [tilespmem:s13], [sflag:$0x2], s17, s8, s31, $0x20;
	[tilespmem:$0x8080] =	vst v63  }
.LBB1_5:
0x1b: {  	p1 =	slt.u32 s11, $0x2  }
0x1c: {  	p2 =	sgt.s32 @!p1 s12, $0x4E180  }
0x1d: {  	s13 =	smov.u32 s12;
	s14 =	sshra.s32 @!p1 s12, $0x1F;
	p2 =	por !p2, p1  }
0x1e: {  	s12 =	sand.u32 @!p1 s14, s12;
	s13 =	simm.s32 @p2 $0x4E180  }
0x1f: {  	s12 =	ssub.s32 @!p1 s13, s12  }
0x20: {  	s13 =	ssub.s32 @!p1 $0x4E200, s12  }
0x21: {  	s12 =	sadd.s32 @!p1 $0xFFFB1E80, s12;
	s13 =	smul.u32 @!p1 $0xE0, s13  }
0x22: {  	p2 =	sgt.s32 @!p1 s12, $0x7F  }
0x23: {  	s14 =	sadd.s32 $0x1000, s10;
	p2 =	por !p2, p1;
	s12 =	sshrl.u32 @!p1 s13, $0x2  }
0x24: {  	s12 =	simm.s32 @!p2 $0x0;
	p2 =	sgt.s32 s14, $0x4E1FF  }
0x25: {  	s14 =	smov.u32 @p2 s3;
	p2 =	sne.s32 s11, s7  }
.Ltmp1:
0x26: {  	_ = 	snop;
	(pc) =	sbr.rel @!p2 .LBB1_6-.Ltmp1, $4  }
0x27: {  	s13 =	simm.s32 @!p1 $0x2  }
0x28: {  	p0 =	por !p0, !p0;
	_ =	swait.ge @!p1 [sflag:s13], s12;
	s15 =	ssub.s32 @!p1 $0x0, s12  }
0x29: {  	s12 =	smov.u32 s9;
	s11 =	sadd.s32 $0x1, s11;
	[sflag:s13] =	ssyncset.done @!p1 $0x0  }
0x2a: {  	s9 =	smov.u32 s10;
	s10 =	smov.u32 s14;
	[sflag:s13] =	ssyncadd.s32 @!p1 s15  }
.LBB1_1:
0x2b: {  	p1 =	sge.u32 s11, s6  }
0x2c: {  	s13 =	sand.u32 @!p1 $0x1FFFFFF, s10  }
0x2d: {  	s14 =	smulhi.u32 @!p1 $0x1A36E2F, s13;
	_ =	sdelay $0x1  }
0x2e: {  	s14 =	sshrl.u32 @!p1 s14, $0xB  }
0x2f: {  	s14 =	smul.u32 @!p1 $0x4E200, s14;
	_ =	sdelay $0x1  }
0x30: {  	s31 =	sadd.s32 $0xFFFFFFFF, s11;
	s15 =	sxor.u32 @!p1 $0xFFFFFFFF, s11;
	s13 =	ssub.s32 @!p1 s13, s14  }
0x31: {  	s16 =	simm.s32 @!p1 $0x80;
	s15 =	sshll.u32 @!p1 s15, $0xD;
	s13 =	sshll.u32 @!p1 s13, $0x4  }
0x32: {  	s14 =	sand.u32 @!p1 $0x2000, s15;
	s15 =	simm.s32 @!p1 $0x40;
	s13 =	sadd.s32 @!p1 s5, s13  }
0x33: {  	[tilespmem:s14], [sflag:$0x1] =	stream.strided.gather @!p1 [hbm4b:s13+s15], $0x2000, s16, s15, $0x38;
	[tilespmem:$0x8080] =	vst v63  }
0x34: {  	p1 =	sge.u32 s31, s6  }
.Ltmp2:
0x35: {  	_ = 	snop;
	(pc) =	sbr.rel @p1 .LBB1_5-.Ltmp2, $1  }
0x36: {  	_ =	sdelay $0x3  }
0x37: {  	s13 =	simm.s32 $0x1  }
0x38: {  	_ =	swait.ge [sflag:s4], $0x2000;
	s13 =	simm.s32 @!p0 $0x0  }
0x39: {  	[sflag:s4] =	ssyncset.done $0x0;
	s14 =	sshll.u32 s13, $0xD  }
0x3a: {  	[sflag:s4] =	ssyncadd.s32 $0xFFFFE000;
	s17 =	sor.u32 $0x20, s14  }
0x3b: {  	s13 =	smul.u32 $0x8100, s13;
	v3 =	vld [tilespmem:s17+$0x10]  }
0x3c: {  	s30 =	sand.u32 $0x1, s11;
	v2 =	vld [tilespmem:s17+$0xFFFFFFF0]  }
0x3d: {  	s14 =	smul.u32 $0x8100, s30;
	s13 =	sshrl.u32 s13, $0x2;
	v0 =	vld [tilespmem:s17+$0x0]  }
0x3e: {  	v1 =	vld [tilespmem:s17+$0xFFFFFFE0];
	s15 =	sor.u32 $0x4000, s13  }
0x3f: {  	s31 =	sshrl.u32 s14, $0x2;
	s14 =	sadd.s32 $0x0, s15  }
0x40: {  	s16 =	simm.s32 $0x4;
	s17 =	sadd.s32 $0x40, s17;
	s13 =	sor.u32 $0x4000, s31;
	[tilespmem:s14+$0x1830 ss:$0x81] =	vst.msk $0xffff, v3  }
.LBB1_3:
0x41: {  	v3 =	vld [tilespmem:s17+$0x10];
	p1 =	sne.s32 s16, $0x1FC;
	[tilespmem:s14+$0x810 ss:$0x81] =	vst.msk $0xffff, v2;
	s18 =	smov.u32 s16;
	s16 =	sadd.s32 $0x4, s16  }
.Ltmp3:
0x42: {  	v2 =	vld [tilespmem:s17+$0xFFFFFFF0];
	[tilespmem:s14+$0x1020 ss:$0x81] =	vst.msk $0xffff, v0;
	(pc) =	sbr.rel @p1 .LBB1_3-.Ltmp3, $4  }
0x43: {  	v0 =	vld [tilespmem:s17+$0x0];
	[tilespmem:s14+$0x0 ss:$0x81] =	vst.msk $0xffff, v1  }
0x44: {  	s14 =	sshra.s32 s18, $0x2;
	v1 =	vld [tilespmem:s17+$0xFFFFFFE0]  }
0x45: {  	s14 =	sadd.s32 s14, s15  }
0x46: {  	s17 =	sadd.s32 $0x40, s17;
	[tilespmem:s14+$0x1830 ss:$0x81] =	vst.msk $0xffff, v3  }
.Ltmp4:
0x47: {  	_ = 	snop;
	(pc) =	sbr.rel .LBB1_4-.Ltmp4, $1  }
0x48: {  	_ =	sdelay $0x3  }
.LBB1_6:
0x49: {  	_ =	sfence.sel $0x180000  }
0x4a: {  	s2 =	simm.s32 $0x1;
	[bflag:$0x0] =	sbarrier.arrive $0xFFFF  }
0x4b: {  	s31 =	simm.s32 $0x2;
	[sflag:s2] =	ssyncpa.u1 $0x1  }
0x4c: {  	[sflag:s31] =	ssyncpa.u1 $0x1  }
0x4d: {  	p0 =	sne.s32 s0, $0x0;
	_ =	strace $0x90000056  }
0x4e: {  	s0 =	sadd.s32 @!p0 $0x100000, s1;
	[bflag:$0x2] =	sbarrier.arrive $0xFFFF  }
0x4f: {  	[sflag:s0] =	ssyncadd.tile.s32 @!p0 $0x1;
	_ =	shalt  }
.Lfunc_end1:
_tile_overlayer_lowered:
.L_overlay_start_2:
0x50: {  	(tag) =	ssettag $0x2  }
0x51: {  	s0 =	rddreg [dreg:$0x0];
	s2 =	stileid.u32  }
0x52: {  	s1 =	rddreg [dreg:$0x1];
	p0 =	sne.s32 s2, $0x0  }
0x53: {  	s3 =	rddreg [dreg:$0x2];
	[bflag:$0x3] =	sbarrier.arrive $0xFFFF;
	s2 =	simm.s32 @!p0 $0x1C01  }
0x54: {  	[timem:s3], [sflag:s2] =	dma.local @!p0 [hbm:s0], s1  }
0x55: {  	s0 =	simm.s32 @!p0 $0x1  }
0x56: {  	_ =	swait.ge @!p0 [sflag:s0], s1  }
0x57: {  	s1 =	ssub.s32 @!p0 $0x0, s1;
	[sflag:s0] =	ssyncset.done @!p0 $0x0  }
0x58: {  	[sflag:s0] =	ssyncadd.s32 @!p0 s1  }
0x59: {  	[bflag:$0x3] =	sbarrier.arrive $0xFFFF  }
0x5a: {  	_ =	shalt  }

</sc_bundles>
